<compile_context>
chip_gen: v7x
topology: tpu7x:2x2x1
jax: 0.10.2.dev20260603
libtpu: 0.0.44.dev20260713+nightly
codegen_flags: <defaults>
</compile_context>

<pallas_src>
import functools

import jax
import jax.numpy as jnp
from jax import lax
from jax.experimental import pallas as pl
from jax.experimental.pallas import tpu as pltpu
from jax.experimental.pallas import tpu_sc as plsc

N = 10000
E = 320000
F_IN = 128
C = 32
G = 64

K = 128


def _hsum16(v):
    i = lax.broadcasted_iota(jnp.int32, (16,), 0)
    dnums = lax.GatherDimensionNumbers(
        offset_dims=(), collapsed_slice_dims=(0,), start_index_map=(0,))
    for sh in (8, 4, 2, 1):
        idx = jnp.bitwise_and(i + sh, 15)
        v = v + lax.gather(v, idx[:, None], dnums, (1,),
                           mode=lax.GatherScatterMode.PROMISE_IN_BOUNDS)
    return v
ROW = 48
NR = N + 112


def _mm_kernel(x_ref, w_ref, b_ref, ea_ref, xl_ref, xr_ref, m_ref):
    y = jnp.dot(x_ref[...], w_ref[...], preferred_element_type=jnp.float32)
    y = y + b_ref[...]
    xl_ref[...] = y[:, :C]
    xr_ref[...] = y[:, C:]
    m_ref[...] = jnp.sum(ea_ref[...]).reshape(1, 1) * (1.0 / E)


def _final_kernel(p0_ref, p1_ref, bias_ref, batch_ref, out_ref):
    acc = p0_ref[...] + p1_ref[...]
    num = acc[:N, :C]
    den = acc[:N, C:C + 1]
    node = num / (den + 1e-16) + bias_ref[...]
    b = batch_ref[...]
    gi = lax.broadcasted_iota(jnp.int32, (G, N), 0)
    oneh = (gi == b).astype(jnp.float32)
    sums = jnp.dot(oneh, node, preferred_element_type=jnp.float32)
    counts = jnp.sum(oneh, axis=1)
    out_ref[...] = sums / jnp.maximum(counts, 1.0)[:, None]


def _make_sc_kernel(num_cores, num_subcores, epw):
    n_chunks = epw // K
    rows_per_tile = NR // num_subcores
    mesh = plsc.VectorSubcoreMesh(core_axis_name="c", subcore_axis_name="s")

    @functools.partial(
        pl.kernel,
        mesh=mesh,
        out_type=jax.ShapeDtypeStruct((num_cores, NR, ROW), jnp.float32),
        compiler_params=pltpu.CompilerParams(use_tc_tiling_on_sc=False),
        scratch_types=[
            pltpu.VMEM((K,), jnp.int32),
            pltpu.VMEM((K,), jnp.int32),
            pltpu.VMEM((K,), jnp.float32),
            pltpu.VMEM((K, C), jnp.float32),
            pltpu.VMEM((K, C), jnp.float32),
            pltpu.VMEM((K,), jnp.int32),
            pltpu.VMEM((K,), jnp.int32),
            pltpu.VMEM((K,), jnp.float32),
            pltpu.VMEM((K, C), jnp.float32),
            pltpu.VMEM((K, C), jnp.float32),
            pltpu.VMEM((K, ROW), jnp.float32),
            pltpu.VMEM((C,), jnp.float32),
            pltpu.VMEM((C,), jnp.float32),
            pltpu.VMEM_SHARED((NR, ROW), jnp.float32),
            pltpu.SemaphoreType.DMA,
            pltpu.SemaphoreType.DMA,
            pltpu.SemaphoreType.DMA,
            pltpu.SemaphoreType.DMA,
        ],
    )
    def sc_kernel(xl_hbm, xr_hbm, src_hbm, dst_hbm, ea_hbm, we_hbm, att_hbm,
                  zero_hbm, out_hbm,
                  srcv0, dstv0, eav0, xlr0, xrr0,
                  srcv1, dstv1, eav1, xlr1, xrr1,
                  sbuf, wev, attv, acc, semA0, semB0, semA1, semB1):
        cid = lax.axis_index("c")
        sid = lax.axis_index("s")
        wid = sid * num_cores + cid
        base = wid * epw

        r0 = sid * rows_per_tile
        pltpu.sync_copy(zero_hbm.at[pl.ds(r0, rows_per_tile)],
                        acc.at[pl.ds(r0, rows_per_tile)])
        pltpu.sync_copy(we_hbm, wev)
        pltpu.sync_copy(att_hbm, attv)
        plsc.subcore_barrier()

        we0 = wev[pl.ds(0, 16)]
        we1 = wev[pl.ds(16, 16)]
        att0 = attv[pl.ds(0, 16)]
        att1 = attv[pl.ds(16, 16)]
        lane0 = lax.broadcasted_iota(jnp.int32, (16,), 0) == 0

        def fire(c, srcv, dstv, eav, xlr, xrr, semA, semB):
            off = base + c * K
            pltpu.sync_copy(src_hbm.at[pl.ds(off, K)], srcv)
            pltpu.sync_copy(dst_hbm.at[pl.ds(off, K)], dstv)
            pltpu.sync_copy(ea_hbm.at[pl.ds(off, K)], eav)
            pltpu.async_copy(xl_hbm.at[srcv], xlr, semA)
            pltpu.async_copy(xr_hbm.at[dstv], xrr, semB)

        def waitg(srcv, dstv, xlr, xrr, semA, semB):
            pltpu.make_async_copy(xl_hbm.at[srcv], xlr, semA).wait()
            pltpu.make_async_copy(xr_hbm.at[dstv], xrr, semB).wait()

        def compute_chunk(eav, xlr, xrr, dstv):
            def granule_body(g, carry):
                eag = eav[pl.ds(g * 16, 16)]
                for i in range(16):
                    j = g * 16 + i
                    xl0 = xlr[j, pl.ds(0, 16)]
                    xl1 = xlr[j, pl.ds(16, 16)]
                    xr0 = xrr[j, pl.ds(0, 16)]
                    xr1 = xrr[j, pl.ds(16, 16)]
                    ea = eag[i]
                    m0 = xl0 + xr0 + ea * we0
                    m1 = xl1 + xr1 + ea * we1
                    m0 = jnp.where(m0 >= 0.0, m0, m0 * 0.2)
                    m1 = jnp.where(m1 >= 0.0, m1, m1 * 0.2)
                    av = jnp.exp(_hsum16(m0 * att0 + m1 * att1))
                    sbuf[j, pl.ds(0, 16)] = xl0 * av
                    sbuf[j, pl.ds(16, 16)] = xl1 * av
                    sbuf[j, pl.ds(32, 16)] = jnp.where(lane0, av, 0.0)
                return carry

            lax.fori_loop(0, K // 16, granule_body, jnp.int32(0))
            pltpu.sync_copy(sbuf, acc.at[dstv], add=True)

        n_pairs = n_chunks // 2
        fire(jnp.int32(0), srcv0, dstv0, eav0, xlr0, xrr0, semA0, semB0)

        def pair_body(p, carry):
            c0 = p * 2
            fire(c0 + 1, srcv1, dstv1, eav1, xlr1, xrr1, semA1, semB1)
            waitg(srcv0, dstv0, xlr0, xrr0, semA0, semB0)
            compute_chunk(eav0, xlr0, xrr0, dstv0)

            @pl.when(p < n_pairs - 1)
            def _():
                fire(c0 + 2, srcv0, dstv0, eav0, xlr0, xrr0, semA0, semB0)

            waitg(srcv1, dstv1, xlr1, xrr1, semA1, semB1)
            compute_chunk(eav1, xlr1, xrr1, dstv1)
            return carry

        lax.fori_loop(0, n_pairs, pair_body, jnp.int32(0))
        plsc.subcore_barrier()
        pltpu.sync_copy(acc.at[pl.ds(r0, rows_per_tile)],
                        out_hbm.at[cid, pl.ds(r0, rows_per_tile)])

    return sc_kernel


def kernel(x, edge_index, edge_attr, batch, W_l, b_l, W_r, b_r, W_e, att, bias):
    info = plsc.get_sparse_core_info()
    num_cores, num_subcores = info.num_cores, info.num_subcores
    nw = num_cores * num_subcores

    w2 = jnp.concatenate([W_l, W_r], axis=1)
    b2 = jnp.concatenate([b_l, b_r])[None, :]
    ea2 = edge_attr.reshape(2500, 128)
    x_l, x_r, ea_mean = pl.pallas_call(
        _mm_kernel,
        out_shape=(
            jax.ShapeDtypeStruct((N, C), jnp.float32),
            jax.ShapeDtypeStruct((N, C), jnp.float32),
            jax.ShapeDtypeStruct((1, 1), jnp.float32),
        ),
    )(x, w2, b2, ea2)

    e_tot = E + N
    epad = ((e_tot + 2 * nw * K - 1) // (2 * nw * K)) * (2 * nw * K)
    loop = jnp.arange(N, dtype=jnp.int32)
    pad = epad - e_tot
    src = jnp.concatenate([edge_index[0], loop,
                           jnp.zeros((pad,), jnp.int32)])
    dst = jnp.concatenate([edge_index[1], loop,
                           jnp.full((pad,), N, jnp.int32)])
    ea = jnp.concatenate([edge_attr[:, 0],
                          jnp.broadcast_to(ea_mean[0, 0], (N,)),
                          jnp.zeros((pad,), jnp.float32)])

    sc = _make_sc_kernel(num_cores, num_subcores, epad // nw)
    parts = sc(x_l, x_r, src, dst, ea, W_e[0], att,
               jnp.zeros((NR, ROW), jnp.float32))

    p0 = parts[0]
    p1 = parts[1] if num_cores > 1 else jnp.zeros_like(parts[0])
    pooled = pl.pallas_call(
        _final_kernel,
        out_shape=jax.ShapeDtypeStruct((G, C), jnp.float32),
    )(p0, p1, bias[None, :], batch[None, :].astype(jnp.int32))
    return pooled

# --- scband reference (transcript-rebuilt; emitter-appended) ---
"""Pipeline reference for scband-gat-85950885528245 (READ-ONLY COPY).

The authoritative reference and input builder live on the scoring server;
editing this copy changes nothing except your own understanding.
"""

import jax, jax.numpy as jnp
import numpy as np

N = 10000
E = 320000
F_IN = 128
C = 32
G = 64


def setup_inputs(seed: int = 0) -> dict:
    key = jax.random.key(seed)
    ks = jax.random.split(key, 12)
    x = jax.random.normal(ks[0], (N, F_IN), dtype=jnp.float32)
    edge_index = jax.random.randint(ks[1], (2, E), 0, N, dtype=jnp.int32)
    edge_attr = jax.random.uniform(ks[2], (E, 1), dtype=jnp.float32)
    batch = jnp.sort(jax.random.randint(ks[3], (N,), 0, G, dtype=jnp.int32))
    s = 1.0 / np.sqrt(F_IN)
    W_l = jax.random.normal(ks[4], (F_IN, C), dtype=jnp.float32) * s
    b_l = jnp.zeros((C,), dtype=jnp.float32)
    W_r = jax.random.normal(ks[5], (F_IN, C), dtype=jnp.float32) * s
    b_r = jnp.zeros((C,), dtype=jnp.float32)
    W_e = jax.random.normal(ks[6], (1, C), dtype=jnp.float32)
    att = jax.random.normal(ks[7], (C,), dtype=jnp.float32) * (1.0 / np.sqrt(C))
    bias = jnp.zeros((C,), dtype=jnp.float32)
    return {"x": x, "edge_index": edge_index, "edge_attr": edge_attr, "batch": batch,
            "W_l": W_l, "b_l": b_l, "W_r": W_r, "b_r": b_r, "W_e": W_e, "att": att, "bias": bias}


def reference(x, edge_index, edge_attr, batch, W_l, b_l, W_r, b_r, W_e, att, bias):
    # GATv2Conv(F_IN, C, edge_dim=1), heads=1, concat=True, negative_slope=0.2,
    # add_self_loops=True with fill_value='mean' for edge_attr, then global_mean_pool.
    loop = jnp.arange(N, dtype=edge_index.dtype)
    src = jnp.concatenate([edge_index[0], loop])
    dst = jnp.concatenate([edge_index[1], loop])
    ea_mean = jnp.mean(edge_attr, axis=0, keepdims=True)
    ea = jnp.concatenate([edge_attr, jnp.broadcast_to(ea_mean, (N, edge_attr.shape[1]))], axis=0)
    x_l = x @ W_l + b_l  # [N, C]
    x_r = x @ W_r + b_r  # [N, C]
    e_feat = ea @ W_e    # [E+N, C]
    m = x_l[src] + x_r[dst] + e_feat
    m = jax.nn.leaky_relu(m, negative_slope=0.2)
    alpha = m @ att  # [E+N]
    amax = jax.ops.segment_max(alpha, dst, num_segments=N)
    alpha = jnp.exp(alpha - amax[dst])
    denom = jax.ops.segment_sum(alpha, dst, num_segments=N)
    alpha = alpha / (denom[dst] + 1e-16)
    out = jax.ops.segment_sum(x_l[src] * alpha[:, None], dst, num_segments=N)
    out = out + bias  # [N, C]
    sums = jax.ops.segment_sum(out, batch, num_segments=G)
    counts = jax.ops.segment_sum(jnp.ones((N,), dtype=jnp.float32), batch, num_segments=G)
    pooled = sums / jnp.maximum(counts, 1.0)[:, None]
    return pooled  # [G, C], num_classes != 1 so no flatten

if __name__ == "__main__":
    import jax
    _d = setup_inputs()
    print(jax.jit(kernel)(*tuple(_d.values())))

</pallas_src>

<mosaic_0001>
#map = affine_map<(d0, d1) -> (0, 0)>
#map1 = affine_map<(d0, d1) -> (0)>
#map2 = affine_map<(d0, d1) -> (0, 0, 0)>
module attributes {stable_mosaic.version = 14 : i64} {
  func.func @sc_kernel(%arg0: i32, %arg1: i32, %arg2: memref<10000x32xf32, #tpu.memory_space<hbm>>, %arg3: memref<10000x32xf32, #tpu.memory_space<hbm>>, %arg4: memref<335872xi32, #tpu.memory_space<hbm>>, %arg5: memref<335872xi32, #tpu.memory_space<hbm>>, %arg6: memref<335872xf32, #tpu.memory_space<hbm>>, %arg7: memref<32xf32, #tpu.memory_space<hbm>>, %arg8: memref<32xf32, #tpu.memory_space<hbm>>, %arg9: memref<10112x48xf32, #tpu.memory_space<hbm>>, %arg10: memref<2x10112x48xf32, #tpu.memory_space<hbm>>, %arg11: memref<128xi32, #tpu.memory_space<vmem>>, %arg12: memref<128xi32, #tpu.memory_space<vmem>>, %arg13: memref<128xf32, #tpu.memory_space<vmem>>, %arg14: memref<128x32xf32, #tpu.memory_space<vmem>>, %arg15: memref<128x32xf32, #tpu.memory_space<vmem>>, %arg16: memref<128xi32, #tpu.memory_space<vmem>>, %arg17: memref<128xi32, #tpu.memory_space<vmem>>, %arg18: memref<128xf32, #tpu.memory_space<vmem>>, %arg19: memref<128x32xf32, #tpu.memory_space<vmem>>, %arg20: memref<128x32xf32, #tpu.memory_space<vmem>>, %arg21: memref<128x48xf32, #tpu.memory_space<vmem>>, %arg22: memref<32xf32, #tpu.memory_space<vmem>>, %arg23: memref<32xf32, #tpu.memory_space<vmem>>, %arg24: memref<10112x48xf32, #tpu.memory_space<vmem_shared>>, %arg25: memref<!tpu.dma_semaphore, #tpu.memory_space<semaphore_mem>>, %arg26: memref<!tpu.dma_semaphore, #tpu.memory_space<semaphore_mem>>, %arg27: memref<!tpu.dma_semaphore, #tpu.memory_space<semaphore_mem>>, %arg28: memref<!tpu.dma_semaphore, #tpu.memory_space<semaphore_mem>>) attributes {dimension_semantics = [#tpu.dimension_semantics<core_parallel>, #tpu.dimension_semantics<subcore_parallel>], iteration_bounds = array<i64: 2, 16>, scalar_prefetch = 0 : i64, scratch_operands = 18 : i64, tpu.core_type = #tpu.core_type<sc_vector_subcore>, window_params = [{transform_indices = #map}, {transform_indices = #map}, {transform_indices = #map1}, {transform_indices = #map1}, {transform_indices = #map1}, {transform_indices = #map1}, {transform_indices = #map1}, {transform_indices = #map}, {transform_indices = #map2}]} {
    %mul3A = arith.constant 2 : i32
    %mul3A_0 = arith.muli %arg1, %mul3A : i32
    %add3A = arith.addi %mul3A_0, %arg0 : i32
    %mul3A_1 = arith.constant 10496 : i32
    %mul3A_2 = arith.muli %add3A, %mul3A_1 : i32
    %mul3A_3 = arith.constant 632 : i32
    %mul3A_4 = arith.muli %arg1, %mul3A_3 : i32
    "tpu.region"() ({
      %run_scoped3A = tpu.sem_alloc : memref<!tpu.dma_semaphore, #tpu.memory_space<semaphore_mem>>
      %dma_start3A_33 = arith.constant 0 : i32
      %dma_start3A_34 = tpu.memref_slice %arg24[%mul3A_4, %dma_start3A_33] : memref<10112x48xf32, #tpu.memory_space<vmem_shared>> -> memref<632x48xf32, #tpu.memory_space<vmem_shared>>
      %dma_start3A_35 = arith.constant 0 : i32
      %dma_start3A_36 = tpu.memref_slice %arg9[%mul3A_4, %dma_start3A_35] : memref<10112x48xf32, #tpu.memory_space<hbm>> -> memref<632x48xf32, #tpu.memory_space<hbm>>
      tpu.enqueue_dma source(%dma_start3A_36 : memref<632x48xf32, #tpu.memory_space<hbm>>) target(%dma_start3A_34 : memref<632x48xf32, #tpu.memory_space<vmem_shared>>) target_semaphore(%run_scoped3A : memref<!tpu.dma_semaphore, #tpu.memory_space<semaphore_mem>>)
      %dma_wait3A = arith.constant 0 : i32
      %dma_wait3A_37 = tpu.memref_slice %arg24[%mul3A_4, %dma_wait3A] : memref<10112x48xf32, #tpu.memory_space<vmem_shared>> -> memref<632x48xf32, #tpu.memory_space<vmem_shared>>
      %dma_wait3A_38 = arith.constant 0 : i32
      %dma_wait3A_39 = tpu.memref_slice %arg9[%mul3A_4, %dma_wait3A_38] : memref<10112x48xf32, #tpu.memory_space<hbm>> -> memref<632x48xf32, #tpu.memory_space<hbm>>
      tpu.wait_dma2 semaphore(%run_scoped3A : memref<!tpu.dma_semaphore, #tpu.memory_space<semaphore_mem>>) src(%dma_wait3A_39 : memref<632x48xf32, #tpu.memory_space<hbm>>) dst(%dma_wait3A_37 : memref<632x48xf32, #tpu.memory_space<vmem_shared>>)
      tpu.yield
    }) : () -> ()
    "tpu.region"() ({
      %run_scoped3A = tpu.sem_alloc : memref<!tpu.dma_semaphore, #tpu.memory_space<semaphore_mem>>
      tpu.enqueue_dma source(%arg7 : memref<32xf32, #tpu.memory_space<hbm>>) target(%arg22 : memref<32xf32, #tpu.memory_space<vmem>>) target_semaphore(%run_scoped3A : memref<!tpu.dma_semaphore, #tpu.memory_space<semaphore_mem>>)
      tpu.wait_dma2 semaphore(%run_scoped3A : memref<!tpu.dma_semaphore, #tpu.memory_space<semaphore_mem>>) src(%arg7 : memref<32xf32, #tpu.memory_space<hbm>>) dst(%arg22 : memref<32xf32, #tpu.memory_space<vmem>>)
      tpu.yield
    }) : () -> ()
    "tpu.region"() ({
      %run_scoped3A = tpu.sem_alloc : memref<!tpu.dma_semaphore, #tpu.memory_space<semaphore_mem>>
      tpu.enqueue_dma source(%arg8 : memref<32xf32, #tpu.memory_space<hbm>>) target(%arg23 : memref<32xf32, #tpu.memory_space<vmem>>) target_semaphore(%run_scoped3A : memref<!tpu.dma_semaphore, #tpu.memory_space<semaphore_mem>>)
      tpu.wait_dma2 semaphore(%run_scoped3A : memref<!tpu.dma_semaphore, #tpu.memory_space<semaphore_mem>>) src(%arg8 : memref<32xf32, #tpu.memory_space<hbm>>) dst(%arg23 : memref<32xf32, #tpu.memory_space<vmem>>)
      tpu.yield
    }) : () -> ()
    %barrier3A = arith.constant 0 : index
    tpu.barrier barrier_id(%barrier3A)
    %get3A = arith.constant 0 : index
    %get3A_5 = tpu.vector_load %arg22[%get3A] {strides = array<i32>} : memref<32xf32, #tpu.memory_space<vmem>>, vector<16xf32>,
    %get3A_6 = vector.shape_cast %get3A_5 : vector<16xf32> to vector<16xf32>
    %get3A_7 = arith.constant 16 : index
    %get3A_8 = tpu.vector_load %arg22[%get3A_7] {strides = array<i32>} : memref<32xf32, #tpu.memory_space<vmem>>, vector<16xf32>,
    %get3A_9 = vector.shape_cast %get3A_8 : vector<16xf32> to vector<16xf32>
    %get3A_10 = arith.constant 0 : index
    %get3A_11 = tpu.vector_load %arg23[%get3A_10] {strides = array<i32>} : memref<32xf32, #tpu.memory_space<vmem>>, vector<16xf32>,
    %get3A_12 = vector.shape_cast %get3A_11 : vector<16xf32> to vector<16xf32>
    %get3A_13 = arith.constant 16 : index
    %get3A_14 = tpu.vector_load %arg23[%get3A_13] {strides = array<i32>} : memref<32xf32, #tpu.memory_space<vmem>>, vector<16xf32>,
    %get3A_15 = vector.shape_cast %get3A_14 : vector<16xf32> to vector<16xf32>
    %iota3A = tpu.iota {dimensions = array<i32: 0>} : vector<16xi32>
    %eq3A = arith.constant 0 : i32
    %eq3A_16 = vector.broadcast %eq3A : i32 to vector<16xi32>
    %eq3A_17 = arith.cmpi eq, %iota3A, %eq3A_16 : vector<16xi32>
    %mul3A_18 = arith.constant 0 : i32
    %mul3A_19 = arith.constant 128 : i32
    %mul3A_20 = arith.muli %mul3A_18, %mul3A_19 : i32
    %add3A_21 = arith.addi %mul3A_2, %mul3A_20 : i32
    "tpu.region"() ({
      %run_scoped3A = tpu.sem_alloc : memref<!tpu.dma_semaphore, #tpu.memory_space<semaphore_mem>>
      %dma_start3A_33 = tpu.memref_slice %arg4[%add3A_21] : memref<335872xi32, #tpu.memory_space<hbm>> -> memref<128xi32, #tpu.memory_space<hbm>>
      %dma_start3A_34 = tpu.memref_slice %arg4[%add3A_21] : memref<335872xi32, #tpu.memory_space<hbm>> -> memref<128xi32, #tpu.memory_space<hbm>>
      tpu.enqueue_dma source(%dma_start3A_34 : memref<128xi32, #tpu.memory_space<hbm>>) target(%arg11 : memref<128xi32, #tpu.memory_space<vmem>>) target_semaphore(%run_scoped3A : memref<!tpu.dma_semaphore, #tpu.memory_space<semaphore_mem>>)
      %dma_wait3A = tpu.memref_slice %arg4[%add3A_21] : memref<335872xi32, #tpu.memory_space<hbm>> -> memref<128xi32, #tpu.memory_space<hbm>>
      %dma_wait3A_35 = tpu.memref_slice %arg4[%add3A_21] : memref<335872xi32, #tpu.memory_space<hbm>> -> memref<128xi32, #tpu.memory_space<hbm>>
      tpu.wait_dma2 semaphore(%run_scoped3A : memref<!tpu.dma_semaphore, #tpu.memory_space<semaphore_mem>>) src(%dma_wait3A_35 : memref<128xi32, #tpu.memory_space<hbm>>) dst(%arg11 : memref<128xi32, #tpu.memory_space<vmem>>)
      tpu.yield
    }) : () -> ()
    "tpu.region"() ({
      %run_scoped3A = tpu.sem_alloc : memref<!tpu.dma_semaphore, #tpu.memory_space<semaphore_mem>>
      %dma_start3A_33 = tpu.memref_slice %arg5[%add3A_21] : memref<335872xi32, #tpu.memory_space<hbm>> -> memref<128xi32, #tpu.memory_space<hbm>>
      %dma_start3A_34 = tpu.memref_slice %arg5[%add3A_21] : memref<335872xi32, #tpu.memory_space<hbm>> -> memref<128xi32, #tpu.memory_space<hbm>>
      tpu.enqueue_dma source(%dma_start3A_34 : memref<128xi32, #tpu.memory_space<hbm>>) target(%arg12 : memref<128xi32, #tpu.memory_space<vmem>>) target_semaphore(%run_scoped3A : memref<!tpu.dma_semaphore, #tpu.memory_space<semaphore_mem>>)
      %dma_wait3A = tpu.memref_slice %arg5[%add3A_21] : memref<335872xi32, #tpu.memory_space<hbm>> -> memref<128xi32, #tpu.memory_space<hbm>>
      %dma_wait3A_35 = tpu.memref_slice %arg5[%add3A_21] : memref<335872xi32, #tpu.memory_space<hbm>> -> memref<128xi32, #tpu.memory_space<hbm>>
      tpu.wait_dma2 semaphore(%run_scoped3A : memref<!tpu.dma_semaphore, #tpu.memory_space<semaphore_mem>>) src(%dma_wait3A_35 : memref<128xi32, #tpu.memory_space<hbm>>) dst(%arg12 : memref<128xi32, #tpu.memory_space<vmem>>)
      tpu.yield
    }) : () -> ()
    "tpu.region"() ({
      %run_scoped3A = tpu.sem_alloc : memref<!tpu.dma_semaphore, #tpu.memory_space<semaphore_mem>>
      %dma_start3A_33 = tpu.memref_slice %arg6[%add3A_21] : memref<335872xf32, #tpu.memory_space<hbm>> -> memref<128xf32, #tpu.memory_space<hbm>>
      %dma_start3A_34 = tpu.memref_slice %arg6[%add3A_21] : memref<335872xf32, #tpu.memory_space<hbm>> -> memref<128xf32, #tpu.memory_space<hbm>>
      tpu.enqueue_dma source(%dma_start3A_34 : memref<128xf32, #tpu.memory_space<hbm>>) target(%arg13 : memref<128xf32, #tpu.memory_space<vmem>>) target_semaphore(%run_scoped3A : memref<!tpu.dma_semaphore, #tpu.memory_space<semaphore_mem>>)
      %dma_wait3A = tpu.memref_slice %arg6[%add3A_21] : memref<335872xf32, #tpu.memory_space<hbm>> -> memref<128xf32, #tpu.memory_space<hbm>>
      %dma_wait3A_35 = tpu.memref_slice %arg6[%add3A_21] : memref<335872xf32, #tpu.memory_space<hbm>> -> memref<128xf32, #tpu.memory_space<hbm>>
      tpu.wait_dma2 semaphore(%run_scoped3A : memref<!tpu.dma_semaphore, #tpu.memory_space<semaphore_mem>>) src(%dma_wait3A_35 : memref<128xf32, #tpu.memory_space<hbm>>) dst(%arg13 : memref<128xf32, #tpu.memory_space<vmem>>)
      tpu.yield
    }) : () -> ()
    %dma_start3A = arith.constant 0 : i32
    %dma_start3A_22 = arith.constant 0 : i32
    %dma_start3A_23 = tpu.memref_slice %arg2[%dma_start3A, %dma_start3A_22] : memref<10000x32xf32, #tpu.memory_space<hbm>> -> memref<10000x32xf32, #tpu.memory_space<hbm>>
    tpu.enqueue_indirect_dma source(%dma_start3A_23 : memref<10000x32xf32, #tpu.memory_space<hbm>>) target(%arg14 : memref<128x32xf32, #tpu.memory_space<vmem>>) offsets(%arg11 : memref<128xi32, #tpu.memory_space<vmem>>) semaphore(%arg25 : memref<!tpu.dma_semaphore, #tpu.memory_space<semaphore_mem>>)
    %dma_start3A_24 = arith.constant 0 : i32
    %dma_start3A_25 = arith.constant 0 : i32
    %dma_start3A_26 = tpu.memref_slice %arg3[%dma_start3A_24, %dma_start3A_25] : memref<10000x32xf32, #tpu.memory_space<hbm>> -> memref<10000x32xf32, #tpu.memory_space<hbm>>
    tpu.enqueue_indirect_dma source(%dma_start3A_26 : memref<10000x32xf32, #tpu.memory_space<hbm>>) target(%arg15 : memref<128x32xf32, #tpu.memory_space<vmem>>) offsets(%arg12 : memref<128xi32, #tpu.memory_space<vmem>>) semaphore(%arg26 : memref<!tpu.dma_semaphore, #tpu.memory_space<semaphore_mem>>)
    %scan3A = arith.constant 0 : i32
    %scan3A_27 = arith.constant 0 : i32
    %scan3A_28 = arith.constant 41 : i32
    %scan3A_29 = arith.addi %scan3A_27, %scan3A_28 : i32
    %scan3A_30 = arith.constant 1 : i32
    scf.for %scan3A_33 = %scan3A_27 to %scan3A_29 step %scan3A_30  : i32 {
      %mul3A_34 = arith.constant 2 : i32
      %mul3A_35 = arith.muli %scan3A_33, %mul3A_34 : i32
      %add3A_36 = arith.constant 1 : i32
      %add3A_37 = arith.addi %mul3A_35, %add3A_36 : i32
      %mul3A_38 = arith.constant 128 : i32
      %mul3A_39 = arith.muli %add3A_37, %mul3A_38 : i32
      %add3A_40 = arith.addi %mul3A_2, %mul3A_39 : i32
      "tpu.region"() ({
        %run_scoped3A = tpu.sem_alloc : memref<!tpu.dma_semaphore, #tpu.memory_space<semaphore_mem>>
        %dma_start3A_72 = tpu.memref_slice %arg4[%add3A_40] : memref<335872xi32, #tpu.memory_space<hbm>> -> memref<128xi32, #tpu.memory_space<hbm>>
        %dma_start3A_73 = tpu.memref_slice %arg4[%add3A_40] : memref<335872xi32, #tpu.memory_space<hbm>> -> memref<128xi32, #tpu.memory_space<hbm>>
        tpu.enqueue_dma source(%dma_start3A_73 : memref<128xi32, #tpu.memory_space<hbm>>) target(%arg16 : memref<128xi32, #tpu.memory_space<vmem>>) target_semaphore(%run_scoped3A : memref<!tpu.dma_semaphore, #tpu.memory_space<semaphore_mem>>)
        %dma_wait3A_74 = tpu.memref_slice %arg4[%add3A_40] : memref<335872xi32, #tpu.memory_space<hbm>> -> memref<128xi32, #tpu.memory_space<hbm>>
        %dma_wait3A_75 = tpu.memref_slice %arg4[%add3A_40] : memref<335872xi32, #tpu.memory_space<hbm>> -> memref<128xi32, #tpu.memory_space<hbm>>
        tpu.wait_dma2 semaphore(%run_scoped3A : memref<!tpu.dma_semaphore, #tpu.memory_space<semaphore_mem>>) src(%dma_wait3A_75 : memref<128xi32, #tpu.memory_space<hbm>>) dst(%arg16 : memref<128xi32, #tpu.memory_space<vmem>>)
        tpu.yield
      }) : () -> ()
      "tpu.region"() ({
        %run_scoped3A = tpu.sem_alloc : memref<!tpu.dma_semaphore, #tpu.memory_space<semaphore_mem>>
        %dma_start3A_72 = tpu.memref_slice %arg5[%add3A_40] : memref<335872xi32, #tpu.memory_space<hbm>> -> memref<128xi32, #tpu.memory_space<hbm>>
        %dma_start3A_73 = tpu.memref_slice %arg5[%add3A_40] : memref<335872xi32, #tpu.memory_space<hbm>> -> memref<128xi32, #tpu.memory_space<hbm>>
        tpu.enqueue_dma source(%dma_start3A_73 : memref<128xi32, #tpu.memory_space<hbm>>) target(%arg17 : memref<128xi32, #tpu.memory_space<vmem>>) target_semaphore(%run_scoped3A : memref<!tpu.dma_semaphore, #tpu.memory_space<semaphore_mem>>)
        %dma_wait3A_74 = tpu.memref_slice %arg5[%add3A_40] : memref<335872xi32, #tpu.memory_space<hbm>> -> memref<128xi32, #tpu.memory_space<hbm>>
        %dma_wait3A_75 = tpu.memref_slice %arg5[%add3A_40] : memref<335872xi32, #tpu.memory_space<hbm>> -> memref<128xi32, #tpu.memory_space<hbm>>
        tpu.wait_dma2 semaphore(%run_scoped3A : memref<!tpu.dma_semaphore, #tpu.memory_space<semaphore_mem>>) src(%dma_wait3A_75 : memref<128xi32, #tpu.memory_space<hbm>>) dst(%arg17 : memref<128xi32, #tpu.memory_space<vmem>>)
        tpu.yield
      }) : () -> ()
      "tpu.region"() ({
        %run_scoped3A = tpu.sem_alloc : memref<!tpu.dma_semaphore, #tpu.memory_space<semaphore_mem>>
        %dma_start3A_72 = tpu.memref_slice %arg6[%add3A_40] : memref<335872xf32, #tpu.memory_space<hbm>> -> memref<128xf32, #tpu.memory_space<hbm>>
        %dma_start3A_73 = tpu.memref_slice %arg6[%add3A_40] : memref<335872xf32, #tpu.memory_space<hbm>> -> memref<128xf32, #tpu.memory_space<hbm>>
        tpu.enqueue_dma source(%dma_start3A_73 : memref<128xf32, #tpu.memory_space<hbm>>) target(%arg18 : memref<128xf32, #tpu.memory_space<vmem>>) target_semaphore(%run_scoped3A : memref<!tpu.dma_semaphore, #tpu.memory_space<semaphore_mem>>)
        %dma_wait3A_74 = tpu.memref_slice %arg6[%add3A_40] : memref<335872xf32, #tpu.memory_space<hbm>> -> memref<128xf32, #tpu.memory_space<hbm>>
        %dma_wait3A_75 = tpu.memref_slice %arg6[%add3A_40] : memref<335872xf32, #tpu.memory_space<hbm>> -> memref<128xf32, #tpu.memory_space<hbm>>
        tpu.wait_dma2 semaphore(%run_scoped3A : memref<!tpu.dma_semaphore, #tpu.memory_space<semaphore_mem>>) src(%dma_wait3A_75 : memref<128xf32, #tpu.memory_space<hbm>>) dst(%arg18 : memref<128xf32, #tpu.memory_space<vmem>>)
        tpu.yield
      }) : () -> ()
      %dma_start3A_41 = arith.constant 0 : i32
      %dma_start3A_42 = arith.constant 0 : i32
      %dma_start3A_43 = tpu.memref_slice %arg2[%dma_start3A_41, %dma_start3A_42] : memref<10000x32xf32, #tpu.memory_space<hbm>> -> memref<10000x32xf32, #tpu.memory_space<hbm>>
      tpu.enqueue_indirect_dma source(%dma_start3A_43 : memref<10000x32xf32, #tpu.memory_space<hbm>>) target(%arg19 : memref<128x32xf32, #tpu.memory_space<vmem>>) offsets(%arg16 : memref<128xi32, #tpu.memory_space<vmem>>) semaphore(%arg27 : memref<!tpu.dma_semaphore, #tpu.memory_space<semaphore_mem>>)
      %dma_start3A_44 = arith.constant 0 : i32
      %dma_start3A_45 = arith.constant 0 : i32
      %dma_start3A_46 = tpu.memref_slice %arg3[%dma_start3A_44, %dma_start3A_45] : memref<10000x32xf32, #tpu.memory_space<hbm>> -> memref<10000x32xf32, #tpu.memory_space<hbm>>
      tpu.enqueue_indirect_dma source(%dma_start3A_46 : memref<10000x32xf32, #tpu.memory_space<hbm>>) target(%arg20 : memref<128x32xf32, #tpu.memory_space<vmem>>) offsets(%arg17 : memref<128xi32, #tpu.memory_space<vmem>>) semaphore(%arg28 : memref<!tpu.dma_semaphore, #tpu.memory_space<semaphore_mem>>)
      %dma_wait3A = arith.constant 0 : i32
      %dma_wait3A_47 = arith.constant 0 : i32
      %dma_wait3A_48 = tpu.memref_slice %arg2[%dma_wait3A, %dma_wait3A_47] : memref<10000x32xf32, #tpu.memory_space<hbm>> -> memref<10000x32xf32, #tpu.memory_space<hbm>>
      tpu.wait_indirect_dma semaphore(%arg25 : memref<!tpu.dma_semaphore, #tpu.memory_space<semaphore_mem>>) src(%dma_wait3A_48 : memref<10000x32xf32, #tpu.memory_space<hbm>>) dst(%arg14 : memref<128x32xf32, #tpu.memory_space<vmem>>)
      %dma_wait3A_49 = arith.constant 0 : i32
      %dma_wait3A_50 = arith.constant 0 : i32
      %dma_wait3A_51 = tpu.memref_slice %arg3[%dma_wait3A_49, %dma_wait3A_50] : memref<10000x32xf32, #tpu.memory_space<hbm>> -> memref<10000x32xf32, #tpu.memory_space<hbm>>
      tpu.wait_indirect_dma semaphore(%arg26 : memref<!tpu.dma_semaphore, #tpu.memory_space<semaphore_mem>>) src(%dma_wait3A_51 : memref<10000x32xf32, #tpu.memory_space<hbm>>) dst(%arg15 : memref<128x32xf32, #tpu.memory_space<vmem>>)
      %scan3A_52 = arith.constant 0 : i32
      %scan3A_53 = arith.constant 0 : i32
      %scan3A_54 = arith.constant 8 : i32
      %scan3A_55 = arith.addi %scan3A_53, %scan3A_54 : i32
      %scan3A_56 = arith.constant 1 : i32
      scf.for %scan3A_72 = %scan3A_53 to %scan3A_55 step %scan3A_56  : i32 {
        %mul3A_73 = arith.constant 16 : i32
        %mul3A_74 = arith.muli %scan3A_72, %mul3A_73 : i32
        %get3A_75 = arith.index_cast %mul3A_74 : i32 to index
        %get3A_76 = tpu.vector_load %arg13[%get3A_75] {strides = array<i32>} : memref<128xf32, #tpu.memory_space<vmem>>, vector<16xf32>,
        %get3A_77 = vector.shape_cast %get3A_76 : vector<16xf32> to vector<16xf32>
        %mul3A_78 = arith.constant 16 : i32
        %mul3A_79 = arith.muli %scan3A_72, %mul3A_78 : i32
        %add3A_80 = arith.constant 0 : i32
        %add3A_81 = arith.addi %mul3A_79, %add3A_80 : i32
        %get3A_82 = arith.index_cast %add3A_81 : i32 to index
        %get3A_83 = arith.constant 0 : index
        %get3A_84 = tpu.vector_load %arg14[%get3A_82, %get3A_83] {strides = array<i32>} : memref<128x32xf32, #tpu.memory_space<vmem>>, vector<1x16xf32>,
        %get3A_85 = vector.shape_cast %get3A_84 : vector<1x16xf32> to vector<16xf32>
        %get3A_86 = arith.index_cast %add3A_81 : i32 to index
        %get3A_87 = arith.constant 16 : index
        %get3A_88 = tpu.vector_load %arg14[%get3A_86, %get3A_87] {strides = array<i32>} : memref<128x32xf32, #tpu.memory_space<vmem>>, vector<1x16xf32>,
        %get3A_89 = vector.shape_cast %get3A_88 : vector<1x16xf32> to vector<16xf32>
        %get3A_90 = arith.index_cast %add3A_81 : i32 to index
        %get3A_91 = arith.constant 0 : index
        %get3A_92 = tpu.vector_load %arg15[%get3A_90, %get3A_91] {strides = array<i32>} : memref<128x32xf32, #tpu.memory_space<vmem>>, vector<1x16xf32>,
        %get3A_93 = vector.shape_cast %get3A_92 : vector<1x16xf32> to vector<16xf32>
        %get3A_94 = arith.index_cast %add3A_81 : i32 to index
        %get3A_95 = arith.constant 16 : index
        %get3A_96 = tpu.vector_load %arg15[%get3A_94, %get3A_95] {strides = array<i32>} : memref<128x32xf32, #tpu.memory_space<vmem>>, vector<1x16xf32>,
        %get3A_97 = vector.shape_cast %get3A_96 : vector<1x16xf32> to vector<16xf32>
        %slice3A = vector.extract_strided_slice %get3A_77 {offsets = [0], sizes = [1], strides = [1]} : vector<16xf32> to vector<1xf32>
        %squeeze3A = vector.extract %slice3A[0] : f32 from vector<1xf32>
        %add3A_98 = arith.addf %get3A_85, %get3A_93 : vector<16xf32>
        %mul3A_99 = vector.broadcast %squeeze3A : f32 to vector<16xf32>
        %mul3A_100 = arith.mulf %mul3A_99, %get3A_6 : vector<16xf32>
        %add3A_101 = arith.addf %add3A_98, %mul3A_100 : vector<16xf32>
        %add3A_102 = arith.addf %get3A_89, %get3A_97 : vector<16xf32>
        %mul3A_103 = vector.broadcast %squeeze3A : f32 to vector<16xf32>
        %mul3A_104 = arith.mulf %mul3A_103, %get3A_9 : vector<16xf32>
        %add3A_105 = arith.addf %add3A_102, %mul3A_104 : vector<16xf32>
        %ge3A = arith.constant 0.000000e+00 : f32
        %ge3A_106 = vector.broadcast %ge3A : f32 to vector<16xf32>
        %ge3A_107 = arith.cmpf oge, %add3A_101, %ge3A_106 : vector<16xf32>
        %mul3A_108 = arith.constant 2.000000e-01 : f32
        %mul3A_109 = vector.broadcast %mul3A_108 : f32 to vector<16xf32>
        %mul3A_110 = arith.mulf %add3A_101, %mul3A_109 : vector<16xf32>
        %select_n3A = arith.select %ge3A_107, %add3A_101, %mul3A_110 : vector<16xi1>, vector<16xf32>
        %ge3A_111 = arith.constant 0.000000e+00 : f32
        %ge3A_112 = vector.broadcast %ge3A_111 : f32 to vector<16xf32>
        %ge3A_113 = arith.cmpf oge, %add3A_105, %ge3A_112 : vector<16xf32>
        %mul3A_114 = arith.constant 2.000000e-01 : f32
        %mul3A_115 = vector.broadcast %mul3A_114 : f32 to vector<16xf32>
        %mul3A_116 = arith.mulf %add3A_105, %mul3A_115 : vector<16xf32>
        %select_n3A_117 = arith.select %ge3A_113, %add3A_105, %mul3A_116 : vector<16xi1>, vector<16xf32>
        %mul3A_118 = arith.mulf %select_n3A, %get3A_12 : vector<16xf32>
        %mul3A_119 = arith.mulf %select_n3A_117, %get3A_15 : vector<16xf32>
        %add3A_120 = arith.addf %mul3A_118, %mul3A_119 : vector<16xf32>
        %iota3A_121 = tpu.iota {dimensions = array<i32: 0>} : vector<16xi32>
        %add3A_122 = arith.constant 8 : i32
        %add3A_123 = vector.broadcast %add3A_122 : i32 to vector<16xi32>
        %add3A_124 = arith.addi %iota3A_121, %add3A_123 : vector<16xi32>
        %and3A = arith.constant 15 : i32
        %and3A_125 = vector.broadcast %and3A : i32 to vector<16xi32>
        %and3A_126 = arith.andi %add3A_124, %and3A_125 : vector<16xi32>
        %broadcast_in_dim3A = vector.shape_cast %and3A_126 : vector<16xi32> to vector<16x1xi32>
        %gather3A = vector.shape_cast %broadcast_in_dim3A : vector<16x1xi32> to vector<16xi32>
        %gather3A_127 = tpu.dynamic_gather %add3A_120[%gather3A] in [0] : vector<16xf32>, vector<16xi32> -> vector<16xf32>
        %add3A_128 = arith.addf %add3A_120, %gather3A_127 : vector<16xf32>
        %add3A_129 = arith.constant 4 : i32
        %add3A_130 = vector.broadcast %add3A_129 : i32 to vector<16xi32>
        %add3A_131 = arith.addi %iota3A_121, %add3A_130 : vector<16xi32>
        %and3A_132 = arith.constant 15 : i32
        %and3A_133 = vector.broadcast %and3A_132 : i32 to vector<16xi32>
        %and3A_134 = arith.andi %add3A_131, %and3A_133 : vector<16xi32>
        %broadcast_in_dim3A_135 = vector.shape_cast %and3A_134 : vector<16xi32> to vector<16x1xi32>
        %gather3A_136 = vector.shape_cast %broadcast_in_dim3A_135 : vector<16x1xi32> to vector<16xi32>
        %gather3A_137 = tpu.dynamic_gather %add3A_128[%gather3A_136] in [0] : vector<16xf32>, vector<16xi32> -> vector<16xf32>
        %add3A_138 = arith.addf %add3A_128, %gather3A_137 : vector<16xf32>
        %add3A_139 = arith.constant 2 : i32
        %add3A_140 = vector.broadcast %add3A_139 : i32 to vector<16xi32>
        %add3A_141 = arith.addi %iota3A_121, %add3A_140 : vector<16xi32>
        %and3A_142 = arith.constant 15 : i32
        %and3A_143 = vector.broadcast %and3A_142 : i32 to vector<16xi32>
        %and3A_144 = arith.andi %add3A_141, %and3A_143 : vector<16xi32>
        %broadcast_in_dim3A_145 = vector.shape_cast %and3A_144 : vector<16xi32> to vector<16x1xi32>
        %gather3A_146 = vector.shape_cast %broadcast_in_dim3A_145 : vector<16x1xi32> to vector<16xi32>
        %gather3A_147 = tpu.dynamic_gather %add3A_138[%gather3A_146] in [0] : vector<16xf32>, vector<16xi32> -> vector<16xf32>
        %add3A_148 = arith.addf %add3A_138, %gather3A_147 : vector<16xf32>
        %add3A_149 = arith.constant 1 : i32
        %add3A_150 = vector.broadcast %add3A_149 : i32 to vector<16xi32>
        %add3A_151 = arith.addi %iota3A_121, %add3A_150 : vector<16xi32>
        %and3A_152 = arith.constant 15 : i32
        %and3A_153 = vector.broadcast %and3A_152 : i32 to vector<16xi32>
        %and3A_154 = arith.andi %add3A_151, %and3A_153 : vector<16xi32>
        %broadcast_in_dim3A_155 = vector.shape_cast %and3A_154 : vector<16xi32> to vector<16x1xi32>
        %gather3A_156 = vector.shape_cast %broadcast_in_dim3A_155 : vector<16x1xi32> to vector<16xi32>
        %gather3A_157 = tpu.dynamic_gather %add3A_148[%gather3A_156] in [0] : vector<16xf32>, vector<16xi32> -> vector<16xf32>
        %add3A_158 = arith.addf %add3A_148, %gather3A_157 : vector<16xf32>
        %exp3A = math.exp %add3A_158 : vector<16xf32>
        %mul3A_159 = arith.mulf %get3A_85, %exp3A : vector<16xf32>
        %swap3A = arith.index_cast %add3A_81 : i32 to index
        %swap3A_160 = arith.constant 0 : index
        %swap3A_161 = tpu.vector_load %arg21[%swap3A, %swap3A_160] {strides = array<i32>} : memref<128x48xf32, #tpu.memory_space<vmem>>, vector<1x16xf32>,
        %swap3A_162 = vector.shape_cast %swap3A_161 : vector<1x16xf32> to vector<16xf32>
        %swap3A_163 = vector.shape_cast %mul3A_159 : vector<16xf32> to vector<1x16xf32>
        tpu.vector_store %arg21[%swap3A, %swap3A_160], %swap3A_163 {strides = array<i32>} : memref<128x48xf32, #tpu.memory_space<vmem>>, vector<1x16xf32>,
        %mul3A_164 = arith.mulf %get3A_89, %exp3A : vector<16xf32>
        %swap3A_165 = arith.index_cast %add3A_81 : i32 to index
        %swap3A_166 = arith.constant 16 : index
        %swap3A_167 = tpu.vector_load %arg21[%swap3A_165, %swap3A_166] {strides = array<i32>} : memref<128x48xf32, #tpu.memory_space<vmem>>, vector<1x16xf32>,
        %swap3A_168 = vector.shape_cast %swap3A_167 : vector<1x16xf32> to vector<16xf32>
        %swap3A_169 = vector.shape_cast %mul3A_164 : vector<16xf32> to vector<1x16xf32>
        tpu.vector_store %arg21[%swap3A_165, %swap3A_166], %swap3A_169 {strides = array<i32>} : memref<128x48xf32, #tpu.memory_space<vmem>>, vector<1x16xf32>,
        %jit3A = arith.constant 0.000000e+00 : f32
        %broadcast_in_dim3A_170 = vector.broadcast %jit3A : f32 to vector<16xf32>
        %select_n3A_171 = arith.select %eq3A_17, %exp3A, %broadcast_in_dim3A_170 : vector<16xi1>, vector<16xf32>
        %swap3A_172 = arith.index_cast %add3A_81 : i32 to index
        %swap3A_173 = arith.constant 32 : index
        %swap3A_174 = tpu.vector_load %arg21[%swap3A_172, %swap3A_173] {strides = array<i32>} : memref<128x48xf32, #tpu.memory_space<vmem>>, vector<1x16xf32>,
        %swap3A_175 = vector.shape_cast %swap3A_174 : vector<1x16xf32> to vector<16xf32>
        %swap3A_176 = vector.shape_cast %select_n3A_171 : vector<16xf32> to vector<1x16xf32>
        tpu.vector_store %arg21[%swap3A_172, %swap3A_173], %swap3A_176 {strides = array<i32>} : memref<128x48xf32, #tpu.memory_space<vmem>>, vector<1x16xf32>,
        %mul3A_177 = arith.constant 16 : i32
        %mul3A_178 = arith.muli %scan3A_72, %mul3A_177 : i32
        %add3A_179 = arith.constant 1 : i32
        %add3A_180 = arith.addi %mul3A_178, %add3A_179 : i32
        %get3A_181 = arith.index_cast %add3A_180 : i32 to index
        %get3A_182 = arith.constant 0 : index
        %get3A_183 = tpu.vector_load %arg14[%get3A_181, %get3A_182] {strides = array<i32>} : memref<128x32xf32, #tpu.memory_space<vmem>>, vector<1x16xf32>,
        %get3A_184 = vector.shape_cast %get3A_183 : vector<1x16xf32> to vector<16xf32>
        %get3A_185 = arith.index_cast %add3A_180 : i32 to index
        %get3A_186 = arith.constant 16 : index
        %get3A_187 = tpu.vector_load %arg14[%get3A_185, %get3A_186] {strides = array<i32>} : memref<128x32xf32, #tpu.memory_space<vmem>>, vector<1x16xf32>,
        %get3A_188 = vector.shape_cast %get3A_187 : vector<1x16xf32> to vector<16xf32>
        %get3A_189 = arith.index_cast %add3A_180 : i32 to index
        %get3A_190 = arith.constant 0 : index
        %get3A_191 = tpu.vector_load %arg15[%get3A_189, %get3A_190] {strides = array<i32>} : memref<128x32xf32, #tpu.memory_space<vmem>>, vector<1x16xf32>,
        %get3A_192 = vector.shape_cast %get3A_191 : vector<1x16xf32> to vector<16xf32>
        %get3A_193 = arith.index_cast %add3A_180 : i32 to index
        %get3A_194 = arith.constant 16 : index
        %get3A_195 = tpu.vector_load %arg15[%get3A_193, %get3A_194] {strides = array<i32>} : memref<128x32xf32, #tpu.memory_space<vmem>>, vector<1x16xf32>,
        %get3A_196 = vector.shape_cast %get3A_195 : vector<1x16xf32> to vector<16xf32>
        %slice3A_197 = vector.extract_strided_slice %get3A_77 {offsets = [1], sizes = [1], strides = [1]} : vector<16xf32> to vector<1xf32>
        %squeeze3A_198 = vector.extract %slice3A_197[0] : f32 from vector<1xf32>
        %add3A_199 = arith.addf %get3A_184, %get3A_192 : vector<16xf32>
        %mul3A_200 = vector.broadcast %squeeze3A_198 : f32 to vector<16xf32>
        %mul3A_201 = arith.mulf %mul3A_200, %get3A_6 : vector<16xf32>
        %add3A_202 = arith.addf %add3A_199, %mul3A_201 : vector<16xf32>
        %add3A_203 = arith.addf %get3A_188, %get3A_196 : vector<16xf32>
        %mul3A_204 = vector.broadcast %squeeze3A_198 : f32 to vector<16xf32>
        %mul3A_205 = arith.mulf %mul3A_204, %get3A_9 : vector<16xf32>
        %add3A_206 = arith.addf %add3A_203, %mul3A_205 : vector<16xf32>
        %ge3A_207 = arith.constant 0.000000e+00 : f32
        %ge3A_208 = vector.broadcast %ge3A_207 : f32 to vector<16xf32>
        %ge3A_209 = arith.cmpf oge, %add3A_202, %ge3A_208 : vector<16xf32>
        %mul3A_210 = arith.constant 2.000000e-01 : f32
        %mul3A_211 = vector.broadcast %mul3A_210 : f32 to vector<16xf32>
        %mul3A_212 = arith.mulf %add3A_202, %mul3A_211 : vector<16xf32>
        %select_n3A_213 = arith.select %ge3A_209, %add3A_202, %mul3A_212 : vector<16xi1>, vector<16xf32>
        %ge3A_214 = arith.constant 0.000000e+00 : f32
        %ge3A_215 = vector.broadcast %ge3A_214 : f32 to vector<16xf32>
        %ge3A_216 = arith.cmpf oge, %add3A_206, %ge3A_215 : vector<16xf32>
        %mul3A_217 = arith.constant 2.000000e-01 : f32
        %mul3A_218 = vector.broadcast %mul3A_217 : f32 to vector<16xf32>
        %mul3A_219 = arith.mulf %add3A_206, %mul3A_218 : vector<16xf32>
        %select_n3A_220 = arith.select %ge3A_216, %add3A_206, %mul3A_219 : vector<16xi1>, vector<16xf32>
        %mul3A_221 = arith.mulf %select_n3A_213, %get3A_12 : vector<16xf32>
        %mul3A_222 = arith.mulf %select_n3A_220, %get3A_15 : vector<16xf32>
        %add3A_223 = arith.addf %mul3A_221, %mul3A_222 : vector<16xf32>
        %iota3A_224 = tpu.iota {dimensions = array<i32: 0>} : vector<16xi32>
        %add3A_225 = arith.constant 8 : i32
        %add3A_226 = vector.broadcast %add3A_225 : i32 to vector<16xi32>
        %add3A_227 = arith.addi %iota3A_224, %add3A_226 : vector<16xi32>
        %and3A_228 = arith.constant 15 : i32
        %and3A_229 = vector.broadcast %and3A_228 : i32 to vector<16xi32>
        %and3A_230 = arith.andi %add3A_227, %and3A_229 : vector<16xi32>
        %broadcast_in_dim3A_231 = vector.shape_cast %and3A_230 : vector<16xi32> to vector<16x1xi32>
        %gather3A_232 = vector.shape_cast %broadcast_in_dim3A_231 : vector<16x1xi32> to vector<16xi32>
        %gather3A_233 = tpu.dynamic_gather %add3A_223[%gather3A_232] in [0] : vector<16xf32>, vector<16xi32> -> vector<16xf32>
        %add3A_234 = arith.addf %add3A_223, %gather3A_233 : vector<16xf32>
        %add3A_235 = arith.constant 4 : i32
        %add3A_236 = vector.broadcast %add3A_235 : i32 to vector<16xi32>
        %add3A_237 = arith.addi %iota3A_224, %add3A_236 : vector<16xi32>
        %and3A_238 = arith.constant 15 : i32
        %and3A_239 = vector.broadcast %and3A_238 : i32 to vector<16xi32>
        %and3A_240 = arith.andi %add3A_237, %and3A_239 : vector<16xi32>
        %broadcast_in_dim3A_241 = vector.shape_cast %and3A_240 : vector<16xi32> to vector<16x1xi32>
        %gather3A_242 = vector.shape_cast %broadcast_in_dim3A_241 : vector<16x1xi32> to vector<16xi32>
        %gather3A_243 = tpu.dynamic_gather %add3A_234[%gather3A_242] in [0] : vector<16xf32>, vector<16xi32> -> vector<16xf32>
        %add3A_244 = arith.addf %add3A_234, %gather3A_243 : vector<16xf32>
        %add3A_245 = arith.constant 2 : i32
        %add3A_246 = vector.broadcast %add3A_245 : i32 to vector<16xi32>
        %add3A_247 = arith.addi %iota3A_224, %add3A_246 : vector<16xi32>
        %and3A_248 = arith.constant 15 : i32
        %and3A_249 = vector.broadcast %and3A_248 : i32 to vector<16xi32>
        %and3A_250 = arith.andi %add3A_247, %and3A_249 : vector<16xi32>
        %broadcast_in_dim3A_251 = vector.shape_cast %and3A_250 : vector<16xi32> to vector<16x1xi32>
        %gather3A_252 = vector.shape_cast %broadcast_in_dim3A_251 : vector<16x1xi32> to vector<16xi32>
        %gather3A_253 = tpu.dynamic_gather %add3A_244[%gather3A_252] in [0] : vector<16xf32>, vector<16xi32> -> vector<16xf32>
        %add3A_254 = arith.addf %add3A_244, %gather3A_253 : vector<16xf32>
        %add3A_255 = arith.constant 1 : i32
        %add3A_256 = vector.broadcast %add3A_255 : i32 to vector<16xi32>
        %add3A_257 = arith.addi %iota3A_224, %add3A_256 : vector<16xi32>
        %and3A_258 = arith.constant 15 : i32
        %and3A_259 = vector.broadcast %and3A_258 : i32 to vector<16xi32>
        %and3A_260 = arith.andi %add3A_257, %and3A_259 : vector<16xi32>
        %broadcast_in_dim3A_261 = vector.shape_cast %and3A_260 : vector<16xi32> to vector<16x1xi32>
        %gather3A_262 = vector.shape_cast %broadcast_in_dim3A_261 : vector<16x1xi32> to vector<16xi32>
        %gather3A_263 = tpu.dynamic_gather %add3A_254[%gather3A_262] in [0] : vector<16xf32>, vector<16xi32> -> vector<16xf32>
        %add3A_264 = arith.addf %add3A_254, %gather3A_263 : vector<16xf32>
        %exp3A_265 = math.exp %add3A_264 : vector<16xf32>
        %mul3A_266 = arith.mulf %get3A_184, %exp3A_265 : vector<16xf32>
        %swap3A_267 = arith.index_cast %add3A_180 : i32 to index
        %swap3A_268 = arith.constant 0 : index
        %swap3A_269 = tpu.vector_load %arg21[%swap3A_267, %swap3A_268] {strides = array<i32>} : memref<128x48xf32, #tpu.memory_space<vmem>>, vector<1x16xf32>,
        %swap3A_270 = vector.shape_cast %swap3A_269 : vector<1x16xf32> to vector<16xf32>
        %swap3A_271 = vector.shape_cast %mul3A_266 : vector<16xf32> to vector<1x16xf32>
        tpu.vector_store %arg21[%swap3A_267, %swap3A_268], %swap3A_271 {strides = array<i32>} : memref<128x48xf32, #tpu.memory_space<vmem>>, vector<1x16xf32>,
        %mul3A_272 = arith.mulf %get3A_188, %exp3A_265 : vector<16xf32>
        %swap3A_273 = arith.index_cast %add3A_180 : i32 to index
        %swap3A_274 = arith.constant 16 : index
        %swap3A_275 = tpu.vector_load %arg21[%swap3A_273, %swap3A_274] {strides = array<i32>} : memref<128x48xf32, #tpu.memory_space<vmem>>, vector<1x16xf32>,
        %swap3A_276 = vector.shape_cast %swap3A_275 : vector<1x16xf32> to vector<16xf32>
        %swap3A_277 = vector.shape_cast %mul3A_272 : vector<16xf32> to vector<1x16xf32>
        tpu.vector_store %arg21[%swap3A_273, %swap3A_274], %swap3A_277 {strides = array<i32>} : memref<128x48xf32, #tpu.memory_space<vmem>>, vector<1x16xf32>,
        %jit3A_278 = arith.constant 0.000000e+00 : f32
        %broadcast_in_dim3A_279 = vector.broadcast %jit3A_278 : f32 to vector<16xf32>
        %select_n3A_280 = arith.select %eq3A_17, %exp3A_265, %broadcast_in_dim3A_279 : vector<16xi1>, vector<16xf32>
        %swap3A_281 = arith.index_cast %add3A_180 : i32 to index
        %swap3A_282 = arith.constant 32 : index
        %swap3A_283 = tpu.vector_load %arg21[%swap3A_281, %swap3A_282] {strides = array<i32>} : memref<128x48xf32, #tpu.memory_space<vmem>>, vector<1x16xf32>,
        %swap3A_284 = vector.shape_cast %swap3A_283 : vector<1x16xf32> to vector<16xf32>
        %swap3A_285 = vector.shape_cast %select_n3A_280 : vector<16xf32> to vector<1x16xf32>
        tpu.vector_store %arg21[%swap3A_281, %swap3A_282], %swap3A_285 {strides = array<i32>} : memref<128x48xf32, #tpu.memory_space<vmem>>, vector<1x16xf32>,
        %mul3A_286 = arith.constant 16 : i32
        %mul3A_287 = arith.muli %scan3A_72, %mul3A_286 : i32
        %add3A_288 = arith.constant 2 : i32
        %add3A_289 = arith.addi %mul3A_287, %add3A_288 : i32
        %get3A_290 = arith.index_cast %add3A_289 : i32 to index
        %get3A_291 = arith.constant 0 : index
        %get3A_292 = tpu.vector_load %arg14[%get3A_290, %get3A_291] {strides = array<i32>} : memref<128x32xf32, #tpu.memory_space<vmem>>, vector<1x16xf32>,
        %get3A_293 = vector.shape_cast %get3A_292 : vector<1x16xf32> to vector<16xf32>
        %get3A_294 = arith.index_cast %add3A_289 : i32 to index
        %get3A_295 = arith.constant 16 : index
        %get3A_296 = tpu.vector_load %arg14[%get3A_294, %get3A_295] {strides = array<i32>} : memref<128x32xf32, #tpu.memory_space<vmem>>, vector<1x16xf32>,
        %get3A_297 = vector.shape_cast %get3A_296 : vector<1x16xf32> to vector<16xf32>
        %get3A_298 = arith.index_cast %add3A_289 : i32 to index
        %get3A_299 = arith.constant 0 : index
        %get3A_300 = tpu.vector_load %arg15[%get3A_298, %get3A_299] {strides = array<i32>} : memref<128x32xf32, #tpu.memory_space<vmem>>, vector<1x16xf32>,
        %get3A_301 = vector.shape_cast %get3A_300 : vector<1x16xf32> to vector<16xf32>
        %get3A_302 = arith.index_cast %add3A_289 : i32 to index
        %get3A_303 = arith.constant 16 : index
        %get3A_304 = tpu.vector_load %arg15[%get3A_302, %get3A_303] {strides = array<i32>} : memref<128x32xf32, #tpu.memory_space<vmem>>, vector<1x16xf32>,
        %get3A_305 = vector.shape_cast %get3A_304 : vector<1x16xf32> to vector<16xf32>
        %slice3A_306 = vector.extract_strided_slice %get3A_77 {offsets = [2], sizes = [1], strides = [1]} : vector<16xf32> to vector<1xf32>
        %squeeze3A_307 = vector.extract %slice3A_306[0] : f32 from vector<1xf32>
        %add3A_308 = arith.addf %get3A_293, %get3A_301 : vector<16xf32>
        %mul3A_309 = vector.broadcast %squeeze3A_307 : f32 to vector<16xf32>
        %mul3A_310 = arith.mulf %mul3A_309, %get3A_6 : vector<16xf32>
        %add3A_311 = arith.addf %add3A_308, %mul3A_310 : vector<16xf32>
        %add3A_312 = arith.addf %get3A_297, %get3A_305 : vector<16xf32>
        %mul3A_313 = vector.broadcast %squeeze3A_307 : f32 to vector<16xf32>
        %mul3A_314 = arith.mulf %mul3A_313, %get3A_9 : vector<16xf32>
        %add3A_315 = arith.addf %add3A_312, %mul3A_314 : vector<16xf32>
        %ge3A_316 = arith.constant 0.000000e+00 : f32
        %ge3A_317 = vector.broadcast %ge3A_316 : f32 to vector<16xf32>
        %ge3A_318 = arith.cmpf oge, %add3A_311, %ge3A_317 : vector<16xf32>
        %mul3A_319 = arith.constant 2.000000e-01 : f32
        %mul3A_320 = vector.broadcast %mul3A_319 : f32 to vector<16xf32>
        %mul3A_321 = arith.mulf %add3A_311, %mul3A_320 : vector<16xf32>
        %select_n3A_322 = arith.select %ge3A_318, %add3A_311, %mul3A_321 : vector<16xi1>, vector<16xf32>
        %ge3A_323 = arith.constant 0.000000e+00 : f32
        %ge3A_324 = vector.broadcast %ge3A_323 : f32 to vector<16xf32>
        %ge3A_325 = arith.cmpf oge, %add3A_315, %ge3A_324 : vector<16xf32>
        %mul3A_326 = arith.constant 2.000000e-01 : f32
        %mul3A_327 = vector.broadcast %mul3A_326 : f32 to vector<16xf32>
        %mul3A_328 = arith.mulf %add3A_315, %mul3A_327 : vector<16xf32>
        %select_n3A_329 = arith.select %ge3A_325, %add3A_315, %mul3A_328 : vector<16xi1>, vector<16xf32>
        %mul3A_330 = arith.mulf %select_n3A_322, %get3A_12 : vector<16xf32>
        %mul3A_331 = arith.mulf %select_n3A_329, %get3A_15 : vector<16xf32>
        %add3A_332 = arith.addf %mul3A_330, %mul3A_331 : vector<16xf32>
        %iota3A_333 = tpu.iota {dimensions = array<i32: 0>} : vector<16xi32>
        %add3A_334 = arith.constant 8 : i32
        %add3A_335 = vector.broadcast %add3A_334 : i32 to vector<16xi32>
        %add3A_336 = arith.addi %iota3A_333, %add3A_335 : vector<16xi32>
        %and3A_337 = arith.constant 15 : i32
        %and3A_338 = vector.broadcast %and3A_337 : i32 to vector<16xi32>
        %and3A_339 = arith.andi %add3A_336, %and3A_338 : vector<16xi32>
        %broadcast_in_dim3A_340 = vector.shape_cast %and3A_339 : vector<16xi32> to vector<16x1xi32>
        %gather3A_341 = vector.shape_cast %broadcast_in_dim3A_340 : vector<16x1xi32> to vector<16xi32>
        %gather3A_342 = tpu.dynamic_gather %add3A_332[%gather3A_341] in [0] : vector<16xf32>, vector<16xi32> -> vector<16xf32>
        %add3A_343 = arith.addf %add3A_332, %gather3A_342 : vector<16xf32>
        %add3A_344 = arith.constant 4 : i32
        %add3A_345 = vector.broadcast %add3A_344 : i32 to vector<16xi32>
        %add3A_346 = arith.addi %iota3A_333, %add3A_345 : vector<16xi32>
        %and3A_347 = arith.constant 15 : i32
        %and3A_348 = vector.broadcast %and3A_347 : i32 to vector<16xi32>
        %and3A_349 = arith.andi %add3A_346, %and3A_348 : vector<16xi32>
        %broadcast_in_dim3A_350 = vector.shape_cast %and3A_349 : vector<16xi32> to vector<16x1xi32>
        %gather3A_351 = vector.shape_cast %broadcast_in_dim3A_350 : vector<16x1xi32> to vector<16xi32>
        %gather3A_352 = tpu.dynamic_gather %add3A_343[%gather3A_351] in [0] : vector<16xf32>, vector<16xi32> -> vector<16xf32>
        %add3A_353 = arith.addf %add3A_343, %gather3A_352 : vector<16xf32>
        %add3A_354 = arith.constant 2 : i32
        %add3A_355 = vector.broadcast %add3A_354 : i32 to vector<16xi32>
        %add3A_356 = arith.addi %iota3A_333, %add3A_355 : vector<16xi32>
        %and3A_357 = arith.constant 15 : i32
        %and3A_358 = vector.broadcast %and3A_357 : i32 to vector<16xi32>
        %and3A_359 = arith.andi %add3A_356, %and3A_358 : vector<16xi32>
        %broadcast_in_dim3A_360 = vector.shape_cast %and3A_359 : vector<16xi32> to vector<16x1xi32>
        %gather3A_361 = vector.shape_cast %broadcast_in_dim3A_360 : vector<16x1xi32> to vector<16xi32>
        %gather3A_362 = tpu.dynamic_gather %add3A_353[%gather3A_361] in [0] : vector<16xf32>, vector<16xi32> -> vector<16xf32>
        %add3A_363 = arith.addf %add3A_353, %gather3A_362 : vector<16xf32>
        %add3A_364 = arith.constant 1 : i32
        %add3A_365 = vector.broadcast %add3A_364 : i32 to vector<16xi32>
        %add3A_366 = arith.addi %iota3A_333, %add3A_365 : vector<16xi32>
        %and3A_367 = arith.constant 15 : i32
        %and3A_368 = vector.broadcast %and3A_367 : i32 to vector<16xi32>
        %and3A_369 = arith.andi %add3A_366, %and3A_368 : vector<16xi32>
        %broadcast_in_dim3A_370 = vector.shape_cast %and3A_369 : vector<16xi32> to vector<16x1xi32>
        %gather3A_371 = vector.shape_cast %broadcast_in_dim3A_370 : vector<16x1xi32> to vector<16xi32>
        %gather3A_372 = tpu.dynamic_gather %add3A_363[%gather3A_371] in [0] : vector<16xf32>, vector<16xi32> -> vector<16xf32>
        %add3A_373 = arith.addf %add3A_363, %gather3A_372 : vector<16xf32>
        %exp3A_374 = math.exp %add3A_373 : vector<16xf32>
        %mul3A_375 = arith.mulf %get3A_293, %exp3A_374 : vector<16xf32>
        %swap3A_376 = arith.index_cast %add3A_289 : i32 to index
        %swap3A_377 = arith.constant 0 : index
        %swap3A_378 = tpu.vector_load %arg21[%swap3A_376, %swap3A_377] {strides = array<i32>} : memref<128x48xf32, #tpu.memory_space<vmem>>, vector<1x16xf32>,
        %swap3A_379 = vector.shape_cast %swap3A_378 : vector<1x16xf32> to vector<16xf32>
        %swap3A_380 = vector.shape_cast %mul3A_375 : vector<16xf32> to vector<1x16xf32>
        tpu.vector_store %arg21[%swap3A_376, %swap3A_377], %swap3A_380 {strides = array<i32>} : memref<128x48xf32, #tpu.memory_space<vmem>>, vector<1x16xf32>,
        %mul3A_381 = arith.mulf %get3A_297, %exp3A_374 : vector<16xf32>
        %swap3A_382 = arith.index_cast %add3A_289 : i32 to index
        %swap3A_383 = arith.constant 16 : index
        %swap3A_384 = tpu.vector_load %arg21[%swap3A_382, %swap3A_383] {strides = array<i32>} : memref<128x48xf32, #tpu.memory_space<vmem>>, vector<1x16xf32>,
        %swap3A_385 = vector.shape_cast %swap3A_384 : vector<1x16xf32> to vector<16xf32>
        %swap3A_386 = vector.shape_cast %mul3A_381 : vector<16xf32> to vector<1x16xf32>
        tpu.vector_store %arg21[%swap3A_382, %swap3A_383], %swap3A_386 {strides = array<i32>} : memref<128x48xf32, #tpu.memory_space<vmem>>, vector<1x16xf32>,
        %jit3A_387 = arith.constant 0.000000e+00 : f32
        %broadcast_in_dim3A_388 = vector.broadcast %jit3A_387 : f32 to vector<16xf32>
        %select_n3A_389 = arith.select %eq3A_17, %exp3A_374, %broadcast_in_dim3A_388 : vector<16xi1>, vector<16xf32>
        %swap3A_390 = arith.index_cast %add3A_289 : i32 to index
        %swap3A_391 = arith.constant 32 : index
        %swap3A_392 = tpu.vector_load %arg21[%swap3A_390, %swap3A_391] {strides = array<i32>} : memref<128x48xf32, #tpu.memory_space<vmem>>, vector<1x16xf32>,
        %swap3A_393 = vector.shape_cast %swap3A_392 : vector<1x16xf32> to vector<16xf32>
        %swap3A_394 = vector.shape_cast %select_n3A_389 : vector<16xf32> to vector<1x16xf32>
        tpu.vector_store %arg21[%swap3A_390, %swap3A_391], %swap3A_394 {strides = array<i32>} : memref<128x48xf32, #tpu.memory_space<vmem>>, vector<1x16xf32>,
        %mul3A_395 = arith.constant 16 : i32
        %mul3A_396 = arith.muli %scan3A_72, %mul3A_395 : i32
        %add3A_397 = arith.constant 3 : i32
        %add3A_398 = arith.addi %mul3A_396, %add3A_397 : i32
        %get3A_399 = arith.index_cast %add3A_398 : i32 to index
        %get3A_400 = arith.constant 0 : index
        %get3A_401 = tpu.vector_load %arg14[%get3A_399, %get3A_400] {strides = array<i32>} : memref<128x32xf32, #tpu.memory_space<vmem>>, vector<1x16xf32>,
        %get3A_402 = vector.shape_cast %get3A_401 : vector<1x16xf32> to vector<16xf32>
        %get3A_403 = arith.index_cast %add3A_398 : i32 to index
        %get3A_404 = arith.constant 16 : index
        %get3A_405 = tpu.vector_load %arg14[%get3A_403, %get3A_404] {strides = array<i32>} : memref<128x32xf32, #tpu.memory_space<vmem>>, vector<1x16xf32>,
        %get3A_406 = vector.shape_cast %get3A_405 : vector<1x16xf32> to vector<16xf32>
        %get3A_407 = arith.index_cast %add3A_398 : i32 to index
        %get3A_408 = arith.constant 0 : index
        %get3A_409 = tpu.vector_load %arg15[%get3A_407, %get3A_408] {strides = array<i32>} : memref<128x32xf32, #tpu.memory_space<vmem>>, vector<1x16xf32>,
        %get3A_410 = vector.shape_cast %get3A_409 : vector<1x16xf32> to vector<16xf32>
        %get3A_411 = arith.index_cast %add3A_398 : i32 to index
        %get3A_412 = arith.constant 16 : index
        %get3A_413 = tpu.vector_load %arg15[%get3A_411, %get3A_412] {strides = array<i32>} : memref<128x32xf32, #tpu.memory_space<vmem>>, vector<1x16xf32>,
        %get3A_414 = vector.shape_cast %get3A_413 : vector<1x16xf32> to vector<16xf32>
        %slice3A_415 = vector.extract_strided_slice %get3A_77 {offsets = [3], sizes = [1], strides = [1]} : vector<16xf32> to vector<1xf32>
        %squeeze3A_416 = vector.extract %slice3A_415[0] : f32 from vector<1xf32>
        %add3A_417 = arith.addf %get3A_402, %get3A_410 : vector<16xf32>
        %mul3A_418 = vector.broadcast %squeeze3A_416 : f32 to vector<16xf32>
        %mul3A_419 = arith.mulf %mul3A_418, %get3A_6 : vector<16xf32>
        %add3A_420 = arith.addf %add3A_417, %mul3A_419 : vector<16xf32>
        %add3A_421 = arith.addf %get3A_406, %get3A_414 : vector<16xf32>
        %mul3A_422 = vector.broadcast %squeeze3A_416 : f32 to vector<16xf32>
        %mul3A_423 = arith.mulf %mul3A_422, %get3A_9 : vector<16xf32>
        %add3A_424 = arith.addf %add3A_421, %mul3A_423 : vector<16xf32>
        %ge3A_425 = arith.constant 0.000000e+00 : f32
        %ge3A_426 = vector.broadcast %ge3A_425 : f32 to vector<16xf32>
        %ge3A_427 = arith.cmpf oge, %add3A_420, %ge3A_426 : vector<16xf32>
        %mul3A_428 = arith.constant 2.000000e-01 : f32
        %mul3A_429 = vector.broadcast %mul3A_428 : f32 to vector<16xf32>
        %mul3A_430 = arith.mulf %add3A_420, %mul3A_429 : vector<16xf32>
        %select_n3A_431 = arith.select %ge3A_427, %add3A_420, %mul3A_430 : vector<16xi1>, vector<16xf32>
        %ge3A_432 = arith.constant 0.000000e+00 : f32
        %ge3A_433 = vector.broadcast %ge3A_432 : f32 to vector<16xf32>
        %ge3A_434 = arith.cmpf oge, %add3A_424, %ge3A_433 : vector<16xf32>
        %mul3A_435 = arith.constant 2.000000e-01 : f32
        %mul3A_436 = vector.broadcast %mul3A_435 : f32 to vector<16xf32>
        %mul3A_437 = arith.mulf %add3A_424, %mul3A_436 : vector<16xf32>
        %select_n3A_438 = arith.select %ge3A_434, %add3A_424, %mul3A_437 : vector<16xi1>, vector<16xf32>
        %mul3A_439 = arith.mulf %select_n3A_431, %get3A_12 : vector<16xf32>
        %mul3A_440 = arith.mulf %select_n3A_438, %get3A_15 : vector<16xf32>
        %add3A_441 = arith.addf %mul3A_439, %mul3A_440 : vector<16xf32>
        %iota3A_442 = tpu.iota {dimensions = array<i32: 0>} : vector<16xi32>
        %add3A_443 = arith.constant 8 : i32
        %add3A_444 = vector.broadcast %add3A_443 : i32 to vector<16xi32>
        %add3A_445 = arith.addi %iota3A_442, %add3A_444 : vector<16xi32>
        %and3A_446 = arith.constant 15 : i32
        %and3A_447 = vector.broadcast %and3A_446 : i32 to vector<16xi32>
        %and3A_448 = arith.andi %add3A_445, %and3A_447 : vector<16xi32>
        %broadcast_in_dim3A_449 = vector.shape_cast %and3A_448 : vector<16xi32> to vector<16x1xi32>
        %gather3A_450 = vector.shape_cast %broadcast_in_dim3A_449 : vector<16x1xi32> to vector<16xi32>
        %gather3A_451 = tpu.dynamic_gather %add3A_441[%gather3A_450] in [0] : vector<16xf32>, vector<16xi32> -> vector<16xf32>
        %add3A_452 = arith.addf %add3A_441, %gather3A_451 : vector<16xf32>
        %add3A_453 = arith.constant 4 : i32
        %add3A_454 = vector.broadcast %add3A_453 : i32 to vector<16xi32>
        %add3A_455 = arith.addi %iota3A_442, %add3A_454 : vector<16xi32>
        %and3A_456 = arith.constant 15 : i32
        %and3A_457 = vector.broadcast %and3A_456 : i32 to vector<16xi32>
        %and3A_458 = arith.andi %add3A_455, %and3A_457 : vector<16xi32>
        %broadcast_in_dim3A_459 = vector.shape_cast %and3A_458 : vector<16xi32> to vector<16x1xi32>
        %gather3A_460 = vector.shape_cast %broadcast_in_dim3A_459 : vector<16x1xi32> to vector<16xi32>
        %gather3A_461 = tpu.dynamic_gather %add3A_452[%gather3A_460] in [0] : vector<16xf32>, vector<16xi32> -> vector<16xf32>
        %add3A_462 = arith.addf %add3A_452, %gather3A_461 : vector<16xf32>
        %add3A_463 = arith.constant 2 : i32
        %add3A_464 = vector.broadcast %add3A_463 : i32 to vector<16xi32>
        %add3A_465 = arith.addi %iota3A_442, %add3A_464 : vector<16xi32>
        %and3A_466 = arith.constant 15 : i32
        %and3A_467 = vector.broadcast %and3A_466 : i32 to vector<16xi32>
        %and3A_468 = arith.andi %add3A_465, %and3A_467 : vector<16xi32>
        %broadcast_in_dim3A_469 = vector.shape_cast %and3A_468 : vector<16xi32> to vector<16x1xi32>
        %gather3A_470 = vector.shape_cast %broadcast_in_dim3A_469 : vector<16x1xi32> to vector<16xi32>
        %gather3A_471 = tpu.dynamic_gather %add3A_462[%gather3A_470] in [0] : vector<16xf32>, vector<16xi32> -> vector<16xf32>
        %add3A_472 = arith.addf %add3A_462, %gather3A_471 : vector<16xf32>
        %add3A_473 = arith.constant 1 : i32
        %add3A_474 = vector.broadcast %add3A_473 : i32 to vector<16xi32>
        %add3A_475 = arith.addi %iota3A_442, %add3A_474 : vector<16xi32>
        %and3A_476 = arith.constant 15 : i32
        %and3A_477 = vector.broadcast %and3A_476 : i32 to vector<16xi32>
        %and3A_478 = arith.andi %add3A_475, %and3A_477 : vector<16xi32>
        %broadcast_in_dim3A_479 = vector.shape_cast %and3A_478 : vector<16xi32> to vector<16x1xi32>
        %gather3A_480 = vector.shape_cast %broadcast_in_dim3A_479 : vector<16x1xi32> to vector<16xi32>
        %gather3A_481 = tpu.dynamic_gather %add3A_472[%gather3A_480] in [0] : vector<16xf32>, vector<16xi32> -> vector<16xf32>
        %add3A_482 = arith.addf %add3A_472, %gather3A_481 : vector<16xf32>
        %exp3A_483 = math.exp %add3A_482 : vector<16xf32>
        %mul3A_484 = arith.mulf %get3A_402, %exp3A_483 : vector<16xf32>
        %swap3A_485 = arith.index_cast %add3A_398 : i32 to index
        %swap3A_486 = arith.constant 0 : index
        %swap3A_487 = tpu.vector_load %arg21[%swap3A_485, %swap3A_486] {strides = array<i32>} : memref<128x48xf32, #tpu.memory_space<vmem>>, vector<1x16xf32>,
        %swap3A_488 = vector.shape_cast %swap3A_487 : vector<1x16xf32> to vector<16xf32>
        %swap3A_489 = vector.shape_cast %mul3A_484 : vector<16xf32> to vector<1x16xf32>
        tpu.vector_store %arg21[%swap3A_485, %swap3A_486], %swap3A_489 {strides = array<i32>} : memref<128x48xf32, #tpu.memory_space<vmem>>, vector<1x16xf32>,
        %mul3A_490 = arith.mulf %get3A_406, %exp3A_483 : vector<16xf32>
        %swap3A_491 = arith.index_cast %add3A_398 : i32 to index
        %swap3A_492 = arith.constant 16 : index
        %swap3A_493 = tpu.vector_load %arg21[%swap3A_491, %swap3A_492] {strides = array<i32>} : memref<128x48xf32, #tpu.memory_space<vmem>>, vector<1x16xf32>,
        %swap3A_494 = vector.shape_cast %swap3A_493 : vector<1x16xf32> to vector<16xf32>
        %swap3A_495 = vector.shape_cast %mul3A_490 : vector<16xf32> to vector<1x16xf32>
        tpu.vector_store %arg21[%swap3A_491, %swap3A_492], %swap3A_495 {strides = array<i32>} : memref<128x48xf32, #tpu.memory_space<vmem>>, vector<1x16xf32>,
        %jit3A_496 = arith.constant 0.000000e+00 : f32
        %broadcast_in_dim3A_497 = vector.broadcast %jit3A_496 : f32 to vector<16xf32>
        %select_n3A_498 = arith.select %eq3A_17, %exp3A_483, %broadcast_in_dim3A_497 : vector<16xi1>, vector<16xf32>
        %swap3A_499 = arith.index_cast %add3A_398 : i32 to index
        %swap3A_500 = arith.constant 32 : index
        %swap3A_501 = tpu.vector_load %arg21[%swap3A_499, %swap3A_500] {strides = array<i32>} : memref<128x48xf32, #tpu.memory_space<vmem>>, vector<1x16xf32>,
        %swap3A_502 = vector.shape_cast %swap3A_501 : vector<1x16xf32> to vector<16xf32>
        %swap3A_503 = vector.shape_cast %select_n3A_498 : vector<16xf32> to vector<1x16xf32>
        tpu.vector_store %arg21[%swap3A_499, %swap3A_500], %swap3A_503 {strides = array<i32>} : memref<128x48xf32, #tpu.memory_space<vmem>>, vector<1x16xf32>,
        %mul3A_504 = arith.constant 16 : i32
        %mul3A_505 = arith.muli %scan3A_72, %mul3A_504 : i32
        %add3A_506 = arith.constant 4 : i32
        %add3A_507 = arith.addi %mul3A_505, %add3A_506 : i32
        %get3A_508 = arith.index_cast %add3A_507 : i32 to index
        %get3A_509 = arith.constant 0 : index
        %get3A_510 = tpu.vector_load %arg14[%get3A_508, %get3A_509] {strides = array<i32>} : memref<128x32xf32, #tpu.memory_space<vmem>>, vector<1x16xf32>,
        %get3A_511 = vector.shape_cast %get3A_510 : vector<1x16xf32> to vector<16xf32>
        %get3A_512 = arith.index_cast %add3A_507 : i32 to index
        %get3A_513 = arith.constant 16 : index
        %get3A_514 = tpu.vector_load %arg14[%get3A_512, %get3A_513] {strides = array<i32>} : memref<128x32xf32, #tpu.memory_space<vmem>>, vector<1x16xf32>,
        %get3A_515 = vector.shape_cast %get3A_514 : vector<1x16xf32> to vector<16xf32>
        %get3A_516 = arith.index_cast %add3A_507 : i32 to index
        %get3A_517 = arith.constant 0 : index
        %get3A_518 = tpu.vector_load %arg15[%get3A_516, %get3A_517] {strides = array<i32>} : memref<128x32xf32, #tpu.memory_space<vmem>>, vector<1x16xf32>,
        %get3A_519 = vector.shape_cast %get3A_518 : vector<1x16xf32> to vector<16xf32>
        %get3A_520 = arith.index_cast %add3A_507 : i32 to index
        %get3A_521 = arith.constant 16 : index
        %get3A_522 = tpu.vector_load %arg15[%get3A_520, %get3A_521] {strides = array<i32>} : memref<128x32xf32, #tpu.memory_space<vmem>>, vector<1x16xf32>,
        %get3A_523 = vector.shape_cast %get3A_522 : vector<1x16xf32> to vector<16xf32>
        %slice3A_524 = vector.extract_strided_slice %get3A_77 {offsets = [4], sizes = [1], strides = [1]} : vector<16xf32> to vector<1xf32>
        %squeeze3A_525 = vector.extract %slice3A_524[0] : f32 from vector<1xf32>
        %add3A_526 = arith.addf %get3A_511, %get3A_519 : vector<16xf32>
        %mul3A_527 = vector.broadcast %squeeze3A_525 : f32 to vector<16xf32>
        %mul3A_528 = arith.mulf %mul3A_527, %get3A_6 : vector<16xf32>
        %add3A_529 = arith.addf %add3A_526, %mul3A_528 : vector<16xf32>
        %add3A_530 = arith.addf %get3A_515, %get3A_523 : vector<16xf32>
        %mul3A_531 = vector.broadcast %squeeze3A_525 : f32 to vector<16xf32>
        %mul3A_532 = arith.mulf %mul3A_531, %get3A_9 : vector<16xf32>
        %add3A_533 = arith.addf %add3A_530, %mul3A_532 : vector<16xf32>
        %ge3A_534 = arith.constant 0.000000e+00 : f32
        %ge3A_535 = vector.broadcast %ge3A_534 : f32 to vector<16xf32>
        %ge3A_536 = arith.cmpf oge, %add3A_529, %ge3A_535 : vector<16xf32>
        %mul3A_537 = arith.constant 2.000000e-01 : f32
        %mul3A_538 = vector.broadcast %mul3A_537 : f32 to vector<16xf32>
        %mul3A_539 = arith.mulf %add3A_529, %mul3A_538 : vector<16xf32>
        %select_n3A_540 = arith.select %ge3A_536, %add3A_529, %mul3A_539 : vector<16xi1>, vector<16xf32>
        %ge3A_541 = arith.constant 0.000000e+00 : f32
        %ge3A_542 = vector.broadcast %ge3A_541 : f32 to vector<16xf32>
        %ge3A_543 = arith.cmpf oge, %add3A_533, %ge3A_542 : vector<16xf32>
        %mul3A_544 = arith.constant 2.000000e-01 : f32
        %mul3A_545 = vector.broadcast %mul3A_544 : f32 to vector<16xf32>
        %mul3A_546 = arith.mulf %add3A_533, %mul3A_545 : vector<16xf32>
        %select_n3A_547 = arith.select %ge3A_543, %add3A_533, %mul3A_546 : vector<16xi1>, vector<16xf32>
        %mul3A_548 = arith.mulf %select_n3A_540, %get3A_12 : vector<16xf32>
        %mul3A_549 = arith.mulf %select_n3A_547, %get3A_15 : vector<16xf32>
        %add3A_550 = arith.addf %mul3A_548, %mul3A_549 : vector<16xf32>
        %iota3A_551 = tpu.iota {dimensions = array<i32: 0>} : vector<16xi32>
        %add3A_552 = arith.constant 8 : i32
        %add3A_553 = vector.broadcast %add3A_552 : i32 to vector<16xi32>
        %add3A_554 = arith.addi %iota3A_551, %add3A_553 : vector<16xi32>
        %and3A_555 = arith.constant 15 : i32
        %and3A_556 = vector.broadcast %and3A_555 : i32 to vector<16xi32>
        %and3A_557 = arith.andi %add3A_554, %and3A_556 : vector<16xi32>
        %broadcast_in_dim3A_558 = vector.shape_cast %and3A_557 : vector<16xi32> to vector<16x1xi32>
        %gather3A_559 = vector.shape_cast %broadcast_in_dim3A_558 : vector<16x1xi32> to vector<16xi32>
        %gather3A_560 = tpu.dynamic_gather %add3A_550[%gather3A_559] in [0] : vector<16xf32>, vector<16xi32> -> vector<16xf32>
        %add3A_561 = arith.addf %add3A_550, %gather3A_560 : vector<16xf32>
        %add3A_562 = arith.constant 4 : i32
        %add3A_563 = vector.broadcast %add3A_562 : i32 to vector<16xi32>
        %add3A_564 = arith.addi %iota3A_551, %add3A_563 : vector<16xi32>
        %and3A_565 = arith.constant 15 : i32
        %and3A_566 = vector.broadcast %and3A_565 : i32 to vector<16xi32>
        %and3A_567 = arith.andi %add3A_564, %and3A_566 : vector<16xi32>
        %broadcast_in_dim3A_568 = vector.shape_cast %and3A_567 : vector<16xi32> to vector<16x1xi32>
        %gather3A_569 = vector.shape_cast %broadcast_in_dim3A_568 : vector<16x1xi32> to vector<16xi32>
        %gather3A_570 = tpu.dynamic_gather %add3A_561[%gather3A_569] in [0] : vector<16xf32>, vector<16xi32> -> vector<16xf32>
        %add3A_571 = arith.addf %add3A_561, %gather3A_570 : vector<16xf32>
        %add3A_572 = arith.constant 2 : i32
        %add3A_573 = vector.broadcast %add3A_572 : i32 to vector<16xi32>
        %add3A_574 = arith.addi %iota3A_551, %add3A_573 : vector<16xi32>
        %and3A_575 = arith.constant 15 : i32
        %and3A_576 = vector.broadcast %and3A_575 : i32 to vector<16xi32>
        %and3A_577 = arith.andi %add3A_574, %and3A_576 : vector<16xi32>
        %broadcast_in_dim3A_578 = vector.shape_cast %and3A_577 : vector<16xi32> to vector<16x1xi32>
        %gather3A_579 = vector.shape_cast %broadcast_in_dim3A_578 : vector<16x1xi32> to vector<16xi32>
        %gather3A_580 = tpu.dynamic_gather %add3A_571[%gather3A_579] in [0] : vector<16xf32>, vector<16xi32> -> vector<16xf32>
        %add3A_581 = arith.addf %add3A_571, %gather3A_580 : vector<16xf32>
        %add3A_582 = arith.constant 1 : i32
        %add3A_583 = vector.broadcast %add3A_582 : i32 to vector<16xi32>
        %add3A_584 = arith.addi %iota3A_551, %add3A_583 : vector<16xi32>
        %and3A_585 = arith.constant 15 : i32
        %and3A_586 = vector.broadcast %and3A_585 : i32 to vector<16xi32>
        %and3A_587 = arith.andi %add3A_584, %and3A_586 : vector<16xi32>
        %broadcast_in_dim3A_588 = vector.shape_cast %and3A_587 : vector<16xi32> to vector<16x1xi32>
        %gather3A_589 = vector.shape_cast %broadcast_in_dim3A_588 : vector<16x1xi32> to vector<16xi32>
        %gather3A_590 = tpu.dynamic_gather %add3A_581[%gather3A_589] in [0] : vector<16xf32>, vector<16xi32> -> vector<16xf32>
        %add3A_591 = arith.addf %add3A_581, %gather3A_590 : vector<16xf32>
        %exp3A_592 = math.exp %add3A_591 : vector<16xf32>
        %mul3A_593 = arith.mulf %get3A_511, %exp3A_592 : vector<16xf32>
        %swap3A_594 = arith.index_cast %add3A_507 : i32 to index
        %swap3A_595 = arith.constant 0 : index
        %swap3A_596 = tpu.vector_load %arg21[%swap3A_594, %swap3A_595] {strides = array<i32>} : memref<128x48xf32, #tpu.memory_space<vmem>>, vector<1x16xf32>,
        %swap3A_597 = vector.shape_cast %swap3A_596 : vector<1x16xf32> to vector<16xf32>
        %swap3A_598 = vector.shape_cast %mul3A_593 : vector<16xf32> to vector<1x16xf32>
        tpu.vector_store %arg21[%swap3A_594, %swap3A_595], %swap3A_598 {strides = array<i32>} : memref<128x48xf32, #tpu.memory_space<vmem>>, vector<1x16xf32>,
        %mul3A_599 = arith.mulf %get3A_515, %exp3A_592 : vector<16xf32>
        %swap3A_600 = arith.index_cast %add3A_507 : i32 to index
        %swap3A_601 = arith.constant 16 : index
        %swap3A_602 = tpu.vector_load %arg21[%swap3A_600, %swap3A_601] {strides = array<i32>} : memref<128x48xf32, #tpu.memory_space<vmem>>, vector<1x16xf32>,
        %swap3A_603 = vector.shape_cast %swap3A_602 : vector<1x16xf32> to vector<16xf32>
        %swap3A_604 = vector.shape_cast %mul3A_599 : vector<16xf32> to vector<1x16xf32>
        tpu.vector_store %arg21[%swap3A_600, %swap3A_601], %swap3A_604 {strides = array<i32>} : memref<128x48xf32, #tpu.memory_space<vmem>>, vector<1x16xf32>,
        %jit3A_605 = arith.constant 0.000000e+00 : f32
        %broadcast_in_dim3A_606 = vector.broadcast %jit3A_605 : f32 to vector<16xf32>
        %select_n3A_607 = arith.select %eq3A_17, %exp3A_592, %broadcast_in_dim3A_606 : vector<16xi1>, vector<16xf32>
        %swap3A_608 = arith.index_cast %add3A_507 : i32 to index
        %swap3A_609 = arith.constant 32 : index
        %swap3A_610 = tpu.vector_load %arg21[%swap3A_608, %swap3A_609] {strides = array<i32>} : memref<128x48xf32, #tpu.memory_space<vmem>>, vector<1x16xf32>,
        %swap3A_611 = vector.shape_cast %swap3A_610 : vector<1x16xf32> to vector<16xf32>
        %swap3A_612 = vector.shape_cast %select_n3A_607 : vector<16xf32> to vector<1x16xf32>
        tpu.vector_store %arg21[%swap3A_608, %swap3A_609], %swap3A_612 {strides = array<i32>} : memref<128x48xf32, #tpu.memory_space<vmem>>, vector<1x16xf32>,
        %mul3A_613 = arith.constant 16 : i32
        %mul3A_614 = arith.muli %scan3A_72, %mul3A_613 : i32
        %add3A_615 = arith.constant 5 : i32
        %add3A_616 = arith.addi %mul3A_614, %add3A_615 : i32
        %get3A_617 = arith.index_cast %add3A_616 : i32 to index
        %get3A_618 = arith.constant 0 : index
        %get3A_619 = tpu.vector_load %arg14[%get3A_617, %get3A_618] {strides = array<i32>} : memref<128x32xf32, #tpu.memory_space<vmem>>, vector<1x16xf32>,
        %get3A_620 = vector.shape_cast %get3A_619 : vector<1x16xf32> to vector<16xf32>
        %get3A_621 = arith.index_cast %add3A_616 : i32 to index
        %get3A_622 = arith.constant 16 : index
        %get3A_623 = tpu.vector_load %arg14[%get3A_621, %get3A_622] {strides = array<i32>} : memref<128x32xf32, #tpu.memory_space<vmem>>, vector<1x16xf32>,
        %get3A_624 = vector.shape_cast %get3A_623 : vector<1x16xf32> to vector<16xf32>
        %get3A_625 = arith.index_cast %add3A_616 : i32 to index
        %get3A_626 = arith.constant 0 : index
        %get3A_627 = tpu.vector_load %arg15[%get3A_625, %get3A_626] {strides = array<i32>} : memref<128x32xf32, #tpu.memory_space<vmem>>, vector<1x16xf32>,
        %get3A_628 = vector.shape_cast %get3A_627 : vector<1x16xf32> to vector<16xf32>
        %get3A_629 = arith.index_cast %add3A_616 : i32 to index
        %get3A_630 = arith.constant 16 : index
        %get3A_631 = tpu.vector_load %arg15[%get3A_629, %get3A_630] {strides = array<i32>} : memref<128x32xf32, #tpu.memory_space<vmem>>, vector<1x16xf32>,
        %get3A_632 = vector.shape_cast %get3A_631 : vector<1x16xf32> to vector<16xf32>
        %slice3A_633 = vector.extract_strided_slice %get3A_77 {offsets = [5], sizes = [1], strides = [1]} : vector<16xf32> to vector<1xf32>
        %squeeze3A_634 = vector.extract %slice3A_633[0] : f32 from vector<1xf32>
        %add3A_635 = arith.addf %get3A_620, %get3A_628 : vector<16xf32>
        %mul3A_636 = vector.broadcast %squeeze3A_634 : f32 to vector<16xf32>
        %mul3A_637 = arith.mulf %mul3A_636, %get3A_6 : vector<16xf32>
        %add3A_638 = arith.addf %add3A_635, %mul3A_637 : vector<16xf32>
        %add3A_639 = arith.addf %get3A_624, %get3A_632 : vector<16xf32>
        %mul3A_640 = vector.broadcast %squeeze3A_634 : f32 to vector<16xf32>
        %mul3A_641 = arith.mulf %mul3A_640, %get3A_9 : vector<16xf32>
        %add3A_642 = arith.addf %add3A_639, %mul3A_641 : vector<16xf32>
        %ge3A_643 = arith.constant 0.000000e+00 : f32
        %ge3A_644 = vector.broadcast %ge3A_643 : f32 to vector<16xf32>
        %ge3A_645 = arith.cmpf oge, %add3A_638, %ge3A_644 : vector<16xf32>
        %mul3A_646 = arith.constant 2.000000e-01 : f32
        %mul3A_647 = vector.broadcast %mul3A_646 : f32 to vector<16xf32>
        %mul3A_648 = arith.mulf %add3A_638, %mul3A_647 : vector<16xf32>
        %select_n3A_649 = arith.select %ge3A_645, %add3A_638, %mul3A_648 : vector<16xi1>, vector<16xf32>
        %ge3A_650 = arith.constant 0.000000e+00 : f32
        %ge3A_651 = vector.broadcast %ge3A_650 : f32 to vector<16xf32>
        %ge3A_652 = arith.cmpf oge, %add3A_642, %ge3A_651 : vector<16xf32>
        %mul3A_653 = arith.constant 2.000000e-01 : f32
        %mul3A_654 = vector.broadcast %mul3A_653 : f32 to vector<16xf32>
        %mul3A_655 = arith.mulf %add3A_642, %mul3A_654 : vector<16xf32>
        %select_n3A_656 = arith.select %ge3A_652, %add3A_642, %mul3A_655 : vector<16xi1>, vector<16xf32>
        %mul3A_657 = arith.mulf %select_n3A_649, %get3A_12 : vector<16xf32>
        %mul3A_658 = arith.mulf %select_n3A_656, %get3A_15 : vector<16xf32>
        %add3A_659 = arith.addf %mul3A_657, %mul3A_658 : vector<16xf32>
        %iota3A_660 = tpu.iota {dimensions = array<i32: 0>} : vector<16xi32>
        %add3A_661 = arith.constant 8 : i32
        %add3A_662 = vector.broadcast %add3A_661 : i32 to vector<16xi32>
        %add3A_663 = arith.addi %iota3A_660, %add3A_662 : vector<16xi32>
        %and3A_664 = arith.constant 15 : i32
        %and3A_665 = vector.broadcast %and3A_664 : i32 to vector<16xi32>
        %and3A_666 = arith.andi %add3A_663, %and3A_665 : vector<16xi32>
        %broadcast_in_dim3A_667 = vector.shape_cast %and3A_666 : vector<16xi32> to vector<16x1xi32>
        %gather3A_668 = vector.shape_cast %broadcast_in_dim3A_667 : vector<16x1xi32> to vector<16xi32>
        %gather3A_669 = tpu.dynamic_gather %add3A_659[%gather3A_668] in [0] : vector<16xf32>, vector<16xi32> -> vector<16xf32>
        %add3A_670 = arith.addf %add3A_659, %gather3A_669 : vector<16xf32>
        %add3A_671 = arith.constant 4 : i32
        %add3A_672 = vector.broadcast %add3A_671 : i32 to vector<16xi32>
        %add3A_673 = arith.addi %iota3A_660, %add3A_672 : vector<16xi32>
        %and3A_674 = arith.constant 15 : i32
        %and3A_675 = vector.broadcast %and3A_674 : i32 to vector<16xi32>
        %and3A_676 = arith.andi %add3A_673, %and3A_675 : vector<16xi32>
        %broadcast_in_dim3A_677 = vector.shape_cast %and3A_676 : vector<16xi32> to vector<16x1xi32>
        %gather3A_678 = vector.shape_cast %broadcast_in_dim3A_677 : vector<16x1xi32> to vector<16xi32>
        %gather3A_679 = tpu.dynamic_gather %add3A_670[%gather3A_678] in [0] : vector<16xf32>, vector<16xi32> -> vector<16xf32>
        %add3A_680 = arith.addf %add3A_670, %gather3A_679 : vector<16xf32>
        %add3A_681 = arith.constant 2 : i32
        %add3A_682 = vector.broadcast %add3A_681 : i32 to vector<16xi32>
        %add3A_683 = arith.addi %iota3A_660, %add3A_682 : vector<16xi32>
        %and3A_684 = arith.constant 15 : i32
        %and3A_685 = vector.broadcast %and3A_684 : i32 to vector<16xi32>
        %and3A_686 = arith.andi %add3A_683, %and3A_685 : vector<16xi32>
        %broadcast_in_dim3A_687 = vector.shape_cast %and3A_686 : vector<16xi32> to vector<16x1xi32>
        %gather3A_688 = vector.shape_cast %broadcast_in_dim3A_687 : vector<16x1xi32> to vector<16xi32>
        %gather3A_689 = tpu.dynamic_gather %add3A_680[%gather3A_688] in [0] : vector<16xf32>, vector<16xi32> -> vector<16xf32>
        %add3A_690 = arith.addf %add3A_680, %gather3A_689 : vector<16xf32>
        %add3A_691 = arith.constant 1 : i32
        %add3A_692 = vector.broadcast %add3A_691 : i32 to vector<16xi32>
        %add3A_693 = arith.addi %iota3A_660, %add3A_692 : vector<16xi32>
        %and3A_694 = arith.constant 15 : i32
        %and3A_695 = vector.broadcast %and3A_694 : i32 to vector<16xi32>
        %and3A_696 = arith.andi %add3A_693, %and3A_695 : vector<16xi32>
        %broadcast_in_dim3A_697 = vector.shape_cast %and3A_696 : vector<16xi32> to vector<16x1xi32>
        %gather3A_698 = vector.shape_cast %broadcast_in_dim3A_697 : vector<16x1xi32> to vector<16xi32>
        %gather3A_699 = tpu.dynamic_gather %add3A_690[%gather3A_698] in [0] : vector<16xf32>, vector<16xi32> -> vector<16xf32>
        %add3A_700 = arith.addf %add3A_690, %gather3A_699 : vector<16xf32>
        %exp3A_701 = math.exp %add3A_700 : vector<16xf32>
        %mul3A_702 = arith.mulf %get3A_620, %exp3A_701 : vector<16xf32>
        %swap3A_703 = arith.index_cast %add3A_616 : i32 to index
        %swap3A_704 = arith.constant 0 : index
        %swap3A_705 = tpu.vector_load %arg21[%swap3A_703, %swap3A_704] {strides = array<i32>} : memref<128x48xf32, #tpu.memory_space<vmem>>, vector<1x16xf32>,
        %swap3A_706 = vector.shape_cast %swap3A_705 : vector<1x16xf32> to vector<16xf32>
        %swap3A_707 = vector.shape_cast %mul3A_702 : vector<16xf32> to vector<1x16xf32>
        tpu.vector_store %arg21[%swap3A_703, %swap3A_704], %swap3A_707 {strides = array<i32>} : memref<128x48xf32, #tpu.memory_space<vmem>>, vector<1x16xf32>,
        %mul3A_708 = arith.mulf %get3A_624, %exp3A_701 : vector<16xf32>
        %swap3A_709 = arith.index_cast %add3A_616 : i32 to index
        %swap3A_710 = arith.constant 16 : index
        %swap3A_711 = tpu.vector_load %arg21[%swap3A_709, %swap3A_710] {strides = array<i32>} : memref<128x48xf32, #tpu.memory_space<vmem>>, vector<1x16xf32>,
        %swap3A_712 = vector.shape_cast %swap3A_711 : vector<1x16xf32> to vector<16xf32>
        %swap3A_713 = vector.shape_cast %mul3A_708 : vector<16xf32> to vector<1x16xf32>
        tpu.vector_store %arg21[%swap3A_709, %swap3A_710], %swap3A_713 {strides = array<i32>} : memref<128x48xf32, #tpu.memory_space<vmem>>, vector<1x16xf32>,
        %jit3A_714 = arith.constant 0.000000e+00 : f32
        %broadcast_in_dim3A_715 = vector.broadcast %jit3A_714 : f32 to vector<16xf32>
        %select_n3A_716 = arith.select %eq3A_17, %exp3A_701, %broadcast_in_dim3A_715 : vector<16xi1>, vector<16xf32>
        %swap3A_717 = arith.index_cast %add3A_616 : i32 to index
        %swap3A_718 = arith.constant 32 : index
        %swap3A_719 = tpu.vector_load %arg21[%swap3A_717, %swap3A_718] {strides = array<i32>} : memref<128x48xf32, #tpu.memory_space<vmem>>, vector<1x16xf32>,
        %swap3A_720 = vector.shape_cast %swap3A_719 : vector<1x16xf32> to vector<16xf32>
        %swap3A_721 = vector.shape_cast %select_n3A_716 : vector<16xf32> to vector<1x16xf32>
        tpu.vector_store %arg21[%swap3A_717, %swap3A_718], %swap3A_721 {strides = array<i32>} : memref<128x48xf32, #tpu.memory_space<vmem>>, vector<1x16xf32>,
        %mul3A_722 = arith.constant 16 : i32
        %mul3A_723 = arith.muli %scan3A_72, %mul3A_722 : i32
        %add3A_724 = arith.constant 6 : i32
        %add3A_725 = arith.addi %mul3A_723, %add3A_724 : i32
        %get3A_726 = arith.index_cast %add3A_725 : i32 to index
        %get3A_727 = arith.constant 0 : index
        %get3A_728 = tpu.vector_load %arg14[%get3A_726, %get3A_727] {strides = array<i32>} : memref<128x32xf32, #tpu.memory_space<vmem>>, vector<1x16xf32>,
        %get3A_729 = vector.shape_cast %get3A_728 : vector<1x16xf32> to vector<16xf32>
        %get3A_730 = arith.index_cast %add3A_725 : i32 to index
        %get3A_731 = arith.constant 16 : index
        %get3A_732 = tpu.vector_load %arg14[%get3A_730, %get3A_731] {strides = array<i32>} : memref<128x32xf32, #tpu.memory_space<vmem>>, vector<1x16xf32>,
        %get3A_733 = vector.shape_cast %get3A_732 : vector<1x16xf32> to vector<16xf32>
        %get3A_734 = arith.index_cast %add3A_725 : i32 to index
        %get3A_735 = arith.constant 0 : index
        %get3A_736 = tpu.vector_load %arg15[%get3A_734, %get3A_735] {strides = array<i32>} : memref<128x32xf32, #tpu.memory_space<vmem>>, vector<1x16xf32>,
        %get3A_737 = vector.shape_cast %get3A_736 : vector<1x16xf32> to vector<16xf32>
        %get3A_738 = arith.index_cast %add3A_725 : i32 to index
        %get3A_739 = arith.constant 16 : index
        %get3A_740 = tpu.vector_load %arg15[%get3A_738, %get3A_739] {strides = array<i32>} : memref<128x32xf32, #tpu.memory_space<vmem>>, vector<1x16xf32>,
        %get3A_741 = vector.shape_cast %get3A_740 : vector<1x16xf32> to vector<16xf32>
        %slice3A_742 = vector.extract_strided_slice %get3A_77 {offsets = [6], sizes = [1], strides = [1]} : vector<16xf32> to vector<1xf32>
        %squeeze3A_743 = vector.extract %slice3A_742[0] : f32 from vector<1xf32>
        %add3A_744 = arith.addf %get3A_729, %get3A_737 : vector<16xf32>
        %mul3A_745 = vector.broadcast %squeeze3A_743 : f32 to vector<16xf32>
        %mul3A_746 = arith.mulf %mul3A_745, %get3A_6 : vector<16xf32>
        %add3A_747 = arith.addf %add3A_744, %mul3A_746 : vector<16xf32>
        %add3A_748 = arith.addf %get3A_733, %get3A_741 : vector<16xf32>
        %mul3A_749 = vector.broadcast %squeeze3A_743 : f32 to vector<16xf32>
        %mul3A_750 = arith.mulf %mul3A_749, %get3A_9 : vector<16xf32>
        %add3A_751 = arith.addf %add3A_748, %mul3A_750 : vector<16xf32>
        %ge3A_752 = arith.constant 0.000000e+00 : f32
        %ge3A_753 = vector.broadcast %ge3A_752 : f32 to vector<16xf32>
        %ge3A_754 = arith.cmpf oge, %add3A_747, %ge3A_753 : vector<16xf32>
        %mul3A_755 = arith.constant 2.000000e-01 : f32
        %mul3A_756 = vector.broadcast %mul3A_755 : f32 to vector<16xf32>
        %mul3A_757 = arith.mulf %add3A_747, %mul3A_756 : vector<16xf32>
        %select_n3A_758 = arith.select %ge3A_754, %add3A_747, %mul3A_757 : vector<16xi1>, vector<16xf32>
        %ge3A_759 = arith.constant 0.000000e+00 : f32
        %ge3A_760 = vector.broadcast %ge3A_759 : f32 to vector<16xf32>
        %ge3A_761 = arith.cmpf oge, %add3A_751, %ge3A_760 : vector<16xf32>
        %mul3A_762 = arith.constant 2.000000e-01 : f32
        %mul3A_763 = vector.broadcast %mul3A_762 : f32 to vector<16xf32>
        %mul3A_764 = arith.mulf %add3A_751, %mul3A_763 : vector<16xf32>
        %select_n3A_765 = arith.select %ge3A_761, %add3A_751, %mul3A_764 : vector<16xi1>, vector<16xf32>
        %mul3A_766 = arith.mulf %select_n3A_758, %get3A_12 : vector<16xf32>
        %mul3A_767 = arith.mulf %select_n3A_765, %get3A_15 : vector<16xf32>
        %add3A_768 = arith.addf %mul3A_766, %mul3A_767 : vector<16xf32>
        %iota3A_769 = tpu.iota {dimensions = array<i32: 0>} : vector<16xi32>
        %add3A_770 = arith.constant 8 : i32
        %add3A_771 = vector.broadcast %add3A_770 : i32 to vector<16xi32>
        %add3A_772 = arith.addi %iota3A_769, %add3A_771 : vector<16xi32>
        %and3A_773 = arith.constant 15 : i32
        %and3A_774 = vector.broadcast %and3A_773 : i32 to vector<16xi32>
        %and3A_775 = arith.andi %add3A_772, %and3A_774 : vector<16xi32>
        %broadcast_in_dim3A_776 = vector.shape_cast %and3A_775 : vector<16xi32> to vector<16x1xi32>
        %gather3A_777 = vector.shape_cast %broadcast_in_dim3A_776 : vector<16x1xi32> to vector<16xi32>
        %gather3A_778 = tpu.dynamic_gather %add3A_768[%gather3A_777] in [0] : vector<16xf32>, vector<16xi32> -> vector<16xf32>
        %add3A_779 = arith.addf %add3A_768, %gather3A_778 : vector<16xf32>
        %add3A_780 = arith.constant 4 : i32
        %add3A_781 = vector.broadcast %add3A_780 : i32 to vector<16xi32>
        %add3A_782 = arith.addi %iota3A_769, %add3A_781 : vector<16xi32>
        %and3A_783 = arith.constant 15 : i32
        %and3A_784 = vector.broadcast %and3A_783 : i32 to vector<16xi32>
        %and3A_785 = arith.andi %add3A_782, %and3A_784 : vector<16xi32>
        %broadcast_in_dim3A_786 = vector.shape_cast %and3A_785 : vector<16xi32> to vector<16x1xi32>
        %gather3A_787 = vector.shape_cast %broadcast_in_dim3A_786 : vector<16x1xi32> to vector<16xi32>
        %gather3A_788 = tpu.dynamic_gather %add3A_779[%gather3A_787] in [0] : vector<16xf32>, vector<16xi32> -> vector<16xf32>
        %add3A_789 = arith.addf %add3A_779, %gather3A_788 : vector<16xf32>
        %add3A_790 = arith.constant 2 : i32
        %add3A_791 = vector.broadcast %add3A_790 : i32 to vector<16xi32>
        %add3A_792 = arith.addi %iota3A_769, %add3A_791 : vector<16xi32>
        %and3A_793 = arith.constant 15 : i32
        %and3A_794 = vector.broadcast %and3A_793 : i32 to vector<16xi32>
        %and3A_795 = arith.andi %add3A_792, %and3A_794 : vector<16xi32>
        %broadcast_in_dim3A_796 = vector.shape_cast %and3A_795 : vector<16xi32> to vector<16x1xi32>
        %gather3A_797 = vector.shape_cast %broadcast_in_dim3A_796 : vector<16x1xi32> to vector<16xi32>
        %gather3A_798 = tpu.dynamic_gather %add3A_789[%gather3A_797] in [0] : vector<16xf32>, vector<16xi32> -> vector<16xf32>
        %add3A_799 = arith.addf %add3A_789, %gather3A_798 : vector<16xf32>
        %add3A_800 = arith.constant 1 : i32
        %add3A_801 = vector.broadcast %add3A_800 : i32 to vector<16xi32>
        %add3A_802 = arith.addi %iota3A_769, %add3A_801 : vector<16xi32>
        %and3A_803 = arith.constant 15 : i32
        %and3A_804 = vector.broadcast %and3A_803 : i32 to vector<16xi32>
        %and3A_805 = arith.andi %add3A_802, %and3A_804 : vector<16xi32>
        %broadcast_in_dim3A_806 = vector.shape_cast %and3A_805 : vector<16xi32> to vector<16x1xi32>
        %gather3A_807 = vector.shape_cast %broadcast_in_dim3A_806 : vector<16x1xi32> to vector<16xi32>
        %gather3A_808 = tpu.dynamic_gather %add3A_799[%gather3A_807] in [0] : vector<16xf32>, vector<16xi32> -> vector<16xf32>
        %add3A_809 = arith.addf %add3A_799, %gather3A_808 : vector<16xf32>
        %exp3A_810 = math.exp %add3A_809 : vector<16xf32>
        %mul3A_811 = arith.mulf %get3A_729, %exp3A_810 : vector<16xf32>
        %swap3A_812 = arith.index_cast %add3A_725 : i32 to index
        %swap3A_813 = arith.constant 0 : index
        %swap3A_814 = tpu.vector_load %arg21[%swap3A_812, %swap3A_813] {strides = array<i32>} : memref<128x48xf32, #tpu.memory_space<vmem>>, vector<1x16xf32>,
        %swap3A_815 = vector.shape_cast %swap3A_814 : vector<1x16xf32> to vector<16xf32>
        %swap3A_816 = vector.shape_cast %mul3A_811 : vector<16xf32> to vector<1x16xf32>
        tpu.vector_store %arg21[%swap3A_812, %swap3A_813], %swap3A_816 {strides = array<i32>} : memref<128x48xf32, #tpu.memory_space<vmem>>, vector<1x16xf32>,
        %mul3A_817 = arith.mulf %get3A_733, %exp3A_810 : vector<16xf32>
        %swap3A_818 = arith.index_cast %add3A_725 : i32 to index
        %swap3A_819 = arith.constant 16 : index
        %swap3A_820 = tpu.vector_load %arg21[%swap3A_818, %swap3A_819] {strides = array<i32>} : memref<128x48xf32, #tpu.memory_space<vmem>>, vector<1x16xf32>,
        %swap3A_821 = vector.shape_cast %swap3A_820 : vector<1x16xf32> to vector<16xf32>
        %swap3A_822 = vector.shape_cast %mul3A_817 : vector<16xf32> to vector<1x16xf32>
        tpu.vector_store %arg21[%swap3A_818, %swap3A_819], %swap3A_822 {strides = array<i32>} : memref<128x48xf32, #tpu.memory_space<vmem>>, vector<1x16xf32>,
        %jit3A_823 = arith.constant 0.000000e+00 : f32
        %broadcast_in_dim3A_824 = vector.broadcast %jit3A_823 : f32 to vector<16xf32>
        %select_n3A_825 = arith.select %eq3A_17, %exp3A_810, %broadcast_in_dim3A_824 : vector<16xi1>, vector<16xf32>
        %swap3A_826 = arith.index_cast %add3A_725 : i32 to index
        %swap3A_827 = arith.constant 32 : index
        %swap3A_828 = tpu.vector_load %arg21[%swap3A_826, %swap3A_827] {strides = array<i32>} : memref<128x48xf32, #tpu.memory_space<vmem>>, vector<1x16xf32>,
        %swap3A_829 = vector.shape_cast %swap3A_828 : vector<1x16xf32> to vector<16xf32>
        %swap3A_830 = vector.shape_cast %select_n3A_825 : vector<16xf32> to vector<1x16xf32>
        tpu.vector_store %arg21[%swap3A_826, %swap3A_827], %swap3A_830 {strides = array<i32>} : memref<128x48xf32, #tpu.memory_space<vmem>>, vector<1x16xf32>,
        %mul3A_831 = arith.constant 16 : i32
        %mul3A_832 = arith.muli %scan3A_72, %mul3A_831 : i32
        %add3A_833 = arith.constant 7 : i32
        %add3A_834 = arith.addi %mul3A_832, %add3A_833 : i32
        %get3A_835 = arith.index_cast %add3A_834 : i32 to index
        %get3A_836 = arith.constant 0 : index
        %get3A_837 = tpu.vector_load %arg14[%get3A_835, %get3A_836] {strides = array<i32>} : memref<128x32xf32, #tpu.memory_space<vmem>>, vector<1x16xf32>,
        %get3A_838 = vector.shape_cast %get3A_837 : vector<1x16xf32> to vector<16xf32>
        %get3A_839 = arith.index_cast %add3A_834 : i32 to index
        %get3A_840 = arith.constant 16 : index
        %get3A_841 = tpu.vector_load %arg14[%get3A_839, %get3A_840] {strides = array<i32>} : memref<128x32xf32, #tpu.memory_space<vmem>>, vector<1x16xf32>,
        %get3A_842 = vector.shape_cast %get3A_841 : vector<1x16xf32> to vector<16xf32>
        %get3A_843 = arith.index_cast %add3A_834 : i32 to index
        %get3A_844 = arith.constant 0 : index
        %get3A_845 = tpu.vector_load %arg15[%get3A_843, %get3A_844] {strides = array<i32>} : memref<128x32xf32, #tpu.memory_space<vmem>>, vector<1x16xf32>,
        %get3A_846 = vector.shape_cast %get3A_845 : vector<1x16xf32> to vector<16xf32>
        %get3A_847 = arith.index_cast %add3A_834 : i32 to index
        %get3A_848 = arith.constant 16 : index
        %get3A_849 = tpu.vector_load %arg15[%get3A_847, %get3A_848] {strides = array<i32>} : memref<128x32xf32, #tpu.memory_space<vmem>>, vector<1x16xf32>,
        %get3A_850 = vector.shape_cast %get3A_849 : vector<1x16xf32> to vector<16xf32>
        %slice3A_851 = vector.extract_strided_slice %get3A_77 {offsets = [7], sizes = [1], strides = [1]} : vector<16xf32> to vector<1xf32>
        %squeeze3A_852 = vector.extract %slice3A_851[0] : f32 from vector<1xf32>
        %add3A_853 = arith.addf %get3A_838, %get3A_846 : vector<16xf32>
        %mul3A_854 = vector.broadcast %squeeze3A_852 : f32 to vector<16xf32>
        %mul3A_855 = arith.mulf %mul3A_854, %get3A_6 : vector<16xf32>
        %add3A_856 = arith.addf %add3A_853, %mul3A_855 : vector<16xf32>
        %add3A_857 = arith.addf %get3A_842, %get3A_850 : vector<16xf32>
        %mul3A_858 = vector.broadcast %squeeze3A_852 : f32 to vector<16xf32>
        %mul3A_859 = arith.mulf %mul3A_858, %get3A_9 : vector<16xf32>
        %add3A_860 = arith.addf %add3A_857, %mul3A_859 : vector<16xf32>
        %ge3A_861 = arith.constant 0.000000e+00 : f32
        %ge3A_862 = vector.broadcast %ge3A_861 : f32 to vector<16xf32>
        %ge3A_863 = arith.cmpf oge, %add3A_856, %ge3A_862 : vector<16xf32>
        %mul3A_864 = arith.constant 2.000000e-01 : f32
        %mul3A_865 = vector.broadcast %mul3A_864 : f32 to vector<16xf32>
        %mul3A_866 = arith.mulf %add3A_856, %mul3A_865 : vector<16xf32>
        %select_n3A_867 = arith.select %ge3A_863, %add3A_856, %mul3A_866 : vector<16xi1>, vector<16xf32>
        %ge3A_868 = arith.constant 0.000000e+00 : f32
        %ge3A_869 = vector.broadcast %ge3A_868 : f32 to vector<16xf32>
        %ge3A_870 = arith.cmpf oge, %add3A_860, %ge3A_869 : vector<16xf32>
        %mul3A_871 = arith.constant 2.000000e-01 : f32
        %mul3A_872 = vector.broadcast %mul3A_871 : f32 to vector<16xf32>
        %mul3A_873 = arith.mulf %add3A_860, %mul3A_872 : vector<16xf32>
        %select_n3A_874 = arith.select %ge3A_870, %add3A_860, %mul3A_873 : vector<16xi1>, vector<16xf32>
        %mul3A_875 = arith.mulf %select_n3A_867, %get3A_12 : vector<16xf32>
        %mul3A_876 = arith.mulf %select_n3A_874, %get3A_15 : vector<16xf32>
        %add3A_877 = arith.addf %mul3A_875, %mul3A_876 : vector<16xf32>
        %iota3A_878 = tpu.iota {dimensions = array<i32: 0>} : vector<16xi32>
        %add3A_879 = arith.constant 8 : i32
        %add3A_880 = vector.broadcast %add3A_879 : i32 to vector<16xi32>
        %add3A_881 = arith.addi %iota3A_878, %add3A_880 : vector<16xi32>
        %and3A_882 = arith.constant 15 : i32
        %and3A_883 = vector.broadcast %and3A_882 : i32 to vector<16xi32>
        %and3A_884 = arith.andi %add3A_881, %and3A_883 : vector<16xi32>
        %broadcast_in_dim3A_885 = vector.shape_cast %and3A_884 : vector<16xi32> to vector<16x1xi32>
        %gather3A_886 = vector.shape_cast %broadcast_in_dim3A_885 : vector<16x1xi32> to vector<16xi32>
        %gather3A_887 = tpu.dynamic_gather %add3A_877[%gather3A_886] in [0] : vector<16xf32>, vector<16xi32> -> vector<16xf32>
        %add3A_888 = arith.addf %add3A_877, %gather3A_887 : vector<16xf32>
        %add3A_889 = arith.constant 4 : i32
        %add3A_890 = vector.broadcast %add3A_889 : i32 to vector<16xi32>
        %add3A_891 = arith.addi %iota3A_878, %add3A_890 : vector<16xi32>
        %and3A_892 = arith.constant 15 : i32
        %and3A_893 = vector.broadcast %and3A_892 : i32 to vector<16xi32>
        %and3A_894 = arith.andi %add3A_891, %and3A_893 : vector<16xi32>
        %broadcast_in_dim3A_895 = vector.shape_cast %and3A_894 : vector<16xi32> to vector<16x1xi32>
        %gather3A_896 = vector.shape_cast %broadcast_in_dim3A_895 : vector<16x1xi32> to vector<16xi32>
        %gather3A_897 = tpu.dynamic_gather %add3A_888[%gather3A_896] in [0] : vector<16xf32>, vector<16xi32> -> vector<16xf32>
        %add3A_898 = arith.addf %add3A_888, %gather3A_897 : vector<16xf32>
        %add3A_899 = arith.constant 2 : i32
        %add3A_900 = vector.broadcast %add3A_899 : i32 to vector<16xi32>
        %add3A_901 = arith.addi %iota3A_878, %add3A_900 : vector<16xi32>
        %and3A_902 = arith.constant 15 : i32
        %and3A_903 = vector.broadcast %and3A_902 : i32 to vector<16xi32>
        %and3A_904 = arith.andi %add3A_901, %and3A_903 : vector<16xi32>
        %broadcast_in_dim3A_905 = vector.shape_cast %and3A_904 : vector<16xi32> to vector<16x1xi32>
        %gather3A_906 = vector.shape_cast %broadcast_in_dim3A_905 : vector<16x1xi32> to vector<16xi32>
        %gather3A_907 = tpu.dynamic_gather %add3A_898[%gather3A_906] in [0] : vector<16xf32>, vector<16xi32> -> vector<16xf32>
        %add3A_908 = arith.addf %add3A_898, %gather3A_907 : vector<16xf32>
        %add3A_909 = arith.constant 1 : i32
        %add3A_910 = vector.broadcast %add3A_909 : i32 to vector<16xi32>
        %add3A_911 = arith.addi %iota3A_878, %add3A_910 : vector<16xi32>
        %and3A_912 = arith.constant 15 : i32
        %and3A_913 = vector.broadcast %and3A_912 : i32 to vector<16xi32>
        %and3A_914 = arith.andi %add3A_911, %and3A_913 : vector<16xi32>
        %broadcast_in_dim3A_915 = vector.shape_cast %and3A_914 : vector<16xi32> to vector<16x1xi32>
        %gather3A_916 = vector.shape_cast %broadcast_in_dim3A_915 : vector<16x1xi32> to vector<16xi32>
        %gather3A_917 = tpu.dynamic_gather %add3A_908[%gather3A_916] in [0] : vector<16xf32>, vector<16xi32> -> vector<16xf32>
        %add3A_918 = arith.addf %add3A_908, %gather3A_917 : vector<16xf32>
        %exp3A_919 = math.exp %add3A_918 : vector<16xf32>
        %mul3A_920 = arith.mulf %get3A_838, %exp3A_919 : vector<16xf32>
        %swap3A_921 = arith.index_cast %add3A_834 : i32 to index
        %swap3A_922 = arith.constant 0 : index
        %swap3A_923 = tpu.vector_load %arg21[%swap3A_921, %swap3A_922] {strides = array<i32>} : memref<128x48xf32, #tpu.memory_space<vmem>>, vector<1x16xf32>,
        %swap3A_924 = vector.shape_cast %swap3A_923 : vector<1x16xf32> to vector<16xf32>
        %swap3A_925 = vector.shape_cast %mul3A_920 : vector<16xf32> to vector<1x16xf32>
        tpu.vector_store %arg21[%swap3A_921, %swap3A_922], %swap3A_925 {strides = array<i32>} : memref<128x48xf32, #tpu.memory_space<vmem>>, vector<1x16xf32>,
        %mul3A_926 = arith.mulf %get3A_842, %exp3A_919 : vector<16xf32>
        %swap3A_927 = arith.index_cast %add3A_834 : i32 to index
        %swap3A_928 = arith.constant 16 : index
        %swap3A_929 = tpu.vector_load %arg21[%swap3A_927, %swap3A_928] {strides = array<i32>} : memref<128x48xf32, #tpu.memory_space<vmem>>, vector<1x16xf32>,
        %swap3A_930 = vector.shape_cast %swap3A_929 : vector<1x16xf32> to vector<16xf32>
        %swap3A_931 = vector.shape_cast %mul3A_926 : vector<16xf32> to vector<1x16xf32>
        tpu.vector_store %arg21[%swap3A_927, %swap3A_928], %swap3A_931 {strides = array<i32>} : memref<128x48xf32, #tpu.memory_space<vmem>>, vector<1x16xf32>,
        %jit3A_932 = arith.constant 0.000000e+00 : f32
        %broadcast_in_dim3A_933 = vector.broadcast %jit3A_932 : f32 to vector<16xf32>
        %select_n3A_934 = arith.select %eq3A_17, %exp3A_919, %broadcast_in_dim3A_933 : vector<16xi1>, vector<16xf32>
        %swap3A_935 = arith.index_cast %add3A_834 : i32 to index
        %swap3A_936 = arith.constant 32 : index
        %swap3A_937 = tpu.vector_load %arg21[%swap3A_935, %swap3A_936] {strides = array<i32>} : memref<128x48xf32, #tpu.memory_space<vmem>>, vector<1x16xf32>,
        %swap3A_938 = vector.shape_cast %swap3A_937 : vector<1x16xf32> to vector<16xf32>
        %swap3A_939 = vector.shape_cast %select_n3A_934 : vector<16xf32> to vector<1x16xf32>
        tpu.vector_store %arg21[%swap3A_935, %swap3A_936], %swap3A_939 {strides = array<i32>} : memref<128x48xf32, #tpu.memory_space<vmem>>, vector<1x16xf32>,
        %mul3A_940 = arith.constant 16 : i32
        %mul3A_941 = arith.muli %scan3A_72, %mul3A_940 : i32
        %add3A_942 = arith.constant 8 : i32
        %add3A_943 = arith.addi %mul3A_941, %add3A_942 : i32
        %get3A_944 = arith.index_cast %add3A_943 : i32 to index
        %get3A_945 = arith.constant 0 : index
        %get3A_946 = tpu.vector_load %arg14[%get3A_944, %get3A_945] {strides = array<i32>} : memref<128x32xf32, #tpu.memory_space<vmem>>, vector<1x16xf32>,
        %get3A_947 = vector.shape_cast %get3A_946 : vector<1x16xf32> to vector<16xf32>
        %get3A_948 = arith.index_cast %add3A_943 : i32 to index
        %get3A_949 = arith.constant 16 : index
        %get3A_950 = tpu.vector_load %arg14[%get3A_948, %get3A_949] {strides = array<i32>} : memref<128x32xf32, #tpu.memory_space<vmem>>, vector<1x16xf32>,
        %get3A_951 = vector.shape_cast %get3A_950 : vector<1x16xf32> to vector<16xf32>
        %get3A_952 = arith.index_cast %add3A_943 : i32 to index
        %get3A_953 = arith.constant 0 : index
        %get3A_954 = tpu.vector_load %arg15[%get3A_952, %get3A_953] {strides = array<i32>} : memref<128x32xf32, #tpu.memory_space<vmem>>, vector<1x16xf32>,
        %get3A_955 = vector.shape_cast %get3A_954 : vector<1x16xf32> to vector<16xf32>
        %get3A_956 = arith.index_cast %add3A_943 : i32 to index
        %get3A_957 = arith.constant 16 : index
        %get3A_958 = tpu.vector_load %arg15[%get3A_956, %get3A_957] {strides = array<i32>} : memref<128x32xf32, #tpu.memory_space<vmem>>, vector<1x16xf32>,
        %get3A_959 = vector.shape_cast %get3A_958 : vector<1x16xf32> to vector<16xf32>
        %slice3A_960 = vector.extract_strided_slice %get3A_77 {offsets = [8], sizes = [1], strides = [1]} : vector<16xf32> to vector<1xf32>
        %squeeze3A_961 = vector.extract %slice3A_960[0] : f32 from vector<1xf32>
        %add3A_962 = arith.addf %get3A_947, %get3A_955 : vector<16xf32>
        %mul3A_963 = vector.broadcast %squeeze3A_961 : f32 to vector<16xf32>
        %mul3A_964 = arith.mulf %mul3A_963, %get3A_6 : vector<16xf32>
        %add3A_965 = arith.addf %add3A_962, %mul3A_964 : vector<16xf32>
        %add3A_966 = arith.addf %get3A_951, %get3A_959 : vector<16xf32>
        %mul3A_967 = vector.broadcast %squeeze3A_961 : f32 to vector<16xf32>
        %mul3A_968 = arith.mulf %mul3A_967, %get3A_9 : vector<16xf32>
        %add3A_969 = arith.addf %add3A_966, %mul3A_968 : vector<16xf32>
        %ge3A_970 = arith.constant 0.000000e+00 : f32
        %ge3A_971 = vector.broadcast %ge3A_970 : f32 to vector<16xf32>
        %ge3A_972 = arith.cmpf oge, %add3A_965, %ge3A_971 : vector<16xf32>
        %mul3A_973 = arith.constant 2.000000e-01 : f32
        %mul3A_974 = vector.broadcast %mul3A_973 : f32 to vector<16xf32>
        %mul3A_975 = arith.mulf %add3A_965, %mul3A_974 : vector<16xf32>
        %select_n3A_976 = arith.select %ge3A_972, %add3A_965, %mul3A_975 : vector<16xi1>, vector<16xf32>
        %ge3A_977 = arith.constant 0.000000e+00 : f32
        %ge3A_978 = vector.broadcast %ge3A_977 : f32 to vector<16xf32>
        %ge3A_979 = arith.cmpf oge, %add3A_969, %ge3A_978 : vector<16xf32>
        %mul3A_980 = arith.constant 2.000000e-01 : f32
        %mul3A_981 = vector.broadcast %mul3A_980 : f32 to vector<16xf32>
        %mul3A_982 = arith.mulf %add3A_969, %mul3A_981 : vector<16xf32>
        %select_n3A_983 = arith.select %ge3A_979, %add3A_969, %mul3A_982 : vector<16xi1>, vector<16xf32>
        %mul3A_984 = arith.mulf %select_n3A_976, %get3A_12 : vector<16xf32>
        %mul3A_985 = arith.mulf %select_n3A_983, %get3A_15 : vector<16xf32>
        %add3A_986 = arith.addf %mul3A_984, %mul3A_985 : vector<16xf32>
        %iota3A_987 = tpu.iota {dimensions = array<i32: 0>} : vector<16xi32>
        %add3A_988 = arith.constant 8 : i32
        %add3A_989 = vector.broadcast %add3A_988 : i32 to vector<16xi32>
        %add3A_990 = arith.addi %iota3A_987, %add3A_989 : vector<16xi32>
        %and3A_991 = arith.constant 15 : i32
        %and3A_992 = vector.broadcast %and3A_991 : i32 to vector<16xi32>
        %and3A_993 = arith.andi %add3A_990, %and3A_992 : vector<16xi32>
        %broadcast_in_dim3A_994 = vector.shape_cast %and3A_993 : vector<16xi32> to vector<16x1xi32>
        %gather3A_995 = vector.shape_cast %broadcast_in_dim3A_994 : vector<16x1xi32> to vector<16xi32>
        %gather3A_996 = tpu.dynamic_gather %add3A_986[%gather3A_995] in [0] : vector<16xf32>, vector<16xi32> -> vector<16xf32>
        %add3A_997 = arith.addf %add3A_986, %gather3A_996 : vector<16xf32>
        %add3A_998 = arith.constant 4 : i32
        %add3A_999 = vector.broadcast %add3A_998 : i32 to vector<16xi32>
        %add3A_1000 = arith.addi %iota3A_987, %add3A_999 : vector<16xi32>
        %and3A_1001 = arith.constant 15 : i32
        %and3A_1002 = vector.broadcast %and3A_1001 : i32 to vector<16xi32>
        %and3A_1003 = arith.andi %add3A_1000, %and3A_1002 : vector<16xi32>
        %broadcast_in_dim3A_1004 = vector.shape_cast %and3A_1003 : vector<16xi32> to vector<16x1xi32>
        %gather3A_1005 = vector.shape_cast %broadcast_in_dim3A_1004 : vector<16x1xi32> to vector<16xi32>
        %gather3A_1006 = tpu.dynamic_gather %add3A_997[%gather3A_1005] in [0] : vector<16xf32>, vector<16xi32> -> vector<16xf32>
        %add3A_1007 = arith.addf %add3A_997, %gather3A_1006 : vector<16xf32>
        %add3A_1008 = arith.constant 2 : i32
        %add3A_1009 = vector.broadcast %add3A_1008 : i32 to vector<16xi32>
        %add3A_1010 = arith.addi %iota3A_987, %add3A_1009 : vector<16xi32>
        %and3A_1011 = arith.constant 15 : i32
        %and3A_1012 = vector.broadcast %and3A_1011 : i32 to vector<16xi32>
        %and3A_1013 = arith.andi %add3A_1010, %and3A_1012 : vector<16xi32>
        %broadcast_in_dim3A_1014 = vector.shape_cast %and3A_1013 : vector<16xi32> to vector<16x1xi32>
        %gather3A_1015 = vector.shape_cast %broadcast_in_dim3A_1014 : vector<16x1xi32> to vector<16xi32>
        %gather3A_1016 = tpu.dynamic_gather %add3A_1007[%gather3A_1015] in [0] : vector<16xf32>, vector<16xi32> -> vector<16xf32>
        %add3A_1017 = arith.addf %add3A_1007, %gather3A_1016 : vector<16xf32>
        %add3A_1018 = arith.constant 1 : i32
        %add3A_1019 = vector.broadcast %add3A_1018 : i32 to vector<16xi32>
        %add3A_1020 = arith.addi %iota3A_987, %add3A_1019 : vector<16xi32>
        %and3A_1021 = arith.constant 15 : i32
        %and3A_1022 = vector.broadcast %and3A_1021 : i32 to vector<16xi32>
        %and3A_1023 = arith.andi %add3A_1020, %and3A_1022 : vector<16xi32>
        %broadcast_in_dim3A_1024 = vector.shape_cast %and3A_1023 : vector<16xi32> to vector<16x1xi32>
        %gather3A_1025 = vector.shape_cast %broadcast_in_dim3A_1024 : vector<16x1xi32> to vector<16xi32>
        %gather3A_1026 = tpu.dynamic_gather %add3A_1017[%gather3A_1025] in [0] : vector<16xf32>, vector<16xi32> -> vector<16xf32>
        %add3A_1027 = arith.addf %add3A_1017, %gather3A_1026 : vector<16xf32>
        %exp3A_1028 = math.exp %add3A_1027 : vector<16xf32>
        %mul3A_1029 = arith.mulf %get3A_947, %exp3A_1028 : vector<16xf32>
        %swap3A_1030 = arith.index_cast %add3A_943 : i32 to index
        %swap3A_1031 = arith.constant 0 : index
        %swap3A_1032 = tpu.vector_load %arg21[%swap3A_1030, %swap3A_1031] {strides = array<i32>} : memref<128x48xf32, #tpu.memory_space<vmem>>, vector<1x16xf32>,
        %swap3A_1033 = vector.shape_cast %swap3A_1032 : vector<1x16xf32> to vector<16xf32>
        %swap3A_1034 = vector.shape_cast %mul3A_1029 : vector<16xf32> to vector<1x16xf32>
        tpu.vector_store %arg21[%swap3A_1030, %swap3A_1031], %swap3A_1034 {strides = array<i32>} : memref<128x48xf32, #tpu.memory_space<vmem>>, vector<1x16xf32>,
        %mul3A_1035 = arith.mulf %get3A_951, %exp3A_1028 : vector<16xf32>
        %swap3A_1036 = arith.index_cast %add3A_943 : i32 to index
        %swap3A_1037 = arith.constant 16 : index
        %swap3A_1038 = tpu.vector_load %arg21[%swap3A_1036, %swap3A_1037] {strides = array<i32>} : memref<128x48xf32, #tpu.memory_space<vmem>>, vector<1x16xf32>,
        %swap3A_1039 = vector.shape_cast %swap3A_1038 : vector<1x16xf32> to vector<16xf32>
        %swap3A_1040 = vector.shape_cast %mul3A_1035 : vector<16xf32> to vector<1x16xf32>
        tpu.vector_store %arg21[%swap3A_1036, %swap3A_1037], %swap3A_1040 {strides = array<i32>} : memref<128x48xf32, #tpu.memory_space<vmem>>, vector<1x16xf32>,
        %jit3A_1041 = arith.constant 0.000000e+00 : f32
        %broadcast_in_dim3A_1042 = vector.broadcast %jit3A_1041 : f32 to vector<16xf32>
        %select_n3A_1043 = arith.select %eq3A_17, %exp3A_1028, %broadcast_in_dim3A_1042 : vector<16xi1>, vector<16xf32>
        %swap3A_1044 = arith.index_cast %add3A_943 : i32 to index
        %swap3A_1045 = arith.constant 32 : index
        %swap3A_1046 = tpu.vector_load %arg21[%swap3A_1044, %swap3A_1045] {strides = array<i32>} : memref<128x48xf32, #tpu.memory_space<vmem>>, vector<1x16xf32>,
        %swap3A_1047 = vector.shape_cast %swap3A_1046 : vector<1x16xf32> to vector<16xf32>
        %swap3A_1048 = vector.shape_cast %select_n3A_1043 : vector<16xf32> to vector<1x16xf32>
        tpu.vector_store %arg21[%swap3A_1044, %swap3A_1045], %swap3A_1048 {strides = array<i32>} : memref<128x48xf32, #tpu.memory_space<vmem>>, vector<1x16xf32>,
        %mul3A_1049 = arith.constant 16 : i32
        %mul3A_1050 = arith.muli %scan3A_72, %mul3A_1049 : i32
        %add3A_1051 = arith.constant 9 : i32
        %add3A_1052 = arith.addi %mul3A_1050, %add3A_1051 : i32
        %get3A_1053 = arith.index_cast %add3A_1052 : i32 to index
        %get3A_1054 = arith.constant 0 : index
        %get3A_1055 = tpu.vector_load %arg14[%get3A_1053, %get3A_1054] {strides = array<i32>} : memref<128x32xf32, #tpu.memory_space<vmem>>, vector<1x16xf32>,
        %get3A_1056 = vector.shape_cast %get3A_1055 : vector<1x16xf32> to vector<16xf32>
        %get3A_1057 = arith.index_cast %add3A_1052 : i32 to index
        %get3A_1058 = arith.constant 16 : index
        %get3A_1059 = tpu.vector_load %arg14[%get3A_1057, %get3A_1058] {strides = array<i32>} : memref<128x32xf32, #tpu.memory_space<vmem>>, vector<1x16xf32>,
        %get3A_1060 = vector.shape_cast %get3A_1059 : vector<1x16xf32> to vector<16xf32>
        %get3A_1061 = arith.index_cast %add3A_1052 : i32 to index
        %get3A_1062 = arith.constant 0 : index
        %get3A_1063 = tpu.vector_load %arg15[%get3A_1061, %get3A_1062] {strides = array<i32>} : memref<128x32xf32, #tpu.memory_space<vmem>>, vector<1x16xf32>,
        %get3A_1064 = vector.shape_cast %get3A_1063 : vector<1x16xf32> to vector<16xf32>
        %get3A_1065 = arith.index_cast %add3A_1052 : i32 to index
        %get3A_1066 = arith.constant 16 : index
        %get3A_1067 = tpu.vector_load %arg15[%get3A_1065, %get3A_1066] {strides = array<i32>} : memref<128x32xf32, #tpu.memory_space<vmem>>, vector<1x16xf32>,
        %get3A_1068 = vector.shape_cast %get3A_1067 : vector<1x16xf32> to vector<16xf32>
        %slice3A_1069 = vector.extract_strided_slice %get3A_77 {offsets = [9], sizes = [1], strides = [1]} : vector<16xf32> to vector<1xf32>
        %squeeze3A_1070 = vector.extract %slice3A_1069[0] : f32 from vector<1xf32>
        %add3A_1071 = arith.addf %get3A_1056, %get3A_1064 : vector<16xf32>
        %mul3A_1072 = vector.broadcast %squeeze3A_1070 : f32 to vector<16xf32>
        %mul3A_1073 = arith.mulf %mul3A_1072, %get3A_6 : vector<16xf32>
        %add3A_1074 = arith.addf %add3A_1071, %mul3A_1073 : vector<16xf32>
        %add3A_1075 = arith.addf %get3A_1060, %get3A_1068 : vector<16xf32>
        %mul3A_1076 = vector.broadcast %squeeze3A_1070 : f32 to vector<16xf32>
        %mul3A_1077 = arith.mulf %mul3A_1076, %get3A_9 : vector<16xf32>
        %add3A_1078 = arith.addf %add3A_1075, %mul3A_1077 : vector<16xf32>
        %ge3A_1079 = arith.constant 0.000000e+00 : f32
        %ge3A_1080 = vector.broadcast %ge3A_1079 : f32 to vector<16xf32>
        %ge3A_1081 = arith.cmpf oge, %add3A_1074, %ge3A_1080 : vector<16xf32>
        %mul3A_1082 = arith.constant 2.000000e-01 : f32
        %mul3A_1083 = vector.broadcast %mul3A_1082 : f32 to vector<16xf32>
        %mul3A_1084 = arith.mulf %add3A_1074, %mul3A_1083 : vector<16xf32>
        %select_n3A_1085 = arith.select %ge3A_1081, %add3A_1074, %mul3A_1084 : vector<16xi1>, vector<16xf32>
        %ge3A_1086 = arith.constant 0.000000e+00 : f32
        %ge3A_1087 = vector.broadcast %ge3A_1086 : f32 to vector<16xf32>
        %ge3A_1088 = arith.cmpf oge, %add3A_1078, %ge3A_1087 : vector<16xf32>
        %mul3A_1089 = arith.constant 2.000000e-01 : f32
        %mul3A_1090 = vector.broadcast %mul3A_1089 : f32 to vector<16xf32>
        %mul3A_1091 = arith.mulf %add3A_1078, %mul3A_1090 : vector<16xf32>
        %select_n3A_1092 = arith.select %ge3A_1088, %add3A_1078, %mul3A_1091 : vector<16xi1>, vector<16xf32>
        %mul3A_1093 = arith.mulf %select_n3A_1085, %get3A_12 : vector<16xf32>
        %mul3A_1094 = arith.mulf %select_n3A_1092, %get3A_15 : vector<16xf32>
        %add3A_1095 = arith.addf %mul3A_1093, %mul3A_1094 : vector<16xf32>
        %iota3A_1096 = tpu.iota {dimensions = array<i32: 0>} : vector<16xi32>
        %add3A_1097 = arith.constant 8 : i32
        %add3A_1098 = vector.broadcast %add3A_1097 : i32 to vector<16xi32>
        %add3A_1099 = arith.addi %iota3A_1096, %add3A_1098 : vector<16xi32>
        %and3A_1100 = arith.constant 15 : i32
        %and3A_1101 = vector.broadcast %and3A_1100 : i32 to vector<16xi32>
        %and3A_1102 = arith.andi %add3A_1099, %and3A_1101 : vector<16xi32>
        %broadcast_in_dim3A_1103 = vector.shape_cast %and3A_1102 : vector<16xi32> to vector<16x1xi32>
        %gather3A_1104 = vector.shape_cast %broadcast_in_dim3A_1103 : vector<16x1xi32> to vector<16xi32>
        %gather3A_1105 = tpu.dynamic_gather %add3A_1095[%gather3A_1104] in [0] : vector<16xf32>, vector<16xi32> -> vector<16xf32>
        %add3A_1106 = arith.addf %add3A_1095, %gather3A_1105 : vector<16xf32>
        %add3A_1107 = arith.constant 4 : i32
        %add3A_1108 = vector.broadcast %add3A_1107 : i32 to vector<16xi32>
        %add3A_1109 = arith.addi %iota3A_1096, %add3A_1108 : vector<16xi32>
        %and3A_1110 = arith.constant 15 : i32
        %and3A_1111 = vector.broadcast %and3A_1110 : i32 to vector<16xi32>
        %and3A_1112 = arith.andi %add3A_1109, %and3A_1111 : vector<16xi32>
        %broadcast_in_dim3A_1113 = vector.shape_cast %and3A_1112 : vector<16xi32> to vector<16x1xi32>
        %gather3A_1114 = vector.shape_cast %broadcast_in_dim3A_1113 : vector<16x1xi32> to vector<16xi32>
        %gather3A_1115 = tpu.dynamic_gather %add3A_1106[%gather3A_1114] in [0] : vector<16xf32>, vector<16xi32> -> vector<16xf32>
        %add3A_1116 = arith.addf %add3A_1106, %gather3A_1115 : vector<16xf32>
        %add3A_1117 = arith.constant 2 : i32
        %add3A_1118 = vector.broadcast %add3A_1117 : i32 to vector<16xi32>
        %add3A_1119 = arith.addi %iota3A_1096, %add3A_1118 : vector<16xi32>
        %and3A_1120 = arith.constant 15 : i32
        %and3A_1121 = vector.broadcast %and3A_1120 : i32 to vector<16xi32>
        %and3A_1122 = arith.andi %add3A_1119, %and3A_1121 : vector<16xi32>
        %broadcast_in_dim3A_1123 = vector.shape_cast %and3A_1122 : vector<16xi32> to vector<16x1xi32>
        %gather3A_1124 = vector.shape_cast %broadcast_in_dim3A_1123 : vector<16x1xi32> to vector<16xi32>
        %gather3A_1125 = tpu.dynamic_gather %add3A_1116[%gather3A_1124] in [0] : vector<16xf32>, vector<16xi32> -> vector<16xf32>
        %add3A_1126 = arith.addf %add3A_1116, %gather3A_1125 : vector<16xf32>
        %add3A_1127 = arith.constant 1 : i32
        %add3A_1128 = vector.broadcast %add3A_1127 : i32 to vector<16xi32>
        %add3A_1129 = arith.addi %iota3A_1096, %add3A_1128 : vector<16xi32>
        %and3A_1130 = arith.constant 15 : i32
        %and3A_1131 = vector.broadcast %and3A_1130 : i32 to vector<16xi32>
        %and3A_1132 = arith.andi %add3A_1129, %and3A_1131 : vector<16xi32>
        %broadcast_in_dim3A_1133 = vector.shape_cast %and3A_1132 : vector<16xi32> to vector<16x1xi32>
        %gather3A_1134 = vector.shape_cast %broadcast_in_dim3A_1133 : vector<16x1xi32> to vector<16xi32>
        %gather3A_1135 = tpu.dynamic_gather %add3A_1126[%gather3A_1134] in [0] : vector<16xf32>, vector<16xi32> -> vector<16xf32>
        %add3A_1136 = arith.addf %add3A_1126, %gather3A_1135 : vector<16xf32>
        %exp3A_1137 = math.exp %add3A_1136 : vector<16xf32>
        %mul3A_1138 = arith.mulf %get3A_1056, %exp3A_1137 : vector<16xf32>
        %swap3A_1139 = arith.index_cast %add3A_1052 : i32 to index
        %swap3A_1140 = arith.constant 0 : index
        %swap3A_1141 = tpu.vector_load %arg21[%swap3A_1139, %swap3A_1140] {strides = array<i32>} : memref<128x48xf32, #tpu.memory_space<vmem>>, vector<1x16xf32>,
        %swap3A_1142 = vector.shape_cast %swap3A_1141 : vector<1x16xf32> to vector<16xf32>
        %swap3A_1143 = vector.shape_cast %mul3A_1138 : vector<16xf32> to vector<1x16xf32>
        tpu.vector_store %arg21[%swap3A_1139, %swap3A_1140], %swap3A_1143 {strides = array<i32>} : memref<128x48xf32, #tpu.memory_space<vmem>>, vector<1x16xf32>,
        %mul3A_1144 = arith.mulf %get3A_1060, %exp3A_1137 : vector<16xf32>
        %swap3A_1145 = arith.index_cast %add3A_1052 : i32 to index
        %swap3A_1146 = arith.constant 16 : index
        %swap3A_1147 = tpu.vector_load %arg21[%swap3A_1145, %swap3A_1146] {strides = array<i32>} : memref<128x48xf32, #tpu.memory_space<vmem>>, vector<1x16xf32>,
        %swap3A_1148 = vector.shape_cast %swap3A_1147 : vector<1x16xf32> to vector<16xf32>
        %swap3A_1149 = vector.shape_cast %mul3A_1144 : vector<16xf32> to vector<1x16xf32>
        tpu.vector_store %arg21[%swap3A_1145, %swap3A_1146], %swap3A_1149 {strides = array<i32>} : memref<128x48xf32, #tpu.memory_space<vmem>>, vector<1x16xf32>,
        %jit3A_1150 = arith.constant 0.000000e+00 : f32
        %broadcast_in_dim3A_1151 = vector.broadcast %jit3A_1150 : f32 to vector<16xf32>
        %select_n3A_1152 = arith.select %eq3A_17, %exp3A_1137, %broadcast_in_dim3A_1151 : vector<16xi1>, vector<16xf32>
        %swap3A_1153 = arith.index_cast %add3A_1052 : i32 to index
        %swap3A_1154 = arith.constant 32 : index
        %swap3A_1155 = tpu.vector_load %arg21[%swap3A_1153, %swap3A_1154] {strides = array<i32>} : memref<128x48xf32, #tpu.memory_space<vmem>>, vector<1x16xf32>,
        %swap3A_1156 = vector.shape_cast %swap3A_1155 : vector<1x16xf32> to vector<16xf32>
        %swap3A_1157 = vector.shape_cast %select_n3A_1152 : vector<16xf32> to vector<1x16xf32>
        tpu.vector_store %arg21[%swap3A_1153, %swap3A_1154], %swap3A_1157 {strides = array<i32>} : memref<128x48xf32, #tpu.memory_space<vmem>>, vector<1x16xf32>,
        %mul3A_1158 = arith.constant 16 : i32
        %mul3A_1159 = arith.muli %scan3A_72, %mul3A_1158 : i32
        %add3A_1160 = arith.constant 10 : i32
        %add3A_1161 = arith.addi %mul3A_1159, %add3A_1160 : i32
        %get3A_1162 = arith.index_cast %add3A_1161 : i32 to index
        %get3A_1163 = arith.constant 0 : index
        %get3A_1164 = tpu.vector_load %arg14[%get3A_1162, %get3A_1163] {strides = array<i32>} : memref<128x32xf32, #tpu.memory_space<vmem>>, vector<1x16xf32>,
        %get3A_1165 = vector.shape_cast %get3A_1164 : vector<1x16xf32> to vector<16xf32>
        %get3A_1166 = arith.index_cast %add3A_1161 : i32 to index
        %get3A_1167 = arith.constant 16 : index
        %get3A_1168 = tpu.vector_load %arg14[%get3A_1166, %get3A_1167] {strides = array<i32>} : memref<128x32xf32, #tpu.memory_space<vmem>>, vector<1x16xf32>,
        %get3A_1169 = vector.shape_cast %get3A_1168 : vector<1x16xf32> to vector<16xf32>
        %get3A_1170 = arith.index_cast %add3A_1161 : i32 to index
        %get3A_1171 = arith.constant 0 : index
        %get3A_1172 = tpu.vector_load %arg15[%get3A_1170, %get3A_1171] {strides = array<i32>} : memref<128x32xf32, #tpu.memory_space<vmem>>, vector<1x16xf32>,
        %get3A_1173 = vector.shape_cast %get3A_1172 : vector<1x16xf32> to vector<16xf32>
        %get3A_1174 = arith.index_cast %add3A_1161 : i32 to index
        %get3A_1175 = arith.constant 16 : index
        %get3A_1176 = tpu.vector_load %arg15[%get3A_1174, %get3A_1175] {strides = array<i32>} : memref<128x32xf32, #tpu.memory_space<vmem>>, vector<1x16xf32>,
        %get3A_1177 = vector.shape_cast %get3A_1176 : vector<1x16xf32> to vector<16xf32>
        %slice3A_1178 = vector.extract_strided_slice %get3A_77 {offsets = [10], sizes = [1], strides = [1]} : vector<16xf32> to vector<1xf32>
        %squeeze3A_1179 = vector.extract %slice3A_1178[0] : f32 from vector<1xf32>
        %add3A_1180 = arith.addf %get3A_1165, %get3A_1173 : vector<16xf32>
        %mul3A_1181 = vector.broadcast %squeeze3A_1179 : f32 to vector<16xf32>
        %mul3A_1182 = arith.mulf %mul3A_1181, %get3A_6 : vector<16xf32>
        %add3A_1183 = arith.addf %add3A_1180, %mul3A_1182 : vector<16xf32>
        %add3A_1184 = arith.addf %get3A_1169, %get3A_1177 : vector<16xf32>
        %mul3A_1185 = vector.broadcast %squeeze3A_1179 : f32 to vector<16xf32>
        %mul3A_1186 = arith.mulf %mul3A_1185, %get3A_9 : vector<16xf32>
        %add3A_1187 = arith.addf %add3A_1184, %mul3A_1186 : vector<16xf32>
        %ge3A_1188 = arith.constant 0.000000e+00 : f32
        %ge3A_1189 = vector.broadcast %ge3A_1188 : f32 to vector<16xf32>
        %ge3A_1190 = arith.cmpf oge, %add3A_1183, %ge3A_1189 : vector<16xf32>
        %mul3A_1191 = arith.constant 2.000000e-01 : f32
        %mul3A_1192 = vector.broadcast %mul3A_1191 : f32 to vector<16xf32>
        %mul3A_1193 = arith.mulf %add3A_1183, %mul3A_1192 : vector<16xf32>
        %select_n3A_1194 = arith.select %ge3A_1190, %add3A_1183, %mul3A_1193 : vector<16xi1>, vector<16xf32>
        %ge3A_1195 = arith.constant 0.000000e+00 : f32
        %ge3A_1196 = vector.broadcast %ge3A_1195 : f32 to vector<16xf32>
        %ge3A_1197 = arith.cmpf oge, %add3A_1187, %ge3A_1196 : vector<16xf32>
        %mul3A_1198 = arith.constant 2.000000e-01 : f32
        %mul3A_1199 = vector.broadcast %mul3A_1198 : f32 to vector<16xf32>
        %mul3A_1200 = arith.mulf %add3A_1187, %mul3A_1199 : vector<16xf32>
        %select_n3A_1201 = arith.select %ge3A_1197, %add3A_1187, %mul3A_1200 : vector<16xi1>, vector<16xf32>
        %mul3A_1202 = arith.mulf %select_n3A_1194, %get3A_12 : vector<16xf32>
        %mul3A_1203 = arith.mulf %select_n3A_1201, %get3A_15 : vector<16xf32>
        %add3A_1204 = arith.addf %mul3A_1202, %mul3A_1203 : vector<16xf32>
        %iota3A_1205 = tpu.iota {dimensions = array<i32: 0>} : vector<16xi32>
        %add3A_1206 = arith.constant 8 : i32
        %add3A_1207 = vector.broadcast %add3A_1206 : i32 to vector<16xi32>
        %add3A_1208 = arith.addi %iota3A_1205, %add3A_1207 : vector<16xi32>
        %and3A_1209 = arith.constant 15 : i32
        %and3A_1210 = vector.broadcast %and3A_1209 : i32 to vector<16xi32>
        %and3A_1211 = arith.andi %add3A_1208, %and3A_1210 : vector<16xi32>
        %broadcast_in_dim3A_1212 = vector.shape_cast %and3A_1211 : vector<16xi32> to vector<16x1xi32>
        %gather3A_1213 = vector.shape_cast %broadcast_in_dim3A_1212 : vector<16x1xi32> to vector<16xi32>
        %gather3A_1214 = tpu.dynamic_gather %add3A_1204[%gather3A_1213] in [0] : vector<16xf32>, vector<16xi32> -> vector<16xf32>
        %add3A_1215 = arith.addf %add3A_1204, %gather3A_1214 : vector<16xf32>
        %add3A_1216 = arith.constant 4 : i32
        %add3A_1217 = vector.broadcast %add3A_1216 : i32 to vector<16xi32>
        %add3A_1218 = arith.addi %iota3A_1205, %add3A_1217 : vector<16xi32>
        %and3A_1219 = arith.constant 15 : i32
        %and3A_1220 = vector.broadcast %and3A_1219 : i32 to vector<16xi32>
        %and3A_1221 = arith.andi %add3A_1218, %and3A_1220 : vector<16xi32>
        %broadcast_in_dim3A_1222 = vector.shape_cast %and3A_1221 : vector<16xi32> to vector<16x1xi32>
        %gather3A_1223 = vector.shape_cast %broadcast_in_dim3A_1222 : vector<16x1xi32> to vector<16xi32>
        %gather3A_1224 = tpu.dynamic_gather %add3A_1215[%gather3A_1223] in [0] : vector<16xf32>, vector<16xi32> -> vector<16xf32>
        %add3A_1225 = arith.addf %add3A_1215, %gather3A_1224 : vector<16xf32>
        %add3A_1226 = arith.constant 2 : i32
        %add3A_1227 = vector.broadcast %add3A_1226 : i32 to vector<16xi32>
        %add3A_1228 = arith.addi %iota3A_1205, %add3A_1227 : vector<16xi32>
        %and3A_1229 = arith.constant 15 : i32
        %and3A_1230 = vector.broadcast %and3A_1229 : i32 to vector<16xi32>
        %and3A_1231 = arith.andi %add3A_1228, %and3A_1230 : vector<16xi32>
        %broadcast_in_dim3A_1232 = vector.shape_cast %and3A_1231 : vector<16xi32> to vector<16x1xi32>
        %gather3A_1233 = vector.shape_cast %broadcast_in_dim3A_1232 : vector<16x1xi32> to vector<16xi32>
        %gather3A_1234 = tpu.dynamic_gather %add3A_1225[%gather3A_1233] in [0] : vector<16xf32>, vector<16xi32> -> vector<16xf32>
        %add3A_1235 = arith.addf %add3A_1225, %gather3A_1234 : vector<16xf32>
        %add3A_1236 = arith.constant 1 : i32
        %add3A_1237 = vector.broadcast %add3A_1236 : i32 to vector<16xi32>
        %add3A_1238 = arith.addi %iota3A_1205, %add3A_1237 : vector<16xi32>
        %and3A_1239 = arith.constant 15 : i32
        %and3A_1240 = vector.broadcast %and3A_1239 : i32 to vector<16xi32>
        %and3A_1241 = arith.andi %add3A_1238, %and3A_1240 : vector<16xi32>
        %broadcast_in_dim3A_1242 = vector.shape_cast %and3A_1241 : vector<16xi32> to vector<16x1xi32>
        %gather3A_1243 = vector.shape_cast %broadcast_in_dim3A_1242 : vector<16x1xi32> to vector<16xi32>
        %gather3A_1244 = tpu.dynamic_gather %add3A_1235[%gather3A_1243] in [0] : vector<16xf32>, vector<16xi32> -> vector<16xf32>
        %add3A_1245 = arith.addf %add3A_1235, %gather3A_1244 : vector<16xf32>
        %exp3A_1246 = math.exp %add3A_1245 : vector<16xf32>
        %mul3A_1247 = arith.mulf %get3A_1165, %exp3A_1246 : vector<16xf32>
        %swap3A_1248 = arith.index_cast %add3A_1161 : i32 to index
        %swap3A_1249 = arith.constant 0 : index
        %swap3A_1250 = tpu.vector_load %arg21[%swap3A_1248, %swap3A_1249] {strides = array<i32>} : memref<128x48xf32, #tpu.memory_space<vmem>>, vector<1x16xf32>,
        %swap3A_1251 = vector.shape_cast %swap3A_1250 : vector<1x16xf32> to vector<16xf32>
        %swap3A_1252 = vector.shape_cast %mul3A_1247 : vector<16xf32> to vector<1x16xf32>
        tpu.vector_store %arg21[%swap3A_1248, %swap3A_1249], %swap3A_1252 {strides = array<i32>} : memref<128x48xf32, #tpu.memory_space<vmem>>, vector<1x16xf32>,
        %mul3A_1253 = arith.mulf %get3A_1169, %exp3A_1246 : vector<16xf32>
        %swap3A_1254 = arith.index_cast %add3A_1161 : i32 to index
        %swap3A_1255 = arith.constant 16 : index
        %swap3A_1256 = tpu.vector_load %arg21[%swap3A_1254, %swap3A_1255] {strides = array<i32>} : memref<128x48xf32, #tpu.memory_space<vmem>>, vector<1x16xf32>,
        %swap3A_1257 = vector.shape_cast %swap3A_1256 : vector<1x16xf32> to vector<16xf32>
        %swap3A_1258 = vector.shape_cast %mul3A_1253 : vector<16xf32> to vector<1x16xf32>
        tpu.vector_store %arg21[%swap3A_1254, %swap3A_1255], %swap3A_1258 {strides = array<i32>} : memref<128x48xf32, #tpu.memory_space<vmem>>, vector<1x16xf32>,
        %jit3A_1259 = arith.constant 0.000000e+00 : f32
        %broadcast_in_dim3A_1260 = vector.broadcast %jit3A_1259 : f32 to vector<16xf32>
        %select_n3A_1261 = arith.select %eq3A_17, %exp3A_1246, %broadcast_in_dim3A_1260 : vector<16xi1>, vector<16xf32>
        %swap3A_1262 = arith.index_cast %add3A_1161 : i32 to index
        %swap3A_1263 = arith.constant 32 : index
        %swap3A_1264 = tpu.vector_load %arg21[%swap3A_1262, %swap3A_1263] {strides = array<i32>} : memref<128x48xf32, #tpu.memory_space<vmem>>, vector<1x16xf32>,
        %swap3A_1265 = vector.shape_cast %swap3A_1264 : vector<1x16xf32> to vector<16xf32>
        %swap3A_1266 = vector.shape_cast %select_n3A_1261 : vector<16xf32> to vector<1x16xf32>
        tpu.vector_store %arg21[%swap3A_1262, %swap3A_1263], %swap3A_1266 {strides = array<i32>} : memref<128x48xf32, #tpu.memory_space<vmem>>, vector<1x16xf32>,
        %mul3A_1267 = arith.constant 16 : i32
        %mul3A_1268 = arith.muli %scan3A_72, %mul3A_1267 : i32
        %add3A_1269 = arith.constant 11 : i32
        %add3A_1270 = arith.addi %mul3A_1268, %add3A_1269 : i32
        %get3A_1271 = arith.index_cast %add3A_1270 : i32 to index
        %get3A_1272 = arith.constant 0 : index
        %get3A_1273 = tpu.vector_load %arg14[%get3A_1271, %get3A_1272] {strides = array<i32>} : memref<128x32xf32, #tpu.memory_space<vmem>>, vector<1x16xf32>,
        %get3A_1274 = vector.shape_cast %get3A_1273 : vector<1x16xf32> to vector<16xf32>
        %get3A_1275 = arith.index_cast %add3A_1270 : i32 to index
        %get3A_1276 = arith.constant 16 : index
        %get3A_1277 = tpu.vector_load %arg14[%get3A_1275, %get3A_1276] {strides = array<i32>} : memref<128x32xf32, #tpu.memory_space<vmem>>, vector<1x16xf32>,
        %get3A_1278 = vector.shape_cast %get3A_1277 : vector<1x16xf32> to vector<16xf32>
        %get3A_1279 = arith.index_cast %add3A_1270 : i32 to index
        %get3A_1280 = arith.constant 0 : index
        %get3A_1281 = tpu.vector_load %arg15[%get3A_1279, %get3A_1280] {strides = array<i32>} : memref<128x32xf32, #tpu.memory_space<vmem>>, vector<1x16xf32>,
        %get3A_1282 = vector.shape_cast %get3A_1281 : vector<1x16xf32> to vector<16xf32>
        %get3A_1283 = arith.index_cast %add3A_1270 : i32 to index
        %get3A_1284 = arith.constant 16 : index
        %get3A_1285 = tpu.vector_load %arg15[%get3A_1283, %get3A_1284] {strides = array<i32>} : memref<128x32xf32, #tpu.memory_space<vmem>>, vector<1x16xf32>,
        %get3A_1286 = vector.shape_cast %get3A_1285 : vector<1x16xf32> to vector<16xf32>
        %slice3A_1287 = vector.extract_strided_slice %get3A_77 {offsets = [11], sizes = [1], strides = [1]} : vector<16xf32> to vector<1xf32>
        %squeeze3A_1288 = vector.extract %slice3A_1287[0] : f32 from vector<1xf32>
        %add3A_1289 = arith.addf %get3A_1274, %get3A_1282 : vector<16xf32>
        %mul3A_1290 = vector.broadcast %squeeze3A_1288 : f32 to vector<16xf32>
        %mul3A_1291 = arith.mulf %mul3A_1290, %get3A_6 : vector<16xf32>
        %add3A_1292 = arith.addf %add3A_1289, %mul3A_1291 : vector<16xf32>
        %add3A_1293 = arith.addf %get3A_1278, %get3A_1286 : vector<16xf32>
        %mul3A_1294 = vector.broadcast %squeeze3A_1288 : f32 to vector<16xf32>
        %mul3A_1295 = arith.mulf %mul3A_1294, %get3A_9 : vector<16xf32>
        %add3A_1296 = arith.addf %add3A_1293, %mul3A_1295 : vector<16xf32>
        %ge3A_1297 = arith.constant 0.000000e+00 : f32
        %ge3A_1298 = vector.broadcast %ge3A_1297 : f32 to vector<16xf32>
        %ge3A_1299 = arith.cmpf oge, %add3A_1292, %ge3A_1298 : vector<16xf32>
        %mul3A_1300 = arith.constant 2.000000e-01 : f32
        %mul3A_1301 = vector.broadcast %mul3A_1300 : f32 to vector<16xf32>
        %mul3A_1302 = arith.mulf %add3A_1292, %mul3A_1301 : vector<16xf32>
        %select_n3A_1303 = arith.select %ge3A_1299, %add3A_1292, %mul3A_1302 : vector<16xi1>, vector<16xf32>
        %ge3A_1304 = arith.constant 0.000000e+00 : f32
        %ge3A_1305 = vector.broadcast %ge3A_1304 : f32 to vector<16xf32>
        %ge3A_1306 = arith.cmpf oge, %add3A_1296, %ge3A_1305 : vector<16xf32>
        %mul3A_1307 = arith.constant 2.000000e-01 : f32
        %mul3A_1308 = vector.broadcast %mul3A_1307 : f32 to vector<16xf32>
        %mul3A_1309 = arith.mulf %add3A_1296, %mul3A_1308 : vector<16xf32>
        %select_n3A_1310 = arith.select %ge3A_1306, %add3A_1296, %mul3A_1309 : vector<16xi1>, vector<16xf32>
        %mul3A_1311 = arith.mulf %select_n3A_1303, %get3A_12 : vector<16xf32>
        %mul3A_1312 = arith.mulf %select_n3A_1310, %get3A_15 : vector<16xf32>
        %add3A_1313 = arith.addf %mul3A_1311, %mul3A_1312 : vector<16xf32>
        %iota3A_1314 = tpu.iota {dimensions = array<i32: 0>} : vector<16xi32>
        %add3A_1315 = arith.constant 8 : i32
        %add3A_1316 = vector.broadcast %add3A_1315 : i32 to vector<16xi32>
        %add3A_1317 = arith.addi %iota3A_1314, %add3A_1316 : vector<16xi32>
        %and3A_1318 = arith.constant 15 : i32
        %and3A_1319 = vector.broadcast %and3A_1318 : i32 to vector<16xi32>
        %and3A_1320 = arith.andi %add3A_1317, %and3A_1319 : vector<16xi32>
        %broadcast_in_dim3A_1321 = vector.shape_cast %and3A_1320 : vector<16xi32> to vector<16x1xi32>
        %gather3A_1322 = vector.shape_cast %broadcast_in_dim3A_1321 : vector<16x1xi32> to vector<16xi32>
        %gather3A_1323 = tpu.dynamic_gather %add3A_1313[%gather3A_1322] in [0] : vector<16xf32>, vector<16xi32> -> vector<16xf32>
        %add3A_1324 = arith.addf %add3A_1313, %gather3A_1323 : vector<16xf32>
        %add3A_1325 = arith.constant 4 : i32
        %add3A_1326 = vector.broadcast %add3A_1325 : i32 to vector<16xi32>
        %add3A_1327 = arith.addi %iota3A_1314, %add3A_1326 : vector<16xi32>
        %and3A_1328 = arith.constant 15 : i32
        %and3A_1329 = vector.broadcast %and3A_1328 : i32 to vector<16xi32>
        %and3A_1330 = arith.andi %add3A_1327, %and3A_1329 : vector<16xi32>
        %broadcast_in_dim3A_1331 = vector.shape_cast %and3A_1330 : vector<16xi32> to vector<16x1xi32>
        %gather3A_1332 = vector.shape_cast %broadcast_in_dim3A_1331 : vector<16x1xi32> to vector<16xi32>
        %gather3A_1333 = tpu.dynamic_gather %add3A_1324[%gather3A_1332] in [0] : vector<16xf32>, vector<16xi32> -> vector<16xf32>
        %add3A_1334 = arith.addf %add3A_1324, %gather3A_1333 : vector<16xf32>
        %add3A_1335 = arith.constant 2 : i32
        %add3A_1336 = vector.broadcast %add3A_1335 : i32 to vector<16xi32>
        %add3A_1337 = arith.addi %iota3A_1314, %add3A_1336 : vector<16xi32>
        %and3A_1338 = arith.constant 15 : i32
        %and3A_1339 = vector.broadcast %and3A_1338 : i32 to vector<16xi32>
        %and3A_1340 = arith.andi %add3A_1337, %and3A_1339 : vector<16xi32>
        %broadcast_in_dim3A_1341 = vector.shape_cast %and3A_1340 : vector<16xi32> to vector<16x1xi32>
        %gather3A_1342 = vector.shape_cast %broadcast_in_dim3A_1341 : vector<16x1xi32> to vector<16xi32>
        %gather3A_1343 = tpu.dynamic_gather %add3A_1334[%gather3A_1342] in [0] : vector<16xf32>, vector<16xi32> -> vector<16xf32>
        %add3A_1344 = arith.addf %add3A_1334, %gather3A_1343 : vector<16xf32>
        %add3A_1345 = arith.constant 1 : i32
        %add3A_1346 = vector.broadcast %add3A_1345 : i32 to vector<16xi32>
        %add3A_1347 = arith.addi %iota3A_1314, %add3A_1346 : vector<16xi32>
        %and3A_1348 = arith.constant 15 : i32
        %and3A_1349 = vector.broadcast %and3A_1348 : i32 to vector<16xi32>
        %and3A_1350 = arith.andi %add3A_1347, %and3A_1349 : vector<16xi32>
        %broadcast_in_dim3A_1351 = vector.shape_cast %and3A_1350 : vector<16xi32> to vector<16x1xi32>
        %gather3A_1352 = vector.shape_cast %broadcast_in_dim3A_1351 : vector<16x1xi32> to vector<16xi32>
        %gather3A_1353 = tpu.dynamic_gather %add3A_1344[%gather3A_1352] in [0] : vector<16xf32>, vector<16xi32> -> vector<16xf32>
        %add3A_1354 = arith.addf %add3A_1344, %gather3A_1353 : vector<16xf32>
        %exp3A_1355 = math.exp %add3A_1354 : vector<16xf32>
        %mul3A_1356 = arith.mulf %get3A_1274, %exp3A_1355 : vector<16xf32>
        %swap3A_1357 = arith.index_cast %add3A_1270 : i32 to index
        %swap3A_1358 = arith.constant 0 : index
        %swap3A_1359 = tpu.vector_load %arg21[%swap3A_1357, %swap3A_1358] {strides = array<i32>} : memref<128x48xf32, #tpu.memory_space<vmem>>, vector<1x16xf32>,
        %swap3A_1360 = vector.shape_cast %swap3A_1359 : vector<1x16xf32> to vector<16xf32>
        %swap3A_1361 = vector.shape_cast %mul3A_1356 : vector<16xf32> to vector<1x16xf32>
        tpu.vector_store %arg21[%swap3A_1357, %swap3A_1358], %swap3A_1361 {strides = array<i32>} : memref<128x48xf32, #tpu.memory_space<vmem>>, vector<1x16xf32>,
        %mul3A_1362 = arith.mulf %get3A_1278, %exp3A_1355 : vector<16xf32>
        %swap3A_1363 = arith.index_cast %add3A_1270 : i32 to index
        %swap3A_1364 = arith.constant 16 : index
        %swap3A_1365 = tpu.vector_load %arg21[%swap3A_1363, %swap3A_1364] {strides = array<i32>} : memref<128x48xf32, #tpu.memory_space<vmem>>, vector<1x16xf32>,
        %swap3A_1366 = vector.shape_cast %swap3A_1365 : vector<1x16xf32> to vector<16xf32>
        %swap3A_1367 = vector.shape_cast %mul3A_1362 : vector<16xf32> to vector<1x16xf32>
        tpu.vector_store %arg21[%swap3A_1363, %swap3A_1364], %swap3A_1367 {strides = array<i32>} : memref<128x48xf32, #tpu.memory_space<vmem>>, vector<1x16xf32>,
        %jit3A_1368 = arith.constant 0.000000e+00 : f32
        %broadcast_in_dim3A_1369 = vector.broadcast %jit3A_1368 : f32 to vector<16xf32>
        %select_n3A_1370 = arith.select %eq3A_17, %exp3A_1355, %broadcast_in_dim3A_1369 : vector<16xi1>, vector<16xf32>
        %swap3A_1371 = arith.index_cast %add3A_1270 : i32 to index
        %swap3A_1372 = arith.constant 32 : index
        %swap3A_1373 = tpu.vector_load %arg21[%swap3A_1371, %swap3A_1372] {strides = array<i32>} : memref<128x48xf32, #tpu.memory_space<vmem>>, vector<1x16xf32>,
        %swap3A_1374 = vector.shape_cast %swap3A_1373 : vector<1x16xf32> to vector<16xf32>
        %swap3A_1375 = vector.shape_cast %select_n3A_1370 : vector<16xf32> to vector<1x16xf32>
        tpu.vector_store %arg21[%swap3A_1371, %swap3A_1372], %swap3A_1375 {strides = array<i32>} : memref<128x48xf32, #tpu.memory_space<vmem>>, vector<1x16xf32>,
        %mul3A_1376 = arith.constant 16 : i32
        %mul3A_1377 = arith.muli %scan3A_72, %mul3A_1376 : i32
        %add3A_1378 = arith.constant 12 : i32
        %add3A_1379 = arith.addi %mul3A_1377, %add3A_1378 : i32
        %get3A_1380 = arith.index_cast %add3A_1379 : i32 to index
        %get3A_1381 = arith.constant 0 : index
        %get3A_1382 = tpu.vector_load %arg14[%get3A_1380, %get3A_1381] {strides = array<i32>} : memref<128x32xf32, #tpu.memory_space<vmem>>, vector<1x16xf32>,
        %get3A_1383 = vector.shape_cast %get3A_1382 : vector<1x16xf32> to vector<16xf32>
        %get3A_1384 = arith.index_cast %add3A_1379 : i32 to index
        %get3A_1385 = arith.constant 16 : index
        %get3A_1386 = tpu.vector_load %arg14[%get3A_1384, %get3A_1385] {strides = array<i32>} : memref<128x32xf32, #tpu.memory_space<vmem>>, vector<1x16xf32>,
        %get3A_1387 = vector.shape_cast %get3A_1386 : vector<1x16xf32> to vector<16xf32>
        %get3A_1388 = arith.index_cast %add3A_1379 : i32 to index
        %get3A_1389 = arith.constant 0 : index
        %get3A_1390 = tpu.vector_load %arg15[%get3A_1388, %get3A_1389] {strides = array<i32>} : memref<128x32xf32, #tpu.memory_space<vmem>>, vector<1x16xf32>,
        %get3A_1391 = vector.shape_cast %get3A_1390 : vector<1x16xf32> to vector<16xf32>
        %get3A_1392 = arith.index_cast %add3A_1379 : i32 to index
        %get3A_1393 = arith.constant 16 : index
        %get3A_1394 = tpu.vector_load %arg15[%get3A_1392, %get3A_1393] {strides = array<i32>} : memref<128x32xf32, #tpu.memory_space<vmem>>, vector<1x16xf32>,
        %get3A_1395 = vector.shape_cast %get3A_1394 : vector<1x16xf32> to vector<16xf32>
        %slice3A_1396 = vector.extract_strided_slice %get3A_77 {offsets = [12], sizes = [1], strides = [1]} : vector<16xf32> to vector<1xf32>
        %squeeze3A_1397 = vector.extract %slice3A_1396[0] : f32 from vector<1xf32>
        %add3A_1398 = arith.addf %get3A_1383, %get3A_1391 : vector<16xf32>
        %mul3A_1399 = vector.broadcast %squeeze3A_1397 : f32 to vector<16xf32>
        %mul3A_1400 = arith.mulf %mul3A_1399, %get3A_6 : vector<16xf32>
        %add3A_1401 = arith.addf %add3A_1398, %mul3A_1400 : vector<16xf32>
        %add3A_1402 = arith.addf %get3A_1387, %get3A_1395 : vector<16xf32>
        %mul3A_1403 = vector.broadcast %squeeze3A_1397 : f32 to vector<16xf32>
        %mul3A_1404 = arith.mulf %mul3A_1403, %get3A_9 : vector<16xf32>
        %add3A_1405 = arith.addf %add3A_1402, %mul3A_1404 : vector<16xf32>
        %ge3A_1406 = arith.constant 0.000000e+00 : f32
        %ge3A_1407 = vector.broadcast %ge3A_1406 : f32 to vector<16xf32>
        %ge3A_1408 = arith.cmpf oge, %add3A_1401, %ge3A_1407 : vector<16xf32>
        %mul3A_1409 = arith.constant 2.000000e-01 : f32
        %mul3A_1410 = vector.broadcast %mul3A_1409 : f32 to vector<16xf32>
        %mul3A_1411 = arith.mulf %add3A_1401, %mul3A_1410 : vector<16xf32>
        %select_n3A_1412 = arith.select %ge3A_1408, %add3A_1401, %mul3A_1411 : vector<16xi1>, vector<16xf32>
        %ge3A_1413 = arith.constant 0.000000e+00 : f32
        %ge3A_1414 = vector.broadcast %ge3A_1413 : f32 to vector<16xf32>
        %ge3A_1415 = arith.cmpf oge, %add3A_1405, %ge3A_1414 : vector<16xf32>
        %mul3A_1416 = arith.constant 2.000000e-01 : f32
        %mul3A_1417 = vector.broadcast %mul3A_1416 : f32 to vector<16xf32>
        %mul3A_1418 = arith.mulf %add3A_1405, %mul3A_1417 : vector<16xf32>
        %select_n3A_1419 = arith.select %ge3A_1415, %add3A_1405, %mul3A_1418 : vector<16xi1>, vector<16xf32>
        %mul3A_1420 = arith.mulf %select_n3A_1412, %get3A_12 : vector<16xf32>
        %mul3A_1421 = arith.mulf %select_n3A_1419, %get3A_15 : vector<16xf32>
        %add3A_1422 = arith.addf %mul3A_1420, %mul3A_1421 : vector<16xf32>
        %iota3A_1423 = tpu.iota {dimensions = array<i32: 0>} : vector<16xi32>
        %add3A_1424 = arith.constant 8 : i32
        %add3A_1425 = vector.broadcast %add3A_1424 : i32 to vector<16xi32>
        %add3A_1426 = arith.addi %iota3A_1423, %add3A_1425 : vector<16xi32>
        %and3A_1427 = arith.constant 15 : i32
        %and3A_1428 = vector.broadcast %and3A_1427 : i32 to vector<16xi32>
        %and3A_1429 = arith.andi %add3A_1426, %and3A_1428 : vector<16xi32>
        %broadcast_in_dim3A_1430 = vector.shape_cast %and3A_1429 : vector<16xi32> to vector<16x1xi32>
        %gather3A_1431 = vector.shape_cast %broadcast_in_dim3A_1430 : vector<16x1xi32> to vector<16xi32>
        %gather3A_1432 = tpu.dynamic_gather %add3A_1422[%gather3A_1431] in [0] : vector<16xf32>, vector<16xi32> -> vector<16xf32>
        %add3A_1433 = arith.addf %add3A_1422, %gather3A_1432 : vector<16xf32>
        %add3A_1434 = arith.constant 4 : i32
        %add3A_1435 = vector.broadcast %add3A_1434 : i32 to vector<16xi32>
        %add3A_1436 = arith.addi %iota3A_1423, %add3A_1435 : vector<16xi32>
        %and3A_1437 = arith.constant 15 : i32
        %and3A_1438 = vector.broadcast %and3A_1437 : i32 to vector<16xi32>
        %and3A_1439 = arith.andi %add3A_1436, %and3A_1438 : vector<16xi32>
        %broadcast_in_dim3A_1440 = vector.shape_cast %and3A_1439 : vector<16xi32> to vector<16x1xi32>
        %gather3A_1441 = vector.shape_cast %broadcast_in_dim3A_1440 : vector<16x1xi32> to vector<16xi32>
        %gather3A_1442 = tpu.dynamic_gather %add3A_1433[%gather3A_1441] in [0] : vector<16xf32>, vector<16xi32> -> vector<16xf32>
        %add3A_1443 = arith.addf %add3A_1433, %gather3A_1442 : vector<16xf32>
        %add3A_1444 = arith.constant 2 : i32
        %add3A_1445 = vector.broadcast %add3A_1444 : i32 to vector<16xi32>
        %add3A_1446 = arith.addi %iota3A_1423, %add3A_1445 : vector<16xi32>
        %and3A_1447 = arith.constant 15 : i32
        %and3A_1448 = vector.broadcast %and3A_1447 : i32 to vector<16xi32>
        %and3A_1449 = arith.andi %add3A_1446, %and3A_1448 : vector<16xi32>
        %broadcast_in_dim3A_1450 = vector.shape_cast %and3A_1449 : vector<16xi32> to vector<16x1xi32>
        %gather3A_1451 = vector.shape_cast %broadcast_in_dim3A_1450 : vector<16x1xi32> to vector<16xi32>
        %gather3A_1452 = tpu.dynamic_gather %add3A_1443[%gather3A_1451] in [0] : vector<16xf32>, vector<16xi32> -> vector<16xf32>
        %add3A_1453 = arith.addf %add3A_1443, %gather3A_1452 : vector<16xf32>
        %add3A_1454 = arith.constant 1 : i32
        %add3A_1455 = vector.broadcast %add3A_1454 : i32 to vector<16xi32>
        %add3A_1456 = arith.addi %iota3A_1423, %add3A_1455 : vector<16xi32>
        %and3A_1457 = arith.constant 15 : i32
        %and3A_1458 = vector.broadcast %and3A_1457 : i32 to vector<16xi32>
        %and3A_1459 = arith.andi %add3A_1456, %and3A_1458 : vector<16xi32>
        %broadcast_in_dim3A_1460 = vector.shape_cast %and3A_1459 : vector<16xi32> to vector<16x1xi32>
        %gather3A_1461 = vector.shape_cast %broadcast_in_dim3A_1460 : vector<16x1xi32> to vector<16xi32>
        %gather3A_1462 = tpu.dynamic_gather %add3A_1453[%gather3A_1461] in [0] : vector<16xf32>, vector<16xi32> -> vector<16xf32>
        %add3A_1463 = arith.addf %add3A_1453, %gather3A_1462 : vector<16xf32>
        %exp3A_1464 = math.exp %add3A_1463 : vector<16xf32>
        %mul3A_1465 = arith.mulf %get3A_1383, %exp3A_1464 : vector<16xf32>
        %swap3A_1466 = arith.index_cast %add3A_1379 : i32 to index
        %swap3A_1467 = arith.constant 0 : index
        %swap3A_1468 = tpu.vector_load %arg21[%swap3A_1466, %swap3A_1467] {strides = array<i32>} : memref<128x48xf32, #tpu.memory_space<vmem>>, vector<1x16xf32>,
        %swap3A_1469 = vector.shape_cast %swap3A_1468 : vector<1x16xf32> to vector<16xf32>
        %swap3A_1470 = vector.shape_cast %mul3A_1465 : vector<16xf32> to vector<1x16xf32>
        tpu.vector_store %arg21[%swap3A_1466, %swap3A_1467], %swap3A_1470 {strides = array<i32>} : memref<128x48xf32, #tpu.memory_space<vmem>>, vector<1x16xf32>,
        %mul3A_1471 = arith.mulf %get3A_1387, %exp3A_1464 : vector<16xf32>
        %swap3A_1472 = arith.index_cast %add3A_1379 : i32 to index
        %swap3A_1473 = arith.constant 16 : index
        %swap3A_1474 = tpu.vector_load %arg21[%swap3A_1472, %swap3A_1473] {strides = array<i32>} : memref<128x48xf32, #tpu.memory_space<vmem>>, vector<1x16xf32>,
        %swap3A_1475 = vector.shape_cast %swap3A_1474 : vector<1x16xf32> to vector<16xf32>
        %swap3A_1476 = vector.shape_cast %mul3A_1471 : vector<16xf32> to vector<1x16xf32>
        tpu.vector_store %arg21[%swap3A_1472, %swap3A_1473], %swap3A_1476 {strides = array<i32>} : memref<128x48xf32, #tpu.memory_space<vmem>>, vector<1x16xf32>,
        %jit3A_1477 = arith.constant 0.000000e+00 : f32
        %broadcast_in_dim3A_1478 = vector.broadcast %jit3A_1477 : f32 to vector<16xf32>
        %select_n3A_1479 = arith.select %eq3A_17, %exp3A_1464, %broadcast_in_dim3A_1478 : vector<16xi1>, vector<16xf32>
        %swap3A_1480 = arith.index_cast %add3A_1379 : i32 to index
        %swap3A_1481 = arith.constant 32 : index
        %swap3A_1482 = tpu.vector_load %arg21[%swap3A_1480, %swap3A_1481] {strides = array<i32>} : memref<128x48xf32, #tpu.memory_space<vmem>>, vector<1x16xf32>,
        %swap3A_1483 = vector.shape_cast %swap3A_1482 : vector<1x16xf32> to vector<16xf32>
        %swap3A_1484 = vector.shape_cast %select_n3A_1479 : vector<16xf32> to vector<1x16xf32>
        tpu.vector_store %arg21[%swap3A_1480, %swap3A_1481], %swap3A_1484 {strides = array<i32>} : memref<128x48xf32, #tpu.memory_space<vmem>>, vector<1x16xf32>,
        %mul3A_1485 = arith.constant 16 : i32
        %mul3A_1486 = arith.muli %scan3A_72, %mul3A_1485 : i32
        %add3A_1487 = arith.constant 13 : i32
        %add3A_1488 = arith.addi %mul3A_1486, %add3A_1487 : i32
        %get3A_1489 = arith.index_cast %add3A_1488 : i32 to index
        %get3A_1490 = arith.constant 0 : index
        %get3A_1491 = tpu.vector_load %arg14[%get3A_1489, %get3A_1490] {strides = array<i32>} : memref<128x32xf32, #tpu.memory_space<vmem>>, vector<1x16xf32>,
        %get3A_1492 = vector.shape_cast %get3A_1491 : vector<1x16xf32> to vector<16xf32>
        %get3A_1493 = arith.index_cast %add3A_1488 : i32 to index
        %get3A_1494 = arith.constant 16 : index
        %get3A_1495 = tpu.vector_load %arg14[%get3A_1493, %get3A_1494] {strides = array<i32>} : memref<128x32xf32, #tpu.memory_space<vmem>>, vector<1x16xf32>,
        %get3A_1496 = vector.shape_cast %get3A_1495 : vector<1x16xf32> to vector<16xf32>
        %get3A_1497 = arith.index_cast %add3A_1488 : i32 to index
        %get3A_1498 = arith.constant 0 : index
        %get3A_1499 = tpu.vector_load %arg15[%get3A_1497, %get3A_1498] {strides = array<i32>} : memref<128x32xf32, #tpu.memory_space<vmem>>, vector<1x16xf32>,
        %get3A_1500 = vector.shape_cast %get3A_1499 : vector<1x16xf32> to vector<16xf32>
        %get3A_1501 = arith.index_cast %add3A_1488 : i32 to index
        %get3A_1502 = arith.constant 16 : index
        %get3A_1503 = tpu.vector_load %arg15[%get3A_1501, %get3A_1502] {strides = array<i32>} : memref<128x32xf32, #tpu.memory_space<vmem>>, vector<1x16xf32>,
        %get3A_1504 = vector.shape_cast %get3A_1503 : vector<1x16xf32> to vector<16xf32>
        %slice3A_1505 = vector.extract_strided_slice %get3A_77 {offsets = [13], sizes = [1], strides = [1]} : vector<16xf32> to vector<1xf32>
        %squeeze3A_1506 = vector.extract %slice3A_1505[0] : f32 from vector<1xf32>
        %add3A_1507 = arith.addf %get3A_1492, %get3A_1500 : vector<16xf32>
        %mul3A_1508 = vector.broadcast %squeeze3A_1506 : f32 to vector<16xf32>
        %mul3A_1509 = arith.mulf %mul3A_1508, %get3A_6 : vector<16xf32>
        %add3A_1510 = arith.addf %add3A_1507, %mul3A_1509 : vector<16xf32>
        %add3A_1511 = arith.addf %get3A_1496, %get3A_1504 : vector<16xf32>
        %mul3A_1512 = vector.broadcast %squeeze3A_1506 : f32 to vector<16xf32>
        %mul3A_1513 = arith.mulf %mul3A_1512, %get3A_9 : vector<16xf32>
        %add3A_1514 = arith.addf %add3A_1511, %mul3A_1513 : vector<16xf32>
        %ge3A_1515 = arith.constant 0.000000e+00 : f32
        %ge3A_1516 = vector.broadcast %ge3A_1515 : f32 to vector<16xf32>
        %ge3A_1517 = arith.cmpf oge, %add3A_1510, %ge3A_1516 : vector<16xf32>
        %mul3A_1518 = arith.constant 2.000000e-01 : f32
        %mul3A_1519 = vector.broadcast %mul3A_1518 : f32 to vector<16xf32>
        %mul3A_1520 = arith.mulf %add3A_1510, %mul3A_1519 : vector<16xf32>
        %select_n3A_1521 = arith.select %ge3A_1517, %add3A_1510, %mul3A_1520 : vector<16xi1>, vector<16xf32>
        %ge3A_1522 = arith.constant 0.000000e+00 : f32
        %ge3A_1523 = vector.broadcast %ge3A_1522 : f32 to vector<16xf32>
        %ge3A_1524 = arith.cmpf oge, %add3A_1514, %ge3A_1523 : vector<16xf32>
        %mul3A_1525 = arith.constant 2.000000e-01 : f32
        %mul3A_1526 = vector.broadcast %mul3A_1525 : f32 to vector<16xf32>
        %mul3A_1527 = arith.mulf %add3A_1514, %mul3A_1526 : vector<16xf32>
        %select_n3A_1528 = arith.select %ge3A_1524, %add3A_1514, %mul3A_1527 : vector<16xi1>, vector<16xf32>
        %mul3A_1529 = arith.mulf %select_n3A_1521, %get3A_12 : vector<16xf32>
        %mul3A_1530 = arith.mulf %select_n3A_1528, %get3A_15 : vector<16xf32>
        %add3A_1531 = arith.addf %mul3A_1529, %mul3A_1530 : vector<16xf32>
        %iota3A_1532 = tpu.iota {dimensions = array<i32: 0>} : vector<16xi32>
        %add3A_1533 = arith.constant 8 : i32
        %add3A_1534 = vector.broadcast %add3A_1533 : i32 to vector<16xi32>
        %add3A_1535 = arith.addi %iota3A_1532, %add3A_1534 : vector<16xi32>
        %and3A_1536 = arith.constant 15 : i32
        %and3A_1537 = vector.broadcast %and3A_1536 : i32 to vector<16xi32>
        %and3A_1538 = arith.andi %add3A_1535, %and3A_1537 : vector<16xi32>
        %broadcast_in_dim3A_1539 = vector.shape_cast %and3A_1538 : vector<16xi32> to vector<16x1xi32>
        %gather3A_1540 = vector.shape_cast %broadcast_in_dim3A_1539 : vector<16x1xi32> to vector<16xi32>
        %gather3A_1541 = tpu.dynamic_gather %add3A_1531[%gather3A_1540] in [0] : vector<16xf32>, vector<16xi32> -> vector<16xf32>
        %add3A_1542 = arith.addf %add3A_1531, %gather3A_1541 : vector<16xf32>
        %add3A_1543 = arith.constant 4 : i32
        %add3A_1544 = vector.broadcast %add3A_1543 : i32 to vector<16xi32>
        %add3A_1545 = arith.addi %iota3A_1532, %add3A_1544 : vector<16xi32>
        %and3A_1546 = arith.constant 15 : i32
        %and3A_1547 = vector.broadcast %and3A_1546 : i32 to vector<16xi32>
        %and3A_1548 = arith.andi %add3A_1545, %and3A_1547 : vector<16xi32>
        %broadcast_in_dim3A_1549 = vector.shape_cast %and3A_1548 : vector<16xi32> to vector<16x1xi32>
        %gather3A_1550 = vector.shape_cast %broadcast_in_dim3A_1549 : vector<16x1xi32> to vector<16xi32>
        %gather3A_1551 = tpu.dynamic_gather %add3A_1542[%gather3A_1550] in [0] : vector<16xf32>, vector<16xi32> -> vector<16xf32>
        %add3A_1552 = arith.addf %add3A_1542, %gather3A_1551 : vector<16xf32>
        %add3A_1553 = arith.constant 2 : i32
        %add3A_1554 = vector.broadcast %add3A_1553 : i32 to vector<16xi32>
        %add3A_1555 = arith.addi %iota3A_1532, %add3A_1554 : vector<16xi32>
        %and3A_1556 = arith.constant 15 : i32
        %and3A_1557 = vector.broadcast %and3A_1556 : i32 to vector<16xi32>
        %and3A_1558 = arith.andi %add3A_1555, %and3A_1557 : vector<16xi32>
        %broadcast_in_dim3A_1559 = vector.shape_cast %and3A_1558 : vector<16xi32> to vector<16x1xi32>
        %gather3A_1560 = vector.shape_cast %broadcast_in_dim3A_1559 : vector<16x1xi32> to vector<16xi32>
        %gather3A_1561 = tpu.dynamic_gather %add3A_1552[%gather3A_1560] in [0] : vector<16xf32>, vector<16xi32> -> vector<16xf32>
        %add3A_1562 = arith.addf %add3A_1552, %gather3A_1561 : vector<16xf32>
        %add3A_1563 = arith.constant 1 : i32
        %add3A_1564 = vector.broadcast %add3A_1563 : i32 to vector<16xi32>
        %add3A_1565 = arith.addi %iota3A_1532, %add3A_1564 : vector<16xi32>
        %and3A_1566 = arith.constant 15 : i32
        %and3A_1567 = vector.broadcast %and3A_1566 : i32 to vector<16xi32>
        %and3A_1568 = arith.andi %add3A_1565, %and3A_1567 : vector<16xi32>
        %broadcast_in_dim3A_1569 = vector.shape_cast %and3A_1568 : vector<16xi32> to vector<16x1xi32>
        %gather3A_1570 = vector.shape_cast %broadcast_in_dim3A_1569 : vector<16x1xi32> to vector<16xi32>
        %gather3A_1571 = tpu.dynamic_gather %add3A_1562[%gather3A_1570] in [0] : vector<16xf32>, vector<16xi32> -> vector<16xf32>
        %add3A_1572 = arith.addf %add3A_1562, %gather3A_1571 : vector<16xf32>
        %exp3A_1573 = math.exp %add3A_1572 : vector<16xf32>
        %mul3A_1574 = arith.mulf %get3A_1492, %exp3A_1573 : vector<16xf32>
        %swap3A_1575 = arith.index_cast %add3A_1488 : i32 to index
        %swap3A_1576 = arith.constant 0 : index
        %swap3A_1577 = tpu.vector_load %arg21[%swap3A_1575, %swap3A_1576] {strides = array<i32>} : memref<128x48xf32, #tpu.memory_space<vmem>>, vector<1x16xf32>,
        %swap3A_1578 = vector.shape_cast %swap3A_1577 : vector<1x16xf32> to vector<16xf32>
        %swap3A_1579 = vector.shape_cast %mul3A_1574 : vector<16xf32> to vector<1x16xf32>
        tpu.vector_store %arg21[%swap3A_1575, %swap3A_1576], %swap3A_1579 {strides = array<i32>} : memref<128x48xf32, #tpu.memory_space<vmem>>, vector<1x16xf32>,
        %mul3A_1580 = arith.mulf %get3A_1496, %exp3A_1573 : vector<16xf32>
        %swap3A_1581 = arith.index_cast %add3A_1488 : i32 to index
        %swap3A_1582 = arith.constant 16 : index
        %swap3A_1583 = tpu.vector_load %arg21[%swap3A_1581, %swap3A_1582] {strides = array<i32>} : memref<128x48xf32, #tpu.memory_space<vmem>>, vector<1x16xf32>,
        %swap3A_1584 = vector.shape_cast %swap3A_1583 : vector<1x16xf32> to vector<16xf32>
        %swap3A_1585 = vector.shape_cast %mul3A_1580 : vector<16xf32> to vector<1x16xf32>
        tpu.vector_store %arg21[%swap3A_1581, %swap3A_1582], %swap3A_1585 {strides = array<i32>} : memref<128x48xf32, #tpu.memory_space<vmem>>, vector<1x16xf32>,
        %jit3A_1586 = arith.constant 0.000000e+00 : f32
        %broadcast_in_dim3A_1587 = vector.broadcast %jit3A_1586 : f32 to vector<16xf32>
        %select_n3A_1588 = arith.select %eq3A_17, %exp3A_1573, %broadcast_in_dim3A_1587 : vector<16xi1>, vector<16xf32>
        %swap3A_1589 = arith.index_cast %add3A_1488 : i32 to index
        %swap3A_1590 = arith.constant 32 : index
        %swap3A_1591 = tpu.vector_load %arg21[%swap3A_1589, %swap3A_1590] {strides = array<i32>} : memref<128x48xf32, #tpu.memory_space<vmem>>, vector<1x16xf32>,
        %swap3A_1592 = vector.shape_cast %swap3A_1591 : vector<1x16xf32> to vector<16xf32>
        %swap3A_1593 = vector.shape_cast %select_n3A_1588 : vector<16xf32> to vector<1x16xf32>
        tpu.vector_store %arg21[%swap3A_1589, %swap3A_1590], %swap3A_1593 {strides = array<i32>} : memref<128x48xf32, #tpu.memory_space<vmem>>, vector<1x16xf32>,
        %mul3A_1594 = arith.constant 16 : i32
        %mul3A_1595 = arith.muli %scan3A_72, %mul3A_1594 : i32
        %add3A_1596 = arith.constant 14 : i32
        %add3A_1597 = arith.addi %mul3A_1595, %add3A_1596 : i32
        %get3A_1598 = arith.index_cast %add3A_1597 : i32 to index
        %get3A_1599 = arith.constant 0 : index
        %get3A_1600 = tpu.vector_load %arg14[%get3A_1598, %get3A_1599] {strides = array<i32>} : memref<128x32xf32, #tpu.memory_space<vmem>>, vector<1x16xf32>,
        %get3A_1601 = vector.shape_cast %get3A_1600 : vector<1x16xf32> to vector<16xf32>
        %get3A_1602 = arith.index_cast %add3A_1597 : i32 to index
        %get3A_1603 = arith.constant 16 : index
        %get3A_1604 = tpu.vector_load %arg14[%get3A_1602, %get3A_1603] {strides = array<i32>} : memref<128x32xf32, #tpu.memory_space<vmem>>, vector<1x16xf32>,
        %get3A_1605 = vector.shape_cast %get3A_1604 : vector<1x16xf32> to vector<16xf32>
        %get3A_1606 = arith.index_cast %add3A_1597 : i32 to index
        %get3A_1607 = arith.constant 0 : index
        %get3A_1608 = tpu.vector_load %arg15[%get3A_1606, %get3A_1607] {strides = array<i32>} : memref<128x32xf32, #tpu.memory_space<vmem>>, vector<1x16xf32>,
        %get3A_1609 = vector.shape_cast %get3A_1608 : vector<1x16xf32> to vector<16xf32>
        %get3A_1610 = arith.index_cast %add3A_1597 : i32 to index
        %get3A_1611 = arith.constant 16 : index
        %get3A_1612 = tpu.vector_load %arg15[%get3A_1610, %get3A_1611] {strides = array<i32>} : memref<128x32xf32, #tpu.memory_space<vmem>>, vector<1x16xf32>,
        %get3A_1613 = vector.shape_cast %get3A_1612 : vector<1x16xf32> to vector<16xf32>
        %slice3A_1614 = vector.extract_strided_slice %get3A_77 {offsets = [14], sizes = [1], strides = [1]} : vector<16xf32> to vector<1xf32>
        %squeeze3A_1615 = vector.extract %slice3A_1614[0] : f32 from vector<1xf32>
        %add3A_1616 = arith.addf %get3A_1601, %get3A_1609 : vector<16xf32>
        %mul3A_1617 = vector.broadcast %squeeze3A_1615 : f32 to vector<16xf32>
        %mul3A_1618 = arith.mulf %mul3A_1617, %get3A_6 : vector<16xf32>
        %add3A_1619 = arith.addf %add3A_1616, %mul3A_1618 : vector<16xf32>
        %add3A_1620 = arith.addf %get3A_1605, %get3A_1613 : vector<16xf32>
        %mul3A_1621 = vector.broadcast %squeeze3A_1615 : f32 to vector<16xf32>
        %mul3A_1622 = arith.mulf %mul3A_1621, %get3A_9 : vector<16xf32>
        %add3A_1623 = arith.addf %add3A_1620, %mul3A_1622 : vector<16xf32>
        %ge3A_1624 = arith.constant 0.000000e+00 : f32
        %ge3A_1625 = vector.broadcast %ge3A_1624 : f32 to vector<16xf32>
        %ge3A_1626 = arith.cmpf oge, %add3A_1619, %ge3A_1625 : vector<16xf32>
        %mul3A_1627 = arith.constant 2.000000e-01 : f32
        %mul3A_1628 = vector.broadcast %mul3A_1627 : f32 to vector<16xf32>
        %mul3A_1629 = arith.mulf %add3A_1619, %mul3A_1628 : vector<16xf32>
        %select_n3A_1630 = arith.select %ge3A_1626, %add3A_1619, %mul3A_1629 : vector<16xi1>, vector<16xf32>
        %ge3A_1631 = arith.constant 0.000000e+00 : f32
        %ge3A_1632 = vector.broadcast %ge3A_1631 : f32 to vector<16xf32>
        %ge3A_1633 = arith.cmpf oge, %add3A_1623, %ge3A_1632 : vector<16xf32>
        %mul3A_1634 = arith.constant 2.000000e-01 : f32
        %mul3A_1635 = vector.broadcast %mul3A_1634 : f32 to vector<16xf32>
        %mul3A_1636 = arith.mulf %add3A_1623, %mul3A_1635 : vector<16xf32>
        %select_n3A_1637 = arith.select %ge3A_1633, %add3A_1623, %mul3A_1636 : vector<16xi1>, vector<16xf32>
        %mul3A_1638 = arith.mulf %select_n3A_1630, %get3A_12 : vector<16xf32>
        %mul3A_1639 = arith.mulf %select_n3A_1637, %get3A_15 : vector<16xf32>
        %add3A_1640 = arith.addf %mul3A_1638, %mul3A_1639 : vector<16xf32>
        %iota3A_1641 = tpu.iota {dimensions = array<i32: 0>} : vector<16xi32>
        %add3A_1642 = arith.constant 8 : i32
        %add3A_1643 = vector.broadcast %add3A_1642 : i32 to vector<16xi32>
        %add3A_1644 = arith.addi %iota3A_1641, %add3A_1643 : vector<16xi32>
        %and3A_1645 = arith.constant 15 : i32
        %and3A_1646 = vector.broadcast %and3A_1645 : i32 to vector<16xi32>
        %and3A_1647 = arith.andi %add3A_1644, %and3A_1646 : vector<16xi32>
        %broadcast_in_dim3A_1648 = vector.shape_cast %and3A_1647 : vector<16xi32> to vector<16x1xi32>
        %gather3A_1649 = vector.shape_cast %broadcast_in_dim3A_1648 : vector<16x1xi32> to vector<16xi32>
        %gather3A_1650 = tpu.dynamic_gather %add3A_1640[%gather3A_1649] in [0] : vector<16xf32>, vector<16xi32> -> vector<16xf32>
        %add3A_1651 = arith.addf %add3A_1640, %gather3A_1650 : vector<16xf32>
        %add3A_1652 = arith.constant 4 : i32
        %add3A_1653 = vector.broadcast %add3A_1652 : i32 to vector<16xi32>
        %add3A_1654 = arith.addi %iota3A_1641, %add3A_1653 : vector<16xi32>
        %and3A_1655 = arith.constant 15 : i32
        %and3A_1656 = vector.broadcast %and3A_1655 : i32 to vector<16xi32>
        %and3A_1657 = arith.andi %add3A_1654, %and3A_1656 : vector<16xi32>
        %broadcast_in_dim3A_1658 = vector.shape_cast %and3A_1657 : vector<16xi32> to vector<16x1xi32>
        %gather3A_1659 = vector.shape_cast %broadcast_in_dim3A_1658 : vector<16x1xi32> to vector<16xi32>
        %gather3A_1660 = tpu.dynamic_gather %add3A_1651[%gather3A_1659] in [0] : vector<16xf32>, vector<16xi32> -> vector<16xf32>
        %add3A_1661 = arith.addf %add3A_1651, %gather3A_1660 : vector<16xf32>
        %add3A_1662 = arith.constant 2 : i32
        %add3A_1663 = vector.broadcast %add3A_1662 : i32 to vector<16xi32>
        %add3A_1664 = arith.addi %iota3A_1641, %add3A_1663 : vector<16xi32>
        %and3A_1665 = arith.constant 15 : i32
        %and3A_1666 = vector.broadcast %and3A_1665 : i32 to vector<16xi32>
        %and3A_1667 = arith.andi %add3A_1664, %and3A_1666 : vector<16xi32>
        %broadcast_in_dim3A_1668 = vector.shape_cast %and3A_1667 : vector<16xi32> to vector<16x1xi32>
        %gather3A_1669 = vector.shape_cast %broadcast_in_dim3A_1668 : vector<16x1xi32> to vector<16xi32>
        %gather3A_1670 = tpu.dynamic_gather %add3A_1661[%gather3A_1669] in [0] : vector<16xf32>, vector<16xi32> -> vector<16xf32>
        %add3A_1671 = arith.addf %add3A_1661, %gather3A_1670 : vector<16xf32>
        %add3A_1672 = arith.constant 1 : i32
        %add3A_1673 = vector.broadcast %add3A_1672 : i32 to vector<16xi32>
        %add3A_1674 = arith.addi %iota3A_1641, %add3A_1673 : vector<16xi32>
        %and3A_1675 = arith.constant 15 : i32
        %and3A_1676 = vector.broadcast %and3A_1675 : i32 to vector<16xi32>
        %and3A_1677 = arith.andi %add3A_1674, %and3A_1676 : vector<16xi32>
        %broadcast_in_dim3A_1678 = vector.shape_cast %and3A_1677 : vector<16xi32> to vector<16x1xi32>
        %gather3A_1679 = vector.shape_cast %broadcast_in_dim3A_1678 : vector<16x1xi32> to vector<16xi32>
        %gather3A_1680 = tpu.dynamic_gather %add3A_1671[%gather3A_1679] in [0] : vector<16xf32>, vector<16xi32> -> vector<16xf32>
        %add3A_1681 = arith.addf %add3A_1671, %gather3A_1680 : vector<16xf32>
        %exp3A_1682 = math.exp %add3A_1681 : vector<16xf32>
        %mul3A_1683 = arith.mulf %get3A_1601, %exp3A_1682 : vector<16xf32>
        %swap3A_1684 = arith.index_cast %add3A_1597 : i32 to index
        %swap3A_1685 = arith.constant 0 : index
        %swap3A_1686 = tpu.vector_load %arg21[%swap3A_1684, %swap3A_1685] {strides = array<i32>} : memref<128x48xf32, #tpu.memory_space<vmem>>, vector<1x16xf32>,
        %swap3A_1687 = vector.shape_cast %swap3A_1686 : vector<1x16xf32> to vector<16xf32>
        %swap3A_1688 = vector.shape_cast %mul3A_1683 : vector<16xf32> to vector<1x16xf32>
        tpu.vector_store %arg21[%swap3A_1684, %swap3A_1685], %swap3A_1688 {strides = array<i32>} : memref<128x48xf32, #tpu.memory_space<vmem>>, vector<1x16xf32>,
        %mul3A_1689 = arith.mulf %get3A_1605, %exp3A_1682 : vector<16xf32>
        %swap3A_1690 = arith.index_cast %add3A_1597 : i32 to index
        %swap3A_1691 = arith.constant 16 : index
        %swap3A_1692 = tpu.vector_load %arg21[%swap3A_1690, %swap3A_1691] {strides = array<i32>} : memref<128x48xf32, #tpu.memory_space<vmem>>, vector<1x16xf32>,
        %swap3A_1693 = vector.shape_cast %swap3A_1692 : vector<1x16xf32> to vector<16xf32>
        %swap3A_1694 = vector.shape_cast %mul3A_1689 : vector<16xf32> to vector<1x16xf32>
        tpu.vector_store %arg21[%swap3A_1690, %swap3A_1691], %swap3A_1694 {strides = array<i32>} : memref<128x48xf32, #tpu.memory_space<vmem>>, vector<1x16xf32>,
        %jit3A_1695 = arith.constant 0.000000e+00 : f32
        %broadcast_in_dim3A_1696 = vector.broadcast %jit3A_1695 : f32 to vector<16xf32>
        %select_n3A_1697 = arith.select %eq3A_17, %exp3A_1682, %broadcast_in_dim3A_1696 : vector<16xi1>, vector<16xf32>
        %swap3A_1698 = arith.index_cast %add3A_1597 : i32 to index
        %swap3A_1699 = arith.constant 32 : index
        %swap3A_1700 = tpu.vector_load %arg21[%swap3A_1698, %swap3A_1699] {strides = array<i32>} : memref<128x48xf32, #tpu.memory_space<vmem>>, vector<1x16xf32>,
        %swap3A_1701 = vector.shape_cast %swap3A_1700 : vector<1x16xf32> to vector<16xf32>
        %swap3A_1702 = vector.shape_cast %select_n3A_1697 : vector<16xf32> to vector<1x16xf32>
        tpu.vector_store %arg21[%swap3A_1698, %swap3A_1699], %swap3A_1702 {strides = array<i32>} : memref<128x48xf32, #tpu.memory_space<vmem>>, vector<1x16xf32>,
        %mul3A_1703 = arith.constant 16 : i32
        %mul3A_1704 = arith.muli %scan3A_72, %mul3A_1703 : i32
        %add3A_1705 = arith.constant 15 : i32
        %add3A_1706 = arith.addi %mul3A_1704, %add3A_1705 : i32
        %get3A_1707 = arith.index_cast %add3A_1706 : i32 to index
        %get3A_1708 = arith.constant 0 : index
        %get3A_1709 = tpu.vector_load %arg14[%get3A_1707, %get3A_1708] {strides = array<i32>} : memref<128x32xf32, #tpu.memory_space<vmem>>, vector<1x16xf32>,
        %get3A_1710 = vector.shape_cast %get3A_1709 : vector<1x16xf32> to vector<16xf32>
        %get3A_1711 = arith.index_cast %add3A_1706 : i32 to index
        %get3A_1712 = arith.constant 16 : index
        %get3A_1713 = tpu.vector_load %arg14[%get3A_1711, %get3A_1712] {strides = array<i32>} : memref<128x32xf32, #tpu.memory_space<vmem>>, vector<1x16xf32>,
        %get3A_1714 = vector.shape_cast %get3A_1713 : vector<1x16xf32> to vector<16xf32>
        %get3A_1715 = arith.index_cast %add3A_1706 : i32 to index
        %get3A_1716 = arith.constant 0 : index
        %get3A_1717 = tpu.vector_load %arg15[%get3A_1715, %get3A_1716] {strides = array<i32>} : memref<128x32xf32, #tpu.memory_space<vmem>>, vector<1x16xf32>,
        %get3A_1718 = vector.shape_cast %get3A_1717 : vector<1x16xf32> to vector<16xf32>
        %get3A_1719 = arith.index_cast %add3A_1706 : i32 to index
        %get3A_1720 = arith.constant 16 : index
        %get3A_1721 = tpu.vector_load %arg15[%get3A_1719, %get3A_1720] {strides = array<i32>} : memref<128x32xf32, #tpu.memory_space<vmem>>, vector<1x16xf32>,
        %get3A_1722 = vector.shape_cast %get3A_1721 : vector<1x16xf32> to vector<16xf32>
        %slice3A_1723 = vector.extract_strided_slice %get3A_77 {offsets = [15], sizes = [1], strides = [1]} : vector<16xf32> to vector<1xf32>
        %squeeze3A_1724 = vector.extract %slice3A_1723[0] : f32 from vector<1xf32>
        %add3A_1725 = arith.addf %get3A_1710, %get3A_1718 : vector<16xf32>
        %mul3A_1726 = vector.broadcast %squeeze3A_1724 : f32 to vector<16xf32>
        %mul3A_1727 = arith.mulf %mul3A_1726, %get3A_6 : vector<16xf32>
        %add3A_1728 = arith.addf %add3A_1725, %mul3A_1727 : vector<16xf32>
        %add3A_1729 = arith.addf %get3A_1714, %get3A_1722 : vector<16xf32>
        %mul3A_1730 = vector.broadcast %squeeze3A_1724 : f32 to vector<16xf32>
        %mul3A_1731 = arith.mulf %mul3A_1730, %get3A_9 : vector<16xf32>
        %add3A_1732 = arith.addf %add3A_1729, %mul3A_1731 : vector<16xf32>
        %ge3A_1733 = arith.constant 0.000000e+00 : f32
        %ge3A_1734 = vector.broadcast %ge3A_1733 : f32 to vector<16xf32>
        %ge3A_1735 = arith.cmpf oge, %add3A_1728, %ge3A_1734 : vector<16xf32>
        %mul3A_1736 = arith.constant 2.000000e-01 : f32
        %mul3A_1737 = vector.broadcast %mul3A_1736 : f32 to vector<16xf32>
        %mul3A_1738 = arith.mulf %add3A_1728, %mul3A_1737 : vector<16xf32>
        %select_n3A_1739 = arith.select %ge3A_1735, %add3A_1728, %mul3A_1738 : vector<16xi1>, vector<16xf32>
        %ge3A_1740 = arith.constant 0.000000e+00 : f32
        %ge3A_1741 = vector.broadcast %ge3A_1740 : f32 to vector<16xf32>
        %ge3A_1742 = arith.cmpf oge, %add3A_1732, %ge3A_1741 : vector<16xf32>
        %mul3A_1743 = arith.constant 2.000000e-01 : f32
        %mul3A_1744 = vector.broadcast %mul3A_1743 : f32 to vector<16xf32>
        %mul3A_1745 = arith.mulf %add3A_1732, %mul3A_1744 : vector<16xf32>
        %select_n3A_1746 = arith.select %ge3A_1742, %add3A_1732, %mul3A_1745 : vector<16xi1>, vector<16xf32>
        %mul3A_1747 = arith.mulf %select_n3A_1739, %get3A_12 : vector<16xf32>
        %mul3A_1748 = arith.mulf %select_n3A_1746, %get3A_15 : vector<16xf32>
        %add3A_1749 = arith.addf %mul3A_1747, %mul3A_1748 : vector<16xf32>
        %iota3A_1750 = tpu.iota {dimensions = array<i32: 0>} : vector<16xi32>
        %add3A_1751 = arith.constant 8 : i32
        %add3A_1752 = vector.broadcast %add3A_1751 : i32 to vector<16xi32>
        %add3A_1753 = arith.addi %iota3A_1750, %add3A_1752 : vector<16xi32>
        %and3A_1754 = arith.constant 15 : i32
        %and3A_1755 = vector.broadcast %and3A_1754 : i32 to vector<16xi32>
        %and3A_1756 = arith.andi %add3A_1753, %and3A_1755 : vector<16xi32>
        %broadcast_in_dim3A_1757 = vector.shape_cast %and3A_1756 : vector<16xi32> to vector<16x1xi32>
        %gather3A_1758 = vector.shape_cast %broadcast_in_dim3A_1757 : vector<16x1xi32> to vector<16xi32>
        %gather3A_1759 = tpu.dynamic_gather %add3A_1749[%gather3A_1758] in [0] : vector<16xf32>, vector<16xi32> -> vector<16xf32>
        %add3A_1760 = arith.addf %add3A_1749, %gather3A_1759 : vector<16xf32>
        %add3A_1761 = arith.constant 4 : i32
        %add3A_1762 = vector.broadcast %add3A_1761 : i32 to vector<16xi32>
        %add3A_1763 = arith.addi %iota3A_1750, %add3A_1762 : vector<16xi32>
        %and3A_1764 = arith.constant 15 : i32
        %and3A_1765 = vector.broadcast %and3A_1764 : i32 to vector<16xi32>
        %and3A_1766 = arith.andi %add3A_1763, %and3A_1765 : vector<16xi32>
        %broadcast_in_dim3A_1767 = vector.shape_cast %and3A_1766 : vector<16xi32> to vector<16x1xi32>
        %gather3A_1768 = vector.shape_cast %broadcast_in_dim3A_1767 : vector<16x1xi32> to vector<16xi32>
        %gather3A_1769 = tpu.dynamic_gather %add3A_1760[%gather3A_1768] in [0] : vector<16xf32>, vector<16xi32> -> vector<16xf32>
        %add3A_1770 = arith.addf %add3A_1760, %gather3A_1769 : vector<16xf32>
        %add3A_1771 = arith.constant 2 : i32
        %add3A_1772 = vector.broadcast %add3A_1771 : i32 to vector<16xi32>
        %add3A_1773 = arith.addi %iota3A_1750, %add3A_1772 : vector<16xi32>
        %and3A_1774 = arith.constant 15 : i32
        %and3A_1775 = vector.broadcast %and3A_1774 : i32 to vector<16xi32>
        %and3A_1776 = arith.andi %add3A_1773, %and3A_1775 : vector<16xi32>
        %broadcast_in_dim3A_1777 = vector.shape_cast %and3A_1776 : vector<16xi32> to vector<16x1xi32>
        %gather3A_1778 = vector.shape_cast %broadcast_in_dim3A_1777 : vector<16x1xi32> to vector<16xi32>
        %gather3A_1779 = tpu.dynamic_gather %add3A_1770[%gather3A_1778] in [0] : vector<16xf32>, vector<16xi32> -> vector<16xf32>
        %add3A_1780 = arith.addf %add3A_1770, %gather3A_1779 : vector<16xf32>
        %add3A_1781 = arith.constant 1 : i32
        %add3A_1782 = vector.broadcast %add3A_1781 : i32 to vector<16xi32>
        %add3A_1783 = arith.addi %iota3A_1750, %add3A_1782 : vector<16xi32>
        %and3A_1784 = arith.constant 15 : i32
        %and3A_1785 = vector.broadcast %and3A_1784 : i32 to vector<16xi32>
        %and3A_1786 = arith.andi %add3A_1783, %and3A_1785 : vector<16xi32>
        %broadcast_in_dim3A_1787 = vector.shape_cast %and3A_1786 : vector<16xi32> to vector<16x1xi32>
        %gather3A_1788 = vector.shape_cast %broadcast_in_dim3A_1787 : vector<16x1xi32> to vector<16xi32>
        %gather3A_1789 = tpu.dynamic_gather %add3A_1780[%gather3A_1788] in [0] : vector<16xf32>, vector<16xi32> -> vector<16xf32>
        %add3A_1790 = arith.addf %add3A_1780, %gather3A_1789 : vector<16xf32>
        %exp3A_1791 = math.exp %add3A_1790 : vector<16xf32>
        %mul3A_1792 = arith.mulf %get3A_1710, %exp3A_1791 : vector<16xf32>
        %swap3A_1793 = arith.index_cast %add3A_1706 : i32 to index
        %swap3A_1794 = arith.constant 0 : index
        %swap3A_1795 = tpu.vector_load %arg21[%swap3A_1793, %swap3A_1794] {strides = array<i32>} : memref<128x48xf32, #tpu.memory_space<vmem>>, vector<1x16xf32>,
        %swap3A_1796 = vector.shape_cast %swap3A_1795 : vector<1x16xf32> to vector<16xf32>
        %swap3A_1797 = vector.shape_cast %mul3A_1792 : vector<16xf32> to vector<1x16xf32>
        tpu.vector_store %arg21[%swap3A_1793, %swap3A_1794], %swap3A_1797 {strides = array<i32>} : memref<128x48xf32, #tpu.memory_space<vmem>>, vector<1x16xf32>,
        %mul3A_1798 = arith.mulf %get3A_1714, %exp3A_1791 : vector<16xf32>
        %swap3A_1799 = arith.index_cast %add3A_1706 : i32 to index
        %swap3A_1800 = arith.constant 16 : index
        %swap3A_1801 = tpu.vector_load %arg21[%swap3A_1799, %swap3A_1800] {strides = array<i32>} : memref<128x48xf32, #tpu.memory_space<vmem>>, vector<1x16xf32>,
        %swap3A_1802 = vector.shape_cast %swap3A_1801 : vector<1x16xf32> to vector<16xf32>
        %swap3A_1803 = vector.shape_cast %mul3A_1798 : vector<16xf32> to vector<1x16xf32>
        tpu.vector_store %arg21[%swap3A_1799, %swap3A_1800], %swap3A_1803 {strides = array<i32>} : memref<128x48xf32, #tpu.memory_space<vmem>>, vector<1x16xf32>,
        %jit3A_1804 = arith.constant 0.000000e+00 : f32
        %broadcast_in_dim3A_1805 = vector.broadcast %jit3A_1804 : f32 to vector<16xf32>
        %select_n3A_1806 = arith.select %eq3A_17, %exp3A_1791, %broadcast_in_dim3A_1805 : vector<16xi1>, vector<16xf32>
        %swap3A_1807 = arith.index_cast %add3A_1706 : i32 to index
        %swap3A_1808 = arith.constant 32 : index
        %swap3A_1809 = tpu.vector_load %arg21[%swap3A_1807, %swap3A_1808] {strides = array<i32>} : memref<128x48xf32, #tpu.memory_space<vmem>>, vector<1x16xf32>,
        %swap3A_1810 = vector.shape_cast %swap3A_1809 : vector<1x16xf32> to vector<16xf32>
        %swap3A_1811 = vector.shape_cast %select_n3A_1806 : vector<16xf32> to vector<1x16xf32>
        tpu.vector_store %arg21[%swap3A_1807, %swap3A_1808], %swap3A_1811 {strides = array<i32>} : memref<128x48xf32, #tpu.memory_space<vmem>>, vector<1x16xf32>,
      }
      %scan3A_57 = arith.constant 8 : i32
      "tpu.region"() ({
        %run_scoped3A = tpu.sem_alloc : memref<!tpu.dma_semaphore, #tpu.memory_space<semaphore_mem>>
        %dma_start3A_72 = arith.constant 0 : i32
        %dma_start3A_73 = arith.constant 0 : i32
        %dma_start3A_74 = tpu.memref_slice %arg24[%dma_start3A_72, %dma_start3A_73] : memref<10112x48xf32, #tpu.memory_space<vmem_shared>> -> memref<10112x48xf32, #tpu.memory_space<vmem_shared>>
        tpu.enqueue_indirect_dma source(%arg21 : memref<128x48xf32, #tpu.memory_space<vmem>>) target(%dma_start3A_74 : memref<10112x48xf32, #tpu.memory_space<vmem_shared>>) offsets(%arg12 : memref<128xi32, #tpu.memory_space<vmem>>) semaphore(%run_scoped3A : memref<!tpu.dma_semaphore, #tpu.memory_space<semaphore_mem>>) {add = true}
        %dma_wait3A_75 = arith.constant 0 : i32
        %dma_wait3A_76 = arith.constant 0 : i32
        %dma_wait3A_77 = tpu.memref_slice %arg24[%dma_wait3A_75, %dma_wait3A_76] : memref<10112x48xf32, #tpu.memory_space<vmem_shared>> -> memref<10112x48xf32, #tpu.memory_space<vmem_shared>>
        tpu.wait_indirect_dma semaphore(%run_scoped3A : memref<!tpu.dma_semaphore, #tpu.memory_space<semaphore_mem>>) src(%arg21 : memref<128x48xf32, #tpu.memory_space<vmem>>) dst(%dma_wait3A_77 : memref<10112x48xf32, #tpu.memory_space<vmem_shared>>)
        tpu.yield
      }) : () -> ()
      %lt3A = arith.constant 40 : i32
      %lt3A_58 = arith.cmpi slt, %scan3A_33, %lt3A : i32
      %convert_element_type3A = arith.extui %lt3A_58 : i1 to i32
      %cond3A = arith.constant 0 : i32
      %cond3A_59 = arith.cmpi ne, %convert_element_type3A, %cond3A : i32
      scf.if %cond3A_59 {
        %add3A_72 = arith.constant 2 : i32
        %add3A_73 = arith.addi %mul3A_35, %add3A_72 : i32
        %mul3A_74 = arith.constant 128 : i32
        %mul3A_75 = arith.muli %add3A_73, %mul3A_74 : i32
        %add3A_76 = arith.addi %mul3A_2, %mul3A_75 : i32
        "tpu.region"() ({
          %run_scoped3A = tpu.sem_alloc : memref<!tpu.dma_semaphore, #tpu.memory_space<semaphore_mem>>
          %dma_start3A_83 = tpu.memref_slice %arg4[%add3A_76] : memref<335872xi32, #tpu.memory_space<hbm>> -> memref<128xi32, #tpu.memory_space<hbm>>
          %dma_start3A_84 = tpu.memref_slice %arg4[%add3A_76] : memref<335872xi32, #tpu.memory_space<hbm>> -> memref<128xi32, #tpu.memory_space<hbm>>
          tpu.enqueue_dma source(%dma_start3A_84 : memref<128xi32, #tpu.memory_space<hbm>>) target(%arg11 : memref<128xi32, #tpu.memory_space<vmem>>) target_semaphore(%run_scoped3A : memref<!tpu.dma_semaphore, #tpu.memory_space<semaphore_mem>>)
          %dma_wait3A_85 = tpu.memref_slice %arg4[%add3A_76] : memref<335872xi32, #tpu.memory_space<hbm>> -> memref<128xi32, #tpu.memory_space<hbm>>
          %dma_wait3A_86 = tpu.memref_slice %arg4[%add3A_76] : memref<335872xi32, #tpu.memory_space<hbm>> -> memref<128xi32, #tpu.memory_space<hbm>>
          tpu.wait_dma2 semaphore(%run_scoped3A : memref<!tpu.dma_semaphore, #tpu.memory_space<semaphore_mem>>) src(%dma_wait3A_86 : memref<128xi32, #tpu.memory_space<hbm>>) dst(%arg11 : memref<128xi32, #tpu.memory_space<vmem>>)
          tpu.yield
        }) : () -> ()
        "tpu.region"() ({
          %run_scoped3A = tpu.sem_alloc : memref<!tpu.dma_semaphore, #tpu.memory_space<semaphore_mem>>
          %dma_start3A_83 = tpu.memref_slice %arg5[%add3A_76] : memref<335872xi32, #tpu.memory_space<hbm>> -> memref<128xi32, #tpu.memory_space<hbm>>
          %dma_start3A_84 = tpu.memref_slice %arg5[%add3A_76] : memref<335872xi32, #tpu.memory_space<hbm>> -> memref<128xi32, #tpu.memory_space<hbm>>
          tpu.enqueue_dma source(%dma_start3A_84 : memref<128xi32, #tpu.memory_space<hbm>>) target(%arg12 : memref<128xi32, #tpu.memory_space<vmem>>) target_semaphore(%run_scoped3A : memref<!tpu.dma_semaphore, #tpu.memory_space<semaphore_mem>>)
          %dma_wait3A_85 = tpu.memref_slice %arg5[%add3A_76] : memref<335872xi32, #tpu.memory_space<hbm>> -> memref<128xi32, #tpu.memory_space<hbm>>
          %dma_wait3A_86 = tpu.memref_slice %arg5[%add3A_76] : memref<335872xi32, #tpu.memory_space<hbm>> -> memref<128xi32, #tpu.memory_space<hbm>>
          tpu.wait_dma2 semaphore(%run_scoped3A : memref<!tpu.dma_semaphore, #tpu.memory_space<semaphore_mem>>) src(%dma_wait3A_86 : memref<128xi32, #tpu.memory_space<hbm>>) dst(%arg12 : memref<128xi32, #tpu.memory_space<vmem>>)
          tpu.yield
        }) : () -> ()
        "tpu.region"() ({
          %run_scoped3A = tpu.sem_alloc : memref<!tpu.dma_semaphore, #tpu.memory_space<semaphore_mem>>
          %dma_start3A_83 = tpu.memref_slice %arg6[%add3A_76] : memref<335872xf32, #tpu.memory_space<hbm>> -> memref<128xf32, #tpu.memory_space<hbm>>
          %dma_start3A_84 = tpu.memref_slice %arg6[%add3A_76] : memref<335872xf32, #tpu.memory_space<hbm>> -> memref<128xf32, #tpu.memory_space<hbm>>
          tpu.enqueue_dma source(%dma_start3A_84 : memref<128xf32, #tpu.memory_space<hbm>>) target(%arg13 : memref<128xf32, #tpu.memory_space<vmem>>) target_semaphore(%run_scoped3A : memref<!tpu.dma_semaphore, #tpu.memory_space<semaphore_mem>>)
          %dma_wait3A_85 = tpu.memref_slice %arg6[%add3A_76] : memref<335872xf32, #tpu.memory_space<hbm>> -> memref<128xf32, #tpu.memory_space<hbm>>
          %dma_wait3A_86 = tpu.memref_slice %arg6[%add3A_76] : memref<335872xf32, #tpu.memory_space<hbm>> -> memref<128xf32, #tpu.memory_space<hbm>>
          tpu.wait_dma2 semaphore(%run_scoped3A : memref<!tpu.dma_semaphore, #tpu.memory_space<semaphore_mem>>) src(%dma_wait3A_86 : memref<128xf32, #tpu.memory_space<hbm>>) dst(%arg13 : memref<128xf32, #tpu.memory_space<vmem>>)
          tpu.yield
        }) : () -> ()
        %dma_start3A_77 = arith.constant 0 : i32
        %dma_start3A_78 = arith.constant 0 : i32
        %dma_start3A_79 = tpu.memref_slice %arg2[%dma_start3A_77, %dma_start3A_78] : memref<10000x32xf32, #tpu.memory_space<hbm>> -> memref<10000x32xf32, #tpu.memory_space<hbm>>
        tpu.enqueue_indirect_dma source(%dma_start3A_79 : memref<10000x32xf32, #tpu.memory_space<hbm>>) target(%arg14 : memref<128x32xf32, #tpu.memory_space<vmem>>) offsets(%arg11 : memref<128xi32, #tpu.memory_space<vmem>>) semaphore(%arg25 : memref<!tpu.dma_semaphore, #tpu.memory_space<semaphore_mem>>)
        %dma_start3A_80 = arith.constant 0 : i32
        %dma_start3A_81 = arith.constant 0 : i32
        %dma_start3A_82 = tpu.memref_slice %arg3[%dma_start3A_80, %dma_start3A_81] : memref<10000x32xf32, #tpu.memory_space<hbm>> -> memref<10000x32xf32, #tpu.memory_space<hbm>>
        tpu.enqueue_indirect_dma source(%dma_start3A_82 : memref<10000x32xf32, #tpu.memory_space<hbm>>) target(%arg15 : memref<128x32xf32, #tpu.memory_space<vmem>>) offsets(%arg12 : memref<128xi32, #tpu.memory_space<vmem>>) semaphore(%arg26 : memref<!tpu.dma_semaphore, #tpu.memory_space<semaphore_mem>>)
      } else {
      }
      %dma_wait3A_60 = arith.constant 0 : i32
      %dma_wait3A_61 = arith.constant 0 : i32
      %dma_wait3A_62 = tpu.memref_slice %arg2[%dma_wait3A_60, %dma_wait3A_61] : memref<10000x32xf32, #tpu.memory_space<hbm>> -> memref<10000x32xf32, #tpu.memory_space<hbm>>
      tpu.wait_indirect_dma semaphore(%arg27 : memref<!tpu.dma_semaphore, #tpu.memory_space<semaphore_mem>>) src(%dma_wait3A_62 : memref<10000x32xf32, #tpu.memory_space<hbm>>) dst(%arg19 : memref<128x32xf32, #tpu.memory_space<vmem>>)
      %dma_wait3A_63 = arith.constant 0 : i32
      %dma_wait3A_64 = arith.constant 0 : i32
      %dma_wait3A_65 = tpu.memref_slice %arg3[%dma_wait3A_63, %dma_wait3A_64] : memref<10000x32xf32, #tpu.memory_space<hbm>> -> memref<10000x32xf32, #tpu.memory_space<hbm>>
      tpu.wait_indirect_dma semaphore(%arg28 : memref<!tpu.dma_semaphore, #tpu.memory_space<semaphore_mem>>) src(%dma_wait3A_65 : memref<10000x32xf32, #tpu.memory_space<hbm>>) dst(%arg20 : memref<128x32xf32, #tpu.memory_space<vmem>>)
      %scan3A_66 = arith.constant 0 : i32
      %scan3A_67 = arith.constant 0 : i32
      %scan3A_68 = arith.constant 8 : i32
      %scan3A_69 = arith.addi %scan3A_67, %scan3A_68 : i32
      %scan3A_70 = arith.constant 1 : i32
      scf.for %scan3A_72 = %scan3A_67 to %scan3A_69 step %scan3A_70  : i32 {
        %mul3A_73 = arith.constant 16 : i32
        %mul3A_74 = arith.muli %scan3A_72, %mul3A_73 : i32
        %get3A_75 = arith.index_cast %mul3A_74 : i32 to index
        %get3A_76 = tpu.vector_load %arg18[%get3A_75] {strides = array<i32>} : memref<128xf32, #tpu.memory_space<vmem>>, vector<16xf32>,
        %get3A_77 = vector.shape_cast %get3A_76 : vector<16xf32> to vector<16xf32>
        %mul3A_78 = arith.constant 16 : i32
        %mul3A_79 = arith.muli %scan3A_72, %mul3A_78 : i32
        %add3A_80 = arith.constant 0 : i32
        %add3A_81 = arith.addi %mul3A_79, %add3A_80 : i32
        %get3A_82 = arith.index_cast %add3A_81 : i32 to index
        %get3A_83 = arith.constant 0 : index
        %get3A_84 = tpu.vector_load %arg19[%get3A_82, %get3A_83] {strides = array<i32>} : memref<128x32xf32, #tpu.memory_space<vmem>>, vector<1x16xf32>,
        %get3A_85 = vector.shape_cast %get3A_84 : vector<1x16xf32> to vector<16xf32>
        %get3A_86 = arith.index_cast %add3A_81 : i32 to index
        %get3A_87 = arith.constant 16 : index
        %get3A_88 = tpu.vector_load %arg19[%get3A_86, %get3A_87] {strides = array<i32>} : memref<128x32xf32, #tpu.memory_space<vmem>>, vector<1x16xf32>,
        %get3A_89 = vector.shape_cast %get3A_88 : vector<1x16xf32> to vector<16xf32>
        %get3A_90 = arith.index_cast %add3A_81 : i32 to index
        %get3A_91 = arith.constant 0 : index
        %get3A_92 = tpu.vector_load %arg20[%get3A_90, %get3A_91] {strides = array<i32>} : memref<128x32xf32, #tpu.memory_space<vmem>>, vector<1x16xf32>,
        %get3A_93 = vector.shape_cast %get3A_92 : vector<1x16xf32> to vector<16xf32>
        %get3A_94 = arith.index_cast %add3A_81 : i32 to index
        %get3A_95 = arith.constant 16 : index
        %get3A_96 = tpu.vector_load %arg20[%get3A_94, %get3A_95] {strides = array<i32>} : memref<128x32xf32, #tpu.memory_space<vmem>>, vector<1x16xf32>,
        %get3A_97 = vector.shape_cast %get3A_96 : vector<1x16xf32> to vector<16xf32>
        %slice3A = vector.extract_strided_slice %get3A_77 {offsets = [0], sizes = [1], strides = [1]} : vector<16xf32> to vector<1xf32>
        %squeeze3A = vector.extract %slice3A[0] : f32 from vector<1xf32>
        %add3A_98 = arith.addf %get3A_85, %get3A_93 : vector<16xf32>
        %mul3A_99 = vector.broadcast %squeeze3A : f32 to vector<16xf32>
        %mul3A_100 = arith.mulf %mul3A_99, %get3A_6 : vector<16xf32>
        %add3A_101 = arith.addf %add3A_98, %mul3A_100 : vector<16xf32>
        %add3A_102 = arith.addf %get3A_89, %get3A_97 : vector<16xf32>
        %mul3A_103 = vector.broadcast %squeeze3A : f32 to vector<16xf32>
        %mul3A_104 = arith.mulf %mul3A_103, %get3A_9 : vector<16xf32>
        %add3A_105 = arith.addf %add3A_102, %mul3A_104 : vector<16xf32>
        %ge3A = arith.constant 0.000000e+00 : f32
        %ge3A_106 = vector.broadcast %ge3A : f32 to vector<16xf32>
        %ge3A_107 = arith.cmpf oge, %add3A_101, %ge3A_106 : vector<16xf32>
        %mul3A_108 = arith.constant 2.000000e-01 : f32
        %mul3A_109 = vector.broadcast %mul3A_108 : f32 to vector<16xf32>
        %mul3A_110 = arith.mulf %add3A_101, %mul3A_109 : vector<16xf32>
        %select_n3A = arith.select %ge3A_107, %add3A_101, %mul3A_110 : vector<16xi1>, vector<16xf32>
        %ge3A_111 = arith.constant 0.000000e+00 : f32
        %ge3A_112 = vector.broadcast %ge3A_111 : f32 to vector<16xf32>
        %ge3A_113 = arith.cmpf oge, %add3A_105, %ge3A_112 : vector<16xf32>
        %mul3A_114 = arith.constant 2.000000e-01 : f32
        %mul3A_115 = vector.broadcast %mul3A_114 : f32 to vector<16xf32>
        %mul3A_116 = arith.mulf %add3A_105, %mul3A_115 : vector<16xf32>
        %select_n3A_117 = arith.select %ge3A_113, %add3A_105, %mul3A_116 : vector<16xi1>, vector<16xf32>
        %mul3A_118 = arith.mulf %select_n3A, %get3A_12 : vector<16xf32>
        %mul3A_119 = arith.mulf %select_n3A_117, %get3A_15 : vector<16xf32>
        %add3A_120 = arith.addf %mul3A_118, %mul3A_119 : vector<16xf32>
        %iota3A_121 = tpu.iota {dimensions = array<i32: 0>} : vector<16xi32>
        %add3A_122 = arith.constant 8 : i32
        %add3A_123 = vector.broadcast %add3A_122 : i32 to vector<16xi32>
        %add3A_124 = arith.addi %iota3A_121, %add3A_123 : vector<16xi32>
        %and3A = arith.constant 15 : i32
        %and3A_125 = vector.broadcast %and3A : i32 to vector<16xi32>
        %and3A_126 = arith.andi %add3A_124, %and3A_125 : vector<16xi32>
        %broadcast_in_dim3A = vector.shape_cast %and3A_126 : vector<16xi32> to vector<16x1xi32>
        %gather3A = vector.shape_cast %broadcast_in_dim3A : vector<16x1xi32> to vector<16xi32>
        %gather3A_127 = tpu.dynamic_gather %add3A_120[%gather3A] in [0] : vector<16xf32>, vector<16xi32> -> vector<16xf32>
        %add3A_128 = arith.addf %add3A_120, %gather3A_127 : vector<16xf32>
        %add3A_129 = arith.constant 4 : i32
        %add3A_130 = vector.broadcast %add3A_129 : i32 to vector<16xi32>
        %add3A_131 = arith.addi %iota3A_121, %add3A_130 : vector<16xi32>
        %and3A_132 = arith.constant 15 : i32
        %and3A_133 = vector.broadcast %and3A_132 : i32 to vector<16xi32>
        %and3A_134 = arith.andi %add3A_131, %and3A_133 : vector<16xi32>
        %broadcast_in_dim3A_135 = vector.shape_cast %and3A_134 : vector<16xi32> to vector<16x1xi32>
        %gather3A_136 = vector.shape_cast %broadcast_in_dim3A_135 : vector<16x1xi32> to vector<16xi32>
        %gather3A_137 = tpu.dynamic_gather %add3A_128[%gather3A_136] in [0] : vector<16xf32>, vector<16xi32> -> vector<16xf32>
        %add3A_138 = arith.addf %add3A_128, %gather3A_137 : vector<16xf32>
        %add3A_139 = arith.constant 2 : i32
        %add3A_140 = vector.broadcast %add3A_139 : i32 to vector<16xi32>
        %add3A_141 = arith.addi %iota3A_121, %add3A_140 : vector<16xi32>
        %and3A_142 = arith.constant 15 : i32
        %and3A_143 = vector.broadcast %and3A_142 : i32 to vector<16xi32>
        %and3A_144 = arith.andi %add3A_141, %and3A_143 : vector<16xi32>
        %broadcast_in_dim3A_145 = vector.shape_cast %and3A_144 : vector<16xi32> to vector<16x1xi32>
        %gather3A_146 = vector.shape_cast %broadcast_in_dim3A_145 : vector<16x1xi32> to vector<16xi32>
        %gather3A_147 = tpu.dynamic_gather %add3A_138[%gather3A_146] in [0] : vector<16xf32>, vector<16xi32> -> vector<16xf32>
        %add3A_148 = arith.addf %add3A_138, %gather3A_147 : vector<16xf32>
        %add3A_149 = arith.constant 1 : i32
        %add3A_150 = vector.broadcast %add3A_149 : i32 to vector<16xi32>
        %add3A_151 = arith.addi %iota3A_121, %add3A_150 : vector<16xi32>
        %and3A_152 = arith.constant 15 : i32
        %and3A_153 = vector.broadcast %and3A_152 : i32 to vector<16xi32>
        %and3A_154 = arith.andi %add3A_151, %and3A_153 : vector<16xi32>
        %broadcast_in_dim3A_155 = vector.shape_cast %and3A_154 : vector<16xi32> to vector<16x1xi32>
        %gather3A_156 = vector.shape_cast %broadcast_in_dim3A_155 : vector<16x1xi32> to vector<16xi32>
        %gather3A_157 = tpu.dynamic_gather %add3A_148[%gather3A_156] in [0] : vector<16xf32>, vector<16xi32> -> vector<16xf32>
        %add3A_158 = arith.addf %add3A_148, %gather3A_157 : vector<16xf32>
        %exp3A = math.exp %add3A_158 : vector<16xf32>
        %mul3A_159 = arith.mulf %get3A_85, %exp3A : vector<16xf32>
        %swap3A = arith.index_cast %add3A_81 : i32 to index
        %swap3A_160 = arith.constant 0 : index
        %swap3A_161 = tpu.vector_load %arg21[%swap3A, %swap3A_160] {strides = array<i32>} : memref<128x48xf32, #tpu.memory_space<vmem>>, vector<1x16xf32>,
        %swap3A_162 = vector.shape_cast %swap3A_161 : vector<1x16xf32> to vector<16xf32>
        %swap3A_163 = vector.shape_cast %mul3A_159 : vector<16xf32> to vector<1x16xf32>
        tpu.vector_store %arg21[%swap3A, %swap3A_160], %swap3A_163 {strides = array<i32>} : memref<128x48xf32, #tpu.memory_space<vmem>>, vector<1x16xf32>,
        %mul3A_164 = arith.mulf %get3A_89, %exp3A : vector<16xf32>
        %swap3A_165 = arith.index_cast %add3A_81 : i32 to index
        %swap3A_166 = arith.constant 16 : index
        %swap3A_167 = tpu.vector_load %arg21[%swap3A_165, %swap3A_166] {strides = array<i32>} : memref<128x48xf32, #tpu.memory_space<vmem>>, vector<1x16xf32>,
        %swap3A_168 = vector.shape_cast %swap3A_167 : vector<1x16xf32> to vector<16xf32>
        %swap3A_169 = vector.shape_cast %mul3A_164 : vector<16xf32> to vector<1x16xf32>
        tpu.vector_store %arg21[%swap3A_165, %swap3A_166], %swap3A_169 {strides = array<i32>} : memref<128x48xf32, #tpu.memory_space<vmem>>, vector<1x16xf32>,
        %jit3A = arith.constant 0.000000e+00 : f32
        %broadcast_in_dim3A_170 = vector.broadcast %jit3A : f32 to vector<16xf32>
        %select_n3A_171 = arith.select %eq3A_17, %exp3A, %broadcast_in_dim3A_170 : vector<16xi1>, vector<16xf32>
        %swap3A_172 = arith.index_cast %add3A_81 : i32 to index
        %swap3A_173 = arith.constant 32 : index
        %swap3A_174 = tpu.vector_load %arg21[%swap3A_172, %swap3A_173] {strides = array<i32>} : memref<128x48xf32, #tpu.memory_space<vmem>>, vector<1x16xf32>,
        %swap3A_175 = vector.shape_cast %swap3A_174 : vector<1x16xf32> to vector<16xf32>
        %swap3A_176 = vector.shape_cast %select_n3A_171 : vector<16xf32> to vector<1x16xf32>
        tpu.vector_store %arg21[%swap3A_172, %swap3A_173], %swap3A_176 {strides = array<i32>} : memref<128x48xf32, #tpu.memory_space<vmem>>, vector<1x16xf32>,
        %mul3A_177 = arith.constant 16 : i32
        %mul3A_178 = arith.muli %scan3A_72, %mul3A_177 : i32
        %add3A_179 = arith.constant 1 : i32
        %add3A_180 = arith.addi %mul3A_178, %add3A_179 : i32
        %get3A_181 = arith.index_cast %add3A_180 : i32 to index
        %get3A_182 = arith.constant 0 : index
        %get3A_183 = tpu.vector_load %arg19[%get3A_181, %get3A_182] {strides = array<i32>} : memref<128x32xf32, #tpu.memory_space<vmem>>, vector<1x16xf32>,
        %get3A_184 = vector.shape_cast %get3A_183 : vector<1x16xf32> to vector<16xf32>
        %get3A_185 = arith.index_cast %add3A_180 : i32 to index
        %get3A_186 = arith.constant 16 : index
        %get3A_187 = tpu.vector_load %arg19[%get3A_185, %get3A_186] {strides = array<i32>} : memref<128x32xf32, #tpu.memory_space<vmem>>, vector<1x16xf32>,
        %get3A_188 = vector.shape_cast %get3A_187 : vector<1x16xf32> to vector<16xf32>
        %get3A_189 = arith.index_cast %add3A_180 : i32 to index
        %get3A_190 = arith.constant 0 : index
        %get3A_191 = tpu.vector_load %arg20[%get3A_189, %get3A_190] {strides = array<i32>} : memref<128x32xf32, #tpu.memory_space<vmem>>, vector<1x16xf32>,
        %get3A_192 = vector.shape_cast %get3A_191 : vector<1x16xf32> to vector<16xf32>
        %get3A_193 = arith.index_cast %add3A_180 : i32 to index
        %get3A_194 = arith.constant 16 : index
        %get3A_195 = tpu.vector_load %arg20[%get3A_193, %get3A_194] {strides = array<i32>} : memref<128x32xf32, #tpu.memory_space<vmem>>, vector<1x16xf32>,
        %get3A_196 = vector.shape_cast %get3A_195 : vector<1x16xf32> to vector<16xf32>
        %slice3A_197 = vector.extract_strided_slice %get3A_77 {offsets = [1], sizes = [1], strides = [1]} : vector<16xf32> to vector<1xf32>
        %squeeze3A_198 = vector.extract %slice3A_197[0] : f32 from vector<1xf32>
        %add3A_199 = arith.addf %get3A_184, %get3A_192 : vector<16xf32>
        %mul3A_200 = vector.broadcast %squeeze3A_198 : f32 to vector<16xf32>
        %mul3A_201 = arith.mulf %mul3A_200, %get3A_6 : vector<16xf32>
        %add3A_202 = arith.addf %add3A_199, %mul3A_201 : vector<16xf32>
        %add3A_203 = arith.addf %get3A_188, %get3A_196 : vector<16xf32>
        %mul3A_204 = vector.broadcast %squeeze3A_198 : f32 to vector<16xf32>
        %mul3A_205 = arith.mulf %mul3A_204, %get3A_9 : vector<16xf32>
        %add3A_206 = arith.addf %add3A_203, %mul3A_205 : vector<16xf32>
        %ge3A_207 = arith.constant 0.000000e+00 : f32
        %ge3A_208 = vector.broadcast %ge3A_207 : f32 to vector<16xf32>
        %ge3A_209 = arith.cmpf oge, %add3A_202, %ge3A_208 : vector<16xf32>
        %mul3A_210 = arith.constant 2.000000e-01 : f32
        %mul3A_211 = vector.broadcast %mul3A_210 : f32 to vector<16xf32>
        %mul3A_212 = arith.mulf %add3A_202, %mul3A_211 : vector<16xf32>
        %select_n3A_213 = arith.select %ge3A_209, %add3A_202, %mul3A_212 : vector<16xi1>, vector<16xf32>
        %ge3A_214 = arith.constant 0.000000e+00 : f32
        %ge3A_215 = vector.broadcast %ge3A_214 : f32 to vector<16xf32>
        %ge3A_216 = arith.cmpf oge, %add3A_206, %ge3A_215 : vector<16xf32>
        %mul3A_217 = arith.constant 2.000000e-01 : f32
        %mul3A_218 = vector.broadcast %mul3A_217 : f32 to vector<16xf32>
        %mul3A_219 = arith.mulf %add3A_206, %mul3A_218 : vector<16xf32>
        %select_n3A_220 = arith.select %ge3A_216, %add3A_206, %mul3A_219 : vector<16xi1>, vector<16xf32>
        %mul3A_221 = arith.mulf %select_n3A_213, %get3A_12 : vector<16xf32>
        %mul3A_222 = arith.mulf %select_n3A_220, %get3A_15 : vector<16xf32>
        %add3A_223 = arith.addf %mul3A_221, %mul3A_222 : vector<16xf32>
        %iota3A_224 = tpu.iota {dimensions = array<i32: 0>} : vector<16xi32>
        %add3A_225 = arith.constant 8 : i32
        %add3A_226 = vector.broadcast %add3A_225 : i32 to vector<16xi32>
        %add3A_227 = arith.addi %iota3A_224, %add3A_226 : vector<16xi32>
        %and3A_228 = arith.constant 15 : i32
        %and3A_229 = vector.broadcast %and3A_228 : i32 to vector<16xi32>
        %and3A_230 = arith.andi %add3A_227, %and3A_229 : vector<16xi32>
        %broadcast_in_dim3A_231 = vector.shape_cast %and3A_230 : vector<16xi32> to vector<16x1xi32>
        %gather3A_232 = vector.shape_cast %broadcast_in_dim3A_231 : vector<16x1xi32> to vector<16xi32>
        %gather3A_233 = tpu.dynamic_gather %add3A_223[%gather3A_232] in [0] : vector<16xf32>, vector<16xi32> -> vector<16xf32>
        %add3A_234 = arith.addf %add3A_223, %gather3A_233 : vector<16xf32>
        %add3A_235 = arith.constant 4 : i32
        %add3A_236 = vector.broadcast %add3A_235 : i32 to vector<16xi32>
        %add3A_237 = arith.addi %iota3A_224, %add3A_236 : vector<16xi32>
        %and3A_238 = arith.constant 15 : i32
        %and3A_239 = vector.broadcast %and3A_238 : i32 to vector<16xi32>
        %and3A_240 = arith.andi %add3A_237, %and3A_239 : vector<16xi32>
        %broadcast_in_dim3A_241 = vector.shape_cast %and3A_240 : vector<16xi32> to vector<16x1xi32>
        %gather3A_242 = vector.shape_cast %broadcast_in_dim3A_241 : vector<16x1xi32> to vector<16xi32>
        %gather3A_243 = tpu.dynamic_gather %add3A_234[%gather3A_242] in [0] : vector<16xf32>, vector<16xi32> -> vector<16xf32>
        %add3A_244 = arith.addf %add3A_234, %gather3A_243 : vector<16xf32>
        %add3A_245 = arith.constant 2 : i32
        %add3A_246 = vector.broadcast %add3A_245 : i32 to vector<16xi32>
        %add3A_247 = arith.addi %iota3A_224, %add3A_246 : vector<16xi32>
        %and3A_248 = arith.constant 15 : i32
        %and3A_249 = vector.broadcast %and3A_248 : i32 to vector<16xi32>
        %and3A_250 = arith.andi %add3A_247, %and3A_249 : vector<16xi32>
        %broadcast_in_dim3A_251 = vector.shape_cast %and3A_250 : vector<16xi32> to vector<16x1xi32>
        %gather3A_252 = vector.shape_cast %broadcast_in_dim3A_251 : vector<16x1xi32> to vector<16xi32>
        %gather3A_253 = tpu.dynamic_gather %add3A_244[%gather3A_252] in [0] : vector<16xf32>, vector<16xi32> -> vector<16xf32>
        %add3A_254 = arith.addf %add3A_244, %gather3A_253 : vector<16xf32>
        %add3A_255 = arith.constant 1 : i32
        %add3A_256 = vector.broadcast %add3A_255 : i32 to vector<16xi32>
        %add3A_257 = arith.addi %iota3A_224, %add3A_256 : vector<16xi32>
        %and3A_258 = arith.constant 15 : i32
        %and3A_259 = vector.broadcast %and3A_258 : i32 to vector<16xi32>
        %and3A_260 = arith.andi %add3A_257, %and3A_259 : vector<16xi32>
        %broadcast_in_dim3A_261 = vector.shape_cast %and3A_260 : vector<16xi32> to vector<16x1xi32>
        %gather3A_262 = vector.shape_cast %broadcast_in_dim3A_261 : vector<16x1xi32> to vector<16xi32>
        %gather3A_263 = tpu.dynamic_gather %add3A_254[%gather3A_262] in [0] : vector<16xf32>, vector<16xi32> -> vector<16xf32>
        %add3A_264 = arith.addf %add3A_254, %gather3A_263 : vector<16xf32>
        %exp3A_265 = math.exp %add3A_264 : vector<16xf32>
        %mul3A_266 = arith.mulf %get3A_184, %exp3A_265 : vector<16xf32>
        %swap3A_267 = arith.index_cast %add3A_180 : i32 to index
        %swap3A_268 = arith.constant 0 : index
        %swap3A_269 = tpu.vector_load %arg21[%swap3A_267, %swap3A_268] {strides = array<i32>} : memref<128x48xf32, #tpu.memory_space<vmem>>, vector<1x16xf32>,
        %swap3A_270 = vector.shape_cast %swap3A_269 : vector<1x16xf32> to vector<16xf32>
        %swap3A_271 = vector.shape_cast %mul3A_266 : vector<16xf32> to vector<1x16xf32>
        tpu.vector_store %arg21[%swap3A_267, %swap3A_268], %swap3A_271 {strides = array<i32>} : memref<128x48xf32, #tpu.memory_space<vmem>>, vector<1x16xf32>,
        %mul3A_272 = arith.mulf %get3A_188, %exp3A_265 : vector<16xf32>
        %swap3A_273 = arith.index_cast %add3A_180 : i32 to index
        %swap3A_274 = arith.constant 16 : index
        %swap3A_275 = tpu.vector_load %arg21[%swap3A_273, %swap3A_274] {strides = array<i32>} : memref<128x48xf32, #tpu.memory_space<vmem>>, vector<1x16xf32>,
        %swap3A_276 = vector.shape_cast %swap3A_275 : vector<1x16xf32> to vector<16xf32>
        %swap3A_277 = vector.shape_cast %mul3A_272 : vector<16xf32> to vector<1x16xf32>
        tpu.vector_store %arg21[%swap3A_273, %swap3A_274], %swap3A_277 {strides = array<i32>} : memref<128x48xf32, #tpu.memory_space<vmem>>, vector<1x16xf32>,
        %jit3A_278 = arith.constant 0.000000e+00 : f32
        %broadcast_in_dim3A_279 = vector.broadcast %jit3A_278 : f32 to vector<16xf32>
        %select_n3A_280 = arith.select %eq3A_17, %exp3A_265, %broadcast_in_dim3A_279 : vector<16xi1>, vector<16xf32>
        %swap3A_281 = arith.index_cast %add3A_180 : i32 to index
        %swap3A_282 = arith.constant 32 : index
        %swap3A_283 = tpu.vector_load %arg21[%swap3A_281, %swap3A_282] {strides = array<i32>} : memref<128x48xf32, #tpu.memory_space<vmem>>, vector<1x16xf32>,
        %swap3A_284 = vector.shape_cast %swap3A_283 : vector<1x16xf32> to vector<16xf32>
        %swap3A_285 = vector.shape_cast %select_n3A_280 : vector<16xf32> to vector<1x16xf32>
        tpu.vector_store %arg21[%swap3A_281, %swap3A_282], %swap3A_285 {strides = array<i32>} : memref<128x48xf32, #tpu.memory_space<vmem>>, vector<1x16xf32>,
        %mul3A_286 = arith.constant 16 : i32
        %mul3A_287 = arith.muli %scan3A_72, %mul3A_286 : i32
        %add3A_288 = arith.constant 2 : i32
        %add3A_289 = arith.addi %mul3A_287, %add3A_288 : i32
        %get3A_290 = arith.index_cast %add3A_289 : i32 to index
        %get3A_291 = arith.constant 0 : index
        %get3A_292 = tpu.vector_load %arg19[%get3A_290, %get3A_291] {strides = array<i32>} : memref<128x32xf32, #tpu.memory_space<vmem>>, vector<1x16xf32>,
        %get3A_293 = vector.shape_cast %get3A_292 : vector<1x16xf32> to vector<16xf32>
        %get3A_294 = arith.index_cast %add3A_289 : i32 to index
        %get3A_295 = arith.constant 16 : index
        %get3A_296 = tpu.vector_load %arg19[%get3A_294, %get3A_295] {strides = array<i32>} : memref<128x32xf32, #tpu.memory_space<vmem>>, vector<1x16xf32>,
        %get3A_297 = vector.shape_cast %get3A_296 : vector<1x16xf32> to vector<16xf32>
        %get3A_298 = arith.index_cast %add3A_289 : i32 to index
        %get3A_299 = arith.constant 0 : index
        %get3A_300 = tpu.vector_load %arg20[%get3A_298, %get3A_299] {strides = array<i32>} : memref<128x32xf32, #tpu.memory_space<vmem>>, vector<1x16xf32>,
        %get3A_301 = vector.shape_cast %get3A_300 : vector<1x16xf32> to vector<16xf32>
        %get3A_302 = arith.index_cast %add3A_289 : i32 to index
        %get3A_303 = arith.constant 16 : index
        %get3A_304 = tpu.vector_load %arg20[%get3A_302, %get3A_303] {strides = array<i32>} : memref<128x32xf32, #tpu.memory_space<vmem>>, vector<1x16xf32>,
        %get3A_305 = vector.shape_cast %get3A_304 : vector<1x16xf32> to vector<16xf32>
        %slice3A_306 = vector.extract_strided_slice %get3A_77 {offsets = [2], sizes = [1], strides = [1]} : vector<16xf32> to vector<1xf32>
        %squeeze3A_307 = vector.extract %slice3A_306[0] : f32 from vector<1xf32>
        %add3A_308 = arith.addf %get3A_293, %get3A_301 : vector<16xf32>
        %mul3A_309 = vector.broadcast %squeeze3A_307 : f32 to vector<16xf32>
        %mul3A_310 = arith.mulf %mul3A_309, %get3A_6 : vector<16xf32>
        %add3A_311 = arith.addf %add3A_308, %mul3A_310 : vector<16xf32>
        %add3A_312 = arith.addf %get3A_297, %get3A_305 : vector<16xf32>
        %mul3A_313 = vector.broadcast %squeeze3A_307 : f32 to vector<16xf32>
        %mul3A_314 = arith.mulf %mul3A_313, %get3A_9 : vector<16xf32>
        %add3A_315 = arith.addf %add3A_312, %mul3A_314 : vector<16xf32>
        %ge3A_316 = arith.constant 0.000000e+00 : f32
        %ge3A_317 = vector.broadcast %ge3A_316 : f32 to vector<16xf32>
        %ge3A_318 = arith.cmpf oge, %add3A_311, %ge3A_317 : vector<16xf32>
        %mul3A_319 = arith.constant 2.000000e-01 : f32
        %mul3A_320 = vector.broadcast %mul3A_319 : f32 to vector<16xf32>
        %mul3A_321 = arith.mulf %add3A_311, %mul3A_320 : vector<16xf32>
        %select_n3A_322 = arith.select %ge3A_318, %add3A_311, %mul3A_321 : vector<16xi1>, vector<16xf32>
        %ge3A_323 = arith.constant 0.000000e+00 : f32
        %ge3A_324 = vector.broadcast %ge3A_323 : f32 to vector<16xf32>
        %ge3A_325 = arith.cmpf oge, %add3A_315, %ge3A_324 : vector<16xf32>
        %mul3A_326 = arith.constant 2.000000e-01 : f32
        %mul3A_327 = vector.broadcast %mul3A_326 : f32 to vector<16xf32>
        %mul3A_328 = arith.mulf %add3A_315, %mul3A_327 : vector<16xf32>
        %select_n3A_329 = arith.select %ge3A_325, %add3A_315, %mul3A_328 : vector<16xi1>, vector<16xf32>
        %mul3A_330 = arith.mulf %select_n3A_322, %get3A_12 : vector<16xf32>
        %mul3A_331 = arith.mulf %select_n3A_329, %get3A_15 : vector<16xf32>
        %add3A_332 = arith.addf %mul3A_330, %mul3A_331 : vector<16xf32>
        %iota3A_333 = tpu.iota {dimensions = array<i32: 0>} : vector<16xi32>
        %add3A_334 = arith.constant 8 : i32
        %add3A_335 = vector.broadcast %add3A_334 : i32 to vector<16xi32>
        %add3A_336 = arith.addi %iota3A_333, %add3A_335 : vector<16xi32>
        %and3A_337 = arith.constant 15 : i32
        %and3A_338 = vector.broadcast %and3A_337 : i32 to vector<16xi32>
        %and3A_339 = arith.andi %add3A_336, %and3A_338 : vector<16xi32>
        %broadcast_in_dim3A_340 = vector.shape_cast %and3A_339 : vector<16xi32> to vector<16x1xi32>
        %gather3A_341 = vector.shape_cast %broadcast_in_dim3A_340 : vector<16x1xi32> to vector<16xi32>
        %gather3A_342 = tpu.dynamic_gather %add3A_332[%gather3A_341] in [0] : vector<16xf32>, vector<16xi32> -> vector<16xf32>
        %add3A_343 = arith.addf %add3A_332, %gather3A_342 : vector<16xf32>
        %add3A_344 = arith.constant 4 : i32
        %add3A_345 = vector.broadcast %add3A_344 : i32 to vector<16xi32>
        %add3A_346 = arith.addi %iota3A_333, %add3A_345 : vector<16xi32>
        %and3A_347 = arith.constant 15 : i32
        %and3A_348 = vector.broadcast %and3A_347 : i32 to vector<16xi32>
        %and3A_349 = arith.andi %add3A_346, %and3A_348 : vector<16xi32>
        %broadcast_in_dim3A_350 = vector.shape_cast %and3A_349 : vector<16xi32> to vector<16x1xi32>
        %gather3A_351 = vector.shape_cast %broadcast_in_dim3A_350 : vector<16x1xi32> to vector<16xi32>
        %gather3A_352 = tpu.dynamic_gather %add3A_343[%gather3A_351] in [0] : vector<16xf32>, vector<16xi32> -> vector<16xf32>
        %add3A_353 = arith.addf %add3A_343, %gather3A_352 : vector<16xf32>
        %add3A_354 = arith.constant 2 : i32
        %add3A_355 = vector.broadcast %add3A_354 : i32 to vector<16xi32>
        %add3A_356 = arith.addi %iota3A_333, %add3A_355 : vector<16xi32>
        %and3A_357 = arith.constant 15 : i32
        %and3A_358 = vector.broadcast %and3A_357 : i32 to vector<16xi32>
        %and3A_359 = arith.andi %add3A_356, %and3A_358 : vector<16xi32>
        %broadcast_in_dim3A_360 = vector.shape_cast %and3A_359 : vector<16xi32> to vector<16x1xi32>
        %gather3A_361 = vector.shape_cast %broadcast_in_dim3A_360 : vector<16x1xi32> to vector<16xi32>
        %gather3A_362 = tpu.dynamic_gather %add3A_353[%gather3A_361] in [0] : vector<16xf32>, vector<16xi32> -> vector<16xf32>
        %add3A_363 = arith.addf %add3A_353, %gather3A_362 : vector<16xf32>
        %add3A_364 = arith.constant 1 : i32
        %add3A_365 = vector.broadcast %add3A_364 : i32 to vector<16xi32>
        %add3A_366 = arith.addi %iota3A_333, %add3A_365 : vector<16xi32>
        %and3A_367 = arith.constant 15 : i32
        %and3A_368 = vector.broadcast %and3A_367 : i32 to vector<16xi32>
        %and3A_369 = arith.andi %add3A_366, %and3A_368 : vector<16xi32>
        %broadcast_in_dim3A_370 = vector.shape_cast %and3A_369 : vector<16xi32> to vector<16x1xi32>
        %gather3A_371 = vector.shape_cast %broadcast_in_dim3A_370 : vector<16x1xi32> to vector<16xi32>
        %gather3A_372 = tpu.dynamic_gather %add3A_363[%gather3A_371] in [0] : vector<16xf32>, vector<16xi32> -> vector<16xf32>
        %add3A_373 = arith.addf %add3A_363, %gather3A_372 : vector<16xf32>
        %exp3A_374 = math.exp %add3A_373 : vector<16xf32>
        %mul3A_375 = arith.mulf %get3A_293, %exp3A_374 : vector<16xf32>
        %swap3A_376 = arith.index_cast %add3A_289 : i32 to index
        %swap3A_377 = arith.constant 0 : index
        %swap3A_378 = tpu.vector_load %arg21[%swap3A_376, %swap3A_377] {strides = array<i32>} : memref<128x48xf32, #tpu.memory_space<vmem>>, vector<1x16xf32>,
        %swap3A_379 = vector.shape_cast %swap3A_378 : vector<1x16xf32> to vector<16xf32>
        %swap3A_380 = vector.shape_cast %mul3A_375 : vector<16xf32> to vector<1x16xf32>
        tpu.vector_store %arg21[%swap3A_376, %swap3A_377], %swap3A_380 {strides = array<i32>} : memref<128x48xf32, #tpu.memory_space<vmem>>, vector<1x16xf32>,
        %mul3A_381 = arith.mulf %get3A_297, %exp3A_374 : vector<16xf32>
        %swap3A_382 = arith.index_cast %add3A_289 : i32 to index
        %swap3A_383 = arith.constant 16 : index
        %swap3A_384 = tpu.vector_load %arg21[%swap3A_382, %swap3A_383] {strides = array<i32>} : memref<128x48xf32, #tpu.memory_space<vmem>>, vector<1x16xf32>,
        %swap3A_385 = vector.shape_cast %swap3A_384 : vector<1x16xf32> to vector<16xf32>
        %swap3A_386 = vector.shape_cast %mul3A_381 : vector<16xf32> to vector<1x16xf32>
        tpu.vector_store %arg21[%swap3A_382, %swap3A_383], %swap3A_386 {strides = array<i32>} : memref<128x48xf32, #tpu.memory_space<vmem>>, vector<1x16xf32>,
        %jit3A_387 = arith.constant 0.000000e+00 : f32
        %broadcast_in_dim3A_388 = vector.broadcast %jit3A_387 : f32 to vector<16xf32>
        %select_n3A_389 = arith.select %eq3A_17, %exp3A_374, %broadcast_in_dim3A_388 : vector<16xi1>, vector<16xf32>
        %swap3A_390 = arith.index_cast %add3A_289 : i32 to index
        %swap3A_391 = arith.constant 32 : index
        %swap3A_392 = tpu.vector_load %arg21[%swap3A_390, %swap3A_391] {strides = array<i32>} : memref<128x48xf32, #tpu.memory_space<vmem>>, vector<1x16xf32>,
        %swap3A_393 = vector.shape_cast %swap3A_392 : vector<1x16xf32> to vector<16xf32>
        %swap3A_394 = vector.shape_cast %select_n3A_389 : vector<16xf32> to vector<1x16xf32>
        tpu.vector_store %arg21[%swap3A_390, %swap3A_391], %swap3A_394 {strides = array<i32>} : memref<128x48xf32, #tpu.memory_space<vmem>>, vector<1x16xf32>,
        %mul3A_395 = arith.constant 16 : i32
        %mul3A_396 = arith.muli %scan3A_72, %mul3A_395 : i32
        %add3A_397 = arith.constant 3 : i32
        %add3A_398 = arith.addi %mul3A_396, %add3A_397 : i32
        %get3A_399 = arith.index_cast %add3A_398 : i32 to index
        %get3A_400 = arith.constant 0 : index
        %get3A_401 = tpu.vector_load %arg19[%get3A_399, %get3A_400] {strides = array<i32>} : memref<128x32xf32, #tpu.memory_space<vmem>>, vector<1x16xf32>,
        %get3A_402 = vector.shape_cast %get3A_401 : vector<1x16xf32> to vector<16xf32>
        %get3A_403 = arith.index_cast %add3A_398 : i32 to index
        %get3A_404 = arith.constant 16 : index
        %get3A_405 = tpu.vector_load %arg19[%get3A_403, %get3A_404] {strides = array<i32>} : memref<128x32xf32, #tpu.memory_space<vmem>>, vector<1x16xf32>,
        %get3A_406 = vector.shape_cast %get3A_405 : vector<1x16xf32> to vector<16xf32>
        %get3A_407 = arith.index_cast %add3A_398 : i32 to index
        %get3A_408 = arith.constant 0 : index
        %get3A_409 = tpu.vector_load %arg20[%get3A_407, %get3A_408] {strides = array<i32>} : memref<128x32xf32, #tpu.memory_space<vmem>>, vector<1x16xf32>,
        %get3A_410 = vector.shape_cast %get3A_409 : vector<1x16xf32> to vector<16xf32>
        %get3A_411 = arith.index_cast %add3A_398 : i32 to index
        %get3A_412 = arith.constant 16 : index
        %get3A_413 = tpu.vector_load %arg20[%get3A_411, %get3A_412] {strides = array<i32>} : memref<128x32xf32, #tpu.memory_space<vmem>>, vector<1x16xf32>,
        %get3A_414 = vector.shape_cast %get3A_413 : vector<1x16xf32> to vector<16xf32>
        %slice3A_415 = vector.extract_strided_slice %get3A_77 {offsets = [3], sizes = [1], strides = [1]} : vector<16xf32> to vector<1xf32>
        %squeeze3A_416 = vector.extract %slice3A_415[0] : f32 from vector<1xf32>
        %add3A_417 = arith.addf %get3A_402, %get3A_410 : vector<16xf32>
        %mul3A_418 = vector.broadcast %squeeze3A_416 : f32 to vector<16xf32>
        %mul3A_419 = arith.mulf %mul3A_418, %get3A_6 : vector<16xf32>
        %add3A_420 = arith.addf %add3A_417, %mul3A_419 : vector<16xf32>
        %add3A_421 = arith.addf %get3A_406, %get3A_414 : vector<16xf32>
        %mul3A_422 = vector.broadcast %squeeze3A_416 : f32 to vector<16xf32>
        %mul3A_423 = arith.mulf %mul3A_422, %get3A_9 : vector<16xf32>
        %add3A_424 = arith.addf %add3A_421, %mul3A_423 : vector<16xf32>
        %ge3A_425 = arith.constant 0.000000e+00 : f32
        %ge3A_426 = vector.broadcast %ge3A_425 : f32 to vector<16xf32>
        %ge3A_427 = arith.cmpf oge, %add3A_420, %ge3A_426 : vector<16xf32>
        %mul3A_428 = arith.constant 2.000000e-01 : f32
        %mul3A_429 = vector.broadcast %mul3A_428 : f32 to vector<16xf32>
        %mul3A_430 = arith.mulf %add3A_420, %mul3A_429 : vector<16xf32>
        %select_n3A_431 = arith.select %ge3A_427, %add3A_420, %mul3A_430 : vector<16xi1>, vector<16xf32>
        %ge3A_432 = arith.constant 0.000000e+00 : f32
        %ge3A_433 = vector.broadcast %ge3A_432 : f32 to vector<16xf32>
        %ge3A_434 = arith.cmpf oge, %add3A_424, %ge3A_433 : vector<16xf32>
        %mul3A_435 = arith.constant 2.000000e-01 : f32
        %mul3A_436 = vector.broadcast %mul3A_435 : f32 to vector<16xf32>
        %mul3A_437 = arith.mulf %add3A_424, %mul3A_436 : vector<16xf32>
        %select_n3A_438 = arith.select %ge3A_434, %add3A_424, %mul3A_437 : vector<16xi1>, vector<16xf32>
        %mul3A_439 = arith.mulf %select_n3A_431, %get3A_12 : vector<16xf32>
        %mul3A_440 = arith.mulf %select_n3A_438, %get3A_15 : vector<16xf32>
        %add3A_441 = arith.addf %mul3A_439, %mul3A_440 : vector<16xf32>
        %iota3A_442 = tpu.iota {dimensions = array<i32: 0>} : vector<16xi32>
        %add3A_443 = arith.constant 8 : i32
        %add3A_444 = vector.broadcast %add3A_443 : i32 to vector<16xi32>
        %add3A_445 = arith.addi %iota3A_442, %add3A_444 : vector<16xi32>
        %and3A_446 = arith.constant 15 : i32
        %and3A_447 = vector.broadcast %and3A_446 : i32 to vector<16xi32>
        %and3A_448 = arith.andi %add3A_445, %and3A_447 : vector<16xi32>
        %broadcast_in_dim3A_449 = vector.shape_cast %and3A_448 : vector<16xi32> to vector<16x1xi32>
        %gather3A_450 = vector.shape_cast %broadcast_in_dim3A_449 : vector<16x1xi32> to vector<16xi32>
        %gather3A_451 = tpu.dynamic_gather %add3A_441[%gather3A_450] in [0] : vector<16xf32>, vector<16xi32> -> vector<16xf32>
        %add3A_452 = arith.addf %add3A_441, %gather3A_451 : vector<16xf32>
        %add3A_453 = arith.constant 4 : i32
        %add3A_454 = vector.broadcast %add3A_453 : i32 to vector<16xi32>
        %add3A_455 = arith.addi %iota3A_442, %add3A_454 : vector<16xi32>
        %and3A_456 = arith.constant 15 : i32
        %and3A_457 = vector.broadcast %and3A_456 : i32 to vector<16xi32>
        %and3A_458 = arith.andi %add3A_455, %and3A_457 : vector<16xi32>
        %broadcast_in_dim3A_459 = vector.shape_cast %and3A_458 : vector<16xi32> to vector<16x1xi32>
        %gather3A_460 = vector.shape_cast %broadcast_in_dim3A_459 : vector<16x1xi32> to vector<16xi32>
        %gather3A_461 = tpu.dynamic_gather %add3A_452[%gather3A_460] in [0] : vector<16xf32>, vector<16xi32> -> vector<16xf32>
        %add3A_462 = arith.addf %add3A_452, %gather3A_461 : vector<16xf32>
        %add3A_463 = arith.constant 2 : i32
        %add3A_464 = vector.broadcast %add3A_463 : i32 to vector<16xi32>
        %add3A_465 = arith.addi %iota3A_442, %add3A_464 : vector<16xi32>
        %and3A_466 = arith.constant 15 : i32
        %and3A_467 = vector.broadcast %and3A_466 : i32 to vector<16xi32>
        %and3A_468 = arith.andi %add3A_465, %and3A_467 : vector<16xi32>
        %broadcast_in_dim3A_469 = vector.shape_cast %and3A_468 : vector<16xi32> to vector<16x1xi32>
        %gather3A_470 = vector.shape_cast %broadcast_in_dim3A_469 : vector<16x1xi32> to vector<16xi32>
        %gather3A_471 = tpu.dynamic_gather %add3A_462[%gather3A_470] in [0] : vector<16xf32>, vector<16xi32> -> vector<16xf32>
        %add3A_472 = arith.addf %add3A_462, %gather3A_471 : vector<16xf32>
        %add3A_473 = arith.constant 1 : i32
        %add3A_474 = vector.broadcast %add3A_473 : i32 to vector<16xi32>
        %add3A_475 = arith.addi %iota3A_442, %add3A_474 : vector<16xi32>
        %and3A_476 = arith.constant 15 : i32
        %and3A_477 = vector.broadcast %and3A_476 : i32 to vector<16xi32>
        %and3A_478 = arith.andi %add3A_475, %and3A_477 : vector<16xi32>
        %broadcast_in_dim3A_479 = vector.shape_cast %and3A_478 : vector<16xi32> to vector<16x1xi32>
        %gather3A_480 = vector.shape_cast %broadcast_in_dim3A_479 : vector<16x1xi32> to vector<16xi32>
        %gather3A_481 = tpu.dynamic_gather %add3A_472[%gather3A_480] in [0] : vector<16xf32>, vector<16xi32> -> vector<16xf32>
        %add3A_482 = arith.addf %add3A_472, %gather3A_481 : vector<16xf32>
        %exp3A_483 = math.exp %add3A_482 : vector<16xf32>
        %mul3A_484 = arith.mulf %get3A_402, %exp3A_483 : vector<16xf32>
        %swap3A_485 = arith.index_cast %add3A_398 : i32 to index
        %swap3A_486 = arith.constant 0 : index
        %swap3A_487 = tpu.vector_load %arg21[%swap3A_485, %swap3A_486] {strides = array<i32>} : memref<128x48xf32, #tpu.memory_space<vmem>>, vector<1x16xf32>,
        %swap3A_488 = vector.shape_cast %swap3A_487 : vector<1x16xf32> to vector<16xf32>
        %swap3A_489 = vector.shape_cast %mul3A_484 : vector<16xf32> to vector<1x16xf32>
        tpu.vector_store %arg21[%swap3A_485, %swap3A_486], %swap3A_489 {strides = array<i32>} : memref<128x48xf32, #tpu.memory_space<vmem>>, vector<1x16xf32>,
        %mul3A_490 = arith.mulf %get3A_406, %exp3A_483 : vector<16xf32>
        %swap3A_491 = arith.index_cast %add3A_398 : i32 to index
        %swap3A_492 = arith.constant 16 : index
        %swap3A_493 = tpu.vector_load %arg21[%swap3A_491, %swap3A_492] {strides = array<i32>} : memref<128x48xf32, #tpu.memory_space<vmem>>, vector<1x16xf32>,
        %swap3A_494 = vector.shape_cast %swap3A_493 : vector<1x16xf32> to vector<16xf32>
        %swap3A_495 = vector.shape_cast %mul3A_490 : vector<16xf32> to vector<1x16xf32>
        tpu.vector_store %arg21[%swap3A_491, %swap3A_492], %swap3A_495 {strides = array<i32>} : memref<128x48xf32, #tpu.memory_space<vmem>>, vector<1x16xf32>,
        %jit3A_496 = arith.constant 0.000000e+00 : f32
        %broadcast_in_dim3A_497 = vector.broadcast %jit3A_496 : f32 to vector<16xf32>
        %select_n3A_498 = arith.select %eq3A_17, %exp3A_483, %broadcast_in_dim3A_497 : vector<16xi1>, vector<16xf32>
        %swap3A_499 = arith.index_cast %add3A_398 : i32 to index
        %swap3A_500 = arith.constant 32 : index
        %swap3A_501 = tpu.vector_load %arg21[%swap3A_499, %swap3A_500] {strides = array<i32>} : memref<128x48xf32, #tpu.memory_space<vmem>>, vector<1x16xf32>,
        %swap3A_502 = vector.shape_cast %swap3A_501 : vector<1x16xf32> to vector<16xf32>
        %swap3A_503 = vector.shape_cast %select_n3A_498 : vector<16xf32> to vector<1x16xf32>
        tpu.vector_store %arg21[%swap3A_499, %swap3A_500], %swap3A_503 {strides = array<i32>} : memref<128x48xf32, #tpu.memory_space<vmem>>, vector<1x16xf32>,
        %mul3A_504 = arith.constant 16 : i32
        %mul3A_505 = arith.muli %scan3A_72, %mul3A_504 : i32
        %add3A_506 = arith.constant 4 : i32
        %add3A_507 = arith.addi %mul3A_505, %add3A_506 : i32
        %get3A_508 = arith.index_cast %add3A_507 : i32 to index
        %get3A_509 = arith.constant 0 : index
        %get3A_510 = tpu.vector_load %arg19[%get3A_508, %get3A_509] {strides = array<i32>} : memref<128x32xf32, #tpu.memory_space<vmem>>, vector<1x16xf32>,
        %get3A_511 = vector.shape_cast %get3A_510 : vector<1x16xf32> to vector<16xf32>
        %get3A_512 = arith.index_cast %add3A_507 : i32 to index
        %get3A_513 = arith.constant 16 : index
        %get3A_514 = tpu.vector_load %arg19[%get3A_512, %get3A_513] {strides = array<i32>} : memref<128x32xf32, #tpu.memory_space<vmem>>, vector<1x16xf32>,
        %get3A_515 = vector.shape_cast %get3A_514 : vector<1x16xf32> to vector<16xf32>
        %get3A_516 = arith.index_cast %add3A_507 : i32 to index
        %get3A_517 = arith.constant 0 : index
        %get3A_518 = tpu.vector_load %arg20[%get3A_516, %get3A_517] {strides = array<i32>} : memref<128x32xf32, #tpu.memory_space<vmem>>, vector<1x16xf32>,
        %get3A_519 = vector.shape_cast %get3A_518 : vector<1x16xf32> to vector<16xf32>
        %get3A_520 = arith.index_cast %add3A_507 : i32 to index
        %get3A_521 = arith.constant 16 : index
        %get3A_522 = tpu.vector_load %arg20[%get3A_520, %get3A_521] {strides = array<i32>} : memref<128x32xf32, #tpu.memory_space<vmem>>, vector<1x16xf32>,
        %get3A_523 = vector.shape_cast %get3A_522 : vector<1x16xf32> to vector<16xf32>
        %slice3A_524 = vector.extract_strided_slice %get3A_77 {offsets = [4], sizes = [1], strides = [1]} : vector<16xf32> to vector<1xf32>
        %squeeze3A_525 = vector.extract %slice3A_524[0] : f32 from vector<1xf32>
        %add3A_526 = arith.addf %get3A_511, %get3A_519 : vector<16xf32>
        %mul3A_527 = vector.broadcast %squeeze3A_525 : f32 to vector<16xf32>
        %mul3A_528 = arith.mulf %mul3A_527, %get3A_6 : vector<16xf32>
        %add3A_529 = arith.addf %add3A_526, %mul3A_528 : vector<16xf32>
        %add3A_530 = arith.addf %get3A_515, %get3A_523 : vector<16xf32>
        %mul3A_531 = vector.broadcast %squeeze3A_525 : f32 to vector<16xf32>
        %mul3A_532 = arith.mulf %mul3A_531, %get3A_9 : vector<16xf32>
        %add3A_533 = arith.addf %add3A_530, %mul3A_532 : vector<16xf32>
        %ge3A_534 = arith.constant 0.000000e+00 : f32
        %ge3A_535 = vector.broadcast %ge3A_534 : f32 to vector<16xf32>
        %ge3A_536 = arith.cmpf oge, %add3A_529, %ge3A_535 : vector<16xf32>
        %mul3A_537 = arith.constant 2.000000e-01 : f32
        %mul3A_538 = vector.broadcast %mul3A_537 : f32 to vector<16xf32>
        %mul3A_539 = arith.mulf %add3A_529, %mul3A_538 : vector<16xf32>
        %select_n3A_540 = arith.select %ge3A_536, %add3A_529, %mul3A_539 : vector<16xi1>, vector<16xf32>
        %ge3A_541 = arith.constant 0.000000e+00 : f32
        %ge3A_542 = vector.broadcast %ge3A_541 : f32 to vector<16xf32>
        %ge3A_543 = arith.cmpf oge, %add3A_533, %ge3A_542 : vector<16xf32>
        %mul3A_544 = arith.constant 2.000000e-01 : f32
        %mul3A_545 = vector.broadcast %mul3A_544 : f32 to vector<16xf32>
        %mul3A_546 = arith.mulf %add3A_533, %mul3A_545 : vector<16xf32>
        %select_n3A_547 = arith.select %ge3A_543, %add3A_533, %mul3A_546 : vector<16xi1>, vector<16xf32>
        %mul3A_548 = arith.mulf %select_n3A_540, %get3A_12 : vector<16xf32>
        %mul3A_549 = arith.mulf %select_n3A_547, %get3A_15 : vector<16xf32>
        %add3A_550 = arith.addf %mul3A_548, %mul3A_549 : vector<16xf32>
        %iota3A_551 = tpu.iota {dimensions = array<i32: 0>} : vector<16xi32>
        %add3A_552 = arith.constant 8 : i32
        %add3A_553 = vector.broadcast %add3A_552 : i32 to vector<16xi32>
        %add3A_554 = arith.addi %iota3A_551, %add3A_553 : vector<16xi32>
        %and3A_555 = arith.constant 15 : i32
        %and3A_556 = vector.broadcast %and3A_555 : i32 to vector<16xi32>
        %and3A_557 = arith.andi %add3A_554, %and3A_556 : vector<16xi32>
        %broadcast_in_dim3A_558 = vector.shape_cast %and3A_557 : vector<16xi32> to vector<16x1xi32>
        %gather3A_559 = vector.shape_cast %broadcast_in_dim3A_558 : vector<16x1xi32> to vector<16xi32>
        %gather3A_560 = tpu.dynamic_gather %add3A_550[%gather3A_559] in [0] : vector<16xf32>, vector<16xi32> -> vector<16xf32>
        %add3A_561 = arith.addf %add3A_550, %gather3A_560 : vector<16xf32>
        %add3A_562 = arith.constant 4 : i32
        %add3A_563 = vector.broadcast %add3A_562 : i32 to vector<16xi32>
        %add3A_564 = arith.addi %iota3A_551, %add3A_563 : vector<16xi32>
        %and3A_565 = arith.constant 15 : i32
        %and3A_566 = vector.broadcast %and3A_565 : i32 to vector<16xi32>
        %and3A_567 = arith.andi %add3A_564, %and3A_566 : vector<16xi32>
        %broadcast_in_dim3A_568 = vector.shape_cast %and3A_567 : vector<16xi32> to vector<16x1xi32>
        %gather3A_569 = vector.shape_cast %broadcast_in_dim3A_568 : vector<16x1xi32> to vector<16xi32>
        %gather3A_570 = tpu.dynamic_gather %add3A_561[%gather3A_569] in [0] : vector<16xf32>, vector<16xi32> -> vector<16xf32>
        %add3A_571 = arith.addf %add3A_561, %gather3A_570 : vector<16xf32>
        %add3A_572 = arith.constant 2 : i32
        %add3A_573 = vector.broadcast %add3A_572 : i32 to vector<16xi32>
        %add3A_574 = arith.addi %iota3A_551, %add3A_573 : vector<16xi32>
        %and3A_575 = arith.constant 15 : i32
        %and3A_576 = vector.broadcast %and3A_575 : i32 to vector<16xi32>
        %and3A_577 = arith.andi %add3A_574, %and3A_576 : vector<16xi32>
        %broadcast_in_dim3A_578 = vector.shape_cast %and3A_577 : vector<16xi32> to vector<16x1xi32>
        %gather3A_579 = vector.shape_cast %broadcast_in_dim3A_578 : vector<16x1xi32> to vector<16xi32>
        %gather3A_580 = tpu.dynamic_gather %add3A_571[%gather3A_579] in [0] : vector<16xf32>, vector<16xi32> -> vector<16xf32>
        %add3A_581 = arith.addf %add3A_571, %gather3A_580 : vector<16xf32>
        %add3A_582 = arith.constant 1 : i32
        %add3A_583 = vector.broadcast %add3A_582 : i32 to vector<16xi32>
        %add3A_584 = arith.addi %iota3A_551, %add3A_583 : vector<16xi32>
        %and3A_585 = arith.constant 15 : i32
        %and3A_586 = vector.broadcast %and3A_585 : i32 to vector<16xi32>
        %and3A_587 = arith.andi %add3A_584, %and3A_586 : vector<16xi32>
        %broadcast_in_dim3A_588 = vector.shape_cast %and3A_587 : vector<16xi32> to vector<16x1xi32>
        %gather3A_589 = vector.shape_cast %broadcast_in_dim3A_588 : vector<16x1xi32> to vector<16xi32>
        %gather3A_590 = tpu.dynamic_gather %add3A_581[%gather3A_589] in [0] : vector<16xf32>, vector<16xi32> -> vector<16xf32>
        %add3A_591 = arith.addf %add3A_581, %gather3A_590 : vector<16xf32>
        %exp3A_592 = math.exp %add3A_591 : vector<16xf32>
        %mul3A_593 = arith.mulf %get3A_511, %exp3A_592 : vector<16xf32>
        %swap3A_594 = arith.index_cast %add3A_507 : i32 to index
        %swap3A_595 = arith.constant 0 : index
        %swap3A_596 = tpu.vector_load %arg21[%swap3A_594, %swap3A_595] {strides = array<i32>} : memref<128x48xf32, #tpu.memory_space<vmem>>, vector<1x16xf32>,
        %swap3A_597 = vector.shape_cast %swap3A_596 : vector<1x16xf32> to vector<16xf32>
        %swap3A_598 = vector.shape_cast %mul3A_593 : vector<16xf32> to vector<1x16xf32>
        tpu.vector_store %arg21[%swap3A_594, %swap3A_595], %swap3A_598 {strides = array<i32>} : memref<128x48xf32, #tpu.memory_space<vmem>>, vector<1x16xf32>,
        %mul3A_599 = arith.mulf %get3A_515, %exp3A_592 : vector<16xf32>
        %swap3A_600 = arith.index_cast %add3A_507 : i32 to index
        %swap3A_601 = arith.constant 16 : index
        %swap3A_602 = tpu.vector_load %arg21[%swap3A_600, %swap3A_601] {strides = array<i32>} : memref<128x48xf32, #tpu.memory_space<vmem>>, vector<1x16xf32>,
        %swap3A_603 = vector.shape_cast %swap3A_602 : vector<1x16xf32> to vector<16xf32>
        %swap3A_604 = vector.shape_cast %mul3A_599 : vector<16xf32> to vector<1x16xf32>
        tpu.vector_store %arg21[%swap3A_600, %swap3A_601], %swap3A_604 {strides = array<i32>} : memref<128x48xf32, #tpu.memory_space<vmem>>, vector<1x16xf32>,
        %jit3A_605 = arith.constant 0.000000e+00 : f32
        %broadcast_in_dim3A_606 = vector.broadcast %jit3A_605 : f32 to vector<16xf32>
        %select_n3A_607 = arith.select %eq3A_17, %exp3A_592, %broadcast_in_dim3A_606 : vector<16xi1>, vector<16xf32>
        %swap3A_608 = arith.index_cast %add3A_507 : i32 to index
        %swap3A_609 = arith.constant 32 : index
        %swap3A_610 = tpu.vector_load %arg21[%swap3A_608, %swap3A_609] {strides = array<i32>} : memref<128x48xf32, #tpu.memory_space<vmem>>, vector<1x16xf32>,
        %swap3A_611 = vector.shape_cast %swap3A_610 : vector<1x16xf32> to vector<16xf32>
        %swap3A_612 = vector.shape_cast %select_n3A_607 : vector<16xf32> to vector<1x16xf32>
        tpu.vector_store %arg21[%swap3A_608, %swap3A_609], %swap3A_612 {strides = array<i32>} : memref<128x48xf32, #tpu.memory_space<vmem>>, vector<1x16xf32>,
        %mul3A_613 = arith.constant 16 : i32
        %mul3A_614 = arith.muli %scan3A_72, %mul3A_613 : i32
        %add3A_615 = arith.constant 5 : i32
        %add3A_616 = arith.addi %mul3A_614, %add3A_615 : i32
        %get3A_617 = arith.index_cast %add3A_616 : i32 to index
        %get3A_618 = arith.constant 0 : index
        %get3A_619 = tpu.vector_load %arg19[%get3A_617, %get3A_618] {strides = array<i32>} : memref<128x32xf32, #tpu.memory_space<vmem>>, vector<1x16xf32>,
        %get3A_620 = vector.shape_cast %get3A_619 : vector<1x16xf32> to vector<16xf32>
        %get3A_621 = arith.index_cast %add3A_616 : i32 to index
        %get3A_622 = arith.constant 16 : index
        %get3A_623 = tpu.vector_load %arg19[%get3A_621, %get3A_622] {strides = array<i32>} : memref<128x32xf32, #tpu.memory_space<vmem>>, vector<1x16xf32>,
        %get3A_624 = vector.shape_cast %get3A_623 : vector<1x16xf32> to vector<16xf32>
        %get3A_625 = arith.index_cast %add3A_616 : i32 to index
        %get3A_626 = arith.constant 0 : index
        %get3A_627 = tpu.vector_load %arg20[%get3A_625, %get3A_626] {strides = array<i32>} : memref<128x32xf32, #tpu.memory_space<vmem>>, vector<1x16xf32>,
        %get3A_628 = vector.shape_cast %get3A_627 : vector<1x16xf32> to vector<16xf32>
        %get3A_629 = arith.index_cast %add3A_616 : i32 to index
        %get3A_630 = arith.constant 16 : index
        %get3A_631 = tpu.vector_load %arg20[%get3A_629, %get3A_630] {strides = array<i32>} : memref<128x32xf32, #tpu.memory_space<vmem>>, vector<1x16xf32>,
        %get3A_632 = vector.shape_cast %get3A_631 : vector<1x16xf32> to vector<16xf32>
        %slice3A_633 = vector.extract_strided_slice %get3A_77 {offsets = [5], sizes = [1], strides = [1]} : vector<16xf32> to vector<1xf32>
        %squeeze3A_634 = vector.extract %slice3A_633[0] : f32 from vector<1xf32>
        %add3A_635 = arith.addf %get3A_620, %get3A_628 : vector<16xf32>
        %mul3A_636 = vector.broadcast %squeeze3A_634 : f32 to vector<16xf32>
        %mul3A_637 = arith.mulf %mul3A_636, %get3A_6 : vector<16xf32>
        %add3A_638 = arith.addf %add3A_635, %mul3A_637 : vector<16xf32>
        %add3A_639 = arith.addf %get3A_624, %get3A_632 : vector<16xf32>
        %mul3A_640 = vector.broadcast %squeeze3A_634 : f32 to vector<16xf32>
        %mul3A_641 = arith.mulf %mul3A_640, %get3A_9 : vector<16xf32>
        %add3A_642 = arith.addf %add3A_639, %mul3A_641 : vector<16xf32>
        %ge3A_643 = arith.constant 0.000000e+00 : f32
        %ge3A_644 = vector.broadcast %ge3A_643 : f32 to vector<16xf32>
        %ge3A_645 = arith.cmpf oge, %add3A_638, %ge3A_644 : vector<16xf32>
        %mul3A_646 = arith.constant 2.000000e-01 : f32
        %mul3A_647 = vector.broadcast %mul3A_646 : f32 to vector<16xf32>
        %mul3A_648 = arith.mulf %add3A_638, %mul3A_647 : vector<16xf32>
        %select_n3A_649 = arith.select %ge3A_645, %add3A_638, %mul3A_648 : vector<16xi1>, vector<16xf32>
        %ge3A_650 = arith.constant 0.000000e+00 : f32
        %ge3A_651 = vector.broadcast %ge3A_650 : f32 to vector<16xf32>
        %ge3A_652 = arith.cmpf oge, %add3A_642, %ge3A_651 : vector<16xf32>
        %mul3A_653 = arith.constant 2.000000e-01 : f32
        %mul3A_654 = vector.broadcast %mul3A_653 : f32 to vector<16xf32>
        %mul3A_655 = arith.mulf %add3A_642, %mul3A_654 : vector<16xf32>
        %select_n3A_656 = arith.select %ge3A_652, %add3A_642, %mul3A_655 : vector<16xi1>, vector<16xf32>
        %mul3A_657 = arith.mulf %select_n3A_649, %get3A_12 : vector<16xf32>
        %mul3A_658 = arith.mulf %select_n3A_656, %get3A_15 : vector<16xf32>
        %add3A_659 = arith.addf %mul3A_657, %mul3A_658 : vector<16xf32>
        %iota3A_660 = tpu.iota {dimensions = array<i32: 0>} : vector<16xi32>
        %add3A_661 = arith.constant 8 : i32
        %add3A_662 = vector.broadcast %add3A_661 : i32 to vector<16xi32>
        %add3A_663 = arith.addi %iota3A_660, %add3A_662 : vector<16xi32>
        %and3A_664 = arith.constant 15 : i32
        %and3A_665 = vector.broadcast %and3A_664 : i32 to vector<16xi32>
        %and3A_666 = arith.andi %add3A_663, %and3A_665 : vector<16xi32>
        %broadcast_in_dim3A_667 = vector.shape_cast %and3A_666 : vector<16xi32> to vector<16x1xi32>
        %gather3A_668 = vector.shape_cast %broadcast_in_dim3A_667 : vector<16x1xi32> to vector<16xi32>
        %gather3A_669 = tpu.dynamic_gather %add3A_659[%gather3A_668] in [0] : vector<16xf32>, vector<16xi32> -> vector<16xf32>
        %add3A_670 = arith.addf %add3A_659, %gather3A_669 : vector<16xf32>
        %add3A_671 = arith.constant 4 : i32
        %add3A_672 = vector.broadcast %add3A_671 : i32 to vector<16xi32>
        %add3A_673 = arith.addi %iota3A_660, %add3A_672 : vector<16xi32>
        %and3A_674 = arith.constant 15 : i32
        %and3A_675 = vector.broadcast %and3A_674 : i32 to vector<16xi32>
        %and3A_676 = arith.andi %add3A_673, %and3A_675 : vector<16xi32>
        %broadcast_in_dim3A_677 = vector.shape_cast %and3A_676 : vector<16xi32> to vector<16x1xi32>
        %gather3A_678 = vector.shape_cast %broadcast_in_dim3A_677 : vector<16x1xi32> to vector<16xi32>
        %gather3A_679 = tpu.dynamic_gather %add3A_670[%gather3A_678] in [0] : vector<16xf32>, vector<16xi32> -> vector<16xf32>
        %add3A_680 = arith.addf %add3A_670, %gather3A_679 : vector<16xf32>
        %add3A_681 = arith.constant 2 : i32
        %add3A_682 = vector.broadcast %add3A_681 : i32 to vector<16xi32>
        %add3A_683 = arith.addi %iota3A_660, %add3A_682 : vector<16xi32>
        %and3A_684 = arith.constant 15 : i32
        %and3A_685 = vector.broadcast %and3A_684 : i32 to vector<16xi32>
        %and3A_686 = arith.andi %add3A_683, %and3A_685 : vector<16xi32>
        %broadcast_in_dim3A_687 = vector.shape_cast %and3A_686 : vector<16xi32> to vector<16x1xi32>
        %gather3A_688 = vector.shape_cast %broadcast_in_dim3A_687 : vector<16x1xi32> to vector<16xi32>
        %gather3A_689 = tpu.dynamic_gather %add3A_680[%gather3A_688] in [0] : vector<16xf32>, vector<16xi32> -> vector<16xf32>
        %add3A_690 = arith.addf %add3A_680, %gather3A_689 : vector<16xf32>
        %add3A_691 = arith.constant 1 : i32
        %add3A_692 = vector.broadcast %add3A_691 : i32 to vector<16xi32>
        %add3A_693 = arith.addi %iota3A_660, %add3A_692 : vector<16xi32>
        %and3A_694 = arith.constant 15 : i32
        %and3A_695 = vector.broadcast %and3A_694 : i32 to vector<16xi32>
        %and3A_696 = arith.andi %add3A_693, %and3A_695 : vector<16xi32>
        %broadcast_in_dim3A_697 = vector.shape_cast %and3A_696 : vector<16xi32> to vector<16x1xi32>
        %gather3A_698 = vector.shape_cast %broadcast_in_dim3A_697 : vector<16x1xi32> to vector<16xi32>
        %gather3A_699 = tpu.dynamic_gather %add3A_690[%gather3A_698] in [0] : vector<16xf32>, vector<16xi32> -> vector<16xf32>
        %add3A_700 = arith.addf %add3A_690, %gather3A_699 : vector<16xf32>
        %exp3A_701 = math.exp %add3A_700 : vector<16xf32>
        %mul3A_702 = arith.mulf %get3A_620, %exp3A_701 : vector<16xf32>
        %swap3A_703 = arith.index_cast %add3A_616 : i32 to index
        %swap3A_704 = arith.constant 0 : index
        %swap3A_705 = tpu.vector_load %arg21[%swap3A_703, %swap3A_704] {strides = array<i32>} : memref<128x48xf32, #tpu.memory_space<vmem>>, vector<1x16xf32>,
        %swap3A_706 = vector.shape_cast %swap3A_705 : vector<1x16xf32> to vector<16xf32>
        %swap3A_707 = vector.shape_cast %mul3A_702 : vector<16xf32> to vector<1x16xf32>
        tpu.vector_store %arg21[%swap3A_703, %swap3A_704], %swap3A_707 {strides = array<i32>} : memref<128x48xf32, #tpu.memory_space<vmem>>, vector<1x16xf32>,
        %mul3A_708 = arith.mulf %get3A_624, %exp3A_701 : vector<16xf32>
        %swap3A_709 = arith.index_cast %add3A_616 : i32 to index
        %swap3A_710 = arith.constant 16 : index
        %swap3A_711 = tpu.vector_load %arg21[%swap3A_709, %swap3A_710] {strides = array<i32>} : memref<128x48xf32, #tpu.memory_space<vmem>>, vector<1x16xf32>,
        %swap3A_712 = vector.shape_cast %swap3A_711 : vector<1x16xf32> to vector<16xf32>
        %swap3A_713 = vector.shape_cast %mul3A_708 : vector<16xf32> to vector<1x16xf32>
        tpu.vector_store %arg21[%swap3A_709, %swap3A_710], %swap3A_713 {strides = array<i32>} : memref<128x48xf32, #tpu.memory_space<vmem>>, vector<1x16xf32>,
        %jit3A_714 = arith.constant 0.000000e+00 : f32
        %broadcast_in_dim3A_715 = vector.broadcast %jit3A_714 : f32 to vector<16xf32>
        %select_n3A_716 = arith.select %eq3A_17, %exp3A_701, %broadcast_in_dim3A_715 : vector<16xi1>, vector<16xf32>
        %swap3A_717 = arith.index_cast %add3A_616 : i32 to index
        %swap3A_718 = arith.constant 32 : index
        %swap3A_719 = tpu.vector_load %arg21[%swap3A_717, %swap3A_718] {strides = array<i32>} : memref<128x48xf32, #tpu.memory_space<vmem>>, vector<1x16xf32>,
        %swap3A_720 = vector.shape_cast %swap3A_719 : vector<1x16xf32> to vector<16xf32>
        %swap3A_721 = vector.shape_cast %select_n3A_716 : vector<16xf32> to vector<1x16xf32>
        tpu.vector_store %arg21[%swap3A_717, %swap3A_718], %swap3A_721 {strides = array<i32>} : memref<128x48xf32, #tpu.memory_space<vmem>>, vector<1x16xf32>,
        %mul3A_722 = arith.constant 16 : i32
        %mul3A_723 = arith.muli %scan3A_72, %mul3A_722 : i32
        %add3A_724 = arith.constant 6 : i32
        %add3A_725 = arith.addi %mul3A_723, %add3A_724 : i32
        %get3A_726 = arith.index_cast %add3A_725 : i32 to index
        %get3A_727 = arith.constant 0 : index
        %get3A_728 = tpu.vector_load %arg19[%get3A_726, %get3A_727] {strides = array<i32>} : memref<128x32xf32, #tpu.memory_space<vmem>>, vector<1x16xf32>,
        %get3A_729 = vector.shape_cast %get3A_728 : vector<1x16xf32> to vector<16xf32>
        %get3A_730 = arith.index_cast %add3A_725 : i32 to index
        %get3A_731 = arith.constant 16 : index
        %get3A_732 = tpu.vector_load %arg19[%get3A_730, %get3A_731] {strides = array<i32>} : memref<128x32xf32, #tpu.memory_space<vmem>>, vector<1x16xf32>,
        %get3A_733 = vector.shape_cast %get3A_732 : vector<1x16xf32> to vector<16xf32>
        %get3A_734 = arith.index_cast %add3A_725 : i32 to index
        %get3A_735 = arith.constant 0 : index
        %get3A_736 = tpu.vector_load %arg20[%get3A_734, %get3A_735] {strides = array<i32>} : memref<128x32xf32, #tpu.memory_space<vmem>>, vector<1x16xf32>,
        %get3A_737 = vector.shape_cast %get3A_736 : vector<1x16xf32> to vector<16xf32>
        %get3A_738 = arith.index_cast %add3A_725 : i32 to index
        %get3A_739 = arith.constant 16 : index
        %get3A_740 = tpu.vector_load %arg20[%get3A_738, %get3A_739] {strides = array<i32>} : memref<128x32xf32, #tpu.memory_space<vmem>>, vector<1x16xf32>,
        %get3A_741 = vector.shape_cast %get3A_740 : vector<1x16xf32> to vector<16xf32>
        %slice3A_742 = vector.extract_strided_slice %get3A_77 {offsets = [6], sizes = [1], strides = [1]} : vector<16xf32> to vector<1xf32>
        %squeeze3A_743 = vector.extract %slice3A_742[0] : f32 from vector<1xf32>
        %add3A_744 = arith.addf %get3A_729, %get3A_737 : vector<16xf32>
        %mul3A_745 = vector.broadcast %squeeze3A_743 : f32 to vector<16xf32>
        %mul3A_746 = arith.mulf %mul3A_745, %get3A_6 : vector<16xf32>
        %add3A_747 = arith.addf %add3A_744, %mul3A_746 : vector<16xf32>
        %add3A_748 = arith.addf %get3A_733, %get3A_741 : vector<16xf32>
        %mul3A_749 = vector.broadcast %squeeze3A_743 : f32 to vector<16xf32>
        %mul3A_750 = arith.mulf %mul3A_749, %get3A_9 : vector<16xf32>
        %add3A_751 = arith.addf %add3A_748, %mul3A_750 : vector<16xf32>
        %ge3A_752 = arith.constant 0.000000e+00 : f32
        %ge3A_753 = vector.broadcast %ge3A_752 : f32 to vector<16xf32>
        %ge3A_754 = arith.cmpf oge, %add3A_747, %ge3A_753 : vector<16xf32>
        %mul3A_755 = arith.constant 2.000000e-01 : f32
        %mul3A_756 = vector.broadcast %mul3A_755 : f32 to vector<16xf32>
        %mul3A_757 = arith.mulf %add3A_747, %mul3A_756 : vector<16xf32>
        %select_n3A_758 = arith.select %ge3A_754, %add3A_747, %mul3A_757 : vector<16xi1>, vector<16xf32>
        %ge3A_759 = arith.constant 0.000000e+00 : f32
        %ge3A_760 = vector.broadcast %ge3A_759 : f32 to vector<16xf32>
        %ge3A_761 = arith.cmpf oge, %add3A_751, %ge3A_760 : vector<16xf32>
        %mul3A_762 = arith.constant 2.000000e-01 : f32
        %mul3A_763 = vector.broadcast %mul3A_762 : f32 to vector<16xf32>
        %mul3A_764 = arith.mulf %add3A_751, %mul3A_763 : vector<16xf32>
        %select_n3A_765 = arith.select %ge3A_761, %add3A_751, %mul3A_764 : vector<16xi1>, vector<16xf32>
        %mul3A_766 = arith.mulf %select_n3A_758, %get3A_12 : vector<16xf32>
        %mul3A_767 = arith.mulf %select_n3A_765, %get3A_15 : vector<16xf32>
        %add3A_768 = arith.addf %mul3A_766, %mul3A_767 : vector<16xf32>
        %iota3A_769 = tpu.iota {dimensions = array<i32: 0>} : vector<16xi32>
        %add3A_770 = arith.constant 8 : i32
        %add3A_771 = vector.broadcast %add3A_770 : i32 to vector<16xi32>
        %add3A_772 = arith.addi %iota3A_769, %add3A_771 : vector<16xi32>
        %and3A_773 = arith.constant 15 : i32
        %and3A_774 = vector.broadcast %and3A_773 : i32 to vector<16xi32>
        %and3A_775 = arith.andi %add3A_772, %and3A_774 : vector<16xi32>
        %broadcast_in_dim3A_776 = vector.shape_cast %and3A_775 : vector<16xi32> to vector<16x1xi32>
        %gather3A_777 = vector.shape_cast %broadcast_in_dim3A_776 : vector<16x1xi32> to vector<16xi32>
        %gather3A_778 = tpu.dynamic_gather %add3A_768[%gather3A_777] in [0] : vector<16xf32>, vector<16xi32> -> vector<16xf32>
        %add3A_779 = arith.addf %add3A_768, %gather3A_778 : vector<16xf32>
        %add3A_780 = arith.constant 4 : i32
        %add3A_781 = vector.broadcast %add3A_780 : i32 to vector<16xi32>
        %add3A_782 = arith.addi %iota3A_769, %add3A_781 : vector<16xi32>
        %and3A_783 = arith.constant 15 : i32
        %and3A_784 = vector.broadcast %and3A_783 : i32 to vector<16xi32>
        %and3A_785 = arith.andi %add3A_782, %and3A_784 : vector<16xi32>
        %broadcast_in_dim3A_786 = vector.shape_cast %and3A_785 : vector<16xi32> to vector<16x1xi32>
        %gather3A_787 = vector.shape_cast %broadcast_in_dim3A_786 : vector<16x1xi32> to vector<16xi32>
        %gather3A_788 = tpu.dynamic_gather %add3A_779[%gather3A_787] in [0] : vector<16xf32>, vector<16xi32> -> vector<16xf32>
        %add3A_789 = arith.addf %add3A_779, %gather3A_788 : vector<16xf32>
        %add3A_790 = arith.constant 2 : i32
        %add3A_791 = vector.broadcast %add3A_790 : i32 to vector<16xi32>
        %add3A_792 = arith.addi %iota3A_769, %add3A_791 : vector<16xi32>
        %and3A_793 = arith.constant 15 : i32
        %and3A_794 = vector.broadcast %and3A_793 : i32 to vector<16xi32>
        %and3A_795 = arith.andi %add3A_792, %and3A_794 : vector<16xi32>
        %broadcast_in_dim3A_796 = vector.shape_cast %and3A_795 : vector<16xi32> to vector<16x1xi32>
        %gather3A_797 = vector.shape_cast %broadcast_in_dim3A_796 : vector<16x1xi32> to vector<16xi32>
        %gather3A_798 = tpu.dynamic_gather %add3A_789[%gather3A_797] in [0] : vector<16xf32>, vector<16xi32> -> vector<16xf32>
        %add3A_799 = arith.addf %add3A_789, %gather3A_798 : vector<16xf32>
        %add3A_800 = arith.constant 1 : i32
        %add3A_801 = vector.broadcast %add3A_800 : i32 to vector<16xi32>
        %add3A_802 = arith.addi %iota3A_769, %add3A_801 : vector<16xi32>
        %and3A_803 = arith.constant 15 : i32
        %and3A_804 = vector.broadcast %and3A_803 : i32 to vector<16xi32>
        %and3A_805 = arith.andi %add3A_802, %and3A_804 : vector<16xi32>
        %broadcast_in_dim3A_806 = vector.shape_cast %and3A_805 : vector<16xi32> to vector<16x1xi32>
        %gather3A_807 = vector.shape_cast %broadcast_in_dim3A_806 : vector<16x1xi32> to vector<16xi32>
        %gather3A_808 = tpu.dynamic_gather %add3A_799[%gather3A_807] in [0] : vector<16xf32>, vector<16xi32> -> vector<16xf32>
        %add3A_809 = arith.addf %add3A_799, %gather3A_808 : vector<16xf32>
        %exp3A_810 = math.exp %add3A_809 : vector<16xf32>
        %mul3A_811 = arith.mulf %get3A_729, %exp3A_810 : vector<16xf32>
        %swap3A_812 = arith.index_cast %add3A_725 : i32 to index
        %swap3A_813 = arith.constant 0 : index
        %swap3A_814 = tpu.vector_load %arg21[%swap3A_812, %swap3A_813] {strides = array<i32>} : memref<128x48xf32, #tpu.memory_space<vmem>>, vector<1x16xf32>,
        %swap3A_815 = vector.shape_cast %swap3A_814 : vector<1x16xf32> to vector<16xf32>
        %swap3A_816 = vector.shape_cast %mul3A_811 : vector<16xf32> to vector<1x16xf32>
        tpu.vector_store %arg21[%swap3A_812, %swap3A_813], %swap3A_816 {strides = array<i32>} : memref<128x48xf32, #tpu.memory_space<vmem>>, vector<1x16xf32>,
        %mul3A_817 = arith.mulf %get3A_733, %exp3A_810 : vector<16xf32>
        %swap3A_818 = arith.index_cast %add3A_725 : i32 to index
        %swap3A_819 = arith.constant 16 : index
        %swap3A_820 = tpu.vector_load %arg21[%swap3A_818, %swap3A_819] {strides = array<i32>} : memref<128x48xf32, #tpu.memory_space<vmem>>, vector<1x16xf32>,
        %swap3A_821 = vector.shape_cast %swap3A_820 : vector<1x16xf32> to vector<16xf32>
        %swap3A_822 = vector.shape_cast %mul3A_817 : vector<16xf32> to vector<1x16xf32>
        tpu.vector_store %arg21[%swap3A_818, %swap3A_819], %swap3A_822 {strides = array<i32>} : memref<128x48xf32, #tpu.memory_space<vmem>>, vector<1x16xf32>,
        %jit3A_823 = arith.constant 0.000000e+00 : f32
        %broadcast_in_dim3A_824 = vector.broadcast %jit3A_823 : f32 to vector<16xf32>
        %select_n3A_825 = arith.select %eq3A_17, %exp3A_810, %broadcast_in_dim3A_824 : vector<16xi1>, vector<16xf32>
        %swap3A_826 = arith.index_cast %add3A_725 : i32 to index
        %swap3A_827 = arith.constant 32 : index
        %swap3A_828 = tpu.vector_load %arg21[%swap3A_826, %swap3A_827] {strides = array<i32>} : memref<128x48xf32, #tpu.memory_space<vmem>>, vector<1x16xf32>,
        %swap3A_829 = vector.shape_cast %swap3A_828 : vector<1x16xf32> to vector<16xf32>
        %swap3A_830 = vector.shape_cast %select_n3A_825 : vector<16xf32> to vector<1x16xf32>
        tpu.vector_store %arg21[%swap3A_826, %swap3A_827], %swap3A_830 {strides = array<i32>} : memref<128x48xf32, #tpu.memory_space<vmem>>, vector<1x16xf32>,
        %mul3A_831 = arith.constant 16 : i32
        %mul3A_832 = arith.muli %scan3A_72, %mul3A_831 : i32
        %add3A_833 = arith.constant 7 : i32
        %add3A_834 = arith.addi %mul3A_832, %add3A_833 : i32
        %get3A_835 = arith.index_cast %add3A_834 : i32 to index
        %get3A_836 = arith.constant 0 : index
        %get3A_837 = tpu.vector_load %arg19[%get3A_835, %get3A_836] {strides = array<i32>} : memref<128x32xf32, #tpu.memory_space<vmem>>, vector<1x16xf32>,
        %get3A_838 = vector.shape_cast %get3A_837 : vector<1x16xf32> to vector<16xf32>
        %get3A_839 = arith.index_cast %add3A_834 : i32 to index
        %get3A_840 = arith.constant 16 : index
        %get3A_841 = tpu.vector_load %arg19[%get3A_839, %get3A_840] {strides = array<i32>} : memref<128x32xf32, #tpu.memory_space<vmem>>, vector<1x16xf32>,
        %get3A_842 = vector.shape_cast %get3A_841 : vector<1x16xf32> to vector<16xf32>
        %get3A_843 = arith.index_cast %add3A_834 : i32 to index
        %get3A_844 = arith.constant 0 : index
        %get3A_845 = tpu.vector_load %arg20[%get3A_843, %get3A_844] {strides = array<i32>} : memref<128x32xf32, #tpu.memory_space<vmem>>, vector<1x16xf32>,
        %get3A_846 = vector.shape_cast %get3A_845 : vector<1x16xf32> to vector<16xf32>
        %get3A_847 = arith.index_cast %add3A_834 : i32 to index
        %get3A_848 = arith.constant 16 : index
        %get3A_849 = tpu.vector_load %arg20[%get3A_847, %get3A_848] {strides = array<i32>} : memref<128x32xf32, #tpu.memory_space<vmem>>, vector<1x16xf32>,
        %get3A_850 = vector.shape_cast %get3A_849 : vector<1x16xf32> to vector<16xf32>
        %slice3A_851 = vector.extract_strided_slice %get3A_77 {offsets = [7], sizes = [1], strides = [1]} : vector<16xf32> to vector<1xf32>
        %squeeze3A_852 = vector.extract %slice3A_851[0] : f32 from vector<1xf32>
        %add3A_853 = arith.addf %get3A_838, %get3A_846 : vector<16xf32>
        %mul3A_854 = vector.broadcast %squeeze3A_852 : f32 to vector<16xf32>
        %mul3A_855 = arith.mulf %mul3A_854, %get3A_6 : vector<16xf32>
        %add3A_856 = arith.addf %add3A_853, %mul3A_855 : vector<16xf32>
        %add3A_857 = arith.addf %get3A_842, %get3A_850 : vector<16xf32>
        %mul3A_858 = vector.broadcast %squeeze3A_852 : f32 to vector<16xf32>
        %mul3A_859 = arith.mulf %mul3A_858, %get3A_9 : vector<16xf32>
        %add3A_860 = arith.addf %add3A_857, %mul3A_859 : vector<16xf32>
        %ge3A_861 = arith.constant 0.000000e+00 : f32
        %ge3A_862 = vector.broadcast %ge3A_861 : f32 to vector<16xf32>
        %ge3A_863 = arith.cmpf oge, %add3A_856, %ge3A_862 : vector<16xf32>
        %mul3A_864 = arith.constant 2.000000e-01 : f32
        %mul3A_865 = vector.broadcast %mul3A_864 : f32 to vector<16xf32>
        %mul3A_866 = arith.mulf %add3A_856, %mul3A_865 : vector<16xf32>
        %select_n3A_867 = arith.select %ge3A_863, %add3A_856, %mul3A_866 : vector<16xi1>, vector<16xf32>
        %ge3A_868 = arith.constant 0.000000e+00 : f32
        %ge3A_869 = vector.broadcast %ge3A_868 : f32 to vector<16xf32>
        %ge3A_870 = arith.cmpf oge, %add3A_860, %ge3A_869 : vector<16xf32>
        %mul3A_871 = arith.constant 2.000000e-01 : f32
        %mul3A_872 = vector.broadcast %mul3A_871 : f32 to vector<16xf32>
        %mul3A_873 = arith.mulf %add3A_860, %mul3A_872 : vector<16xf32>
        %select_n3A_874 = arith.select %ge3A_870, %add3A_860, %mul3A_873 : vector<16xi1>, vector<16xf32>
        %mul3A_875 = arith.mulf %select_n3A_867, %get3A_12 : vector<16xf32>
        %mul3A_876 = arith.mulf %select_n3A_874, %get3A_15 : vector<16xf32>
        %add3A_877 = arith.addf %mul3A_875, %mul3A_876 : vector<16xf32>
        %iota3A_878 = tpu.iota {dimensions = array<i32: 0>} : vector<16xi32>
        %add3A_879 = arith.constant 8 : i32
        %add3A_880 = vector.broadcast %add3A_879 : i32 to vector<16xi32>
        %add3A_881 = arith.addi %iota3A_878, %add3A_880 : vector<16xi32>
        %and3A_882 = arith.constant 15 : i32
        %and3A_883 = vector.broadcast %and3A_882 : i32 to vector<16xi32>
        %and3A_884 = arith.andi %add3A_881, %and3A_883 : vector<16xi32>
        %broadcast_in_dim3A_885 = vector.shape_cast %and3A_884 : vector<16xi32> to vector<16x1xi32>
        %gather3A_886 = vector.shape_cast %broadcast_in_dim3A_885 : vector<16x1xi32> to vector<16xi32>
        %gather3A_887 = tpu.dynamic_gather %add3A_877[%gather3A_886] in [0] : vector<16xf32>, vector<16xi32> -> vector<16xf32>
        %add3A_888 = arith.addf %add3A_877, %gather3A_887 : vector<16xf32>
        %add3A_889 = arith.constant 4 : i32
        %add3A_890 = vector.broadcast %add3A_889 : i32 to vector<16xi32>
        %add3A_891 = arith.addi %iota3A_878, %add3A_890 : vector<16xi32>
        %and3A_892 = arith.constant 15 : i32
        %and3A_893 = vector.broadcast %and3A_892 : i32 to vector<16xi32>
        %and3A_894 = arith.andi %add3A_891, %and3A_893 : vector<16xi32>
        %broadcast_in_dim3A_895 = vector.shape_cast %and3A_894 : vector<16xi32> to vector<16x1xi32>
        %gather3A_896 = vector.shape_cast %broadcast_in_dim3A_895 : vector<16x1xi32> to vector<16xi32>
        %gather3A_897 = tpu.dynamic_gather %add3A_888[%gather3A_896] in [0] : vector<16xf32>, vector<16xi32> -> vector<16xf32>
        %add3A_898 = arith.addf %add3A_888, %gather3A_897 : vector<16xf32>
        %add3A_899 = arith.constant 2 : i32
        %add3A_900 = vector.broadcast %add3A_899 : i32 to vector<16xi32>
        %add3A_901 = arith.addi %iota3A_878, %add3A_900 : vector<16xi32>
        %and3A_902 = arith.constant 15 : i32
        %and3A_903 = vector.broadcast %and3A_902 : i32 to vector<16xi32>
        %and3A_904 = arith.andi %add3A_901, %and3A_903 : vector<16xi32>
        %broadcast_in_dim3A_905 = vector.shape_cast %and3A_904 : vector<16xi32> to vector<16x1xi32>
        %gather3A_906 = vector.shape_cast %broadcast_in_dim3A_905 : vector<16x1xi32> to vector<16xi32>
        %gather3A_907 = tpu.dynamic_gather %add3A_898[%gather3A_906] in [0] : vector<16xf32>, vector<16xi32> -> vector<16xf32>
        %add3A_908 = arith.addf %add3A_898, %gather3A_907 : vector<16xf32>
        %add3A_909 = arith.constant 1 : i32
        %add3A_910 = vector.broadcast %add3A_909 : i32 to vector<16xi32>
        %add3A_911 = arith.addi %iota3A_878, %add3A_910 : vector<16xi32>
        %and3A_912 = arith.constant 15 : i32
        %and3A_913 = vector.broadcast %and3A_912 : i32 to vector<16xi32>
        %and3A_914 = arith.andi %add3A_911, %and3A_913 : vector<16xi32>
        %broadcast_in_dim3A_915 = vector.shape_cast %and3A_914 : vector<16xi32> to vector<16x1xi32>
        %gather3A_916 = vector.shape_cast %broadcast_in_dim3A_915 : vector<16x1xi32> to vector<16xi32>
        %gather3A_917 = tpu.dynamic_gather %add3A_908[%gather3A_916] in [0] : vector<16xf32>, vector<16xi32> -> vector<16xf32>
        %add3A_918 = arith.addf %add3A_908, %gather3A_917 : vector<16xf32>
        %exp3A_919 = math.exp %add3A_918 : vector<16xf32>
        %mul3A_920 = arith.mulf %get3A_838, %exp3A_919 : vector<16xf32>
        %swap3A_921 = arith.index_cast %add3A_834 : i32 to index
        %swap3A_922 = arith.constant 0 : index
        %swap3A_923 = tpu.vector_load %arg21[%swap3A_921, %swap3A_922] {strides = array<i32>} : memref<128x48xf32, #tpu.memory_space<vmem>>, vector<1x16xf32>,
        %swap3A_924 = vector.shape_cast %swap3A_923 : vector<1x16xf32> to vector<16xf32>
        %swap3A_925 = vector.shape_cast %mul3A_920 : vector<16xf32> to vector<1x16xf32>
        tpu.vector_store %arg21[%swap3A_921, %swap3A_922], %swap3A_925 {strides = array<i32>} : memref<128x48xf32, #tpu.memory_space<vmem>>, vector<1x16xf32>,
        %mul3A_926 = arith.mulf %get3A_842, %exp3A_919 : vector<16xf32>
        %swap3A_927 = arith.index_cast %add3A_834 : i32 to index
        %swap3A_928 = arith.constant 16 : index
        %swap3A_929 = tpu.vector_load %arg21[%swap3A_927, %swap3A_928] {strides = array<i32>} : memref<128x48xf32, #tpu.memory_space<vmem>>, vector<1x16xf32>,
        %swap3A_930 = vector.shape_cast %swap3A_929 : vector<1x16xf32> to vector<16xf32>
        %swap3A_931 = vector.shape_cast %mul3A_926 : vector<16xf32> to vector<1x16xf32>
        tpu.vector_store %arg21[%swap3A_927, %swap3A_928], %swap3A_931 {strides = array<i32>} : memref<128x48xf32, #tpu.memory_space<vmem>>, vector<1x16xf32>,
        %jit3A_932 = arith.constant 0.000000e+00 : f32
        %broadcast_in_dim3A_933 = vector.broadcast %jit3A_932 : f32 to vector<16xf32>
        %select_n3A_934 = arith.select %eq3A_17, %exp3A_919, %broadcast_in_dim3A_933 : vector<16xi1>, vector<16xf32>
        %swap3A_935 = arith.index_cast %add3A_834 : i32 to index
        %swap3A_936 = arith.constant 32 : index
        %swap3A_937 = tpu.vector_load %arg21[%swap3A_935, %swap3A_936] {strides = array<i32>} : memref<128x48xf32, #tpu.memory_space<vmem>>, vector<1x16xf32>,
        %swap3A_938 = vector.shape_cast %swap3A_937 : vector<1x16xf32> to vector<16xf32>
        %swap3A_939 = vector.shape_cast %select_n3A_934 : vector<16xf32> to vector<1x16xf32>
        tpu.vector_store %arg21[%swap3A_935, %swap3A_936], %swap3A_939 {strides = array<i32>} : memref<128x48xf32, #tpu.memory_space<vmem>>, vector<1x16xf32>,
        %mul3A_940 = arith.constant 16 : i32
        %mul3A_941 = arith.muli %scan3A_72, %mul3A_940 : i32
        %add3A_942 = arith.constant 8 : i32
        %add3A_943 = arith.addi %mul3A_941, %add3A_942 : i32
        %get3A_944 = arith.index_cast %add3A_943 : i32 to index
        %get3A_945 = arith.constant 0 : index
        %get3A_946 = tpu.vector_load %arg19[%get3A_944, %get3A_945] {strides = array<i32>} : memref<128x32xf32, #tpu.memory_space<vmem>>, vector<1x16xf32>,
        %get3A_947 = vector.shape_cast %get3A_946 : vector<1x16xf32> to vector<16xf32>
        %get3A_948 = arith.index_cast %add3A_943 : i32 to index
        %get3A_949 = arith.constant 16 : index
        %get3A_950 = tpu.vector_load %arg19[%get3A_948, %get3A_949] {strides = array<i32>} : memref<128x32xf32, #tpu.memory_space<vmem>>, vector<1x16xf32>,
        %get3A_951 = vector.shape_cast %get3A_950 : vector<1x16xf32> to vector<16xf32>
        %get3A_952 = arith.index_cast %add3A_943 : i32 to index
        %get3A_953 = arith.constant 0 : index
        %get3A_954 = tpu.vector_load %arg20[%get3A_952, %get3A_953] {strides = array<i32>} : memref<128x32xf32, #tpu.memory_space<vmem>>, vector<1x16xf32>,
        %get3A_955 = vector.shape_cast %get3A_954 : vector<1x16xf32> to vector<16xf32>
        %get3A_956 = arith.index_cast %add3A_943 : i32 to index
        %get3A_957 = arith.constant 16 : index
        %get3A_958 = tpu.vector_load %arg20[%get3A_956, %get3A_957] {strides = array<i32>} : memref<128x32xf32, #tpu.memory_space<vmem>>, vector<1x16xf32>,
        %get3A_959 = vector.shape_cast %get3A_958 : vector<1x16xf32> to vector<16xf32>
        %slice3A_960 = vector.extract_strided_slice %get3A_77 {offsets = [8], sizes = [1], strides = [1]} : vector<16xf32> to vector<1xf32>
        %squeeze3A_961 = vector.extract %slice3A_960[0] : f32 from vector<1xf32>
        %add3A_962 = arith.addf %get3A_947, %get3A_955 : vector<16xf32>
        %mul3A_963 = vector.broadcast %squeeze3A_961 : f32 to vector<16xf32>
        %mul3A_964 = arith.mulf %mul3A_963, %get3A_6 : vector<16xf32>
        %add3A_965 = arith.addf %add3A_962, %mul3A_964 : vector<16xf32>
        %add3A_966 = arith.addf %get3A_951, %get3A_959 : vector<16xf32>
        %mul3A_967 = vector.broadcast %squeeze3A_961 : f32 to vector<16xf32>
        %mul3A_968 = arith.mulf %mul3A_967, %get3A_9 : vector<16xf32>
        %add3A_969 = arith.addf %add3A_966, %mul3A_968 : vector<16xf32>
        %ge3A_970 = arith.constant 0.000000e+00 : f32
        %ge3A_971 = vector.broadcast %ge3A_970 : f32 to vector<16xf32>
        %ge3A_972 = arith.cmpf oge, %add3A_965, %ge3A_971 : vector<16xf32>
        %mul3A_973 = arith.constant 2.000000e-01 : f32
        %mul3A_974 = vector.broadcast %mul3A_973 : f32 to vector<16xf32>
        %mul3A_975 = arith.mulf %add3A_965, %mul3A_974 : vector<16xf32>
        %select_n3A_976 = arith.select %ge3A_972, %add3A_965, %mul3A_975 : vector<16xi1>, vector<16xf32>
        %ge3A_977 = arith.constant 0.000000e+00 : f32
        %ge3A_978 = vector.broadcast %ge3A_977 : f32 to vector<16xf32>
        %ge3A_979 = arith.cmpf oge, %add3A_969, %ge3A_978 : vector<16xf32>
        %mul3A_980 = arith.constant 2.000000e-01 : f32
        %mul3A_981 = vector.broadcast %mul3A_980 : f32 to vector<16xf32>
        %mul3A_982 = arith.mulf %add3A_969, %mul3A_981 : vector<16xf32>
        %select_n3A_983 = arith.select %ge3A_979, %add3A_969, %mul3A_982 : vector<16xi1>, vector<16xf32>
        %mul3A_984 = arith.mulf %select_n3A_976, %get3A_12 : vector<16xf32>
        %mul3A_985 = arith.mulf %select_n3A_983, %get3A_15 : vector<16xf32>
        %add3A_986 = arith.addf %mul3A_984, %mul3A_985 : vector<16xf32>
        %iota3A_987 = tpu.iota {dimensions = array<i32: 0>} : vector<16xi32>
        %add3A_988 = arith.constant 8 : i32
        %add3A_989 = vector.broadcast %add3A_988 : i32 to vector<16xi32>
        %add3A_990 = arith.addi %iota3A_987, %add3A_989 : vector<16xi32>
        %and3A_991 = arith.constant 15 : i32
        %and3A_992 = vector.broadcast %and3A_991 : i32 to vector<16xi32>
        %and3A_993 = arith.andi %add3A_990, %and3A_992 : vector<16xi32>
        %broadcast_in_dim3A_994 = vector.shape_cast %and3A_993 : vector<16xi32> to vector<16x1xi32>
        %gather3A_995 = vector.shape_cast %broadcast_in_dim3A_994 : vector<16x1xi32> to vector<16xi32>
        %gather3A_996 = tpu.dynamic_gather %add3A_986[%gather3A_995] in [0] : vector<16xf32>, vector<16xi32> -> vector<16xf32>
        %add3A_997 = arith.addf %add3A_986, %gather3A_996 : vector<16xf32>
        %add3A_998 = arith.constant 4 : i32
        %add3A_999 = vector.broadcast %add3A_998 : i32 to vector<16xi32>
        %add3A_1000 = arith.addi %iota3A_987, %add3A_999 : vector<16xi32>
        %and3A_1001 = arith.constant 15 : i32
        %and3A_1002 = vector.broadcast %and3A_1001 : i32 to vector<16xi32>
        %and3A_1003 = arith.andi %add3A_1000, %and3A_1002 : vector<16xi32>
        %broadcast_in_dim3A_1004 = vector.shape_cast %and3A_1003 : vector<16xi32> to vector<16x1xi32>
        %gather3A_1005 = vector.shape_cast %broadcast_in_dim3A_1004 : vector<16x1xi32> to vector<16xi32>
        %gather3A_1006 = tpu.dynamic_gather %add3A_997[%gather3A_1005] in [0] : vector<16xf32>, vector<16xi32> -> vector<16xf32>
        %add3A_1007 = arith.addf %add3A_997, %gather3A_1006 : vector<16xf32>
        %add3A_1008 = arith.constant 2 : i32
        %add3A_1009 = vector.broadcast %add3A_1008 : i32 to vector<16xi32>
        %add3A_1010 = arith.addi %iota3A_987, %add3A_1009 : vector<16xi32>
        %and3A_1011 = arith.constant 15 : i32
        %and3A_1012 = vector.broadcast %and3A_1011 : i32 to vector<16xi32>
        %and3A_1013 = arith.andi %add3A_1010, %and3A_1012 : vector<16xi32>
        %broadcast_in_dim3A_1014 = vector.shape_cast %and3A_1013 : vector<16xi32> to vector<16x1xi32>
        %gather3A_1015 = vector.shape_cast %broadcast_in_dim3A_1014 : vector<16x1xi32> to vector<16xi32>
        %gather3A_1016 = tpu.dynamic_gather %add3A_1007[%gather3A_1015] in [0] : vector<16xf32>, vector<16xi32> -> vector<16xf32>
        %add3A_1017 = arith.addf %add3A_1007, %gather3A_1016 : vector<16xf32>
        %add3A_1018 = arith.constant 1 : i32
        %add3A_1019 = vector.broadcast %add3A_1018 : i32 to vector<16xi32>
        %add3A_1020 = arith.addi %iota3A_987, %add3A_1019 : vector<16xi32>
        %and3A_1021 = arith.constant 15 : i32
        %and3A_1022 = vector.broadcast %and3A_1021 : i32 to vector<16xi32>
        %and3A_1023 = arith.andi %add3A_1020, %and3A_1022 : vector<16xi32>
        %broadcast_in_dim3A_1024 = vector.shape_cast %and3A_1023 : vector<16xi32> to vector<16x1xi32>
        %gather3A_1025 = vector.shape_cast %broadcast_in_dim3A_1024 : vector<16x1xi32> to vector<16xi32>
        %gather3A_1026 = tpu.dynamic_gather %add3A_1017[%gather3A_1025] in [0] : vector<16xf32>, vector<16xi32> -> vector<16xf32>
        %add3A_1027 = arith.addf %add3A_1017, %gather3A_1026 : vector<16xf32>
        %exp3A_1028 = math.exp %add3A_1027 : vector<16xf32>
        %mul3A_1029 = arith.mulf %get3A_947, %exp3A_1028 : vector<16xf32>
        %swap3A_1030 = arith.index_cast %add3A_943 : i32 to index
        %swap3A_1031 = arith.constant 0 : index
        %swap3A_1032 = tpu.vector_load %arg21[%swap3A_1030, %swap3A_1031] {strides = array<i32>} : memref<128x48xf32, #tpu.memory_space<vmem>>, vector<1x16xf32>,
        %swap3A_1033 = vector.shape_cast %swap3A_1032 : vector<1x16xf32> to vector<16xf32>
        %swap3A_1034 = vector.shape_cast %mul3A_1029 : vector<16xf32> to vector<1x16xf32>
        tpu.vector_store %arg21[%swap3A_1030, %swap3A_1031], %swap3A_1034 {strides = array<i32>} : memref<128x48xf32, #tpu.memory_space<vmem>>, vector<1x16xf32>,
        %mul3A_1035 = arith.mulf %get3A_951, %exp3A_1028 : vector<16xf32>
        %swap3A_1036 = arith.index_cast %add3A_943 : i32 to index
        %swap3A_1037 = arith.constant 16 : index
        %swap3A_1038 = tpu.vector_load %arg21[%swap3A_1036, %swap3A_1037] {strides = array<i32>} : memref<128x48xf32, #tpu.memory_space<vmem>>, vector<1x16xf32>,
        %swap3A_1039 = vector.shape_cast %swap3A_1038 : vector<1x16xf32> to vector<16xf32>
        %swap3A_1040 = vector.shape_cast %mul3A_1035 : vector<16xf32> to vector<1x16xf32>
        tpu.vector_store %arg21[%swap3A_1036, %swap3A_1037], %swap3A_1040 {strides = array<i32>} : memref<128x48xf32, #tpu.memory_space<vmem>>, vector<1x16xf32>,
        %jit3A_1041 = arith.constant 0.000000e+00 : f32
        %broadcast_in_dim3A_1042 = vector.broadcast %jit3A_1041 : f32 to vector<16xf32>
        %select_n3A_1043 = arith.select %eq3A_17, %exp3A_1028, %broadcast_in_dim3A_1042 : vector<16xi1>, vector<16xf32>
        %swap3A_1044 = arith.index_cast %add3A_943 : i32 to index
        %swap3A_1045 = arith.constant 32 : index
        %swap3A_1046 = tpu.vector_load %arg21[%swap3A_1044, %swap3A_1045] {strides = array<i32>} : memref<128x48xf32, #tpu.memory_space<vmem>>, vector<1x16xf32>,
        %swap3A_1047 = vector.shape_cast %swap3A_1046 : vector<1x16xf32> to vector<16xf32>
        %swap3A_1048 = vector.shape_cast %select_n3A_1043 : vector<16xf32> to vector<1x16xf32>
        tpu.vector_store %arg21[%swap3A_1044, %swap3A_1045], %swap3A_1048 {strides = array<i32>} : memref<128x48xf32, #tpu.memory_space<vmem>>, vector<1x16xf32>,
        %mul3A_1049 = arith.constant 16 : i32
        %mul3A_1050 = arith.muli %scan3A_72, %mul3A_1049 : i32
        %add3A_1051 = arith.constant 9 : i32
        %add3A_1052 = arith.addi %mul3A_1050, %add3A_1051 : i32
        %get3A_1053 = arith.index_cast %add3A_1052 : i32 to index
        %get3A_1054 = arith.constant 0 : index
        %get3A_1055 = tpu.vector_load %arg19[%get3A_1053, %get3A_1054] {strides = array<i32>} : memref<128x32xf32, #tpu.memory_space<vmem>>, vector<1x16xf32>,
        %get3A_1056 = vector.shape_cast %get3A_1055 : vector<1x16xf32> to vector<16xf32>
        %get3A_1057 = arith.index_cast %add3A_1052 : i32 to index
        %get3A_1058 = arith.constant 16 : index
        %get3A_1059 = tpu.vector_load %arg19[%get3A_1057, %get3A_1058] {strides = array<i32>} : memref<128x32xf32, #tpu.memory_space<vmem>>, vector<1x16xf32>,
        %get3A_1060 = vector.shape_cast %get3A_1059 : vector<1x16xf32> to vector<16xf32>
        %get3A_1061 = arith.index_cast %add3A_1052 : i32 to index
        %get3A_1062 = arith.constant 0 : index
        %get3A_1063 = tpu.vector_load %arg20[%get3A_1061, %get3A_1062] {strides = array<i32>} : memref<128x32xf32, #tpu.memory_space<vmem>>, vector<1x16xf32>,
        %get3A_1064 = vector.shape_cast %get3A_1063 : vector<1x16xf32> to vector<16xf32>
        %get3A_1065 = arith.index_cast %add3A_1052 : i32 to index
        %get3A_1066 = arith.constant 16 : index
        %get3A_1067 = tpu.vector_load %arg20[%get3A_1065, %get3A_1066] {strides = array<i32>} : memref<128x32xf32, #tpu.memory_space<vmem>>, vector<1x16xf32>,
        %get3A_1068 = vector.shape_cast %get3A_1067 : vector<1x16xf32> to vector<16xf32>
        %slice3A_1069 = vector.extract_strided_slice %get3A_77 {offsets = [9], sizes = [1], strides = [1]} : vector<16xf32> to vector<1xf32>
        %squeeze3A_1070 = vector.extract %slice3A_1069[0] : f32 from vector<1xf32>
        %add3A_1071 = arith.addf %get3A_1056, %get3A_1064 : vector<16xf32>
        %mul3A_1072 = vector.broadcast %squeeze3A_1070 : f32 to vector<16xf32>
        %mul3A_1073 = arith.mulf %mul3A_1072, %get3A_6 : vector<16xf32>
        %add3A_1074 = arith.addf %add3A_1071, %mul3A_1073 : vector<16xf32>
        %add3A_1075 = arith.addf %get3A_1060, %get3A_1068 : vector<16xf32>
        %mul3A_1076 = vector.broadcast %squeeze3A_1070 : f32 to vector<16xf32>
        %mul3A_1077 = arith.mulf %mul3A_1076, %get3A_9 : vector<16xf32>
        %add3A_1078 = arith.addf %add3A_1075, %mul3A_1077 : vector<16xf32>
        %ge3A_1079 = arith.constant 0.000000e+00 : f32
        %ge3A_1080 = vector.broadcast %ge3A_1079 : f32 to vector<16xf32>
        %ge3A_1081 = arith.cmpf oge, %add3A_1074, %ge3A_1080 : vector<16xf32>
        %mul3A_1082 = arith.constant 2.000000e-01 : f32
        %mul3A_1083 = vector.broadcast %mul3A_1082 : f32 to vector<16xf32>
        %mul3A_1084 = arith.mulf %add3A_1074, %mul3A_1083 : vector<16xf32>
        %select_n3A_1085 = arith.select %ge3A_1081, %add3A_1074, %mul3A_1084 : vector<16xi1>, vector<16xf32>
        %ge3A_1086 = arith.constant 0.000000e+00 : f32
        %ge3A_1087 = vector.broadcast %ge3A_1086 : f32 to vector<16xf32>
        %ge3A_1088 = arith.cmpf oge, %add3A_1078, %ge3A_1087 : vector<16xf32>
        %mul3A_1089 = arith.constant 2.000000e-01 : f32
        %mul3A_1090 = vector.broadcast %mul3A_1089 : f32 to vector<16xf32>
        %mul3A_1091 = arith.mulf %add3A_1078, %mul3A_1090 : vector<16xf32>
        %select_n3A_1092 = arith.select %ge3A_1088, %add3A_1078, %mul3A_1091 : vector<16xi1>, vector<16xf32>
        %mul3A_1093 = arith.mulf %select_n3A_1085, %get3A_12 : vector<16xf32>
        %mul3A_1094 = arith.mulf %select_n3A_1092, %get3A_15 : vector<16xf32>
        %add3A_1095 = arith.addf %mul3A_1093, %mul3A_1094 : vector<16xf32>
        %iota3A_1096 = tpu.iota {dimensions = array<i32: 0>} : vector<16xi32>
        %add3A_1097 = arith.constant 8 : i32
        %add3A_1098 = vector.broadcast %add3A_1097 : i32 to vector<16xi32>
        %add3A_1099 = arith.addi %iota3A_1096, %add3A_1098 : vector<16xi32>
        %and3A_1100 = arith.constant 15 : i32
        %and3A_1101 = vector.broadcast %and3A_1100 : i32 to vector<16xi32>
        %and3A_1102 = arith.andi %add3A_1099, %and3A_1101 : vector<16xi32>
        %broadcast_in_dim3A_1103 = vector.shape_cast %and3A_1102 : vector<16xi32> to vector<16x1xi32>
        %gather3A_1104 = vector.shape_cast %broadcast_in_dim3A_1103 : vector<16x1xi32> to vector<16xi32>
        %gather3A_1105 = tpu.dynamic_gather %add3A_1095[%gather3A_1104] in [0] : vector<16xf32>, vector<16xi32> -> vector<16xf32>
        %add3A_1106 = arith.addf %add3A_1095, %gather3A_1105 : vector<16xf32>
        %add3A_1107 = arith.constant 4 : i32
        %add3A_1108 = vector.broadcast %add3A_1107 : i32 to vector<16xi32>
        %add3A_1109 = arith.addi %iota3A_1096, %add3A_1108 : vector<16xi32>
        %and3A_1110 = arith.constant 15 : i32
        %and3A_1111 = vector.broadcast %and3A_1110 : i32 to vector<16xi32>
        %and3A_1112 = arith.andi %add3A_1109, %and3A_1111 : vector<16xi32>
        %broadcast_in_dim3A_1113 = vector.shape_cast %and3A_1112 : vector<16xi32> to vector<16x1xi32>
        %gather3A_1114 = vector.shape_cast %broadcast_in_dim3A_1113 : vector<16x1xi32> to vector<16xi32>
        %gather3A_1115 = tpu.dynamic_gather %add3A_1106[%gather3A_1114] in [0] : vector<16xf32>, vector<16xi32> -> vector<16xf32>
        %add3A_1116 = arith.addf %add3A_1106, %gather3A_1115 : vector<16xf32>
        %add3A_1117 = arith.constant 2 : i32
        %add3A_1118 = vector.broadcast %add3A_1117 : i32 to vector<16xi32>
        %add3A_1119 = arith.addi %iota3A_1096, %add3A_1118 : vector<16xi32>
        %and3A_1120 = arith.constant 15 : i32
        %and3A_1121 = vector.broadcast %and3A_1120 : i32 to vector<16xi32>
        %and3A_1122 = arith.andi %add3A_1119, %and3A_1121 : vector<16xi32>
        %broadcast_in_dim3A_1123 = vector.shape_cast %and3A_1122 : vector<16xi32> to vector<16x1xi32>
        %gather3A_1124 = vector.shape_cast %broadcast_in_dim3A_1123 : vector<16x1xi32> to vector<16xi32>
        %gather3A_1125 = tpu.dynamic_gather %add3A_1116[%gather3A_1124] in [0] : vector<16xf32>, vector<16xi32> -> vector<16xf32>
        %add3A_1126 = arith.addf %add3A_1116, %gather3A_1125 : vector<16xf32>
        %add3A_1127 = arith.constant 1 : i32
        %add3A_1128 = vector.broadcast %add3A_1127 : i32 to vector<16xi32>
        %add3A_1129 = arith.addi %iota3A_1096, %add3A_1128 : vector<16xi32>
        %and3A_1130 = arith.constant 15 : i32
        %and3A_1131 = vector.broadcast %and3A_1130 : i32 to vector<16xi32>
        %and3A_1132 = arith.andi %add3A_1129, %and3A_1131 : vector<16xi32>
        %broadcast_in_dim3A_1133 = vector.shape_cast %and3A_1132 : vector<16xi32> to vector<16x1xi32>
        %gather3A_1134 = vector.shape_cast %broadcast_in_dim3A_1133 : vector<16x1xi32> to vector<16xi32>
        %gather3A_1135 = tpu.dynamic_gather %add3A_1126[%gather3A_1134] in [0] : vector<16xf32>, vector<16xi32> -> vector<16xf32>
        %add3A_1136 = arith.addf %add3A_1126, %gather3A_1135 : vector<16xf32>
        %exp3A_1137 = math.exp %add3A_1136 : vector<16xf32>
        %mul3A_1138 = arith.mulf %get3A_1056, %exp3A_1137 : vector<16xf32>
        %swap3A_1139 = arith.index_cast %add3A_1052 : i32 to index
        %swap3A_1140 = arith.constant 0 : index
        %swap3A_1141 = tpu.vector_load %arg21[%swap3A_1139, %swap3A_1140] {strides = array<i32>} : memref<128x48xf32, #tpu.memory_space<vmem>>, vector<1x16xf32>,
        %swap3A_1142 = vector.shape_cast %swap3A_1141 : vector<1x16xf32> to vector<16xf32>
        %swap3A_1143 = vector.shape_cast %mul3A_1138 : vector<16xf32> to vector<1x16xf32>
        tpu.vector_store %arg21[%swap3A_1139, %swap3A_1140], %swap3A_1143 {strides = array<i32>} : memref<128x48xf32, #tpu.memory_space<vmem>>, vector<1x16xf32>,
        %mul3A_1144 = arith.mulf %get3A_1060, %exp3A_1137 : vector<16xf32>
        %swap3A_1145 = arith.index_cast %add3A_1052 : i32 to index
        %swap3A_1146 = arith.constant 16 : index
        %swap3A_1147 = tpu.vector_load %arg21[%swap3A_1145, %swap3A_1146] {strides = array<i32>} : memref<128x48xf32, #tpu.memory_space<vmem>>, vector<1x16xf32>,
        %swap3A_1148 = vector.shape_cast %swap3A_1147 : vector<1x16xf32> to vector<16xf32>
        %swap3A_1149 = vector.shape_cast %mul3A_1144 : vector<16xf32> to vector<1x16xf32>
        tpu.vector_store %arg21[%swap3A_1145, %swap3A_1146], %swap3A_1149 {strides = array<i32>} : memref<128x48xf32, #tpu.memory_space<vmem>>, vector<1x16xf32>,
        %jit3A_1150 = arith.constant 0.000000e+00 : f32
        %broadcast_in_dim3A_1151 = vector.broadcast %jit3A_1150 : f32 to vector<16xf32>
        %select_n3A_1152 = arith.select %eq3A_17, %exp3A_1137, %broadcast_in_dim3A_1151 : vector<16xi1>, vector<16xf32>
        %swap3A_1153 = arith.index_cast %add3A_1052 : i32 to index
        %swap3A_1154 = arith.constant 32 : index
        %swap3A_1155 = tpu.vector_load %arg21[%swap3A_1153, %swap3A_1154] {strides = array<i32>} : memref<128x48xf32, #tpu.memory_space<vmem>>, vector<1x16xf32>,
        %swap3A_1156 = vector.shape_cast %swap3A_1155 : vector<1x16xf32> to vector<16xf32>
        %swap3A_1157 = vector.shape_cast %select_n3A_1152 : vector<16xf32> to vector<1x16xf32>
        tpu.vector_store %arg21[%swap3A_1153, %swap3A_1154], %swap3A_1157 {strides = array<i32>} : memref<128x48xf32, #tpu.memory_space<vmem>>, vector<1x16xf32>,
        %mul3A_1158 = arith.constant 16 : i32
        %mul3A_1159 = arith.muli %scan3A_72, %mul3A_1158 : i32
        %add3A_1160 = arith.constant 10 : i32
        %add3A_1161 = arith.addi %mul3A_1159, %add3A_1160 : i32
        %get3A_1162 = arith.index_cast %add3A_1161 : i32 to index
        %get3A_1163 = arith.constant 0 : index
        %get3A_1164 = tpu.vector_load %arg19[%get3A_1162, %get3A_1163] {strides = array<i32>} : memref<128x32xf32, #tpu.memory_space<vmem>>, vector<1x16xf32>,
        %get3A_1165 = vector.shape_cast %get3A_1164 : vector<1x16xf32> to vector<16xf32>
        %get3A_1166 = arith.index_cast %add3A_1161 : i32 to index
        %get3A_1167 = arith.constant 16 : index
        %get3A_1168 = tpu.vector_load %arg19[%get3A_1166, %get3A_1167] {strides = array<i32>} : memref<128x32xf32, #tpu.memory_space<vmem>>, vector<1x16xf32>,
        %get3A_1169 = vector.shape_cast %get3A_1168 : vector<1x16xf32> to vector<16xf32>
        %get3A_1170 = arith.index_cast %add3A_1161 : i32 to index
        %get3A_1171 = arith.constant 0 : index
        %get3A_1172 = tpu.vector_load %arg20[%get3A_1170, %get3A_1171] {strides = array<i32>} : memref<128x32xf32, #tpu.memory_space<vmem>>, vector<1x16xf32>,
        %get3A_1173 = vector.shape_cast %get3A_1172 : vector<1x16xf32> to vector<16xf32>
        %get3A_1174 = arith.index_cast %add3A_1161 : i32 to index
        %get3A_1175 = arith.constant 16 : index
        %get3A_1176 = tpu.vector_load %arg20[%get3A_1174, %get3A_1175] {strides = array<i32>} : memref<128x32xf32, #tpu.memory_space<vmem>>, vector<1x16xf32>,
        %get3A_1177 = vector.shape_cast %get3A_1176 : vector<1x16xf32> to vector<16xf32>
        %slice3A_1178 = vector.extract_strided_slice %get3A_77 {offsets = [10], sizes = [1], strides = [1]} : vector<16xf32> to vector<1xf32>
        %squeeze3A_1179 = vector.extract %slice3A_1178[0] : f32 from vector<1xf32>
        %add3A_1180 = arith.addf %get3A_1165, %get3A_1173 : vector<16xf32>
        %mul3A_1181 = vector.broadcast %squeeze3A_1179 : f32 to vector<16xf32>
        %mul3A_1182 = arith.mulf %mul3A_1181, %get3A_6 : vector<16xf32>
        %add3A_1183 = arith.addf %add3A_1180, %mul3A_1182 : vector<16xf32>
        %add3A_1184 = arith.addf %get3A_1169, %get3A_1177 : vector<16xf32>
        %mul3A_1185 = vector.broadcast %squeeze3A_1179 : f32 to vector<16xf32>
        %mul3A_1186 = arith.mulf %mul3A_1185, %get3A_9 : vector<16xf32>
        %add3A_1187 = arith.addf %add3A_1184, %mul3A_1186 : vector<16xf32>
        %ge3A_1188 = arith.constant 0.000000e+00 : f32
        %ge3A_1189 = vector.broadcast %ge3A_1188 : f32 to vector<16xf32>
        %ge3A_1190 = arith.cmpf oge, %add3A_1183, %ge3A_1189 : vector<16xf32>
        %mul3A_1191 = arith.constant 2.000000e-01 : f32
        %mul3A_1192 = vector.broadcast %mul3A_1191 : f32 to vector<16xf32>
        %mul3A_1193 = arith.mulf %add3A_1183, %mul3A_1192 : vector<16xf32>
        %select_n3A_1194 = arith.select %ge3A_1190, %add3A_1183, %mul3A_1193 : vector<16xi1>, vector<16xf32>
        %ge3A_1195 = arith.constant 0.000000e+00 : f32
        %ge3A_1196 = vector.broadcast %ge3A_1195 : f32 to vector<16xf32>
        %ge3A_1197 = arith.cmpf oge, %add3A_1187, %ge3A_1196 : vector<16xf32>
        %mul3A_1198 = arith.constant 2.000000e-01 : f32
        %mul3A_1199 = vector.broadcast %mul3A_1198 : f32 to vector<16xf32>
        %mul3A_1200 = arith.mulf %add3A_1187, %mul3A_1199 : vector<16xf32>
        %select_n3A_1201 = arith.select %ge3A_1197, %add3A_1187, %mul3A_1200 : vector<16xi1>, vector<16xf32>
        %mul3A_1202 = arith.mulf %select_n3A_1194, %get3A_12 : vector<16xf32>
        %mul3A_1203 = arith.mulf %select_n3A_1201, %get3A_15 : vector<16xf32>
        %add3A_1204 = arith.addf %mul3A_1202, %mul3A_1203 : vector<16xf32>
        %iota3A_1205 = tpu.iota {dimensions = array<i32: 0>} : vector<16xi32>
        %add3A_1206 = arith.constant 8 : i32
        %add3A_1207 = vector.broadcast %add3A_1206 : i32 to vector<16xi32>
        %add3A_1208 = arith.addi %iota3A_1205, %add3A_1207 : vector<16xi32>
        %and3A_1209 = arith.constant 15 : i32
        %and3A_1210 = vector.broadcast %and3A_1209 : i32 to vector<16xi32>
        %and3A_1211 = arith.andi %add3A_1208, %and3A_1210 : vector<16xi32>
        %broadcast_in_dim3A_1212 = vector.shape_cast %and3A_1211 : vector<16xi32> to vector<16x1xi32>
        %gather3A_1213 = vector.shape_cast %broadcast_in_dim3A_1212 : vector<16x1xi32> to vector<16xi32>
        %gather3A_1214 = tpu.dynamic_gather %add3A_1204[%gather3A_1213] in [0] : vector<16xf32>, vector<16xi32> -> vector<16xf32>
        %add3A_1215 = arith.addf %add3A_1204, %gather3A_1214 : vector<16xf32>
        %add3A_1216 = arith.constant 4 : i32
        %add3A_1217 = vector.broadcast %add3A_1216 : i32 to vector<16xi32>
        %add3A_1218 = arith.addi %iota3A_1205, %add3A_1217 : vector<16xi32>
        %and3A_1219 = arith.constant 15 : i32
        %and3A_1220 = vector.broadcast %and3A_1219 : i32 to vector<16xi32>
        %and3A_1221 = arith.andi %add3A_1218, %and3A_1220 : vector<16xi32>
        %broadcast_in_dim3A_1222 = vector.shape_cast %and3A_1221 : vector<16xi32> to vector<16x1xi32>
        %gather3A_1223 = vector.shape_cast %broadcast_in_dim3A_1222 : vector<16x1xi32> to vector<16xi32>
        %gather3A_1224 = tpu.dynamic_gather %add3A_1215[%gather3A_1223] in [0] : vector<16xf32>, vector<16xi32> -> vector<16xf32>
        %add3A_1225 = arith.addf %add3A_1215, %gather3A_1224 : vector<16xf32>
        %add3A_1226 = arith.constant 2 : i32
        %add3A_1227 = vector.broadcast %add3A_1226 : i32 to vector<16xi32>
        %add3A_1228 = arith.addi %iota3A_1205, %add3A_1227 : vector<16xi32>
        %and3A_1229 = arith.constant 15 : i32
        %and3A_1230 = vector.broadcast %and3A_1229 : i32 to vector<16xi32>
        %and3A_1231 = arith.andi %add3A_1228, %and3A_1230 : vector<16xi32>
        %broadcast_in_dim3A_1232 = vector.shape_cast %and3A_1231 : vector<16xi32> to vector<16x1xi32>
        %gather3A_1233 = vector.shape_cast %broadcast_in_dim3A_1232 : vector<16x1xi32> to vector<16xi32>
        %gather3A_1234 = tpu.dynamic_gather %add3A_1225[%gather3A_1233] in [0] : vector<16xf32>, vector<16xi32> -> vector<16xf32>
        %add3A_1235 = arith.addf %add3A_1225, %gather3A_1234 : vector<16xf32>
        %add3A_1236 = arith.constant 1 : i32
        %add3A_1237 = vector.broadcast %add3A_1236 : i32 to vector<16xi32>
        %add3A_1238 = arith.addi %iota3A_1205, %add3A_1237 : vector<16xi32>
        %and3A_1239 = arith.constant 15 : i32
        %and3A_1240 = vector.broadcast %and3A_1239 : i32 to vector<16xi32>
        %and3A_1241 = arith.andi %add3A_1238, %and3A_1240 : vector<16xi32>
        %broadcast_in_dim3A_1242 = vector.shape_cast %and3A_1241 : vector<16xi32> to vector<16x1xi32>
        %gather3A_1243 = vector.shape_cast %broadcast_in_dim3A_1242 : vector<16x1xi32> to vector<16xi32>
        %gather3A_1244 = tpu.dynamic_gather %add3A_1235[%gather3A_1243] in [0] : vector<16xf32>, vector<16xi32> -> vector<16xf32>
        %add3A_1245 = arith.addf %add3A_1235, %gather3A_1244 : vector<16xf32>
        %exp3A_1246 = math.exp %add3A_1245 : vector<16xf32>
        %mul3A_1247 = arith.mulf %get3A_1165, %exp3A_1246 : vector<16xf32>
        %swap3A_1248 = arith.index_cast %add3A_1161 : i32 to index
        %swap3A_1249 = arith.constant 0 : index
        %swap3A_1250 = tpu.vector_load %arg21[%swap3A_1248, %swap3A_1249] {strides = array<i32>} : memref<128x48xf32, #tpu.memory_space<vmem>>, vector<1x16xf32>,
        %swap3A_1251 = vector.shape_cast %swap3A_1250 : vector<1x16xf32> to vector<16xf32>
        %swap3A_1252 = vector.shape_cast %mul3A_1247 : vector<16xf32> to vector<1x16xf32>
        tpu.vector_store %arg21[%swap3A_1248, %swap3A_1249], %swap3A_1252 {strides = array<i32>} : memref<128x48xf32, #tpu.memory_space<vmem>>, vector<1x16xf32>,
        %mul3A_1253 = arith.mulf %get3A_1169, %exp3A_1246 : vector<16xf32>
        %swap3A_1254 = arith.index_cast %add3A_1161 : i32 to index
        %swap3A_1255 = arith.constant 16 : index
        %swap3A_1256 = tpu.vector_load %arg21[%swap3A_1254, %swap3A_1255] {strides = array<i32>} : memref<128x48xf32, #tpu.memory_space<vmem>>, vector<1x16xf32>,
        %swap3A_1257 = vector.shape_cast %swap3A_1256 : vector<1x16xf32> to vector<16xf32>
        %swap3A_1258 = vector.shape_cast %mul3A_1253 : vector<16xf32> to vector<1x16xf32>
        tpu.vector_store %arg21[%swap3A_1254, %swap3A_1255], %swap3A_1258 {strides = array<i32>} : memref<128x48xf32, #tpu.memory_space<vmem>>, vector<1x16xf32>,
        %jit3A_1259 = arith.constant 0.000000e+00 : f32
        %broadcast_in_dim3A_1260 = vector.broadcast %jit3A_1259 : f32 to vector<16xf32>
        %select_n3A_1261 = arith.select %eq3A_17, %exp3A_1246, %broadcast_in_dim3A_1260 : vector<16xi1>, vector<16xf32>
        %swap3A_1262 = arith.index_cast %add3A_1161 : i32 to index
        %swap3A_1263 = arith.constant 32 : index
        %swap3A_1264 = tpu.vector_load %arg21[%swap3A_1262, %swap3A_1263] {strides = array<i32>} : memref<128x48xf32, #tpu.memory_space<vmem>>, vector<1x16xf32>,
        %swap3A_1265 = vector.shape_cast %swap3A_1264 : vector<1x16xf32> to vector<16xf32>
        %swap3A_1266 = vector.shape_cast %select_n3A_1261 : vector<16xf32> to vector<1x16xf32>
        tpu.vector_store %arg21[%swap3A_1262, %swap3A_1263], %swap3A_1266 {strides = array<i32>} : memref<128x48xf32, #tpu.memory_space<vmem>>, vector<1x16xf32>,
        %mul3A_1267 = arith.constant 16 : i32
        %mul3A_1268 = arith.muli %scan3A_72, %mul3A_1267 : i32
        %add3A_1269 = arith.constant 11 : i32
        %add3A_1270 = arith.addi %mul3A_1268, %add3A_1269 : i32
        %get3A_1271 = arith.index_cast %add3A_1270 : i32 to index
        %get3A_1272 = arith.constant 0 : index
        %get3A_1273 = tpu.vector_load %arg19[%get3A_1271, %get3A_1272] {strides = array<i32>} : memref<128x32xf32, #tpu.memory_space<vmem>>, vector<1x16xf32>,
        %get3A_1274 = vector.shape_cast %get3A_1273 : vector<1x16xf32> to vector<16xf32>
        %get3A_1275 = arith.index_cast %add3A_1270 : i32 to index
        %get3A_1276 = arith.constant 16 : index
        %get3A_1277 = tpu.vector_load %arg19[%get3A_1275, %get3A_1276] {strides = array<i32>} : memref<128x32xf32, #tpu.memory_space<vmem>>, vector<1x16xf32>,
        %get3A_1278 = vector.shape_cast %get3A_1277 : vector<1x16xf32> to vector<16xf32>
        %get3A_1279 = arith.index_cast %add3A_1270 : i32 to index
        %get3A_1280 = arith.constant 0 : index
        %get3A_1281 = tpu.vector_load %arg20[%get3A_1279, %get3A_1280] {strides = array<i32>} : memref<128x32xf32, #tpu.memory_space<vmem>>, vector<1x16xf32>,
        %get3A_1282 = vector.shape_cast %get3A_1281 : vector<1x16xf32> to vector<16xf32>
        %get3A_1283 = arith.index_cast %add3A_1270 : i32 to index
        %get3A_1284 = arith.constant 16 : index
        %get3A_1285 = tpu.vector_load %arg20[%get3A_1283, %get3A_1284] {strides = array<i32>} : memref<128x32xf32, #tpu.memory_space<vmem>>, vector<1x16xf32>,
        %get3A_1286 = vector.shape_cast %get3A_1285 : vector<1x16xf32> to vector<16xf32>
        %slice3A_1287 = vector.extract_strided_slice %get3A_77 {offsets = [11], sizes = [1], strides = [1]} : vector<16xf32> to vector<1xf32>
        %squeeze3A_1288 = vector.extract %slice3A_1287[0] : f32 from vector<1xf32>
        %add3A_1289 = arith.addf %get3A_1274, %get3A_1282 : vector<16xf32>
        %mul3A_1290 = vector.broadcast %squeeze3A_1288 : f32 to vector<16xf32>
        %mul3A_1291 = arith.mulf %mul3A_1290, %get3A_6 : vector<16xf32>
        %add3A_1292 = arith.addf %add3A_1289, %mul3A_1291 : vector<16xf32>
        %add3A_1293 = arith.addf %get3A_1278, %get3A_1286 : vector<16xf32>
        %mul3A_1294 = vector.broadcast %squeeze3A_1288 : f32 to vector<16xf32>
        %mul3A_1295 = arith.mulf %mul3A_1294, %get3A_9 : vector<16xf32>
        %add3A_1296 = arith.addf %add3A_1293, %mul3A_1295 : vector<16xf32>
        %ge3A_1297 = arith.constant 0.000000e+00 : f32
        %ge3A_1298 = vector.broadcast %ge3A_1297 : f32 to vector<16xf32>
        %ge3A_1299 = arith.cmpf oge, %add3A_1292, %ge3A_1298 : vector<16xf32>
        %mul3A_1300 = arith.constant 2.000000e-01 : f32
        %mul3A_1301 = vector.broadcast %mul3A_1300 : f32 to vector<16xf32>
        %mul3A_1302 = arith.mulf %add3A_1292, %mul3A_1301 : vector<16xf32>
        %select_n3A_1303 = arith.select %ge3A_1299, %add3A_1292, %mul3A_1302 : vector<16xi1>, vector<16xf32>
        %ge3A_1304 = arith.constant 0.000000e+00 : f32
        %ge3A_1305 = vector.broadcast %ge3A_1304 : f32 to vector<16xf32>
        %ge3A_1306 = arith.cmpf oge, %add3A_1296, %ge3A_1305 : vector<16xf32>
        %mul3A_1307 = arith.constant 2.000000e-01 : f32
        %mul3A_1308 = vector.broadcast %mul3A_1307 : f32 to vector<16xf32>
        %mul3A_1309 = arith.mulf %add3A_1296, %mul3A_1308 : vector<16xf32>
        %select_n3A_1310 = arith.select %ge3A_1306, %add3A_1296, %mul3A_1309 : vector<16xi1>, vector<16xf32>
        %mul3A_1311 = arith.mulf %select_n3A_1303, %get3A_12 : vector<16xf32>
        %mul3A_1312 = arith.mulf %select_n3A_1310, %get3A_15 : vector<16xf32>
        %add3A_1313 = arith.addf %mul3A_1311, %mul3A_1312 : vector<16xf32>
        %iota3A_1314 = tpu.iota {dimensions = array<i32: 0>} : vector<16xi32>
        %add3A_1315 = arith.constant 8 : i32
        %add3A_1316 = vector.broadcast %add3A_1315 : i32 to vector<16xi32>
        %add3A_1317 = arith.addi %iota3A_1314, %add3A_1316 : vector<16xi32>
        %and3A_1318 = arith.constant 15 : i32
        %and3A_1319 = vector.broadcast %and3A_1318 : i32 to vector<16xi32>
        %and3A_1320 = arith.andi %add3A_1317, %and3A_1319 : vector<16xi32>
        %broadcast_in_dim3A_1321 = vector.shape_cast %and3A_1320 : vector<16xi32> to vector<16x1xi32>
        %gather3A_1322 = vector.shape_cast %broadcast_in_dim3A_1321 : vector<16x1xi32> to vector<16xi32>
        %gather3A_1323 = tpu.dynamic_gather %add3A_1313[%gather3A_1322] in [0] : vector<16xf32>, vector<16xi32> -> vector<16xf32>
        %add3A_1324 = arith.addf %add3A_1313, %gather3A_1323 : vector<16xf32>
        %add3A_1325 = arith.constant 4 : i32
        %add3A_1326 = vector.broadcast %add3A_1325 : i32 to vector<16xi32>
        %add3A_1327 = arith.addi %iota3A_1314, %add3A_1326 : vector<16xi32>
        %and3A_1328 = arith.constant 15 : i32
        %and3A_1329 = vector.broadcast %and3A_1328 : i32 to vector<16xi32>
        %and3A_1330 = arith.andi %add3A_1327, %and3A_1329 : vector<16xi32>
        %broadcast_in_dim3A_1331 = vector.shape_cast %and3A_1330 : vector<16xi32> to vector<16x1xi32>
        %gather3A_1332 = vector.shape_cast %broadcast_in_dim3A_1331 : vector<16x1xi32> to vector<16xi32>
        %gather3A_1333 = tpu.dynamic_gather %add3A_1324[%gather3A_1332] in [0] : vector<16xf32>, vector<16xi32> -> vector<16xf32>
        %add3A_1334 = arith.addf %add3A_1324, %gather3A_1333 : vector<16xf32>
        %add3A_1335 = arith.constant 2 : i32
        %add3A_1336 = vector.broadcast %add3A_1335 : i32 to vector<16xi32>
        %add3A_1337 = arith.addi %iota3A_1314, %add3A_1336 : vector<16xi32>
        %and3A_1338 = arith.constant 15 : i32
        %and3A_1339 = vector.broadcast %and3A_1338 : i32 to vector<16xi32>
        %and3A_1340 = arith.andi %add3A_1337, %and3A_1339 : vector<16xi32>
        %broadcast_in_dim3A_1341 = vector.shape_cast %and3A_1340 : vector<16xi32> to vector<16x1xi32>
        %gather3A_1342 = vector.shape_cast %broadcast_in_dim3A_1341 : vector<16x1xi32> to vector<16xi32>
        %gather3A_1343 = tpu.dynamic_gather %add3A_1334[%gather3A_1342] in [0] : vector<16xf32>, vector<16xi32> -> vector<16xf32>
        %add3A_1344 = arith.addf %add3A_1334, %gather3A_1343 : vector<16xf32>
        %add3A_1345 = arith.constant 1 : i32
        %add3A_1346 = vector.broadcast %add3A_1345 : i32 to vector<16xi32>
        %add3A_1347 = arith.addi %iota3A_1314, %add3A_1346 : vector<16xi32>
        %and3A_1348 = arith.constant 15 : i32
        %and3A_1349 = vector.broadcast %and3A_1348 : i32 to vector<16xi32>
        %and3A_1350 = arith.andi %add3A_1347, %and3A_1349 : vector<16xi32>
        %broadcast_in_dim3A_1351 = vector.shape_cast %and3A_1350 : vector<16xi32> to vector<16x1xi32>
        %gather3A_1352 = vector.shape_cast %broadcast_in_dim3A_1351 : vector<16x1xi32> to vector<16xi32>
        %gather3A_1353 = tpu.dynamic_gather %add3A_1344[%gather3A_1352] in [0] : vector<16xf32>, vector<16xi32> -> vector<16xf32>
        %add3A_1354 = arith.addf %add3A_1344, %gather3A_1353 : vector<16xf32>
        %exp3A_1355 = math.exp %add3A_1354 : vector<16xf32>
        %mul3A_1356 = arith.mulf %get3A_1274, %exp3A_1355 : vector<16xf32>
        %swap3A_1357 = arith.index_cast %add3A_1270 : i32 to index
        %swap3A_1358 = arith.constant 0 : index
        %swap3A_1359 = tpu.vector_load %arg21[%swap3A_1357, %swap3A_1358] {strides = array<i32>} : memref<128x48xf32, #tpu.memory_space<vmem>>, vector<1x16xf32>,
        %swap3A_1360 = vector.shape_cast %swap3A_1359 : vector<1x16xf32> to vector<16xf32>
        %swap3A_1361 = vector.shape_cast %mul3A_1356 : vector<16xf32> to vector<1x16xf32>
        tpu.vector_store %arg21[%swap3A_1357, %swap3A_1358], %swap3A_1361 {strides = array<i32>} : memref<128x48xf32, #tpu.memory_space<vmem>>, vector<1x16xf32>,
        %mul3A_1362 = arith.mulf %get3A_1278, %exp3A_1355 : vector<16xf32>
        %swap3A_1363 = arith.index_cast %add3A_1270 : i32 to index
        %swap3A_1364 = arith.constant 16 : index
        %swap3A_1365 = tpu.vector_load %arg21[%swap3A_1363, %swap3A_1364] {strides = array<i32>} : memref<128x48xf32, #tpu.memory_space<vmem>>, vector<1x16xf32>,
        %swap3A_1366 = vector.shape_cast %swap3A_1365 : vector<1x16xf32> to vector<16xf32>
        %swap3A_1367 = vector.shape_cast %mul3A_1362 : vector<16xf32> to vector<1x16xf32>
        tpu.vector_store %arg21[%swap3A_1363, %swap3A_1364], %swap3A_1367 {strides = array<i32>} : memref<128x48xf32, #tpu.memory_space<vmem>>, vector<1x16xf32>,
        %jit3A_1368 = arith.constant 0.000000e+00 : f32
        %broadcast_in_dim3A_1369 = vector.broadcast %jit3A_1368 : f32 to vector<16xf32>
        %select_n3A_1370 = arith.select %eq3A_17, %exp3A_1355, %broadcast_in_dim3A_1369 : vector<16xi1>, vector<16xf32>
        %swap3A_1371 = arith.index_cast %add3A_1270 : i32 to index
        %swap3A_1372 = arith.constant 32 : index
        %swap3A_1373 = tpu.vector_load %arg21[%swap3A_1371, %swap3A_1372] {strides = array<i32>} : memref<128x48xf32, #tpu.memory_space<vmem>>, vector<1x16xf32>,
        %swap3A_1374 = vector.shape_cast %swap3A_1373 : vector<1x16xf32> to vector<16xf32>
        %swap3A_1375 = vector.shape_cast %select_n3A_1370 : vector<16xf32> to vector<1x16xf32>
        tpu.vector_store %arg21[%swap3A_1371, %swap3A_1372], %swap3A_1375 {strides = array<i32>} : memref<128x48xf32, #tpu.memory_space<vmem>>, vector<1x16xf32>,
        %mul3A_1376 = arith.constant 16 : i32
        %mul3A_1377 = arith.muli %scan3A_72, %mul3A_1376 : i32
        %add3A_1378 = arith.constant 12 : i32
        %add3A_1379 = arith.addi %mul3A_1377, %add3A_1378 : i32
        %get3A_1380 = arith.index_cast %add3A_1379 : i32 to index
        %get3A_1381 = arith.constant 0 : index
        %get3A_1382 = tpu.vector_load %arg19[%get3A_1380, %get3A_1381] {strides = array<i32>} : memref<128x32xf32, #tpu.memory_space<vmem>>, vector<1x16xf32>,
        %get3A_1383 = vector.shape_cast %get3A_1382 : vector<1x16xf32> to vector<16xf32>
        %get3A_1384 = arith.index_cast %add3A_1379 : i32 to index
        %get3A_1385 = arith.constant 16 : index
        %get3A_1386 = tpu.vector_load %arg19[%get3A_1384, %get3A_1385] {strides = array<i32>} : memref<128x32xf32, #tpu.memory_space<vmem>>, vector<1x16xf32>,
        %get3A_1387 = vector.shape_cast %get3A_1386 : vector<1x16xf32> to vector<16xf32>
        %get3A_1388 = arith.index_cast %add3A_1379 : i32 to index
        %get3A_1389 = arith.constant 0 : index
        %get3A_1390 = tpu.vector_load %arg20[%get3A_1388, %get3A_1389] {strides = array<i32>} : memref<128x32xf32, #tpu.memory_space<vmem>>, vector<1x16xf32>,
        %get3A_1391 = vector.shape_cast %get3A_1390 : vector<1x16xf32> to vector<16xf32>
        %get3A_1392 = arith.index_cast %add3A_1379 : i32 to index
        %get3A_1393 = arith.constant 16 : index
        %get3A_1394 = tpu.vector_load %arg20[%get3A_1392, %get3A_1393] {strides = array<i32>} : memref<128x32xf32, #tpu.memory_space<vmem>>, vector<1x16xf32>,
        %get3A_1395 = vector.shape_cast %get3A_1394 : vector<1x16xf32> to vector<16xf32>
        %slice3A_1396 = vector.extract_strided_slice %get3A_77 {offsets = [12], sizes = [1], strides = [1]} : vector<16xf32> to vector<1xf32>
        %squeeze3A_1397 = vector.extract %slice3A_1396[0] : f32 from vector<1xf32>
        %add3A_1398 = arith.addf %get3A_1383, %get3A_1391 : vector<16xf32>
        %mul3A_1399 = vector.broadcast %squeeze3A_1397 : f32 to vector<16xf32>
        %mul3A_1400 = arith.mulf %mul3A_1399, %get3A_6 : vector<16xf32>
        %add3A_1401 = arith.addf %add3A_1398, %mul3A_1400 : vector<16xf32>
        %add3A_1402 = arith.addf %get3A_1387, %get3A_1395 : vector<16xf32>
        %mul3A_1403 = vector.broadcast %squeeze3A_1397 : f32 to vector<16xf32>
        %mul3A_1404 = arith.mulf %mul3A_1403, %get3A_9 : vector<16xf32>
        %add3A_1405 = arith.addf %add3A_1402, %mul3A_1404 : vector<16xf32>
        %ge3A_1406 = arith.constant 0.000000e+00 : f32
        %ge3A_1407 = vector.broadcast %ge3A_1406 : f32 to vector<16xf32>
        %ge3A_1408 = arith.cmpf oge, %add3A_1401, %ge3A_1407 : vector<16xf32>
        %mul3A_1409 = arith.constant 2.000000e-01 : f32
        %mul3A_1410 = vector.broadcast %mul3A_1409 : f32 to vector<16xf32>
        %mul3A_1411 = arith.mulf %add3A_1401, %mul3A_1410 : vector<16xf32>
        %select_n3A_1412 = arith.select %ge3A_1408, %add3A_1401, %mul3A_1411 : vector<16xi1>, vector<16xf32>
        %ge3A_1413 = arith.constant 0.000000e+00 : f32
        %ge3A_1414 = vector.broadcast %ge3A_1413 : f32 to vector<16xf32>
        %ge3A_1415 = arith.cmpf oge, %add3A_1405, %ge3A_1414 : vector<16xf32>
        %mul3A_1416 = arith.constant 2.000000e-01 : f32
        %mul3A_1417 = vector.broadcast %mul3A_1416 : f32 to vector<16xf32>
        %mul3A_1418 = arith.mulf %add3A_1405, %mul3A_1417 : vector<16xf32>
        %select_n3A_1419 = arith.select %ge3A_1415, %add3A_1405, %mul3A_1418 : vector<16xi1>, vector<16xf32>
        %mul3A_1420 = arith.mulf %select_n3A_1412, %get3A_12 : vector<16xf32>
        %mul3A_1421 = arith.mulf %select_n3A_1419, %get3A_15 : vector<16xf32>
        %add3A_1422 = arith.addf %mul3A_1420, %mul3A_1421 : vector<16xf32>
        %iota3A_1423 = tpu.iota {dimensions = array<i32: 0>} : vector<16xi32>
        %add3A_1424 = arith.constant 8 : i32
        %add3A_1425 = vector.broadcast %add3A_1424 : i32 to vector<16xi32>
        %add3A_1426 = arith.addi %iota3A_1423, %add3A_1425 : vector<16xi32>
        %and3A_1427 = arith.constant 15 : i32
        %and3A_1428 = vector.broadcast %and3A_1427 : i32 to vector<16xi32>
        %and3A_1429 = arith.andi %add3A_1426, %and3A_1428 : vector<16xi32>
        %broadcast_in_dim3A_1430 = vector.shape_cast %and3A_1429 : vector<16xi32> to vector<16x1xi32>
        %gather3A_1431 = vector.shape_cast %broadcast_in_dim3A_1430 : vector<16x1xi32> to vector<16xi32>
        %gather3A_1432 = tpu.dynamic_gather %add3A_1422[%gather3A_1431] in [0] : vector<16xf32>, vector<16xi32> -> vector<16xf32>
        %add3A_1433 = arith.addf %add3A_1422, %gather3A_1432 : vector<16xf32>
        %add3A_1434 = arith.constant 4 : i32
        %add3A_1435 = vector.broadcast %add3A_1434 : i32 to vector<16xi32>
        %add3A_1436 = arith.addi %iota3A_1423, %add3A_1435 : vector<16xi32>
        %and3A_1437 = arith.constant 15 : i32
        %and3A_1438 = vector.broadcast %and3A_1437 : i32 to vector<16xi32>
        %and3A_1439 = arith.andi %add3A_1436, %and3A_1438 : vector<16xi32>
        %broadcast_in_dim3A_1440 = vector.shape_cast %and3A_1439 : vector<16xi32> to vector<16x1xi32>
        %gather3A_1441 = vector.shape_cast %broadcast_in_dim3A_1440 : vector<16x1xi32> to vector<16xi32>
        %gather3A_1442 = tpu.dynamic_gather %add3A_1433[%gather3A_1441] in [0] : vector<16xf32>, vector<16xi32> -> vector<16xf32>
        %add3A_1443 = arith.addf %add3A_1433, %gather3A_1442 : vector<16xf32>
        %add3A_1444 = arith.constant 2 : i32
        %add3A_1445 = vector.broadcast %add3A_1444 : i32 to vector<16xi32>
        %add3A_1446 = arith.addi %iota3A_1423, %add3A_1445 : vector<16xi32>
        %and3A_1447 = arith.constant 15 : i32
        %and3A_1448 = vector.broadcast %and3A_1447 : i32 to vector<16xi32>
        %and3A_1449 = arith.andi %add3A_1446, %and3A_1448 : vector<16xi32>
        %broadcast_in_dim3A_1450 = vector.shape_cast %and3A_1449 : vector<16xi32> to vector<16x1xi32>
        %gather3A_1451 = vector.shape_cast %broadcast_in_dim3A_1450 : vector<16x1xi32> to vector<16xi32>
        %gather3A_1452 = tpu.dynamic_gather %add3A_1443[%gather3A_1451] in [0] : vector<16xf32>, vector<16xi32> -> vector<16xf32>
        %add3A_1453 = arith.addf %add3A_1443, %gather3A_1452 : vector<16xf32>
        %add3A_1454 = arith.constant 1 : i32
        %add3A_1455 = vector.broadcast %add3A_1454 : i32 to vector<16xi32>
        %add3A_1456 = arith.addi %iota3A_1423, %add3A_1455 : vector<16xi32>
        %and3A_1457 = arith.constant 15 : i32
        %and3A_1458 = vector.broadcast %and3A_1457 : i32 to vector<16xi32>
        %and3A_1459 = arith.andi %add3A_1456, %and3A_1458 : vector<16xi32>
        %broadcast_in_dim3A_1460 = vector.shape_cast %and3A_1459 : vector<16xi32> to vector<16x1xi32>
        %gather3A_1461 = vector.shape_cast %broadcast_in_dim3A_1460 : vector<16x1xi32> to vector<16xi32>
        %gather3A_1462 = tpu.dynamic_gather %add3A_1453[%gather3A_1461] in [0] : vector<16xf32>, vector<16xi32> -> vector<16xf32>
        %add3A_1463 = arith.addf %add3A_1453, %gather3A_1462 : vector<16xf32>
        %exp3A_1464 = math.exp %add3A_1463 : vector<16xf32>
        %mul3A_1465 = arith.mulf %get3A_1383, %exp3A_1464 : vector<16xf32>
        %swap3A_1466 = arith.index_cast %add3A_1379 : i32 to index
        %swap3A_1467 = arith.constant 0 : index
        %swap3A_1468 = tpu.vector_load %arg21[%swap3A_1466, %swap3A_1467] {strides = array<i32>} : memref<128x48xf32, #tpu.memory_space<vmem>>, vector<1x16xf32>,
        %swap3A_1469 = vector.shape_cast %swap3A_1468 : vector<1x16xf32> to vector<16xf32>
        %swap3A_1470 = vector.shape_cast %mul3A_1465 : vector<16xf32> to vector<1x16xf32>
        tpu.vector_store %arg21[%swap3A_1466, %swap3A_1467], %swap3A_1470 {strides = array<i32>} : memref<128x48xf32, #tpu.memory_space<vmem>>, vector<1x16xf32>,
        %mul3A_1471 = arith.mulf %get3A_1387, %exp3A_1464 : vector<16xf32>
        %swap3A_1472 = arith.index_cast %add3A_1379 : i32 to index
        %swap3A_1473 = arith.constant 16 : index
        %swap3A_1474 = tpu.vector_load %arg21[%swap3A_1472, %swap3A_1473] {strides = array<i32>} : memref<128x48xf32, #tpu.memory_space<vmem>>, vector<1x16xf32>,
        %swap3A_1475 = vector.shape_cast %swap3A_1474 : vector<1x16xf32> to vector<16xf32>
        %swap3A_1476 = vector.shape_cast %mul3A_1471 : vector<16xf32> to vector<1x16xf32>
        tpu.vector_store %arg21[%swap3A_1472, %swap3A_1473], %swap3A_1476 {strides = array<i32>} : memref<128x48xf32, #tpu.memory_space<vmem>>, vector<1x16xf32>,
        %jit3A_1477 = arith.constant 0.000000e+00 : f32
        %broadcast_in_dim3A_1478 = vector.broadcast %jit3A_1477 : f32 to vector<16xf32>
        %select_n3A_1479 = arith.select %eq3A_17, %exp3A_1464, %broadcast_in_dim3A_1478 : vector<16xi1>, vector<16xf32>
        %swap3A_1480 = arith.index_cast %add3A_1379 : i32 to index
        %swap3A_1481 = arith.constant 32 : index
        %swap3A_1482 = tpu.vector_load %arg21[%swap3A_1480, %swap3A_1481] {strides = array<i32>} : memref<128x48xf32, #tpu.memory_space<vmem>>, vector<1x16xf32>,
        %swap3A_1483 = vector.shape_cast %swap3A_1482 : vector<1x16xf32> to vector<16xf32>
        %swap3A_1484 = vector.shape_cast %select_n3A_1479 : vector<16xf32> to vector<1x16xf32>
        tpu.vector_store %arg21[%swap3A_1480, %swap3A_1481], %swap3A_1484 {strides = array<i32>} : memref<128x48xf32, #tpu.memory_space<vmem>>, vector<1x16xf32>,
        %mul3A_1485 = arith.constant 16 : i32
        %mul3A_1486 = arith.muli %scan3A_72, %mul3A_1485 : i32
        %add3A_1487 = arith.constant 13 : i32
        %add3A_1488 = arith.addi %mul3A_1486, %add3A_1487 : i32
        %get3A_1489 = arith.index_cast %add3A_1488 : i32 to index
        %get3A_1490 = arith.constant 0 : index
        %get3A_1491 = tpu.vector_load %arg19[%get3A_1489, %get3A_1490] {strides = array<i32>} : memref<128x32xf32, #tpu.memory_space<vmem>>, vector<1x16xf32>,
        %get3A_1492 = vector.shape_cast %get3A_1491 : vector<1x16xf32> to vector<16xf32>
        %get3A_1493 = arith.index_cast %add3A_1488 : i32 to index
        %get3A_1494 = arith.constant 16 : index
        %get3A_1495 = tpu.vector_load %arg19[%get3A_1493, %get3A_1494] {strides = array<i32>} : memref<128x32xf32, #tpu.memory_space<vmem>>, vector<1x16xf32>,
        %get3A_1496 = vector.shape_cast %get3A_1495 : vector<1x16xf32> to vector<16xf32>
        %get3A_1497 = arith.index_cast %add3A_1488 : i32 to index
        %get3A_1498 = arith.constant 0 : index
        %get3A_1499 = tpu.vector_load %arg20[%get3A_1497, %get3A_1498] {strides = array<i32>} : memref<128x32xf32, #tpu.memory_space<vmem>>, vector<1x16xf32>,
        %get3A_1500 = vector.shape_cast %get3A_1499 : vector<1x16xf32> to vector<16xf32>
        %get3A_1501 = arith.index_cast %add3A_1488 : i32 to index
        %get3A_1502 = arith.constant 16 : index
        %get3A_1503 = tpu.vector_load %arg20[%get3A_1501, %get3A_1502] {strides = array<i32>} : memref<128x32xf32, #tpu.memory_space<vmem>>, vector<1x16xf32>,
        %get3A_1504 = vector.shape_cast %get3A_1503 : vector<1x16xf32> to vector<16xf32>
        %slice3A_1505 = vector.extract_strided_slice %get3A_77 {offsets = [13], sizes = [1], strides = [1]} : vector<16xf32> to vector<1xf32>
        %squeeze3A_1506 = vector.extract %slice3A_1505[0] : f32 from vector<1xf32>
        %add3A_1507 = arith.addf %get3A_1492, %get3A_1500 : vector<16xf32>
        %mul3A_1508 = vector.broadcast %squeeze3A_1506 : f32 to vector<16xf32>
        %mul3A_1509 = arith.mulf %mul3A_1508, %get3A_6 : vector<16xf32>
        %add3A_1510 = arith.addf %add3A_1507, %mul3A_1509 : vector<16xf32>
        %add3A_1511 = arith.addf %get3A_1496, %get3A_1504 : vector<16xf32>
        %mul3A_1512 = vector.broadcast %squeeze3A_1506 : f32 to vector<16xf32>
        %mul3A_1513 = arith.mulf %mul3A_1512, %get3A_9 : vector<16xf32>
        %add3A_1514 = arith.addf %add3A_1511, %mul3A_1513 : vector<16xf32>
        %ge3A_1515 = arith.constant 0.000000e+00 : f32
        %ge3A_1516 = vector.broadcast %ge3A_1515 : f32 to vector<16xf32>
        %ge3A_1517 = arith.cmpf oge, %add3A_1510, %ge3A_1516 : vector<16xf32>
        %mul3A_1518 = arith.constant 2.000000e-01 : f32
        %mul3A_1519 = vector.broadcast %mul3A_1518 : f32 to vector<16xf32>
        %mul3A_1520 = arith.mulf %add3A_1510, %mul3A_1519 : vector<16xf32>
        %select_n3A_1521 = arith.select %ge3A_1517, %add3A_1510, %mul3A_1520 : vector<16xi1>, vector<16xf32>
        %ge3A_1522 = arith.constant 0.000000e+00 : f32
        %ge3A_1523 = vector.broadcast %ge3A_1522 : f32 to vector<16xf32>
        %ge3A_1524 = arith.cmpf oge, %add3A_1514, %ge3A_1523 : vector<16xf32>
        %mul3A_1525 = arith.constant 2.000000e-01 : f32
        %mul3A_1526 = vector.broadcast %mul3A_1525 : f32 to vector<16xf32>
        %mul3A_1527 = arith.mulf %add3A_1514, %mul3A_1526 : vector<16xf32>
        %select_n3A_1528 = arith.select %ge3A_1524, %add3A_1514, %mul3A_1527 : vector<16xi1>, vector<16xf32>
        %mul3A_1529 = arith.mulf %select_n3A_1521, %get3A_12 : vector<16xf32>
        %mul3A_1530 = arith.mulf %select_n3A_1528, %get3A_15 : vector<16xf32>
        %add3A_1531 = arith.addf %mul3A_1529, %mul3A_1530 : vector<16xf32>
        %iota3A_1532 = tpu.iota {dimensions = array<i32: 0>} : vector<16xi32>
        %add3A_1533 = arith.constant 8 : i32
        %add3A_1534 = vector.broadcast %add3A_1533 : i32 to vector<16xi32>
        %add3A_1535 = arith.addi %iota3A_1532, %add3A_1534 : vector<16xi32>
        %and3A_1536 = arith.constant 15 : i32
        %and3A_1537 = vector.broadcast %and3A_1536 : i32 to vector<16xi32>
        %and3A_1538 = arith.andi %add3A_1535, %and3A_1537 : vector<16xi32>
        %broadcast_in_dim3A_1539 = vector.shape_cast %and3A_1538 : vector<16xi32> to vector<16x1xi32>
        %gather3A_1540 = vector.shape_cast %broadcast_in_dim3A_1539 : vector<16x1xi32> to vector<16xi32>
        %gather3A_1541 = tpu.dynamic_gather %add3A_1531[%gather3A_1540] in [0] : vector<16xf32>, vector<16xi32> -> vector<16xf32>
        %add3A_1542 = arith.addf %add3A_1531, %gather3A_1541 : vector<16xf32>
        %add3A_1543 = arith.constant 4 : i32
        %add3A_1544 = vector.broadcast %add3A_1543 : i32 to vector<16xi32>
        %add3A_1545 = arith.addi %iota3A_1532, %add3A_1544 : vector<16xi32>
        %and3A_1546 = arith.constant 15 : i32
        %and3A_1547 = vector.broadcast %and3A_1546 : i32 to vector<16xi32>
        %and3A_1548 = arith.andi %add3A_1545, %and3A_1547 : vector<16xi32>
        %broadcast_in_dim3A_1549 = vector.shape_cast %and3A_1548 : vector<16xi32> to vector<16x1xi32>
        %gather3A_1550 = vector.shape_cast %broadcast_in_dim3A_1549 : vector<16x1xi32> to vector<16xi32>
        %gather3A_1551 = tpu.dynamic_gather %add3A_1542[%gather3A_1550] in [0] : vector<16xf32>, vector<16xi32> -> vector<16xf32>
        %add3A_1552 = arith.addf %add3A_1542, %gather3A_1551 : vector<16xf32>
        %add3A_1553 = arith.constant 2 : i32
        %add3A_1554 = vector.broadcast %add3A_1553 : i32 to vector<16xi32>
        %add3A_1555 = arith.addi %iota3A_1532, %add3A_1554 : vector<16xi32>
        %and3A_1556 = arith.constant 15 : i32
        %and3A_1557 = vector.broadcast %and3A_1556 : i32 to vector<16xi32>
        %and3A_1558 = arith.andi %add3A_1555, %and3A_1557 : vector<16xi32>
        %broadcast_in_dim3A_1559 = vector.shape_cast %and3A_1558 : vector<16xi32> to vector<16x1xi32>
        %gather3A_1560 = vector.shape_cast %broadcast_in_dim3A_1559 : vector<16x1xi32> to vector<16xi32>
        %gather3A_1561 = tpu.dynamic_gather %add3A_1552[%gather3A_1560] in [0] : vector<16xf32>, vector<16xi32> -> vector<16xf32>
        %add3A_1562 = arith.addf %add3A_1552, %gather3A_1561 : vector<16xf32>
        %add3A_1563 = arith.constant 1 : i32
        %add3A_1564 = vector.broadcast %add3A_1563 : i32 to vector<16xi32>
        %add3A_1565 = arith.addi %iota3A_1532, %add3A_1564 : vector<16xi32>
        %and3A_1566 = arith.constant 15 : i32
        %and3A_1567 = vector.broadcast %and3A_1566 : i32 to vector<16xi32>
        %and3A_1568 = arith.andi %add3A_1565, %and3A_1567 : vector<16xi32>
        %broadcast_in_dim3A_1569 = vector.shape_cast %and3A_1568 : vector<16xi32> to vector<16x1xi32>
        %gather3A_1570 = vector.shape_cast %broadcast_in_dim3A_1569 : vector<16x1xi32> to vector<16xi32>
        %gather3A_1571 = tpu.dynamic_gather %add3A_1562[%gather3A_1570] in [0] : vector<16xf32>, vector<16xi32> -> vector<16xf32>
        %add3A_1572 = arith.addf %add3A_1562, %gather3A_1571 : vector<16xf32>
        %exp3A_1573 = math.exp %add3A_1572 : vector<16xf32>
        %mul3A_1574 = arith.mulf %get3A_1492, %exp3A_1573 : vector<16xf32>
        %swap3A_1575 = arith.index_cast %add3A_1488 : i32 to index
        %swap3A_1576 = arith.constant 0 : index
        %swap3A_1577 = tpu.vector_load %arg21[%swap3A_1575, %swap3A_1576] {strides = array<i32>} : memref<128x48xf32, #tpu.memory_space<vmem>>, vector<1x16xf32>,
        %swap3A_1578 = vector.shape_cast %swap3A_1577 : vector<1x16xf32> to vector<16xf32>
        %swap3A_1579 = vector.shape_cast %mul3A_1574 : vector<16xf32> to vector<1x16xf32>
        tpu.vector_store %arg21[%swap3A_1575, %swap3A_1576], %swap3A_1579 {strides = array<i32>} : memref<128x48xf32, #tpu.memory_space<vmem>>, vector<1x16xf32>,
        %mul3A_1580 = arith.mulf %get3A_1496, %exp3A_1573 : vector<16xf32>
        %swap3A_1581 = arith.index_cast %add3A_1488 : i32 to index
        %swap3A_1582 = arith.constant 16 : index
        %swap3A_1583 = tpu.vector_load %arg21[%swap3A_1581, %swap3A_1582] {strides = array<i32>} : memref<128x48xf32, #tpu.memory_space<vmem>>, vector<1x16xf32>,
        %swap3A_1584 = vector.shape_cast %swap3A_1583 : vector<1x16xf32> to vector<16xf32>
        %swap3A_1585 = vector.shape_cast %mul3A_1580 : vector<16xf32> to vector<1x16xf32>
        tpu.vector_store %arg21[%swap3A_1581, %swap3A_1582], %swap3A_1585 {strides = array<i32>} : memref<128x48xf32, #tpu.memory_space<vmem>>, vector<1x16xf32>,
        %jit3A_1586 = arith.constant 0.000000e+00 : f32
        %broadcast_in_dim3A_1587 = vector.broadcast %jit3A_1586 : f32 to vector<16xf32>
        %select_n3A_1588 = arith.select %eq3A_17, %exp3A_1573, %broadcast_in_dim3A_1587 : vector<16xi1>, vector<16xf32>
        %swap3A_1589 = arith.index_cast %add3A_1488 : i32 to index
        %swap3A_1590 = arith.constant 32 : index
        %swap3A_1591 = tpu.vector_load %arg21[%swap3A_1589, %swap3A_1590] {strides = array<i32>} : memref<128x48xf32, #tpu.memory_space<vmem>>, vector<1x16xf32>,
        %swap3A_1592 = vector.shape_cast %swap3A_1591 : vector<1x16xf32> to vector<16xf32>
        %swap3A_1593 = vector.shape_cast %select_n3A_1588 : vector<16xf32> to vector<1x16xf32>
        tpu.vector_store %arg21[%swap3A_1589, %swap3A_1590], %swap3A_1593 {strides = array<i32>} : memref<128x48xf32, #tpu.memory_space<vmem>>, vector<1x16xf32>,
        %mul3A_1594 = arith.constant 16 : i32
        %mul3A_1595 = arith.muli %scan3A_72, %mul3A_1594 : i32
        %add3A_1596 = arith.constant 14 : i32
        %add3A_1597 = arith.addi %mul3A_1595, %add3A_1596 : i32
        %get3A_1598 = arith.index_cast %add3A_1597 : i32 to index
        %get3A_1599 = arith.constant 0 : index
        %get3A_1600 = tpu.vector_load %arg19[%get3A_1598, %get3A_1599] {strides = array<i32>} : memref<128x32xf32, #tpu.memory_space<vmem>>, vector<1x16xf32>,
        %get3A_1601 = vector.shape_cast %get3A_1600 : vector<1x16xf32> to vector<16xf32>
        %get3A_1602 = arith.index_cast %add3A_1597 : i32 to index
        %get3A_1603 = arith.constant 16 : index
        %get3A_1604 = tpu.vector_load %arg19[%get3A_1602, %get3A_1603] {strides = array<i32>} : memref<128x32xf32, #tpu.memory_space<vmem>>, vector<1x16xf32>,
        %get3A_1605 = vector.shape_cast %get3A_1604 : vector<1x16xf32> to vector<16xf32>
        %get3A_1606 = arith.index_cast %add3A_1597 : i32 to index
        %get3A_1607 = arith.constant 0 : index
        %get3A_1608 = tpu.vector_load %arg20[%get3A_1606, %get3A_1607] {strides = array<i32>} : memref<128x32xf32, #tpu.memory_space<vmem>>, vector<1x16xf32>,
        %get3A_1609 = vector.shape_cast %get3A_1608 : vector<1x16xf32> to vector<16xf32>
        %get3A_1610 = arith.index_cast %add3A_1597 : i32 to index
        %get3A_1611 = arith.constant 16 : index
        %get3A_1612 = tpu.vector_load %arg20[%get3A_1610, %get3A_1611] {strides = array<i32>} : memref<128x32xf32, #tpu.memory_space<vmem>>, vector<1x16xf32>,
        %get3A_1613 = vector.shape_cast %get3A_1612 : vector<1x16xf32> to vector<16xf32>
        %slice3A_1614 = vector.extract_strided_slice %get3A_77 {offsets = [14], sizes = [1], strides = [1]} : vector<16xf32> to vector<1xf32>
        %squeeze3A_1615 = vector.extract %slice3A_1614[0] : f32 from vector<1xf32>
        %add3A_1616 = arith.addf %get3A_1601, %get3A_1609 : vector<16xf32>
        %mul3A_1617 = vector.broadcast %squeeze3A_1615 : f32 to vector<16xf32>
        %mul3A_1618 = arith.mulf %mul3A_1617, %get3A_6 : vector<16xf32>
        %add3A_1619 = arith.addf %add3A_1616, %mul3A_1618 : vector<16xf32>
        %add3A_1620 = arith.addf %get3A_1605, %get3A_1613 : vector<16xf32>
        %mul3A_1621 = vector.broadcast %squeeze3A_1615 : f32 to vector<16xf32>
        %mul3A_1622 = arith.mulf %mul3A_1621, %get3A_9 : vector<16xf32>
        %add3A_1623 = arith.addf %add3A_1620, %mul3A_1622 : vector<16xf32>
        %ge3A_1624 = arith.constant 0.000000e+00 : f32
        %ge3A_1625 = vector.broadcast %ge3A_1624 : f32 to vector<16xf32>
        %ge3A_1626 = arith.cmpf oge, %add3A_1619, %ge3A_1625 : vector<16xf32>
        %mul3A_1627 = arith.constant 2.000000e-01 : f32
        %mul3A_1628 = vector.broadcast %mul3A_1627 : f32 to vector<16xf32>
        %mul3A_1629 = arith.mulf %add3A_1619, %mul3A_1628 : vector<16xf32>
        %select_n3A_1630 = arith.select %ge3A_1626, %add3A_1619, %mul3A_1629 : vector<16xi1>, vector<16xf32>
        %ge3A_1631 = arith.constant 0.000000e+00 : f32
        %ge3A_1632 = vector.broadcast %ge3A_1631 : f32 to vector<16xf32>
        %ge3A_1633 = arith.cmpf oge, %add3A_1623, %ge3A_1632 : vector<16xf32>
        %mul3A_1634 = arith.constant 2.000000e-01 : f32
        %mul3A_1635 = vector.broadcast %mul3A_1634 : f32 to vector<16xf32>
        %mul3A_1636 = arith.mulf %add3A_1623, %mul3A_1635 : vector<16xf32>
        %select_n3A_1637 = arith.select %ge3A_1633, %add3A_1623, %mul3A_1636 : vector<16xi1>, vector<16xf32>
        %mul3A_1638 = arith.mulf %select_n3A_1630, %get3A_12 : vector<16xf32>
        %mul3A_1639 = arith.mulf %select_n3A_1637, %get3A_15 : vector<16xf32>
        %add3A_1640 = arith.addf %mul3A_1638, %mul3A_1639 : vector<16xf32>
        %iota3A_1641 = tpu.iota {dimensions = array<i32: 0>} : vector<16xi32>
        %add3A_1642 = arith.constant 8 : i32
        %add3A_1643 = vector.broadcast %add3A_1642 : i32 to vector<16xi32>
        %add3A_1644 = arith.addi %iota3A_1641, %add3A_1643 : vector<16xi32>
        %and3A_1645 = arith.constant 15 : i32
        %and3A_1646 = vector.broadcast %and3A_1645 : i32 to vector<16xi32>
        %and3A_1647 = arith.andi %add3A_1644, %and3A_1646 : vector<16xi32>
        %broadcast_in_dim3A_1648 = vector.shape_cast %and3A_1647 : vector<16xi32> to vector<16x1xi32>
        %gather3A_1649 = vector.shape_cast %broadcast_in_dim3A_1648 : vector<16x1xi32> to vector<16xi32>
        %gather3A_1650 = tpu.dynamic_gather %add3A_1640[%gather3A_1649] in [0] : vector<16xf32>, vector<16xi32> -> vector<16xf32>
        %add3A_1651 = arith.addf %add3A_1640, %gather3A_1650 : vector<16xf32>
        %add3A_1652 = arith.constant 4 : i32
        %add3A_1653 = vector.broadcast %add3A_1652 : i32 to vector<16xi32>
        %add3A_1654 = arith.addi %iota3A_1641, %add3A_1653 : vector<16xi32>
        %and3A_1655 = arith.constant 15 : i32
        %and3A_1656 = vector.broadcast %and3A_1655 : i32 to vector<16xi32>
        %and3A_1657 = arith.andi %add3A_1654, %and3A_1656 : vector<16xi32>
        %broadcast_in_dim3A_1658 = vector.shape_cast %and3A_1657 : vector<16xi32> to vector<16x1xi32>
        %gather3A_1659 = vector.shape_cast %broadcast_in_dim3A_1658 : vector<16x1xi32> to vector<16xi32>
        %gather3A_1660 = tpu.dynamic_gather %add3A_1651[%gather3A_1659] in [0] : vector<16xf32>, vector<16xi32> -> vector<16xf32>
        %add3A_1661 = arith.addf %add3A_1651, %gather3A_1660 : vector<16xf32>
        %add3A_1662 = arith.constant 2 : i32
        %add3A_1663 = vector.broadcast %add3A_1662 : i32 to vector<16xi32>
        %add3A_1664 = arith.addi %iota3A_1641, %add3A_1663 : vector<16xi32>
        %and3A_1665 = arith.constant 15 : i32
        %and3A_1666 = vector.broadcast %and3A_1665 : i32 to vector<16xi32>
        %and3A_1667 = arith.andi %add3A_1664, %and3A_1666 : vector<16xi32>
        %broadcast_in_dim3A_1668 = vector.shape_cast %and3A_1667 : vector<16xi32> to vector<16x1xi32>
        %gather3A_1669 = vector.shape_cast %broadcast_in_dim3A_1668 : vector<16x1xi32> to vector<16xi32>
        %gather3A_1670 = tpu.dynamic_gather %add3A_1661[%gather3A_1669] in [0] : vector<16xf32>, vector<16xi32> -> vector<16xf32>
        %add3A_1671 = arith.addf %add3A_1661, %gather3A_1670 : vector<16xf32>
        %add3A_1672 = arith.constant 1 : i32
        %add3A_1673 = vector.broadcast %add3A_1672 : i32 to vector<16xi32>
        %add3A_1674 = arith.addi %iota3A_1641, %add3A_1673 : vector<16xi32>
        %and3A_1675 = arith.constant 15 : i32
        %and3A_1676 = vector.broadcast %and3A_1675 : i32 to vector<16xi32>
        %and3A_1677 = arith.andi %add3A_1674, %and3A_1676 : vector<16xi32>
        %broadcast_in_dim3A_1678 = vector.shape_cast %and3A_1677 : vector<16xi32> to vector<16x1xi32>
        %gather3A_1679 = vector.shape_cast %broadcast_in_dim3A_1678 : vector<16x1xi32> to vector<16xi32>
        %gather3A_1680 = tpu.dynamic_gather %add3A_1671[%gather3A_1679] in [0] : vector<16xf32>, vector<16xi32> -> vector<16xf32>
        %add3A_1681 = arith.addf %add3A_1671, %gather3A_1680 : vector<16xf32>
        %exp3A_1682 = math.exp %add3A_1681 : vector<16xf32>
        %mul3A_1683 = arith.mulf %get3A_1601, %exp3A_1682 : vector<16xf32>
        %swap3A_1684 = arith.index_cast %add3A_1597 : i32 to index
        %swap3A_1685 = arith.constant 0 : index
        %swap3A_1686 = tpu.vector_load %arg21[%swap3A_1684, %swap3A_1685] {strides = array<i32>} : memref<128x48xf32, #tpu.memory_space<vmem>>, vector<1x16xf32>,
        %swap3A_1687 = vector.shape_cast %swap3A_1686 : vector<1x16xf32> to vector<16xf32>
        %swap3A_1688 = vector.shape_cast %mul3A_1683 : vector<16xf32> to vector<1x16xf32>
        tpu.vector_store %arg21[%swap3A_1684, %swap3A_1685], %swap3A_1688 {strides = array<i32>} : memref<128x48xf32, #tpu.memory_space<vmem>>, vector<1x16xf32>,
        %mul3A_1689 = arith.mulf %get3A_1605, %exp3A_1682 : vector<16xf32>
        %swap3A_1690 = arith.index_cast %add3A_1597 : i32 to index
        %swap3A_1691 = arith.constant 16 : index
        %swap3A_1692 = tpu.vector_load %arg21[%swap3A_1690, %swap3A_1691] {strides = array<i32>} : memref<128x48xf32, #tpu.memory_space<vmem>>, vector<1x16xf32>,
        %swap3A_1693 = vector.shape_cast %swap3A_1692 : vector<1x16xf32> to vector<16xf32>
        %swap3A_1694 = vector.shape_cast %mul3A_1689 : vector<16xf32> to vector<1x16xf32>
        tpu.vector_store %arg21[%swap3A_1690, %swap3A_1691], %swap3A_1694 {strides = array<i32>} : memref<128x48xf32, #tpu.memory_space<vmem>>, vector<1x16xf32>,
        %jit3A_1695 = arith.constant 0.000000e+00 : f32
        %broadcast_in_dim3A_1696 = vector.broadcast %jit3A_1695 : f32 to vector<16xf32>
        %select_n3A_1697 = arith.select %eq3A_17, %exp3A_1682, %broadcast_in_dim3A_1696 : vector<16xi1>, vector<16xf32>
        %swap3A_1698 = arith.index_cast %add3A_1597 : i32 to index
        %swap3A_1699 = arith.constant 32 : index
        %swap3A_1700 = tpu.vector_load %arg21[%swap3A_1698, %swap3A_1699] {strides = array<i32>} : memref<128x48xf32, #tpu.memory_space<vmem>>, vector<1x16xf32>,
        %swap3A_1701 = vector.shape_cast %swap3A_1700 : vector<1x16xf32> to vector<16xf32>
        %swap3A_1702 = vector.shape_cast %select_n3A_1697 : vector<16xf32> to vector<1x16xf32>
        tpu.vector_store %arg21[%swap3A_1698, %swap3A_1699], %swap3A_1702 {strides = array<i32>} : memref<128x48xf32, #tpu.memory_space<vmem>>, vector<1x16xf32>,
        %mul3A_1703 = arith.constant 16 : i32
        %mul3A_1704 = arith.muli %scan3A_72, %mul3A_1703 : i32
        %add3A_1705 = arith.constant 15 : i32
        %add3A_1706 = arith.addi %mul3A_1704, %add3A_1705 : i32
        %get3A_1707 = arith.index_cast %add3A_1706 : i32 to index
        %get3A_1708 = arith.constant 0 : index
        %get3A_1709 = tpu.vector_load %arg19[%get3A_1707, %get3A_1708] {strides = array<i32>} : memref<128x32xf32, #tpu.memory_space<vmem>>, vector<1x16xf32>,
        %get3A_1710 = vector.shape_cast %get3A_1709 : vector<1x16xf32> to vector<16xf32>
        %get3A_1711 = arith.index_cast %add3A_1706 : i32 to index
        %get3A_1712 = arith.constant 16 : index
        %get3A_1713 = tpu.vector_load %arg19[%get3A_1711, %get3A_1712] {strides = array<i32>} : memref<128x32xf32, #tpu.memory_space<vmem>>, vector<1x16xf32>,
        %get3A_1714 = vector.shape_cast %get3A_1713 : vector<1x16xf32> to vector<16xf32>
        %get3A_1715 = arith.index_cast %add3A_1706 : i32 to index
        %get3A_1716 = arith.constant 0 : index
        %get3A_1717 = tpu.vector_load %arg20[%get3A_1715, %get3A_1716] {strides = array<i32>} : memref<128x32xf32, #tpu.memory_space<vmem>>, vector<1x16xf32>,
        %get3A_1718 = vector.shape_cast %get3A_1717 : vector<1x16xf32> to vector<16xf32>
        %get3A_1719 = arith.index_cast %add3A_1706 : i32 to index
        %get3A_1720 = arith.constant 16 : index
        %get3A_1721 = tpu.vector_load %arg20[%get3A_1719, %get3A_1720] {strides = array<i32>} : memref<128x32xf32, #tpu.memory_space<vmem>>, vector<1x16xf32>,
        %get3A_1722 = vector.shape_cast %get3A_1721 : vector<1x16xf32> to vector<16xf32>
        %slice3A_1723 = vector.extract_strided_slice %get3A_77 {offsets = [15], sizes = [1], strides = [1]} : vector<16xf32> to vector<1xf32>
        %squeeze3A_1724 = vector.extract %slice3A_1723[0] : f32 from vector<1xf32>
        %add3A_1725 = arith.addf %get3A_1710, %get3A_1718 : vector<16xf32>
        %mul3A_1726 = vector.broadcast %squeeze3A_1724 : f32 to vector<16xf32>
        %mul3A_1727 = arith.mulf %mul3A_1726, %get3A_6 : vector<16xf32>
        %add3A_1728 = arith.addf %add3A_1725, %mul3A_1727 : vector<16xf32>
        %add3A_1729 = arith.addf %get3A_1714, %get3A_1722 : vector<16xf32>
        %mul3A_1730 = vector.broadcast %squeeze3A_1724 : f32 to vector<16xf32>
        %mul3A_1731 = arith.mulf %mul3A_1730, %get3A_9 : vector<16xf32>
        %add3A_1732 = arith.addf %add3A_1729, %mul3A_1731 : vector<16xf32>
        %ge3A_1733 = arith.constant 0.000000e+00 : f32
        %ge3A_1734 = vector.broadcast %ge3A_1733 : f32 to vector<16xf32>
        %ge3A_1735 = arith.cmpf oge, %add3A_1728, %ge3A_1734 : vector<16xf32>
        %mul3A_1736 = arith.constant 2.000000e-01 : f32
        %mul3A_1737 = vector.broadcast %mul3A_1736 : f32 to vector<16xf32>
        %mul3A_1738 = arith.mulf %add3A_1728, %mul3A_1737 : vector<16xf32>
        %select_n3A_1739 = arith.select %ge3A_1735, %add3A_1728, %mul3A_1738 : vector<16xi1>, vector<16xf32>
        %ge3A_1740 = arith.constant 0.000000e+00 : f32
        %ge3A_1741 = vector.broadcast %ge3A_1740 : f32 to vector<16xf32>
        %ge3A_1742 = arith.cmpf oge, %add3A_1732, %ge3A_1741 : vector<16xf32>
        %mul3A_1743 = arith.constant 2.000000e-01 : f32
        %mul3A_1744 = vector.broadcast %mul3A_1743 : f32 to vector<16xf32>
        %mul3A_1745 = arith.mulf %add3A_1732, %mul3A_1744 : vector<16xf32>
        %select_n3A_1746 = arith.select %ge3A_1742, %add3A_1732, %mul3A_1745 : vector<16xi1>, vector<16xf32>
        %mul3A_1747 = arith.mulf %select_n3A_1739, %get3A_12 : vector<16xf32>
        %mul3A_1748 = arith.mulf %select_n3A_1746, %get3A_15 : vector<16xf32>
        %add3A_1749 = arith.addf %mul3A_1747, %mul3A_1748 : vector<16xf32>
        %iota3A_1750 = tpu.iota {dimensions = array<i32: 0>} : vector<16xi32>
        %add3A_1751 = arith.constant 8 : i32
        %add3A_1752 = vector.broadcast %add3A_1751 : i32 to vector<16xi32>
        %add3A_1753 = arith.addi %iota3A_1750, %add3A_1752 : vector<16xi32>
        %and3A_1754 = arith.constant 15 : i32
        %and3A_1755 = vector.broadcast %and3A_1754 : i32 to vector<16xi32>
        %and3A_1756 = arith.andi %add3A_1753, %and3A_1755 : vector<16xi32>
        %broadcast_in_dim3A_1757 = vector.shape_cast %and3A_1756 : vector<16xi32> to vector<16x1xi32>
        %gather3A_1758 = vector.shape_cast %broadcast_in_dim3A_1757 : vector<16x1xi32> to vector<16xi32>
        %gather3A_1759 = tpu.dynamic_gather %add3A_1749[%gather3A_1758] in [0] : vector<16xf32>, vector<16xi32> -> vector<16xf32>
        %add3A_1760 = arith.addf %add3A_1749, %gather3A_1759 : vector<16xf32>
        %add3A_1761 = arith.constant 4 : i32
        %add3A_1762 = vector.broadcast %add3A_1761 : i32 to vector<16xi32>
        %add3A_1763 = arith.addi %iota3A_1750, %add3A_1762 : vector<16xi32>
        %and3A_1764 = arith.constant 15 : i32
        %and3A_1765 = vector.broadcast %and3A_1764 : i32 to vector<16xi32>
        %and3A_1766 = arith.andi %add3A_1763, %and3A_1765 : vector<16xi32>
        %broadcast_in_dim3A_1767 = vector.shape_cast %and3A_1766 : vector<16xi32> to vector<16x1xi32>
        %gather3A_1768 = vector.shape_cast %broadcast_in_dim3A_1767 : vector<16x1xi32> to vector<16xi32>
        %gather3A_1769 = tpu.dynamic_gather %add3A_1760[%gather3A_1768] in [0] : vector<16xf32>, vector<16xi32> -> vector<16xf32>
        %add3A_1770 = arith.addf %add3A_1760, %gather3A_1769 : vector<16xf32>
        %add3A_1771 = arith.constant 2 : i32
        %add3A_1772 = vector.broadcast %add3A_1771 : i32 to vector<16xi32>
        %add3A_1773 = arith.addi %iota3A_1750, %add3A_1772 : vector<16xi32>
        %and3A_1774 = arith.constant 15 : i32
        %and3A_1775 = vector.broadcast %and3A_1774 : i32 to vector<16xi32>
        %and3A_1776 = arith.andi %add3A_1773, %and3A_1775 : vector<16xi32>
        %broadcast_in_dim3A_1777 = vector.shape_cast %and3A_1776 : vector<16xi32> to vector<16x1xi32>
        %gather3A_1778 = vector.shape_cast %broadcast_in_dim3A_1777 : vector<16x1xi32> to vector<16xi32>
        %gather3A_1779 = tpu.dynamic_gather %add3A_1770[%gather3A_1778] in [0] : vector<16xf32>, vector<16xi32> -> vector<16xf32>
        %add3A_1780 = arith.addf %add3A_1770, %gather3A_1779 : vector<16xf32>
        %add3A_1781 = arith.constant 1 : i32
        %add3A_1782 = vector.broadcast %add3A_1781 : i32 to vector<16xi32>
        %add3A_1783 = arith.addi %iota3A_1750, %add3A_1782 : vector<16xi32>
        %and3A_1784 = arith.constant 15 : i32
        %and3A_1785 = vector.broadcast %and3A_1784 : i32 to vector<16xi32>
        %and3A_1786 = arith.andi %add3A_1783, %and3A_1785 : vector<16xi32>
        %broadcast_in_dim3A_1787 = vector.shape_cast %and3A_1786 : vector<16xi32> to vector<16x1xi32>
        %gather3A_1788 = vector.shape_cast %broadcast_in_dim3A_1787 : vector<16x1xi32> to vector<16xi32>
        %gather3A_1789 = tpu.dynamic_gather %add3A_1780[%gather3A_1788] in [0] : vector<16xf32>, vector<16xi32> -> vector<16xf32>
        %add3A_1790 = arith.addf %add3A_1780, %gather3A_1789 : vector<16xf32>
        %exp3A_1791 = math.exp %add3A_1790 : vector<16xf32>
        %mul3A_1792 = arith.mulf %get3A_1710, %exp3A_1791 : vector<16xf32>
        %swap3A_1793 = arith.index_cast %add3A_1706 : i32 to index
        %swap3A_1794 = arith.constant 0 : index
        %swap3A_1795 = tpu.vector_load %arg21[%swap3A_1793, %swap3A_1794] {strides = array<i32>} : memref<128x48xf32, #tpu.memory_space<vmem>>, vector<1x16xf32>,
        %swap3A_1796 = vector.shape_cast %swap3A_1795 : vector<1x16xf32> to vector<16xf32>
        %swap3A_1797 = vector.shape_cast %mul3A_1792 : vector<16xf32> to vector<1x16xf32>
        tpu.vector_store %arg21[%swap3A_1793, %swap3A_1794], %swap3A_1797 {strides = array<i32>} : memref<128x48xf32, #tpu.memory_space<vmem>>, vector<1x16xf32>,
        %mul3A_1798 = arith.mulf %get3A_1714, %exp3A_1791 : vector<16xf32>
        %swap3A_1799 = arith.index_cast %add3A_1706 : i32 to index
        %swap3A_1800 = arith.constant 16 : index
        %swap3A_1801 = tpu.vector_load %arg21[%swap3A_1799, %swap3A_1800] {strides = array<i32>} : memref<128x48xf32, #tpu.memory_space<vmem>>, vector<1x16xf32>,
        %swap3A_1802 = vector.shape_cast %swap3A_1801 : vector<1x16xf32> to vector<16xf32>
        %swap3A_1803 = vector.shape_cast %mul3A_1798 : vector<16xf32> to vector<1x16xf32>
        tpu.vector_store %arg21[%swap3A_1799, %swap3A_1800], %swap3A_1803 {strides = array<i32>} : memref<128x48xf32, #tpu.memory_space<vmem>>, vector<1x16xf32>,
        %jit3A_1804 = arith.constant 0.000000e+00 : f32
        %broadcast_in_dim3A_1805 = vector.broadcast %jit3A_1804 : f32 to vector<16xf32>
        %select_n3A_1806 = arith.select %eq3A_17, %exp3A_1791, %broadcast_in_dim3A_1805 : vector<16xi1>, vector<16xf32>
        %swap3A_1807 = arith.index_cast %add3A_1706 : i32 to index
        %swap3A_1808 = arith.constant 32 : index
        %swap3A_1809 = tpu.vector_load %arg21[%swap3A_1807, %swap3A_1808] {strides = array<i32>} : memref<128x48xf32, #tpu.memory_space<vmem>>, vector<1x16xf32>,
        %swap3A_1810 = vector.shape_cast %swap3A_1809 : vector<1x16xf32> to vector<16xf32>
        %swap3A_1811 = vector.shape_cast %select_n3A_1806 : vector<16xf32> to vector<1x16xf32>
        tpu.vector_store %arg21[%swap3A_1807, %swap3A_1808], %swap3A_1811 {strides = array<i32>} : memref<128x48xf32, #tpu.memory_space<vmem>>, vector<1x16xf32>,
      }
      %scan3A_71 = arith.constant 8 : i32
      "tpu.region"() ({
        %run_scoped3A = tpu.sem_alloc : memref<!tpu.dma_semaphore, #tpu.memory_space<semaphore_mem>>
        %dma_start3A_72 = arith.constant 0 : i32
        %dma_start3A_73 = arith.constant 0 : i32
        %dma_start3A_74 = tpu.memref_slice %arg24[%dma_start3A_72, %dma_start3A_73] : memref<10112x48xf32, #tpu.memory_space<vmem_shared>> -> memref<10112x48xf32, #tpu.memory_space<vmem_shared>>
        tpu.enqueue_indirect_dma source(%arg21 : memref<128x48xf32, #tpu.memory_space<vmem>>) target(%dma_start3A_74 : memref<10112x48xf32, #tpu.memory_space<vmem_shared>>) offsets(%arg17 : memref<128xi32, #tpu.memory_space<vmem>>) semaphore(%run_scoped3A : memref<!tpu.dma_semaphore, #tpu.memory_space<semaphore_mem>>) {add = true}
        %dma_wait3A_75 = arith.constant 0 : i32
        %dma_wait3A_76 = arith.constant 0 : i32
        %dma_wait3A_77 = tpu.memref_slice %arg24[%dma_wait3A_75, %dma_wait3A_76] : memref<10112x48xf32, #tpu.memory_space<vmem_shared>> -> memref<10112x48xf32, #tpu.memory_space<vmem_shared>>
        tpu.wait_indirect_dma semaphore(%run_scoped3A : memref<!tpu.dma_semaphore, #tpu.memory_space<semaphore_mem>>) src(%arg21 : memref<128x48xf32, #tpu.memory_space<vmem>>) dst(%dma_wait3A_77 : memref<10112x48xf32, #tpu.memory_space<vmem_shared>>)
        tpu.yield
      }) : () -> ()
    }
    %scan3A_31 = arith.constant 41 : i32
    %barrier3A_32 = arith.constant 0 : index
    tpu.barrier barrier_id(%barrier3A_32)
    "tpu.region"() ({
      %run_scoped3A = tpu.sem_alloc : memref<!tpu.dma_semaphore, #tpu.memory_space<semaphore_mem>>
      %dma_start3A_33 = arith.constant 0 : i32
      %dma_start3A_34 = tpu.memref_slice %arg10[%arg0, %mul3A_4, %dma_start3A_33] : memref<2x10112x48xf32, #tpu.memory_space<hbm>> -> memref<1x632x48xf32, #tpu.memory_space<hbm>>
      %dma_start3A_35 = tpu.memref_squeeze %dma_start3A_34 : memref<1x632x48xf32, #tpu.memory_space<hbm>> -> memref<632x48xf32, #tpu.memory_space<hbm>>
      %dma_start3A_36 = arith.constant 0 : i32
      %dma_start3A_37 = tpu.memref_slice %arg24[%mul3A_4, %dma_start3A_36] : memref<10112x48xf32, #tpu.memory_space<vmem_shared>> -> memref<632x48xf32, #tpu.memory_space<vmem_shared>>
      tpu.enqueue_dma source(%dma_start3A_37 : memref<632x48xf32, #tpu.memory_space<vmem_shared>>) target(%dma_start3A_35 : memref<632x48xf32, #tpu.memory_space<hbm>>) target_semaphore(%run_scoped3A : memref<!tpu.dma_semaphore, #tpu.memory_space<semaphore_mem>>)
      %dma_wait3A = arith.constant 0 : i32
      %dma_wait3A_38 = tpu.memref_slice %arg10[%arg0, %mul3A_4, %dma_wait3A] : memref<2x10112x48xf32, #tpu.memory_space<hbm>> -> memref<1x632x48xf32, #tpu.memory_space<hbm>>
      %dma_wait3A_39 = tpu.memref_squeeze %dma_wait3A_38 : memref<1x632x48xf32, #tpu.memory_space<hbm>> -> memref<632x48xf32, #tpu.memory_space<hbm>>
      %dma_wait3A_40 = arith.constant 0 : i32
      %dma_wait3A_41 = tpu.memref_slice %arg24[%mul3A_4, %dma_wait3A_40] : memref<10112x48xf32, #tpu.memory_space<vmem_shared>> -> memref<632x48xf32, #tpu.memory_space<vmem_shared>>
      tpu.wait_dma2 semaphore(%run_scoped3A : memref<!tpu.dma_semaphore, #tpu.memory_space<semaphore_mem>>) src(%dma_wait3A_41 : memref<632x48xf32, #tpu.memory_space<vmem_shared>>) dst(%dma_wait3A_39 : memref<632x48xf32, #tpu.memory_space<hbm>>)
      tpu.yield
    }) : () -> ()
    return
  }
}

module attributes {stable_mosaic.version = 14 : i64} {
  func.func @_mm_kernel(%arg0: memref<10000x128xf32, #tpu.memory_space<vmem>>, %arg1: memref<128x64xf32, #tpu.memory_space<vmem>>, %arg2: memref<1x64xf32, #tpu.memory_space<vmem>>, %arg3: memref<2500x128xf32, #tpu.memory_space<vmem>>, %arg4: memref<10000x32xf32, #tpu.memory_space<vmem>>, %arg5: memref<10000x32xf32, #tpu.memory_space<vmem>>, %arg6: memref<1x1xf32, #tpu.memory_space<vmem>>) attributes {dimension_semantics = [], scalar_prefetch = 0 : i64, scratch_operands = 0 : i64, tpu.core_type = #tpu.core_type<tc>} {
    %get3A = arith.constant 0 : index
    %get3A_0 = arith.constant 0 : index
    %get3A_1 = vector.load %arg0[%get3A, %get3A_0] : memref<10000x128xf32, #tpu.memory_space<vmem>>, vector<10000x128xf32>
    %get3A_2 = arith.constant 0 : index
    %get3A_3 = arith.constant 0 : index
    %get3A_4 = vector.load %arg1[%get3A_2, %get3A_3] : memref<128x64xf32, #tpu.memory_space<vmem>>, vector<128x64xf32>
    %dot_general3A = arith.constant dense<0.000000e+00> : vector<10000x64xf32>
    %dot_general3A_5 = tpu.matmul %get3A_1, %get3A_4, %dot_general3A {dimension_numbers = #tpu.dot_dimension_numbers<[1], [0], [0], [1], [0, 0, 1, 1], [], []>, transpose_lhs_hint = false} : vector<10000x128xf32>, vector<128x64xf32>, vector<10000x64xf32> -> vector<10000x64xf32>
    %get3A_6 = arith.constant 0 : index
    %get3A_7 = arith.constant 0 : index
    %get3A_8 = vector.load %arg2[%get3A_6, %get3A_7] : memref<1x64xf32, #tpu.memory_space<vmem>>, vector<1x64xf32>
    %add3A = vector.broadcast %get3A_8 : vector<1x64xf32> to vector<10000x64xf32>
    %add3A_9 = arith.addf %dot_general3A_5, %add3A : vector<10000x64xf32>
    %slice3A = vector.extract_strided_slice %add3A_9 {offsets = [0, 0], sizes = [10000, 32], strides = [1, 1]} : vector<10000x64xf32> to vector<10000x32xf32>
    %swap3A = arith.constant 0 : index
    %swap3A_10 = arith.constant 0 : index
    %swap3A_11 = vector.load %arg4[%swap3A, %swap3A_10] : memref<10000x32xf32, #tpu.memory_space<vmem>>, vector<10000x32xf32>
    tpu.vector_store %arg4[%swap3A, %swap3A_10], %slice3A {strides = array<i32>} : memref<10000x32xf32, #tpu.memory_space<vmem>>, vector<10000x32xf32>,
    %slice3A_12 = vector.extract_strided_slice %add3A_9 {offsets = [0, 32], sizes = [10000, 32], strides = [1, 1]} : vector<10000x64xf32> to vector<10000x32xf32>
    %swap3A_13 = arith.constant 0 : index
    %swap3A_14 = arith.constant 0 : index
    %swap3A_15 = vector.load %arg5[%swap3A_13, %swap3A_14] : memref<10000x32xf32, #tpu.memory_space<vmem>>, vector<10000x32xf32>
    tpu.vector_store %arg5[%swap3A_13, %swap3A_14], %slice3A_12 {strides = array<i32>} : memref<10000x32xf32, #tpu.memory_space<vmem>>, vector<10000x32xf32>,
    %get3A_16 = arith.constant 0 : index
    %get3A_17 = arith.constant 0 : index
    %get3A_18 = vector.load %arg3[%get3A_16, %get3A_17] : memref<2500x128xf32, #tpu.memory_space<vmem>>, vector<2500x128xf32>
    %reduce_sum3A = vector.shape_cast %get3A_18 : vector<2500x128xf32> to vector<1x2500x128xf32>
    %reduce_sum3A_19 = arith.constant dense<0.000000e+00> : vector<1xf32>
    %reduce_sum3A_20 = vector.multi_reduction <add>, %reduce_sum3A, %reduce_sum3A_19 [1, 2] : vector<1x2500x128xf32> to vector<1xf32>
    %reduce_sum3A_21 = vector.shape_cast %reduce_sum3A_20 : vector<1xf32> to vector<1x1x1xf32>
    %reduce_sum3A_22 = vector.extract %reduce_sum3A_21[0, 0, 0] : f32 from vector<1x1x1xf32>
    %reshape3A = vector.broadcast %reduce_sum3A_22 : f32 to vector<1x1xf32>
    %mul3A = arith.constant 3.125000e-06 : f32
    %mul3A_23 = vector.broadcast %mul3A : f32 to vector<1x1xf32>
    %mul3A_24 = arith.mulf %reshape3A, %mul3A_23 : vector<1x1xf32>
    %swap3A_25 = arith.constant 0 : index
    %swap3A_26 = arith.constant 0 : index
    %swap3A_27 = vector.load %arg6[%swap3A_25, %swap3A_26] : memref<1x1xf32, #tpu.memory_space<vmem>>, vector<1x1xf32>
    tpu.vector_store %arg6[%swap3A_25, %swap3A_26], %mul3A_24 {strides = array<i32>} : memref<1x1xf32, #tpu.memory_space<vmem>>, vector<1x1xf32>,
    return
  }
}

module attributes {stable_mosaic.version = 14 : i64} {
  func.func @_final_kernel(%arg0: memref<10112x48xf32, #tpu.memory_space<vmem>>, %arg1: memref<10112x48xf32, #tpu.memory_space<vmem>>, %arg2: memref<1x32xf32, #tpu.memory_space<vmem>>, %arg3: memref<1x10000xi32, #tpu.memory_space<vmem>>, %arg4: memref<64x32xf32, #tpu.memory_space<vmem>>) attributes {dimension_semantics = [], scalar_prefetch = 0 : i64, scratch_operands = 0 : i64, tpu.core_type = #tpu.core_type<tc>} {
    %get3A = arith.constant 0 : index
    %get3A_0 = arith.constant 0 : index
    %get3A_1 = vector.load %arg0[%get3A, %get3A_0] : memref<10112x48xf32, #tpu.memory_space<vmem>>, vector<10112x48xf32>
    %get3A_2 = arith.constant 0 : index
    %get3A_3 = arith.constant 0 : index
    %get3A_4 = vector.load %arg1[%get3A_2, %get3A_3] : memref<10112x48xf32, #tpu.memory_space<vmem>>, vector<10112x48xf32>
    %add3A = arith.addf %get3A_1, %get3A_4 : vector<10112x48xf32>
    %slice3A = vector.extract_strided_slice %add3A {offsets = [0, 0], sizes = [10000, 32], strides = [1, 1]} : vector<10112x48xf32> to vector<10000x32xf32>
    %slice3A_5 = vector.extract_strided_slice %add3A {offsets = [0, 32], sizes = [10000, 1], strides = [1, 1]} : vector<10112x48xf32> to vector<10000x1xf32>
    %add3A_6 = arith.constant 1.000000e-16 : f32
    %add3A_7 = vector.broadcast %add3A_6 : f32 to vector<10000x1xf32>
    %add3A_8 = arith.addf %slice3A_5, %add3A_7 : vector<10000x1xf32>
    %div3A = vector.broadcast %add3A_8 : vector<10000x1xf32> to vector<10000x32xf32>
    %div3A_9 = arith.divf %slice3A, %div3A : vector<10000x32xf32>
    %get3A_10 = arith.constant 0 : index
    %get3A_11 = arith.constant 0 : index
    %get3A_12 = vector.load %arg2[%get3A_10, %get3A_11] : memref<1x32xf32, #tpu.memory_space<vmem>>, vector<1x32xf32>
    %add3A_13 = vector.broadcast %get3A_12 : vector<1x32xf32> to vector<10000x32xf32>
    %add3A_14 = arith.addf %div3A_9, %add3A_13 : vector<10000x32xf32>
    %get3A_15 = arith.constant 0 : index
    %get3A_16 = arith.constant 0 : index
    %get3A_17 = vector.load %arg3[%get3A_15, %get3A_16] : memref<1x10000xi32, #tpu.memory_space<vmem>>, vector<1x10000xi32>
    %iota3A = tpu.iota {dimensions = array<i32: 0>} : vector<64x10000xi32>
    %eq3A = vector.broadcast %get3A_17 : vector<1x10000xi32> to vector<64x10000xi32>
    %eq3A_18 = arith.cmpi eq, %iota3A, %eq3A : vector<64x10000xi32>
    %convert_element_type3A = arith.extui %eq3A_18 : vector<64x10000xi1> to vector<64x10000xi32>
    %convert_element_type3A_19 = arith.sitofp %convert_element_type3A : vector<64x10000xi32> to vector<64x10000xf32>
    %dot_general3A = arith.constant dense<0.000000e+00> : vector<64x32xf32>
    %dot_general3A_20 = tpu.matmul %convert_element_type3A_19, %add3A_14, %dot_general3A {dimension_numbers = #tpu.dot_dimension_numbers<[1], [0], [0], [1], [0, 0, 1, 1], [], []>, transpose_lhs_hint = false} : vector<64x10000xf32>, vector<10000x32xf32>, vector<64x32xf32> -> vector<64x32xf32>
    %reduce_sum3A = arith.constant dense<0.000000e+00> : vector<64xf32>
    %reduce_sum3A_21 = vector.multi_reduction <add>, %convert_element_type3A_19, %reduce_sum3A [1] : vector<64x10000xf32> to vector<64xf32>
    %max3A = arith.constant 1.000000e+00 : f32
    %max3A_22 = vector.broadcast %max3A : f32 to vector<64xf32>
    %max3A_23 = arith.maximumf %reduce_sum3A_21, %max3A_22 : vector<64xf32>
    %broadcast_in_dim3A = vector.shape_cast %max3A_23 : vector<64xf32> to vector<64x1xf32>
    %div3A_24 = vector.broadcast %broadcast_in_dim3A : vector<64x1xf32> to vector<64x32xf32>
    %div3A_25 = arith.divf %dot_general3A_20, %div3A_24 : vector<64x32xf32>
    %swap3A = arith.constant 0 : index
    %swap3A_26 = arith.constant 0 : index
    %swap3A_27 = vector.load %arg4[%swap3A, %swap3A_26] : memref<64x32xf32, #tpu.memory_space<vmem>>, vector<64x32xf32>
    tpu.vector_store %arg4[%swap3A, %swap3A_26], %div3A_25 {strides = array<i32>} : memref<64x32xf32, #tpu.memory_space<vmem>>, vector<64x32xf32>,
    return
  }
}

</mosaic_0001>

<sc_bundles>
// kernel: kernel.5.cloned.1.call-start
scs
__scs_entry_jumppad:
0x0: {  	(pc) =	sbr.rel $0x88, $3  }
0x1: {  	(tag) =	ssettag $0x0;
	lr =	simm.s32 $0x1  }
0x2: {  	[smem:$0x3F96] =	sst lr;
	_ =	strace $0xD0000000  }
0x3: {  	_ = 	snop  }
0x4: {  	_ = 	snop  }
0x5: {  	_ = 	snop  }
0x6: {  	_ = 	snop  }
0x7: {  	_ = 	snop  }
__scs_overlays_trampoline_lowered:
0x8: {  	[smem:$0x3FA5] =	sst s0  }
0x9: {  	[smem:$0x3FA6] =	sst s1  }
0xa: {  	[smem:$0x3FA7] =	sst s2  }
0xb: {  	[smem:$0x3FA8] =	sst s3  }
0xc: {  	[smem:$0x3FA9] =	sst s4  }
0xd: {  	[smem:$0x3FAA] =	sst s5  }
0xe: {  	[smem:$0x3FAB] =	sst s6  }
0xf: {  	[smem:$0x3FAC] =	sst s7  }
0x10: {  	[smem:$0x3FAD] =	sst s8  }
0x11: {  	[smem:$0x3FAE] =	sst s9;
	s0 =	simm.s32 @!p0 $0x0  }
0x12: {  	s1 =	sld [smem:$0x3F94];
	s0 =	simm.s32 @p0 $0x1  }
0x13: {  	[smem:$0x3FAF] =	sst s0;
	s0 =	simm.s32 @!p1 $0x0  }
0x14: {  	s2 =	sld [smem:$0x3F93];
	s0 =	simm.s32 @p1 $0x1  }
0x15: {  	[smem:$0x3FB0] =	sst s0;
	s0 =	simm.s32 @!p2 $0x0  }
0x16: {  	s3 =	sld [smem:$0x3FDB];
	s0 =	simm.s32 @p2 $0x1  }
0x17: {  	s4 =	simm.s32 $0x1BF5;
	[smem:$0x3FB2] =	sst s0  }
0x18: {  	s0 =	sld [smem:$0x3F95];
	_ =	swait.ge [sflag:s4], $0x0  }
0x19: {  	s7 =	sld [smem:$0x3F96]  }
0x1a: {  	s8 =	sadd.s32 $0xFFFFE003, lr  }
0x1b: {  	s9 =	sadd.s32 $0xFFFFFEF7, lr;
	s5 =	simm.s32 $0xFFFFFFFF;
	p2 =	slt.u32 s8, $0xFFFFF086  }
0x1c: {  	p1 =	slt.u32 s9, $0xF7A;
	s5 =	simm.s32 @!p2 $0x0  }
0x1d: {  	s5 =	simm.s32 @p1 $0x1;
	p0 =	seq.s32 s7, s2  }
0x1e: {  	s7 =	smul.u32 @!p0 $0xF7A, s2;
	p2 =	seq.s32 @!p0 s5, $0x0  }
0x1f: {  	s9 =	smul.u32 $0xF7A, s1;
	s8 =	simm.s32 @!p0 $0x1BF5;
	p2 =	por !p2, p0  }
0x20: {  	[sflag:s8] =	ssyncset.s32 @!p0 $0xFFFFF086;
	s6 =	sadd.s32 @!p0 s3, s7;
	s7 =	simm.s32 @!p0 $0x108  }
0x21: {  	s3 =	sadd.s32 s3, s9;
	s6 =	sadd.s32 @!p0 $0x88, s6;
	s7 =	simm.s32 @p2 $0x1082  }
0x22: {  	[simem:s7], [sflag:s8] =	dma.local @!p0 [hbm:s6], $0xF7A  }
0x23: {  	s9 =	sor.u32 $0xD0000000, s2;
	s6 =	simm.s32 $0x108;
	_ =	swait.ge @!p0 [sflag:s8], $0x0  }
0x24: {  	s3 =	sadd.s32 $0x88, s3;
	s6 =	simm.s32 @!p1 $0x1082;
	[sflag:s4] =	ssyncset.s32 $0xFFFFF086  }
0x25: {  	[simem:s6], [sflag:s4] =	dma.local [hbm:s3], $0xF7A  }
0x26: {  	[smem:$0x3F96] =	sst s1;
	(tag) =	ssettag s2;
	_ =	strace s9  }
0x27: {  	s1 =	sld [smem:$0x3FA6]  }
0x28: {  	s2 =	sld [smem:$0x3FA7]  }
0x29: {  	s4 =	sld [smem:$0x3FA9]  }
0x2a: {  	p0 =	seq.s32 s5, $0x0;
	s5 =	sld [smem:$0x3FAA]  }
0x2b: {  	s6 =	sld [smem:$0x3FAB]  }
0x2c: {  	s7 =	sld [smem:$0x3FAC]  }
0x2d: {  	s3 =	simm.s32 $0x108;
	s8 =	sld [smem:$0x3FAD]  }
0x2e: {  	s3 =	simm.s32 @!p0 $0x1082;
	s9 =	sld [smem:$0x3FAE]  }
0x2f: {  	lr =	sadd.s32 s0, s3;
	s0 =	sld [smem:$0x3FA5]  }
0x30: {  	s3 =	sld [smem:$0x3FA8]  }
0x31: {  	[smem:$0x3FB1] =	sst s10  }
0x32: {  	s10 =	sld [smem:$0x3FAF];
	_ =	sdelay $0x3  }
0x33: {  	p0 =	seq.s32 s10, $0x1;
	s10 =	sld [smem:$0x3FB1];
	_ =	sdelay $0x3  }
0x34: {  	[smem:$0x3FB1] =	sst s10  }
0x35: {  	s10 =	sld [smem:$0x3FB0];
	_ =	sdelay $0x3  }
0x36: {  	p1 =	seq.s32 s10, $0x1;
	s10 =	sld [smem:$0x3FB1];
	_ =	sdelay $0x3  }
0x37: {  	[smem:$0x3FB1] =	sst s10  }
0x38: {  	s10 =	sld [smem:$0x3FB2]  }
0x39: {  	_ = 	snop;
	(pc) =	sbr.ind lr, $3  }
0x3a: {  	_ = 	snop  }
0x3b: {  	_ = 	snop  }
0x3c: {  	p2 =	seq.s32 s10, $0x1;
	s10 =	sld [smem:$0x3FB1]  }
0x3d: {  	_ =	shalt  }
0x3e: {  	_ =	shalt  }
0x3f: {  	_ =	shalt  }
0x40: {  	_ =	shalt  }
0x41: {  	_ =	shalt  }
0x42: {  	_ =	shalt  }
0x43: {  	_ =	shalt  }
0x44: {  	_ =	shalt  }
0x45: {  	_ =	shalt  }
0x46: {  	_ =	shalt  }
0x47: {  	_ =	shalt  }
0x48: {  	_ =	shalt  }
0x49: {  	_ =	shalt  }
0x4a: {  	_ =	shalt  }
0x4b: {  	_ =	shalt  }
0x4c: {  	_ =	shalt  }
0x4d: {  	_ =	shalt  }
0x4e: {  	_ =	shalt  }
0x4f: {  	_ =	shalt  }
0x50: {  	_ =	shalt  }
0x51: {  	_ =	shalt  }
0x52: {  	_ =	shalt  }
0x53: {  	_ =	shalt  }
0x54: {  	_ =	shalt  }
0x55: {  	_ =	shalt  }
0x56: {  	_ =	shalt  }
0x57: {  	_ =	shalt  }
0x58: {  	_ =	shalt  }
0x59: {  	_ =	shalt  }
0x5a: {  	_ =	shalt  }
0x5b: {  	_ =	shalt  }
0x5c: {  	_ =	shalt  }
0x5d: {  	_ =	shalt  }
0x5e: {  	_ =	shalt  }
0x5f: {  	_ =	shalt  }
0x60: {  	_ =	shalt  }
0x61: {  	_ =	shalt  }
0x62: {  	_ =	shalt  }
0x63: {  	_ =	shalt  }
0x64: {  	_ =	shalt  }
0x65: {  	_ =	shalt  }
0x66: {  	_ =	shalt  }
0x67: {  	_ =	shalt  }
0x68: {  	_ =	shalt  }
0x69: {  	_ =	shalt  }
0x6a: {  	_ =	shalt  }
0x6b: {  	_ =	shalt  }
0x6c: {  	_ =	shalt  }
0x6d: {  	_ =	shalt  }
0x6e: {  	_ =	shalt  }
0x6f: {  	_ =	shalt  }
0x70: {  	_ =	shalt  }
0x71: {  	_ =	shalt  }
0x72: {  	_ =	shalt  }
0x73: {  	_ =	shalt  }
0x74: {  	_ =	shalt  }
0x75: {  	_ =	shalt  }
0x76: {  	_ =	shalt  }
0x77: {  	_ =	shalt  }
0x78: {  	_ =	shalt  }
0x79: {  	_ =	shalt  }
0x7a: {  	_ =	shalt  }
0x7b: {  	_ =	shalt  }
0x7c: {  	_ =	shalt  }
0x7d: {  	_ =	shalt  }
0x7e: {  	_ =	shalt  }
0x7f: {  	_ =	shalt  }
0x80: {  	_ =	shalt  }
0x81: {  	_ =	shalt  }
0x82: {  	_ =	shalt  }
0x83: {  	_ =	shalt  }
0x84: {  	_ =	shalt  }
0x85: {  	_ =	shalt  }
0x86: {  	_ =	shalt  }
0x87: {  	_ =	shalt  }
.Lfunc_end0:
.L_simem_size_0:
called_computation_lowered:
.L_overlay_start_0:
0x88: {  	s2 =	sld [smem:$0x3FD9]  }
0x89: {  	s3 =	sld [smem:$0x3FFE];
	_ =	sdelay $0x1  }
0x8a: {  	s1 =	srdreg.scid  }
0x8b: {  	s0 =	sand.u32 $0x1, s1  }
0x8c: {  	s17 =	sshll.u32 s0, $0xA;
	s2 =	sadd.s32 s3, s2  }
0x8d: {  	s2 =	sadd.s32 s2, s17  }
0x8e: {  	[smem:$0x3FBD] =	sst s2  }
0x8f: {  	_ = 	snop  }
0x90: {  	s2 =	sld [smem:$0x3FC1]  }
0x91: {  	s18 =	sld [smem:$0x3FC0];
	(tm) =	ssettm $0x1  }
0x92: {  	s4 =	sld [smem:$0x3FFB];
	_ =	sdelay $0x3  }
0x93: {  	_ =	strace s4  }
0x94: {  	s4 =	sld [smem:$0x3FFC];
	_ =	sdelay $0x3  }
0x95: {  	_ =	strace s4  }
0x96: {  	s4 =	sld [smem:$0x3FFD];
	_ =	sdelay $0x3  }
0x97: {  	_ =	strace s4  }
0x98: {  	_ =	strace $0x8FFFFFFF  }
0x99: {  	s19 =	sld [smem:$0x3FDB];
	_ =	sdelay $0x1  }
0x9a: {  	s5 =	simm.s32 $_scs_section_size  }
0x9b: {  	s6 =	simm.s32 $_size__tile_overlayer_lowered;
	s7 =	simm.s32 $_tile_overlayer_lowered  }
0x9c: {  	s22 =	simm.s32 $0x1BFF;
	s21 =	sshll.u32 s7, $0x1;
	s4 =	sadd.s32 s5, s19  }
0x9d: {  	s8 =	simm.s32 $0x0;
	s20 =	sshll.u32 s6, $0x1;
	s6 =	sadd.s32 s21, s4  }
0x9e: {  	[timem:s8], [sflag:s22] =	dma.local [hbm:s6], s20  }
0x9f: {  	_ =	swait.ge [sflag:s22], s20  }
0xa0: {  	s5 =	ssub.s32 $0x0, s20;
	[sflag:s22] =	ssyncset.done $0x0  }
0xa1: {  	[sflag:s22] =	ssyncadd.s32 s5;
	_ =	sdelay $0x1  }
0xa2: {  	s23 =	simm.s32 $0x1B8B  }
0xa3: {  	_ =	swait.ge [sflag:s23], $0x1  }
0xa4: {  	[sflag:s23] =	ssyncset.done $0x0  }
0xa5: {  	s25 =	simm.s32 $0x1B8E;
	s24 =	sld [smem:$0x3FFE];
	[sflag:s23] =	ssyncadd.s32 $0xFFFFFFFF  }
0xa6: {  	s26 =	simm.s32 $execute0_lowered;
	[smem:$0x3FD2] =	sst s25  }
0xa7: {  	s6 =	sshll.u32 s26, $0x1;
	_ =	strace $0x80000046;
	[dreg:$0x1] =	wrdreg $0xFFFFFFFF  }
0xa8: {  	s28 =	simm.s32 $_size_execute0_lowered;
	s4 =	sadd.s32 s4, s6;
	[dreg:$0x0] =	wrdreg $0x0  }
0xa9: {  	s6 =	sshll.u32 s28, $0x1;
	[dreg:$0x2] =	wrdreg s4  }
0xaa: {  	[dreg:$0x3] =	wrdreg s6  }
0xab: {  	[dreg:$0x4] =	wrdreg $0xC0  }
0xac: {  	_ =	task [dreg:s8], $0x5FFFF  }
0xad: {  	[dreg:$0x1] =	wrdreg $0xFFFFFFFF  }
0xae: {  	[dreg:$0x0] =	wrdreg $0x60  }
0xaf: {  	[dreg:$0x2] =	wrdreg s24  }
0xb0: {  	[dreg:$0x3] =	wrdreg s2  }
0xb1: {  	[dreg:$0x4] =	wrdreg s18  }
0xb2: {  	[dreg:$0x5] =	wrdreg $0x5B400  }
0xb3: {  	[dreg:$0x6] =	wrdreg $0x9  }
0xb4: {  	_ =	task.clear_ibuf [dreg:s8], $0x7FFFF;
	_ =	strace $0x90000046  }
0xb5: {  	s29 =	simm.s32 $0x9;
	_ =	strace $0x80000048  }
0xb6: {  	_ =	swait.ge [sflag:s29], $0x1  }
0xb7: {  	[sflag:s29] =	ssyncadd.s32 $0xFFFFFFFF  }
0xb8: {  	_ =	strace $0x90000048  }
0xb9: {  	_ =	sfence  }
0xba: {  	s30 =	sld [smem:$0x0];
	_ =	sdelay $0x2  }
0xbb: {  	s31 =	sshll.u32 s1, $0xD;
	s1 =	sshrl.u32 s1, $0x2  }
0xbc: {  	s3 =	sand.u32 $0x4000, s31;
	s1 =	sadd.s32 s1, s30  }
0xbd: {  	s0 =	sor.u32 s3, s0;
	s1 =	sshll.u32 s1, $0x11  }
0xbe: {  	s0 =	sor.u32 s1, s0  }
0xbf: {  	s0 =	sadd.s32 $0x8F2B, s0  }
0xc0: {  	[sflag:s0] =	ssyncadd.remote.s32 $0x1  }
0xc1: {  	_ =	sfence.sel $0xFFFF  }
0xc2: {  	[dreg:$0x0] =	wrdreg $0xFFFFFFFF;
	(pc) =	sbr.abs _section_cstart, $3  }
0xc3: {  	[dreg:$0x1] =	wrdreg $0xFFFFFFFF  }
0xc4: {  	_ =	task.clear_ibuf [dreg:s8], $0x2FFFF;
	_ =	strace $0x9FFFFFFF  }
0xc5: {  	(tm) =	ssettm $0x7FFFFFFF  }
tec
execute0_lowered:
.L_overlay_start_1:
0x0: {  	(tag) =	ssettag $0x1  }
0x1: {  	s0 =	rddreg [dreg:$0x0]  }
0x2: {  	s3 =	rddreg [dreg:$0x3];
	s5 =	simm.s32 $0x0  }
0x3: {  	s14 =	stileid.u32;
	s2 =	srdreg.scid;
	s29 =	simm.s32 $0x2180  }
0x4: {  	s30 =	simm.s32 $0x2200;
	s31 =	simm.s32 $0x2280;
	[smem:$0x7FF] =	sst s5  }
0x5: {  	s6 =	sadd.s32 $0xA400, s0;
	s1 =	smul.u32 $0x7680, s14;
	s7 =	sadd.s32 $0x600, s0  }
0x6: {  	s8 =	sadd.s32 $0x28A00, s0;
	s2 =	sand.u32 $0x1, s2;
	s9 =	sadd.s32 $0x1E600, s0  }
0x7: {  	s10 =	sadd.s32 $0x14200, s0;
	s12 =	sshll.u32 s14, $0x1;
	s23 =	sshll.u32 s14, $0x6  }
0x8: {  	v0 =	vimm.s32 $0xFEDCBA98;
	_ =	strace $0x80000047;
	s11 =	smul.u32 $0x76800, s2;
	s13 =	ssub.s32 $0x2, s2  }
0x9: {  	v1 =	vimm.s32 $0x76543210;
	v2 =	vimm.s32 $0x3210FEDC;
	s2 =	sor.u32 s2, s12;
	s12 =	sor.u32 $0x1C05, s23;
	s23 =	simm.s32 $0x3  }
0xa: {  	v3 =	vimm.s32 $0xBA987654;
	v4 =	vimm.s32 $0x10FEDCBA;
	s4 =	sshrl.u32 s1, $0x3;
	s21 =	sshrl.u32 s13, $0x1;
	s2 =	smul.u32 $0x2900, s2  }
0xb: {  	v5 =	vimm.s32 $0x98765432;
	v6 =	vimm.s32 $0xFEDCBA9;
	v7 =	vimm.s32 $0x87654321;
	s4 =	sadd.s32 s4, s0;
	s11 =	sadd.s32 s1, s11;
	s22 =	ssub.s32 s13, s21  }
0xc: {  	v0 =	vunpack.c.l.s4.s8 v0;
	v1 =	vunpack.c.l.s4.s8 v1;
	v2 =	vunpack.c.l.s4.s8 v2;
	s1 =	sadd.s32 s1, s3;
	s21 =	simm.s32 $0x5;
	s11 =	sshrl.u32 s11, $0x3  }
0xd: {  	v3 =	vunpack.c.l.s4.s8 v3;
	v4 =	vunpack.c.l.s4.s8 v4;
	v5 =	vunpack.c.l.s4.s8 v5;
	s4 =	sadd.s32 $0x32E00, s4;
	s24 =	sshrl.u32 s2, $0x3;
	s16 =	sor.u32 $0x80, s2  }
0xe: {  	v6 =	vunpack.c.l.s4.s8 v6;
	v7 =	vunpack.c.l.s4.s8 v7;
	v0 =	vunpack.c.0.s8.s32 v0;
	s17 =	sadd.s32 $0x100, s2;
	s19 =	smax.u32 s22, $0x1;
	s20 =	sshrl.u32 s1, $0x3  }
0xf: {  	v2 =	vunpack.c.0.s8.s32 v2;
	v3 =	vunpack.c.0.s8.s32 v3;
	v4 =	vunpack.c.0.s8.s32 v4;
	s1 =	simm.s32 $0x1;
	s2 =	simm.s32 $0x2;
	s22 =	simm.s32 $0x4300  }
0x10: {  	v5 =	vunpack.c.0.s8.s32 v5;
	v6 =	vunpack.c.0.s8.s32 v6;
	v7 =	vunpack.c.0.s8.s32 v7;
	s0 =	sadd.s32 s11, s0;
	[dreg:$0x5] =	wrdreg s4;
	s25 =	sadd.s32 s8, s24  }
0x11: {  	v1 =	vunpack.c.0.s8.s32 v1;
	v2 =	vcombine.low v3, v2;
	s26 =	sadd.s32 s9, s24;
	s28 =	sadd.s32 s10, s24;
	[dreg:$0x6] =	wrdreg s25  }
0x12: {  	v3 =	vcombine.low v5, v4;
	v4 =	vcombine.low v7, v6;
	v0 =	vand.u32 $0xF, v0;
	s24 =	simm.s32 $0x80;
	s4 =	simm.s32 $0x3300;
	[dreg:$0x7] =	wrdreg s26  }
0x13: {  	vm0 =	vmmov $0x1;
	v0 =	vcombine.low v0, v1;
	[dreg:$0x8] =	wrdreg s28;
	s0 =	sadd.s32 $0x41C00, s0;
	s25 =	simm.s32 $0x4  }
0x14: {  	v1 =	vand.u32 $0xF, v2;
	v2 =	vand.u32 $0xF, v3;
	v3 =	vand.u32 $0xF, v4;
	s26 =	simm.s32 $0x0;
	[dreg:$0x9] =	wrdreg s0;
	s0 =	simm.s32 $0x2300  }
.LBB2_1:
0x15: {  	s11 =	rddreg [dreg:$0x5]  }
0x16: {  	[spmem:s20], [sflag:s12] =	dma.local [hbm:s11], $0xED0  }
0x17: {  	_ =	swait.ge [sflag:s21], $0xED0  }
0x18: {  	[sflag:s21] =	ssyncset.done $0x0  }
0x19: {  	[sflag:s21] =	ssyncadd.s32 $0xFFFFF130  }
0x1a: {  	s13 =	simm.s32 $0x5B00;
	s18 =	rddreg [dreg:$0x1]  }
0x1b: {  	[tilespmem:s13], [sflag:$0x5] =	stream.linear.gather [hbm4b:s18+s5], $0x20, $0x38;
	[tilespmem:$0xD1C0] =	vst v63  }
0x1c: {  	_ =	swait.ge [sflag:s21], $0x20  }
0x1d: {  	[sflag:s21] =	ssyncset.done $0x0  }
0x1e: {  	[sflag:s21] =	ssyncadd.s32 $0xFFFFFFE0  }
0x1f: {  	s14 =	simm.s32 $0x5B20;
	s13 =	rddreg [dreg:$0x2]  }
0x20: {  	[tilespmem:s14], [sflag:$0x5] =	stream.linear.gather [hbm4b:s13+s5], $0x20, $0x38;
	[tilespmem:$0xD1C0] =	vst v63  }
0x21: {  	_ =	swait.ge [sflag:s21], $0x20  }
0x22: {  	[sflag:s21] =	ssyncset.done $0x0  }
0x23: {  	[sflag:s21] =	ssyncadd.s32 $0xFFFFFFE0  }
0x24: {  	[bflag:$0x0] =	sbarrier.arrive $0xFFFF  }
0x25: {  	v4 =	vld [tilespmem:$0x5B00]  }
0x26: {  	v5 =	vld [tilespmem:$0x5B10]  }
0x27: {  	v6 =	vld [tilespmem:$0x5B20];
	s15 =	rddreg [dreg:$0x6]  }
0x28: {  	v7 =	vld [tilespmem:$0x5B30];
	[tilespmem:s5], [sflag:$0x5] =	stream.linear.gather [hbm4b:s15+s5], $0x80, $0x38  }
0x29: {  	_ =	swait.ge [sflag:s21], $0x80  }
0x2a: {  	[sflag:s21] =	ssyncset.done $0x0  }
0x2b: {  	s18 =	rddreg [dreg:$0x7];
	[sflag:s21] =	ssyncadd.s32 $0xFFFFFF80  }
0x2c: {  	[tilespmem:s24], [sflag:$0x5] =	stream.linear.gather [hbm4b:s18+s5], $0x80, $0x38;
	[tilespmem:$0xD1C0] =	vst v63  }
0x2d: {  	_ =	swait.ge [sflag:s21], $0x80  }
0x2e: {  	[sflag:s21] =	ssyncset.done $0x0  }
0x2f: {  	s14 =	simm.s32 $0x100;
	s13 =	rddreg [dreg:$0x8];
	[sflag:s21] =	ssyncadd.s32 $0xFFFFFF80  }
0x30: {  	[tilespmem:s14], [sflag:$0x5] =	stream.linear.gather [hbm4b:s13+s5], $0x80, $0x38;
	[tilespmem:$0xD1C0] =	vst v63  }
0x31: {  	_ =	swait.ge [sflag:s21], $0x80  }
0x32: {  	[sflag:s21] =	ssyncset.done $0x0  }
0x33: {  	s15 =	simm.s32 $0x180;
	[sflag:s21] =	ssyncadd.s32 $0xFFFFFF80  }
0x34: {  	[tilespmem:s15], [sflag:$0x1] =	stream.indirect.gather [hbm4b:s6+s24], $0x20, s5, s24, $0xb8;
	[tilespmem:$0xD1C0] =	vst v63  }
0x35: {  	s28 =	simm.s32 $0x0;
	s18 =	simm.s32 $0x1180  }
0x36: {  	[tilespmem:s18], [sflag:$0x2] =	stream.indirect.gather [hbm4b:s7+s24], $0x20, s24, s24, $0xb8;
	[tilespmem:$0xD1C0] =	vst v63  }
.LBB2_2:
0x37: {  	s11 =	sshll.u32 s28, $0x8  }
0x38: {  	s13 =	sadd.s32 s11, s16  }
0x39: {  	s14 =	sshrl.u32 s13, $0x3  }
0x3a: {  	s13 =	simm.s32 $0x0;
	s15 =	sadd.s32 s8, s14  }
0x3b: {  	[tilespmem:s29], [sflag:$0x5] =	stream.linear.gather [hbm4b:s15+s13], $0x80, $0x38;
	[tilespmem:$0xD1C0] =	vst v63  }
0x3c: {  	_ =	swait.ge [sflag:s21], $0x80  }
0x3d: {  	[sflag:s21] =	ssyncset.done $0x0  }
0x3e: {  	s18 =	sadd.s32 s9, s14;
	[sflag:s21] =	ssyncadd.s32 $0xFFFFFF80  }
0x3f: {  	[tilespmem:s30], [sflag:$0x5] =	stream.linear.gather [hbm4b:s18+s13], $0x80, $0x38;
	[tilespmem:$0xD1C0] =	vst v63  }
0x40: {  	_ =	swait.ge [sflag:s21], $0x80  }
0x41: {  	[sflag:s21] =	ssyncset.done $0x0  }
0x42: {  	s14 =	sadd.s32 s10, s14;
	[sflag:s21] =	ssyncadd.s32 $0xFFFFFF80  }
0x43: {  	[tilespmem:s31], [sflag:$0x5] =	stream.linear.gather [hbm4b:s14+s13], $0x80, $0x38;
	[tilespmem:$0xD1C0] =	vst v63  }
0x44: {  	_ =	swait.ge [sflag:s21], $0x80  }
0x45: {  	[sflag:s21] =	ssyncset.done $0x0  }
0x46: {  	[sflag:s21] =	ssyncadd.s32 $0xFFFFFF80  }
0x47: {  	[tilespmem:s0], [sflag:$0x3] =	stream.indirect.gather [hbm4b:s6+s24], $0x20, s29, s24, $0xb8;
	[tilespmem:$0xD1C0] =	vst v63  }
0x48: {  	_ = 	snop  }
0x49: {  	[tilespmem:s4], [sflag:$0x4] =	stream.indirect.gather [hbm4b:s7+s24], $0x20, s30, s24, $0xb8;
	[tilespmem:$0xD1C0] =	vst v63  }
0x4a: {  	_ =	swait.ge [sflag:s1], $0x1000  }
0x4b: {  	[sflag:s1] =	ssyncset.done $0x0  }
0x4c: {  	[sflag:s1] =	ssyncadd.s32 $0xFFFFF000  }
0x4d: {  	_ =	swait.ge [sflag:s2], $0x1000  }
0x4e: {  	[sflag:s2] =	ssyncset.done $0x0  }
0x4f: {  	s15 =	simm.s32 $0x4480;
	s14 =	simm.s32 $0x100;
	[sflag:s2] =	ssyncadd.s32 $0xFFFFF000  }
.LBB2_3:
0x50: {  	v8 =	vld [tilespmem:s14+$0x0];
	s18 =	sshra.s32 s13, $0x2  }
0x51: {  	v9 =	vld [tilespmem:s18+$0x180]  }
0x52: {  	v10 =	vld [tilespmem:s18+$0x190]  }
0x53: {  	v11 =	vld [tilespmem:s18+$0x1180]  }
0x54: {  	v12 =	vld [tilespmem:s18+$0x1190];
	_ =	sdelay $0x2  }
0x55: {  	v13 =	vbroadcast v8, $0x0  }
0x56: {  	v11 =	vadd.f32 v11, v9  }
0x57: {  	v12 =	vadd.f32 v12, v10;
	v14 =	vmul.f32 v13, v4;
	v13 =	vmul.f32 v13, v5;
	_ =	sdelay $0x1  }
0x58: {  	v11 =	vadd.f32 v11, v14;
	v12 =	vadd.f32 v12, v13;
	_ =	sdelay $0x1  }
0x59: {  	v55 =	vmul.f32 $2.000000030e-01, v11;
	v56 =	vmul.f32 $2.000000030e-01, v12  }
0x5a: {  	vm1 =	vge.f32 v11, $0.0e+00;
	vm2 =	vge.f32 v12, $0.0e+00  }
0x5b: {  	v11 =	vsel vm1, v11, v55;
	v12 =	vsel vm2, v12, v56  }
0x5c: {  	v11 =	vmul.f32 v11, v6;
	v12 =	vmul.f32 v12, v7;
	_ =	sdelay $0x1  }
0x5d: {  	v11 =	vadd.f32 v12, v11;
	_ =	sdelay $0x1  }
0x5e: {  	v12 =	vperm.xlane v11, v0;
	_ =	sdelay $0x1  }
0x5f: {  	v11 =	vadd.f32 v11, v12;
	_ =	sdelay $0x1  }
0x60: {  	v12 =	vperm.xlane v11, v1;
	_ =	sdelay $0x1  }
0x61: {  	v11 =	vadd.f32 v11, v12;
	_ =	sdelay $0x1  }
0x62: {  	v12 =	vperm.xlane v11, v2;
	_ =	sdelay $0x1  }
0x63: {  	v11 =	vadd.f32 v11, v12;
	_ =	sdelay $0x1  }
0x64: {  	v12 =	vperm.xlane v11, v3;
	_ =	sdelay $0x1  }
0x65: {  	v11 =	vadd.f32 v11, v12;
	_ =	sdelay $0x1  }
0x66: {  	v11 =	vmul.f32 $1.442695020e+00, v11;
	_ =	sdelay $0x1  }
0x67: {  	(erf) = vpow2.f32 v11;
	_ =	sdelay $0x8  }
0x68: {  	v11 =	vpop (erf)  }
0x69: {  	v9 =	vmul.f32 v11, v9;
	v57 =	vnsel vm0, $0x0, v11  }
0x6a: {  	v10 =	vmul.f32 v11, v10;
	[tilespmem:s15+$0xFFFFFEA0] =	vst v57  }
0x6b: {  	[tilespmem:s15+$0xFFFFFE80] =	vst v9  }
0x6c: {  	[tilespmem:s15+$0xFFFFFE90] =	vst v10  }
0x6d: {  	v9 =	vld [tilespmem:s18+$0x1A0]  }
0x6e: {  	v10 =	vld [tilespmem:s18+$0x1B0]  }
0x6f: {  	v58 =	vld [tilespmem:s18+$0x11A0]  }
0x70: {  	v59 =	vld [tilespmem:s18+$0x11B0];
	_ =	sdelay $0x1  }
0x71: {  	v60 =	vbroadcast v8, $0x1;
	_ =	sdelay $0x1  }
0x72: {  	v61 =	vmul.f32 v60, v4  }
0x73: {  	v13 =	vmul.f32 v60, v5;
	v11 =	vadd.f32 v58, v9;
	v12 =	vadd.f32 v59, v10;
	_ =	sdelay $0x1  }
0x74: {  	v11 =	vadd.f32 v11, v61;
	v12 =	vadd.f32 v12, v13;
	_ =	sdelay $0x1  }
0x75: {  	v62 =	vmul.f32 $2.000000030e-01, v11;
	v63 =	vmul.f32 $2.000000030e-01, v12  }
0x76: {  	vm1 =	vge.f32 v11, $0.0e+00;
	vm2 =	vge.f32 v12, $0.0e+00  }
0x77: {  	v11 =	vsel vm1, v11, v62;
	v12 =	vsel vm2, v12, v63  }
0x78: {  	v11 =	vmul.f32 v11, v6;
	v12 =	vmul.f32 v12, v7;
	_ =	sdelay $0x1  }
0x79: {  	v11 =	vadd.f32 v12, v11;
	_ =	sdelay $0x1  }
0x7a: {  	v12 =	vperm.xlane v11, v0;
	_ =	sdelay $0x1  }
0x7b: {  	v11 =	vadd.f32 v11, v12;
	_ =	sdelay $0x1  }
0x7c: {  	v12 =	vperm.xlane v11, v1;
	_ =	sdelay $0x1  }
0x7d: {  	v11 =	vadd.f32 v11, v12;
	_ =	sdelay $0x1  }
0x7e: {  	v12 =	vperm.xlane v11, v2;
	_ =	sdelay $0x1  }
0x7f: {  	v11 =	vadd.f32 v11, v12;
	_ =	sdelay $0x1  }
0x80: {  	v12 =	vperm.xlane v11, v3;
	_ =	sdelay $0x1  }
0x81: {  	v11 =	vadd.f32 v11, v12;
	_ =	sdelay $0x1  }
0x82: {  	v11 =	vmul.f32 $1.442695020e+00, v11;
	_ =	sdelay $0x1  }
0x83: {  	(erf) = vpow2.f32 v11;
	_ =	sdelay $0x8  }
0x84: {  	v11 =	vpop (erf)  }
0x85: {  	v9 =	vmul.f32 v11, v9;
	v15 =	vnsel vm0, $0x0, v11  }
0x86: {  	v10 =	vmul.f32 v11, v10;
	[tilespmem:s15+$0xFFFFFED0] =	vst v15  }
0x87: {  	[tilespmem:s15+$0xFFFFFEB0] =	vst v9  }
0x88: {  	[tilespmem:s15+$0xFFFFFEC0] =	vst v10  }
0x89: {  	v9 =	vld [tilespmem:s18+$0x1C0]  }
0x8a: {  	v10 =	vld [tilespmem:s18+$0x1D0]  }
0x8b: {  	v16 =	vld [tilespmem:s18+$0x11C0]  }
0x8c: {  	v17 =	vld [tilespmem:s18+$0x11D0];
	_ =	sdelay $0x1  }
0x8d: {  	v18 =	vbroadcast v8, $0x2;
	_ =	sdelay $0x1  }
0x8e: {  	v19 =	vmul.f32 v18, v4  }
0x8f: {  	v13 =	vmul.f32 v18, v5;
	v11 =	vadd.f32 v16, v9;
	v12 =	vadd.f32 v17, v10;
	_ =	sdelay $0x1  }
0x90: {  	v11 =	vadd.f32 v11, v19;
	v12 =	vadd.f32 v12, v13;
	_ =	sdelay $0x1  }
0x91: {  	v20 =	vmul.f32 $2.000000030e-01, v11;
	v21 =	vmul.f32 $2.000000030e-01, v12  }
0x92: {  	vm1 =	vge.f32 v11, $0.0e+00;
	vm2 =	vge.f32 v12, $0.0e+00  }
0x93: {  	v11 =	vsel vm1, v11, v20;
	v12 =	vsel vm2, v12, v21  }
0x94: {  	v11 =	vmul.f32 v11, v6;
	v12 =	vmul.f32 v12, v7;
	_ =	sdelay $0x1  }
0x95: {  	v11 =	vadd.f32 v12, v11;
	_ =	sdelay $0x1  }
0x96: {  	v12 =	vperm.xlane v11, v0;
	_ =	sdelay $0x1  }
0x97: {  	v11 =	vadd.f32 v11, v12;
	_ =	sdelay $0x1  }
0x98: {  	v12 =	vperm.xlane v11, v1;
	_ =	sdelay $0x1  }
0x99: {  	v11 =	vadd.f32 v11, v12;
	_ =	sdelay $0x1  }
0x9a: {  	v12 =	vperm.xlane v11, v2;
	_ =	sdelay $0x1  }
0x9b: {  	v11 =	vadd.f32 v11, v12;
	_ =	sdelay $0x1  }
0x9c: {  	v12 =	vperm.xlane v11, v3;
	_ =	sdelay $0x1  }
0x9d: {  	v11 =	vadd.f32 v11, v12;
	_ =	sdelay $0x1  }
0x9e: {  	v11 =	vmul.f32 $1.442695020e+00, v11;
	_ =	sdelay $0x1  }
0x9f: {  	(erf) = vpow2.f32 v11;
	_ =	sdelay $0x8  }
0xa0: {  	v11 =	vpop (erf)  }
0xa1: {  	v9 =	vmul.f32 v11, v9;
	v22 =	vnsel vm0, $0x0, v11  }
0xa2: {  	v10 =	vmul.f32 v11, v10;
	[tilespmem:s15+$0xFFFFFF00] =	vst v22  }
0xa3: {  	[tilespmem:s15+$0xFFFFFEE0] =	vst v9  }
0xa4: {  	[tilespmem:s15+$0xFFFFFEF0] =	vst v10  }
0xa5: {  	v9 =	vld [tilespmem:s18+$0x1E0]  }
0xa6: {  	v10 =	vld [tilespmem:s18+$0x1F0]  }
0xa7: {  	v23 =	vld [tilespmem:s18+$0x11E0]  }
0xa8: {  	v24 =	vld [tilespmem:s18+$0x11F0];
	_ =	sdelay $0x1  }
0xa9: {  	v25 =	vbroadcast v8, $0x3;
	_ =	sdelay $0x1  }
0xaa: {  	v26 =	vmul.f32 v25, v4  }
0xab: {  	v13 =	vmul.f32 v25, v5;
	v11 =	vadd.f32 v23, v9;
	v12 =	vadd.f32 v24, v10;
	_ =	sdelay $0x1  }
0xac: {  	v11 =	vadd.f32 v11, v26;
	v12 =	vadd.f32 v12, v13;
	_ =	sdelay $0x1  }
0xad: {  	v27 =	vmul.f32 $2.000000030e-01, v11;
	v28 =	vmul.f32 $2.000000030e-01, v12  }
0xae: {  	vm1 =	vge.f32 v11, $0.0e+00;
	vm2 =	vge.f32 v12, $0.0e+00  }
0xaf: {  	v11 =	vsel vm1, v11, v27;
	v12 =	vsel vm2, v12, v28  }
0xb0: {  	v11 =	vmul.f32 v11, v6;
	v12 =	vmul.f32 v12, v7;
	_ =	sdelay $0x1  }
0xb1: {  	v11 =	vadd.f32 v12, v11;
	_ =	sdelay $0x1  }
0xb2: {  	v12 =	vperm.xlane v11, v0;
	_ =	sdelay $0x1  }
0xb3: {  	v11 =	vadd.f32 v11, v12;
	_ =	sdelay $0x1  }
0xb4: {  	v12 =	vperm.xlane v11, v1;
	_ =	sdelay $0x1  }
0xb5: {  	v11 =	vadd.f32 v11, v12;
	_ =	sdelay $0x1  }
0xb6: {  	v12 =	vperm.xlane v11, v2;
	_ =	sdelay $0x1  }
0xb7: {  	v11 =	vadd.f32 v11, v12;
	_ =	sdelay $0x1  }
0xb8: {  	v12 =	vperm.xlane v11, v3;
	_ =	sdelay $0x1  }
0xb9: {  	v11 =	vadd.f32 v11, v12;
	_ =	sdelay $0x1  }
0xba: {  	v11 =	vmul.f32 $1.442695020e+00, v11;
	_ =	sdelay $0x1  }
0xbb: {  	(erf) = vpow2.f32 v11;
	_ =	sdelay $0x8  }
0xbc: {  	v11 =	vpop (erf)  }
0xbd: {  	v9 =	vmul.f32 v11, v9;
	v29 =	vnsel vm0, $0x0, v11  }
0xbe: {  	v10 =	vmul.f32 v11, v10;
	[tilespmem:s15+$0xFFFFFF30] =	vst v29  }
0xbf: {  	[tilespmem:s15+$0xFFFFFF10] =	vst v9  }
0xc0: {  	[tilespmem:s15+$0xFFFFFF20] =	vst v10  }
0xc1: {  	v9 =	vld [tilespmem:s18+$0x200]  }
0xc2: {  	v10 =	vld [tilespmem:s18+$0x210]  }
0xc3: {  	v30 =	vld [tilespmem:s18+$0x1200]  }
0xc4: {  	v31 =	vld [tilespmem:s18+$0x1210];
	_ =	sdelay $0x1  }
0xc5: {  	v32 =	vbroadcast v8, $0x4;
	_ =	sdelay $0x1  }
0xc6: {  	v33 =	vmul.f32 v32, v4  }
0xc7: {  	v13 =	vmul.f32 v32, v5;
	v11 =	vadd.f32 v30, v9;
	v12 =	vadd.f32 v31, v10;
	_ =	sdelay $0x1  }
0xc8: {  	v11 =	vadd.f32 v11, v33;
	v12 =	vadd.f32 v12, v13;
	_ =	sdelay $0x1  }
0xc9: {  	v34 =	vmul.f32 $2.000000030e-01, v11;
	v35 =	vmul.f32 $2.000000030e-01, v12  }
0xca: {  	vm1 =	vge.f32 v11, $0.0e+00;
	vm2 =	vge.f32 v12, $0.0e+00  }
0xcb: {  	v11 =	vsel vm1, v11, v34;
	v12 =	vsel vm2, v12, v35  }
0xcc: {  	v11 =	vmul.f32 v11, v6;
	v12 =	vmul.f32 v12, v7;
	_ =	sdelay $0x1  }
0xcd: {  	v11 =	vadd.f32 v12, v11;
	_ =	sdelay $0x1  }
0xce: {  	v12 =	vperm.xlane v11, v0;
	_ =	sdelay $0x1  }
0xcf: {  	v11 =	vadd.f32 v11, v12;
	_ =	sdelay $0x1  }
0xd0: {  	v12 =	vperm.xlane v11, v1;
	_ =	sdelay $0x1  }
0xd1: {  	v11 =	vadd.f32 v11, v12;
	_ =	sdelay $0x1  }
0xd2: {  	v12 =	vperm.xlane v11, v2;
	_ =	sdelay $0x1  }
0xd3: {  	v11 =	vadd.f32 v11, v12;
	_ =	sdelay $0x1  }
0xd4: {  	v12 =	vperm.xlane v11, v3;
	_ =	sdelay $0x1  }
0xd5: {  	v11 =	vadd.f32 v11, v12;
	_ =	sdelay $0x1  }
0xd6: {  	v11 =	vmul.f32 $1.442695020e+00, v11;
	_ =	sdelay $0x1  }
0xd7: {  	(erf) = vpow2.f32 v11;
	_ =	sdelay $0x8  }
0xd8: {  	v11 =	vpop (erf)  }
0xd9: {  	v9 =	vmul.f32 v11, v9;
	v36 =	vnsel vm0, $0x0, v11  }
0xda: {  	v10 =	vmul.f32 v11, v10;
	[tilespmem:s15+$0xFFFFFF60] =	vst v36  }
0xdb: {  	[tilespmem:s15+$0xFFFFFF40] =	vst v9  }
0xdc: {  	[tilespmem:s15+$0xFFFFFF50] =	vst v10  }
0xdd: {  	v9 =	vld [tilespmem:s18+$0x220]  }
0xde: {  	v10 =	vld [tilespmem:s18+$0x230]  }
0xdf: {  	v37 =	vld [tilespmem:s18+$0x1220]  }
0xe0: {  	v38 =	vld [tilespmem:s18+$0x1230];
	_ =	sdelay $0x1  }
0xe1: {  	v39 =	vbroadcast v8, $0x5;
	_ =	sdelay $0x1  }
0xe2: {  	v40 =	vmul.f32 v39, v4  }
0xe3: {  	v13 =	vmul.f32 v39, v5;
	v11 =	vadd.f32 v37, v9;
	v12 =	vadd.f32 v38, v10;
	_ =	sdelay $0x1  }
0xe4: {  	v11 =	vadd.f32 v11, v40;
	v12 =	vadd.f32 v12, v13;
	_ =	sdelay $0x1  }
0xe5: {  	v41 =	vmul.f32 $2.000000030e-01, v11;
	v42 =	vmul.f32 $2.000000030e-01, v12  }
0xe6: {  	vm1 =	vge.f32 v11, $0.0e+00;
	vm2 =	vge.f32 v12, $0.0e+00  }
0xe7: {  	v11 =	vsel vm1, v11, v41;
	v12 =	vsel vm2, v12, v42  }
0xe8: {  	v11 =	vmul.f32 v11, v6;
	v12 =	vmul.f32 v12, v7;
	_ =	sdelay $0x1  }
0xe9: {  	v11 =	vadd.f32 v12, v11;
	_ =	sdelay $0x1  }
0xea: {  	v12 =	vperm.xlane v11, v0;
	_ =	sdelay $0x1  }
0xeb: {  	v11 =	vadd.f32 v11, v12;
	_ =	sdelay $0x1  }
0xec: {  	v12 =	vperm.xlane v11, v1;
	_ =	sdelay $0x1  }
0xed: {  	v11 =	vadd.f32 v11, v12;
	_ =	sdelay $0x1  }
0xee: {  	v12 =	vperm.xlane v11, v2;
	_ =	sdelay $0x1  }
0xef: {  	v11 =	vadd.f32 v11, v12;
	_ =	sdelay $0x1  }
0xf0: {  	v12 =	vperm.xlane v11, v3;
	_ =	sdelay $0x1  }
0xf1: {  	v11 =	vadd.f32 v11, v12;
	_ =	sdelay $0x1  }
0xf2: {  	v11 =	vmul.f32 $1.442695020e+00, v11;
	_ =	sdelay $0x1  }
0xf3: {  	(erf) = vpow2.f32 v11;
	_ =	sdelay $0x8  }
0xf4: {  	v11 =	vpop (erf)  }
0xf5: {  	v9 =	vmul.f32 v11, v9;
	v43 =	vnsel vm0, $0x0, v11  }
0xf6: {  	v10 =	vmul.f32 v11, v10;
	[tilespmem:s15+$0xFFFFFF90] =	vst v43  }
0xf7: {  	[tilespmem:s15+$0xFFFFFF70] =	vst v9  }
0xf8: {  	[tilespmem:s15+$0xFFFFFF80] =	vst v10  }
0xf9: {  	v9 =	vld [tilespmem:s18+$0x240]  }
0xfa: {  	v10 =	vld [tilespmem:s18+$0x250]  }
0xfb: {  	v44 =	vld [tilespmem:s18+$0x1240]  }
0xfc: {  	v45 =	vld [tilespmem:s18+$0x1250];
	_ =	sdelay $0x1  }
0xfd: {  	v46 =	vbroadcast v8, $0x6;
	_ =	sdelay $0x1  }
0xfe: {  	v47 =	vmul.f32 v46, v4  }
0xff: {  	v13 =	vmul.f32 v46, v5;
	v11 =	vadd.f32 v44, v9;
	v12 =	vadd.f32 v45, v10;
	_ =	sdelay $0x1  }
0x100: {  	v11 =	vadd.f32 v11, v47;
	v12 =	vadd.f32 v12, v13;
	_ =	sdelay $0x1  }
0x101: {  	v48 =	vmul.f32 $2.000000030e-01, v11;
	v49 =	vmul.f32 $2.000000030e-01, v12  }
0x102: {  	vm1 =	vge.f32 v11, $0.0e+00;
	vm2 =	vge.f32 v12, $0.0e+00  }
0x103: {  	v11 =	vsel vm1, v11, v48;
	v12 =	vsel vm2, v12, v49  }
0x104: {  	v11 =	vmul.f32 v11, v6;
	v12 =	vmul.f32 v12, v7;
	_ =	sdelay $0x1  }
0x105: {  	v11 =	vadd.f32 v12, v11;
	_ =	sdelay $0x1  }
0x106: {  	v12 =	vperm.xlane v11, v0;
	_ =	sdelay $0x1  }
0x107: {  	v11 =	vadd.f32 v11, v12;
	_ =	sdelay $0x1  }
0x108: {  	v12 =	vperm.xlane v11, v1;
	_ =	sdelay $0x1  }
0x109: {  	v11 =	vadd.f32 v11, v12;
	_ =	sdelay $0x1  }
0x10a: {  	v12 =	vperm.xlane v11, v2;
	_ =	sdelay $0x1  }
0x10b: {  	v11 =	vadd.f32 v11, v12;
	_ =	sdelay $0x1  }
0x10c: {  	v12 =	vperm.xlane v11, v3;
	_ =	sdelay $0x1  }
0x10d: {  	v11 =	vadd.f32 v11, v12;
	_ =	sdelay $0x1  }
0x10e: {  	v11 =	vmul.f32 $1.442695020e+00, v11;
	_ =	sdelay $0x1  }
0x10f: {  	(erf) = vpow2.f32 v11;
	_ =	sdelay $0x8  }
0x110: {  	v11 =	vpop (erf)  }
0x111: {  	v9 =	vmul.f32 v11, v9;
	v50 =	vnsel vm0, $0x0, v11  }
0x112: {  	v10 =	vmul.f32 v11, v10;
	[tilespmem:s15+$0xFFFFFFC0] =	vst v50  }
0x113: {  	[tilespmem:s15+$0xFFFFFFA0] =	vst v9  }
0x114: {  	[tilespmem:s15+$0xFFFFFFB0] =	vst v10  }
0x115: {  	v9 =	vld [tilespmem:s18+$0x260]  }
0x116: {  	v10 =	vld [tilespmem:s18+$0x270]  }
0x117: {  	v51 =	vld [tilespmem:s18+$0x1260]  }
0x118: {  	v52 =	vld [tilespmem:s18+$0x1270];
	_ =	sdelay $0x1  }
0x119: {  	v53 =	vbroadcast v8, $0x7;
	_ =	sdelay $0x1  }
0x11a: {  	v54 =	vmul.f32 v53, v4  }
0x11b: {  	v13 =	vmul.f32 v53, v5;
	v11 =	vadd.f32 v51, v9;
	v12 =	vadd.f32 v52, v10;
	_ =	sdelay $0x1  }
0x11c: {  	v11 =	vadd.f32 v11, v54;
	v12 =	vadd.f32 v12, v13;
	_ =	sdelay $0x1  }
0x11d: {  	v55 =	vmul.f32 $2.000000030e-01, v11;
	v56 =	vmul.f32 $2.000000030e-01, v12  }
0x11e: {  	vm1 =	vge.f32 v11, $0.0e+00;
	vm2 =	vge.f32 v12, $0.0e+00  }
0x11f: {  	v11 =	vsel vm1, v11, v55;
	v12 =	vsel vm2, v12, v56  }
0x120: {  	v11 =	vmul.f32 v11, v6;
	v12 =	vmul.f32 v12, v7;
	_ =	sdelay $0x1  }
0x121: {  	v11 =	vadd.f32 v12, v11;
	_ =	sdelay $0x1  }
0x122: {  	v12 =	vperm.xlane v11, v0;
	_ =	sdelay $0x1  }
0x123: {  	v11 =	vadd.f32 v11, v12;
	_ =	sdelay $0x1  }
0x124: {  	v12 =	vperm.xlane v11, v1;
	_ =	sdelay $0x1  }
0x125: {  	v11 =	vadd.f32 v11, v12;
	_ =	sdelay $0x1  }
0x126: {  	v12 =	vperm.xlane v11, v2;
	_ =	sdelay $0x1  }
0x127: {  	v11 =	vadd.f32 v11, v12;
	_ =	sdelay $0x1  }
0x128: {  	v12 =	vperm.xlane v11, v3;
	_ =	sdelay $0x1  }
0x129: {  	v11 =	vadd.f32 v11, v12;
	_ =	sdelay $0x1  }
0x12a: {  	v11 =	vmul.f32 $1.442695020e+00, v11;
	_ =	sdelay $0x1  }
0x12b: {  	(erf) = vpow2.f32 v11;
	_ =	sdelay $0x8  }
0x12c: {  	v11 =	vpop (erf)  }
0x12d: {  	v9 =	vmul.f32 v11, v9;
	v57 =	vnsel vm0, $0x0, v11  }
0x12e: {  	v10 =	vmul.f32 v11, v10;
	[tilespmem:s15+$0xFFFFFFF0] =	vst v57  }
0x12f: {  	[tilespmem:s15+$0xFFFFFFD0] =	vst v9  }
0x130: {  	[tilespmem:s15+$0xFFFFFFE0] =	vst v10  }
0x131: {  	v9 =	vld [tilespmem:s18+$0x280]  }
0x132: {  	v10 =	vld [tilespmem:s18+$0x290]  }
0x133: {  	v58 =	vld [tilespmem:s18+$0x1280]  }
0x134: {  	v59 =	vld [tilespmem:s18+$0x1290];
	_ =	sdelay $0x1  }
0x135: {  	v60 =	vbroadcast v8, $0x8;
	_ =	sdelay $0x1  }
0x136: {  	v61 =	vmul.f32 v60, v4  }
0x137: {  	v13 =	vmul.f32 v60, v5;
	v11 =	vadd.f32 v58, v9;
	v12 =	vadd.f32 v59, v10;
	_ =	sdelay $0x1  }
0x138: {  	v11 =	vadd.f32 v11, v61;
	v12 =	vadd.f32 v12, v13;
	_ =	sdelay $0x1  }
0x139: {  	v62 =	vmul.f32 $2.000000030e-01, v11;
	v63 =	vmul.f32 $2.000000030e-01, v12  }
0x13a: {  	vm1 =	vge.f32 v11, $0.0e+00;
	vm2 =	vge.f32 v12, $0.0e+00  }
0x13b: {  	v11 =	vsel vm1, v11, v62;
	v12 =	vsel vm2, v12, v63  }
0x13c: {  	v11 =	vmul.f32 v11, v6;
	v12 =	vmul.f32 v12, v7;
	_ =	sdelay $0x1  }
0x13d: {  	v11 =	vadd.f32 v12, v11;
	_ =	sdelay $0x1  }
0x13e: {  	v12 =	vperm.xlane v11, v0;
	_ =	sdelay $0x1  }
0x13f: {  	v11 =	vadd.f32 v11, v12;
	_ =	sdelay $0x1  }
0x140: {  	v12 =	vperm.xlane v11, v1;
	_ =	sdelay $0x1  }
0x141: {  	v11 =	vadd.f32 v11, v12;
	_ =	sdelay $0x1  }
0x142: {  	v12 =	vperm.xlane v11, v2;
	_ =	sdelay $0x1  }
0x143: {  	v11 =	vadd.f32 v11, v12;
	_ =	sdelay $0x1  }
0x144: {  	v12 =	vperm.xlane v11, v3;
	_ =	sdelay $0x1  }
0x145: {  	v11 =	vadd.f32 v11, v12;
	_ =	sdelay $0x1  }
0x146: {  	v11 =	vmul.f32 $1.442695020e+00, v11;
	_ =	sdelay $0x1  }
0x147: {  	(erf) = vpow2.f32 v11;
	_ =	sdelay $0x8  }
0x148: {  	v11 =	vpop (erf)  }
0x149: {  	v9 =	vmul.f32 v11, v9;
	v16 =	vnsel vm0, $0x0, v11  }
0x14a: {  	v10 =	vmul.f32 v11, v10;
	[tilespmem:s15+$0x20] =	vst v16  }
0x14b: {  	[tilespmem:s15+$0x0] =	vst v9  }
0x14c: {  	[tilespmem:s15+$0x10] =	vst v10  }
0x14d: {  	v9 =	vld [tilespmem:s18+$0x2A0]  }
0x14e: {  	v10 =	vld [tilespmem:s18+$0x2B0]  }
0x14f: {  	v17 =	vld [tilespmem:s18+$0x12A0]  }
0x150: {  	v18 =	vld [tilespmem:s18+$0x12B0];
	_ =	sdelay $0x1  }
0x151: {  	v19 =	vbroadcast v8, $0x9;
	_ =	sdelay $0x1  }
0x152: {  	v20 =	vmul.f32 v19, v4  }
0x153: {  	v13 =	vmul.f32 v19, v5;
	v11 =	vadd.f32 v17, v9;
	v12 =	vadd.f32 v18, v10;
	_ =	sdelay $0x1  }
0x154: {  	v11 =	vadd.f32 v11, v20;
	v12 =	vadd.f32 v12, v13;
	_ =	sdelay $0x1  }
0x155: {  	v21 =	vmul.f32 $2.000000030e-01, v11;
	v22 =	vmul.f32 $2.000000030e-01, v12  }
0x156: {  	vm1 =	vge.f32 v11, $0.0e+00;
	vm2 =	vge.f32 v12, $0.0e+00  }
0x157: {  	v11 =	vsel vm1, v11, v21;
	v12 =	vsel vm2, v12, v22  }
0x158: {  	v11 =	vmul.f32 v11, v6;
	v12 =	vmul.f32 v12, v7;
	_ =	sdelay $0x1  }
0x159: {  	v11 =	vadd.f32 v12, v11;
	_ =	sdelay $0x1  }
0x15a: {  	v12 =	vperm.xlane v11, v0;
	_ =	sdelay $0x1  }
0x15b: {  	v11 =	vadd.f32 v11, v12;
	_ =	sdelay $0x1  }
0x15c: {  	v12 =	vperm.xlane v11, v1;
	_ =	sdelay $0x1  }
0x15d: {  	v11 =	vadd.f32 v11, v12;
	_ =	sdelay $0x1  }
0x15e: {  	v12 =	vperm.xlane v11, v2;
	_ =	sdelay $0x1  }
0x15f: {  	v11 =	vadd.f32 v11, v12;
	_ =	sdelay $0x1  }
0x160: {  	v12 =	vperm.xlane v11, v3;
	_ =	sdelay $0x1  }
0x161: {  	v11 =	vadd.f32 v11, v12;
	_ =	sdelay $0x1  }
0x162: {  	v11 =	vmul.f32 $1.442695020e+00, v11;
	_ =	sdelay $0x1  }
0x163: {  	(erf) = vpow2.f32 v11;
	_ =	sdelay $0x8  }
0x164: {  	v11 =	vpop (erf)  }
0x165: {  	v9 =	vmul.f32 v11, v9;
	v23 =	vnsel vm0, $0x0, v11  }
0x166: {  	v10 =	vmul.f32 v11, v10;
	[tilespmem:s15+$0x50] =	vst v23  }
0x167: {  	[tilespmem:s15+$0x30] =	vst v9  }
0x168: {  	[tilespmem:s15+$0x40] =	vst v10  }
0x169: {  	v9 =	vld [tilespmem:s18+$0x2C0]  }
0x16a: {  	v10 =	vld [tilespmem:s18+$0x2D0]  }
0x16b: {  	v24 =	vld [tilespmem:s18+$0x12C0]  }
0x16c: {  	v25 =	vld [tilespmem:s18+$0x12D0];
	_ =	sdelay $0x1  }
0x16d: {  	v26 =	vbroadcast v8, $0xA;
	_ =	sdelay $0x1  }
0x16e: {  	v27 =	vmul.f32 v26, v4  }
0x16f: {  	v13 =	vmul.f32 v26, v5;
	v11 =	vadd.f32 v24, v9;
	v12 =	vadd.f32 v25, v10;
	_ =	sdelay $0x1  }
0x170: {  	v11 =	vadd.f32 v11, v27;
	v12 =	vadd.f32 v12, v13;
	_ =	sdelay $0x1  }
0x171: {  	v28 =	vmul.f32 $2.000000030e-01, v11;
	v29 =	vmul.f32 $2.000000030e-01, v12  }
0x172: {  	vm1 =	vge.f32 v11, $0.0e+00;
	vm2 =	vge.f32 v12, $0.0e+00  }
0x173: {  	v11 =	vsel vm1, v11, v28;
	v12 =	vsel vm2, v12, v29  }
0x174: {  	v11 =	vmul.f32 v11, v6;
	v12 =	vmul.f32 v12, v7;
	_ =	sdelay $0x1  }
0x175: {  	v11 =	vadd.f32 v12, v11;
	_ =	sdelay $0x1  }
0x176: {  	v12 =	vperm.xlane v11, v0;
	_ =	sdelay $0x1  }
0x177: {  	v11 =	vadd.f32 v11, v12;
	_ =	sdelay $0x1  }
0x178: {  	v12 =	vperm.xlane v11, v1;
	_ =	sdelay $0x1  }
0x179: {  	v11 =	vadd.f32 v11, v12;
	_ =	sdelay $0x1  }
0x17a: {  	v12 =	vperm.xlane v11, v2;
	_ =	sdelay $0x1  }
0x17b: {  	v11 =	vadd.f32 v11, v12;
	_ =	sdelay $0x1  }
0x17c: {  	v12 =	vperm.xlane v11, v3;
	_ =	sdelay $0x1  }
0x17d: {  	v11 =	vadd.f32 v11, v12;
	_ =	sdelay $0x1  }
0x17e: {  	v11 =	vmul.f32 $1.442695020e+00, v11;
	_ =	sdelay $0x1  }
0x17f: {  	(erf) = vpow2.f32 v11;
	_ =	sdelay $0x8  }
0x180: {  	v11 =	vpop (erf)  }
0x181: {  	v9 =	vmul.f32 v11, v9;
	v30 =	vnsel vm0, $0x0, v11  }
0x182: {  	v10 =	vmul.f32 v11, v10;
	[tilespmem:s15+$0x80] =	vst v30  }
0x183: {  	[tilespmem:s15+$0x60] =	vst v9  }
0x184: {  	[tilespmem:s15+$0x70] =	vst v10  }
0x185: {  	v9 =	vld [tilespmem:s18+$0x2E0]  }
0x186: {  	v10 =	vld [tilespmem:s18+$0x2F0]  }
0x187: {  	v31 =	vld [tilespmem:s18+$0x12E0]  }
0x188: {  	v32 =	vld [tilespmem:s18+$0x12F0];
	_ =	sdelay $0x1  }
0x189: {  	v33 =	vbroadcast v8, $0xB;
	_ =	sdelay $0x1  }
0x18a: {  	v34 =	vmul.f32 v33, v4  }
0x18b: {  	v13 =	vmul.f32 v33, v5;
	v11 =	vadd.f32 v31, v9;
	v12 =	vadd.f32 v32, v10;
	_ =	sdelay $0x1  }
0x18c: {  	v11 =	vadd.f32 v11, v34;
	v12 =	vadd.f32 v12, v13;
	_ =	sdelay $0x1  }
0x18d: {  	v35 =	vmul.f32 $2.000000030e-01, v11;
	v36 =	vmul.f32 $2.000000030e-01, v12  }
0x18e: {  	vm1 =	vge.f32 v11, $0.0e+00;
	vm2 =	vge.f32 v12, $0.0e+00  }
0x18f: {  	v11 =	vsel vm1, v11, v35;
	v12 =	vsel vm2, v12, v36  }
0x190: {  	v11 =	vmul.f32 v11, v6;
	v12 =	vmul.f32 v12, v7;
	_ =	sdelay $0x1  }
0x191: {  	v11 =	vadd.f32 v12, v11;
	_ =	sdelay $0x1  }
0x192: {  	v12 =	vperm.xlane v11, v0;
	_ =	sdelay $0x1  }
0x193: {  	v11 =	vadd.f32 v11, v12;
	_ =	sdelay $0x1  }
0x194: {  	v12 =	vperm.xlane v11, v1;
	_ =	sdelay $0x1  }
0x195: {  	v11 =	vadd.f32 v11, v12;
	_ =	sdelay $0x1  }
0x196: {  	v12 =	vperm.xlane v11, v2;
	_ =	sdelay $0x1  }
0x197: {  	v11 =	vadd.f32 v11, v12;
	_ =	sdelay $0x1  }
0x198: {  	v12 =	vperm.xlane v11, v3;
	_ =	sdelay $0x1  }
0x199: {  	v11 =	vadd.f32 v11, v12;
	_ =	sdelay $0x1  }
0x19a: {  	v11 =	vmul.f32 $1.442695020e+00, v11;
	_ =	sdelay $0x1  }
0x19b: {  	(erf) = vpow2.f32 v11;
	_ =	sdelay $0x8  }
0x19c: {  	v11 =	vpop (erf)  }
0x19d: {  	v9 =	vmul.f32 v11, v9;
	v37 =	vnsel vm0, $0x0, v11  }
0x19e: {  	v10 =	vmul.f32 v11, v10;
	[tilespmem:s15+$0xB0] =	vst v37  }
0x19f: {  	[tilespmem:s15+$0x90] =	vst v9  }
0x1a0: {  	[tilespmem:s15+$0xA0] =	vst v10  }
0x1a1: {  	v9 =	vld [tilespmem:s18+$0x300]  }
0x1a2: {  	v10 =	vld [tilespmem:s18+$0x310]  }
0x1a3: {  	v38 =	vld [tilespmem:s18+$0x1300]  }
0x1a4: {  	v39 =	vld [tilespmem:s18+$0x1310];
	_ =	sdelay $0x1  }
0x1a5: {  	v40 =	vbroadcast v8, $0xC;
	_ =	sdelay $0x1  }
0x1a6: {  	v41 =	vmul.f32 v40, v4  }
0x1a7: {  	v13 =	vmul.f32 v40, v5;
	v11 =	vadd.f32 v38, v9;
	v12 =	vadd.f32 v39, v10;
	_ =	sdelay $0x1  }
0x1a8: {  	v11 =	vadd.f32 v11, v41;
	v12 =	vadd.f32 v12, v13;
	_ =	sdelay $0x1  }
0x1a9: {  	v42 =	vmul.f32 $2.000000030e-01, v11;
	v43 =	vmul.f32 $2.000000030e-01, v12  }
0x1aa: {  	vm1 =	vge.f32 v11, $0.0e+00;
	vm2 =	vge.f32 v12, $0.0e+00  }
0x1ab: {  	v11 =	vsel vm1, v11, v42;
	v12 =	vsel vm2, v12, v43  }
0x1ac: {  	v11 =	vmul.f32 v11, v6;
	v12 =	vmul.f32 v12, v7;
	_ =	sdelay $0x1  }
0x1ad: {  	v11 =	vadd.f32 v12, v11;
	_ =	sdelay $0x1  }
0x1ae: {  	v12 =	vperm.xlane v11, v0;
	_ =	sdelay $0x1  }
0x1af: {  	v11 =	vadd.f32 v11, v12;
	_ =	sdelay $0x1  }
0x1b0: {  	v12 =	vperm.xlane v11, v1;
	_ =	sdelay $0x1  }
0x1b1: {  	v11 =	vadd.f32 v11, v12;
	_ =	sdelay $0x1  }
0x1b2: {  	v12 =	vperm.xlane v11, v2;
	_ =	sdelay $0x1  }
0x1b3: {  	v11 =	vadd.f32 v11, v12;
	_ =	sdelay $0x1  }
0x1b4: {  	v12 =	vperm.xlane v11, v3;
	_ =	sdelay $0x1  }
0x1b5: {  	v11 =	vadd.f32 v11, v12;
	_ =	sdelay $0x1  }
0x1b6: {  	v11 =	vmul.f32 $1.442695020e+00, v11;
	_ =	sdelay $0x1  }
0x1b7: {  	(erf) = vpow2.f32 v11;
	_ =	sdelay $0x8  }
0x1b8: {  	v11 =	vpop (erf)  }
0x1b9: {  	v9 =	vmul.f32 v11, v9;
	v44 =	vnsel vm0, $0x0, v11  }
0x1ba: {  	v10 =	vmul.f32 v11, v10;
	[tilespmem:s15+$0xE0] =	vst v44  }
0x1bb: {  	[tilespmem:s15+$0xC0] =	vst v9  }
0x1bc: {  	[tilespmem:s15+$0xD0] =	vst v10  }
0x1bd: {  	v9 =	vld [tilespmem:s18+$0x320]  }
0x1be: {  	v10 =	vld [tilespmem:s18+$0x330]  }
0x1bf: {  	v45 =	vld [tilespmem:s18+$0x1320]  }
0x1c0: {  	v46 =	vld [tilespmem:s18+$0x1330];
	_ =	sdelay $0x1  }
0x1c1: {  	v47 =	vbroadcast v8, $0xD;
	_ =	sdelay $0x1  }
0x1c2: {  	v48 =	vmul.f32 v47, v4  }
0x1c3: {  	v13 =	vmul.f32 v47, v5;
	v11 =	vadd.f32 v45, v9;
	v12 =	vadd.f32 v46, v10;
	_ =	sdelay $0x1  }
0x1c4: {  	v11 =	vadd.f32 v11, v48;
	v12 =	vadd.f32 v12, v13;
	_ =	sdelay $0x1  }
0x1c5: {  	v49 =	vmul.f32 $2.000000030e-01, v11;
	v50 =	vmul.f32 $2.000000030e-01, v12  }
0x1c6: {  	vm1 =	vge.f32 v11, $0.0e+00;
	vm2 =	vge.f32 v12, $0.0e+00  }
0x1c7: {  	v11 =	vsel vm1, v11, v49;
	v12 =	vsel vm2, v12, v50  }
0x1c8: {  	v11 =	vmul.f32 v11, v6;
	v12 =	vmul.f32 v12, v7;
	_ =	sdelay $0x1  }
0x1c9: {  	v11 =	vadd.f32 v12, v11;
	_ =	sdelay $0x1  }
0x1ca: {  	v12 =	vperm.xlane v11, v0;
	_ =	sdelay $0x1  }
0x1cb: {  	v11 =	vadd.f32 v11, v12;
	_ =	sdelay $0x1  }
0x1cc: {  	v12 =	vperm.xlane v11, v1;
	_ =	sdelay $0x1  }
0x1cd: {  	v11 =	vadd.f32 v11, v12;
	_ =	sdelay $0x1  }
0x1ce: {  	v12 =	vperm.xlane v11, v2;
	_ =	sdelay $0x1  }
0x1cf: {  	v11 =	vadd.f32 v11, v12;
	_ =	sdelay $0x1  }
0x1d0: {  	v12 =	vperm.xlane v11, v3;
	_ =	sdelay $0x1  }
0x1d1: {  	v11 =	vadd.f32 v11, v12;
	_ =	sdelay $0x1  }
0x1d2: {  	v11 =	vmul.f32 $1.442695020e+00, v11;
	_ =	sdelay $0x1  }
0x1d3: {  	(erf) = vpow2.f32 v11;
	_ =	sdelay $0x8  }
0x1d4: {  	v11 =	vpop (erf)  }
0x1d5: {  	v9 =	vmul.f32 v11, v9;
	v51 =	vnsel vm0, $0x0, v11  }
0x1d6: {  	v10 =	vmul.f32 v11, v10;
	[tilespmem:s15+$0x110] =	vst v51  }
0x1d7: {  	[tilespmem:s15+$0xF0] =	vst v9  }
0x1d8: {  	[tilespmem:s15+$0x100] =	vst v10  }
0x1d9: {  	v9 =	vld [tilespmem:s18+$0x340]  }
0x1da: {  	v10 =	vld [tilespmem:s18+$0x350]  }
0x1db: {  	v52 =	vld [tilespmem:s18+$0x1340]  }
0x1dc: {  	v53 =	vld [tilespmem:s18+$0x1350];
	_ =	sdelay $0x1  }
0x1dd: {  	v54 =	vbroadcast v8, $0xE;
	_ =	sdelay $0x1  }
0x1de: {  	v55 =	vmul.f32 v54, v4  }
0x1df: {  	v13 =	vmul.f32 v54, v5;
	v11 =	vadd.f32 v52, v9;
	v12 =	vadd.f32 v53, v10;
	_ =	sdelay $0x1  }
0x1e0: {  	v11 =	vadd.f32 v11, v55;
	v12 =	vadd.f32 v12, v13;
	_ =	sdelay $0x1  }
0x1e1: {  	v56 =	vmul.f32 $2.000000030e-01, v11;
	v57 =	vmul.f32 $2.000000030e-01, v12  }
0x1e2: {  	vm1 =	vge.f32 v11, $0.0e+00;
	vm2 =	vge.f32 v12, $0.0e+00  }
0x1e3: {  	v11 =	vsel vm1, v11, v56;
	v12 =	vsel vm2, v12, v57  }
0x1e4: {  	v11 =	vmul.f32 v11, v6;
	v12 =	vmul.f32 v12, v7;
	_ =	sdelay $0x1  }
0x1e5: {  	v11 =	vadd.f32 v12, v11;
	_ =	sdelay $0x1  }
0x1e6: {  	v12 =	vperm.xlane v11, v0;
	_ =	sdelay $0x1  }
0x1e7: {  	v11 =	vadd.f32 v11, v12;
	_ =	sdelay $0x1  }
0x1e8: {  	v12 =	vperm.xlane v11, v1;
	_ =	sdelay $0x1  }
0x1e9: {  	v11 =	vadd.f32 v11, v12;
	_ =	sdelay $0x1  }
0x1ea: {  	v12 =	vperm.xlane v11, v2;
	_ =	sdelay $0x1  }
0x1eb: {  	v11 =	vadd.f32 v11, v12;
	_ =	sdelay $0x1  }
0x1ec: {  	v12 =	vperm.xlane v11, v3;
	_ =	sdelay $0x1  }
0x1ed: {  	v11 =	vadd.f32 v11, v12;
	_ =	sdelay $0x1  }
0x1ee: {  	v11 =	vmul.f32 $1.442695020e+00, v11;
	_ =	sdelay $0x1  }
0x1ef: {  	(erf) = vpow2.f32 v11;
	_ =	sdelay $0x8  }
0x1f0: {  	v11 =	vpop (erf)  }
0x1f1: {  	v9 =	vmul.f32 v11, v9;
	v58 =	vnsel vm0, $0x0, v11  }
0x1f2: {  	v10 =	vmul.f32 v11, v10;
	[tilespmem:s15+$0x140] =	vst v58  }
0x1f3: {  	[tilespmem:s15+$0x120] =	vst v9  }
0x1f4: {  	[tilespmem:s15+$0x130] =	vst v10  }
0x1f5: {  	v9 =	vld [tilespmem:s18+$0x360]  }
0x1f6: {  	v10 =	vld [tilespmem:s18+$0x370]  }
0x1f7: {  	v59 =	vld [tilespmem:s18+$0x1360]  }
0x1f8: {  	v60 =	vld [tilespmem:s18+$0x1370];
	_ =	sdelay $0x1  }
0x1f9: {  	v8 =	vbroadcast v8, $0xF;
	_ =	sdelay $0x1  }
0x1fa: {  	v61 =	vmul.f32 v8, v4  }
0x1fb: {  	v8 =	vmul.f32 v8, v5;
	v11 =	vadd.f32 v59, v9;
	v12 =	vadd.f32 v60, v10;
	_ =	sdelay $0x1  }
0x1fc: {  	v11 =	vadd.f32 v11, v61;
	v8 =	vadd.f32 v12, v8;
	_ =	sdelay $0x1  }
0x1fd: {  	v62 =	vmul.f32 $2.000000030e-01, v11;
	v63 =	vmul.f32 $2.000000030e-01, v8  }
0x1fe: {  	vm1 =	vge.f32 v11, $0.0e+00;
	vm2 =	vge.f32 v8, $0.0e+00  }
0x1ff: {  	v11 =	vsel vm1, v11, v62;
	v8 =	vsel vm2, v8, v63  }
0x200: {  	v11 =	vmul.f32 v11, v6;
	v8 =	vmul.f32 v8, v7;
	_ =	sdelay $0x1  }
0x201: {  	v8 =	vadd.f32 v8, v11;
	_ =	sdelay $0x1  }
0x202: {  	v11 =	vperm.xlane v8, v0;
	_ =	sdelay $0x1  }
0x203: {  	v8 =	vadd.f32 v8, v11;
	_ =	sdelay $0x1  }
0x204: {  	v11 =	vperm.xlane v8, v1;
	_ =	sdelay $0x1  }
0x205: {  	v8 =	vadd.f32 v8, v11;
	_ =	sdelay $0x1  }
0x206: {  	v11 =	vperm.xlane v8, v2;
	_ =	sdelay $0x1  }
0x207: {  	v8 =	vadd.f32 v8, v11;
	_ =	sdelay $0x1  }
0x208: {  	v11 =	vperm.xlane v8, v3;
	_ =	sdelay $0x1  }
0x209: {  	v8 =	vadd.f32 v8, v11;
	_ =	sdelay $0x1  }
0x20a: {  	v8 =	vmul.f32 $1.442695020e+00, v8;
	_ =	sdelay $0x1  }
0x20b: {  	(erf) = vpow2.f32 v8;
	_ =	sdelay $0x7  }
0x20c: {  	p0 =	sne.s32 s13, $0x3800  }
.Ltmp0:
0x20d: {  	v8 =	vpop (erf);
	(pc) =	sbr.rel @p0 .LBB2_3-.Ltmp0, $4  }
0x20e: {  	v9 =	vmul.f32 v8, v9;
	v10 =	vmul.f32 v8, v10;
	v8 =	vnsel vm0, $0x0, v8  }
0x20f: {  	[tilespmem:s15+$0x170] =	vst v8  }
0x210: {  	[tilespmem:s15+$0x150] =	vst v9  }
0x211: {  	s14 =	sadd.s32 $0x10, s14;
	s13 =	sadd.s32 $0x800, s13;
	[tilespmem:s15+$0x160] =	vst v10;
	s15 =	sadd.s32 $0x300, s15  }
0x212: {  	[spmem:s3] =	stream.indirect.scatter.add.f32 [tilespmem:s22], [sflag:$0x5], $0x30, s24, s24, $0xb8;
	[tilespmem:$0xD1C0] =	vst v63  }
0x213: {  	p0 =	seq.s32 s28, $0x28  }
0x214: {  	_ =	swait.ge [sflag:s21], $0x1800;
	s11 =	sadd.s32 @!p0 s11, s17  }
0x215: {  	[sflag:s21] =	ssyncset.done $0x0;
	s11 =	sshrl.u32 @!p0 s11, $0x3  }
0x216: {  	s14 =	simm.s32 @!p0 $0x0;
	[sflag:s21] =	ssyncadd.s32 $0xFFFFE800;
	s13 =	sadd.s32 @!p0 s8, s11  }
0x217: {  	[tilespmem:s14], [sflag:$0x5] =	stream.linear.gather @!p0 [hbm4b:s13+s14], $0x80, $0x38;
	[tilespmem:$0xD1C0] =	vst v63  }
0x218: {  	s13 =	simm.s32 @!p0 $0x5  }
0x219: {  	_ =	swait.ge @!p0 [sflag:s13], $0x80  }
0x21a: {  	[sflag:s13] =	ssyncset.done @!p0 $0x0  }
0x21b: {  	s18 =	simm.s32 @!p0 $0x80;
	s15 =	sadd.s32 @!p0 s9, s11;
	[sflag:s13] =	ssyncadd.s32 @!p0 $0xFFFFFF80  }
0x21c: {  	[tilespmem:s18], [sflag:$0x5] =	stream.linear.gather @!p0 [hbm4b:s15+s14], $0x80, $0x38;
	[tilespmem:$0xD1C0] =	vst v63  }
0x21d: {  	_ =	swait.ge @!p0 [sflag:s13], $0x80  }
0x21e: {  	[sflag:s13] =	ssyncset.done @!p0 $0x0  }
0x21f: {  	s11 =	sadd.s32 @!p0 s10, s11;
	s15 =	simm.s32 @!p0 $0x100;
	[sflag:s13] =	ssyncadd.s32 @!p0 $0xFFFFFF80  }
0x220: {  	[tilespmem:s15], [sflag:$0x5] =	stream.linear.gather @!p0 [hbm4b:s11+s14], $0x80, $0x38;
	[tilespmem:$0xD1C0] =	vst v63  }
0x221: {  	_ =	swait.ge @!p0 [sflag:s13], $0x80  }
0x222: {  	[sflag:s13] =	ssyncset.done @!p0 $0x0  }
0x223: {  	s11 =	simm.s32 @!p0 $0x180;
	[sflag:s13] =	ssyncadd.s32 @!p0 $0xFFFFFF80  }
0x224: {  	[tilespmem:s11], [sflag:$0x1] =	stream.indirect.gather @!p0 [hbm4b:s6+s18], $0x20, s14, s18, $0xb8;
	[tilespmem:$0xD1C0] =	vst v63  }
0x225: {  	s11 =	simm.s32 @!p0 $0x1180  }
0x226: {  	[tilespmem:s11], [sflag:$0x2] =	stream.indirect.gather @!p0 [hbm4b:s7+s18], $0x20, s18, s18, $0xb8;
	[tilespmem:$0xD1C0] =	vst v63  }
0x227: {  	_ =	swait.ge [sflag:s23], $0x1000  }
0x228: {  	[sflag:s23] =	ssyncset.done $0x0  }
0x229: {  	[sflag:s23] =	ssyncadd.s32 $0xFFFFF000  }
0x22a: {  	_ =	swait.ge [sflag:s25], $0x1000  }
0x22b: {  	s13 =	simm.s32 $0x2280;
	[sflag:s25] =	ssyncset.done $0x0  }
0x22c: {  	s14 =	simm.s32 $0x4480;
	s11 =	simm.s32 $0x0;
	[sflag:s25] =	ssyncadd.s32 $0xFFFFF000  }
.LBB2_5:
0x22d: {  	v8 =	vld [tilespmem:s13+$0x0];
	s15 =	sshra.s32 s11, $0x2  }
0x22e: {  	v9 =	vld [tilespmem:s15+$0x2300]  }
0x22f: {  	v10 =	vld [tilespmem:s15+$0x2310]  }
0x230: {  	v11 =	vld [tilespmem:s15+$0x3300]  }
0x231: {  	v12 =	vld [tilespmem:s15+$0x3310];
	_ =	sdelay $0x2  }
0x232: {  	v13 =	vbroadcast v8, $0x0  }
0x233: {  	v11 =	vadd.f32 v11, v9  }
0x234: {  	v12 =	vadd.f32 v12, v10;
	v14 =	vmul.f32 v13, v4;
	v13 =	vmul.f32 v13, v5;
	_ =	sdelay $0x1  }
0x235: {  	v11 =	vadd.f32 v11, v14;
	v12 =	vadd.f32 v12, v13;
	_ =	sdelay $0x1  }
0x236: {  	v55 =	vmul.f32 $2.000000030e-01, v11;
	v56 =	vmul.f32 $2.000000030e-01, v12  }
0x237: {  	vm1 =	vge.f32 v11, $0.0e+00;
	vm2 =	vge.f32 v12, $0.0e+00  }
0x238: {  	v11 =	vsel vm1, v11, v55;
	v12 =	vsel vm2, v12, v56  }
0x239: {  	v11 =	vmul.f32 v11, v6;
	v12 =	vmul.f32 v12, v7;
	_ =	sdelay $0x1  }
0x23a: {  	v11 =	vadd.f32 v12, v11;
	_ =	sdelay $0x1  }
0x23b: {  	v12 =	vperm.xlane v11, v0;
	_ =	sdelay $0x1  }
0x23c: {  	v11 =	vadd.f32 v11, v12;
	_ =	sdelay $0x1  }
0x23d: {  	v12 =	vperm.xlane v11, v1;
	_ =	sdelay $0x1  }
0x23e: {  	v11 =	vadd.f32 v11, v12;
	_ =	sdelay $0x1  }
0x23f: {  	v12 =	vperm.xlane v11, v2;
	_ =	sdelay $0x1  }
0x240: {  	v11 =	vadd.f32 v11, v12;
	_ =	sdelay $0x1  }
0x241: {  	v12 =	vperm.xlane v11, v3;
	_ =	sdelay $0x1  }
0x242: {  	v11 =	vadd.f32 v11, v12;
	_ =	sdelay $0x1  }
0x243: {  	v11 =	vmul.f32 $1.442695020e+00, v11;
	_ =	sdelay $0x1  }
0x244: {  	(erf) = vpow2.f32 v11;
	_ =	sdelay $0x8  }
0x245: {  	v11 =	vpop (erf)  }
0x246: {  	v9 =	vmul.f32 v11, v9;
	v57 =	vnsel vm0, $0x0, v11  }
0x247: {  	v10 =	vmul.f32 v11, v10;
	[tilespmem:s14+$0xFFFFFEA0] =	vst v57  }
0x248: {  	[tilespmem:s14+$0xFFFFFE80] =	vst v9  }
0x249: {  	[tilespmem:s14+$0xFFFFFE90] =	vst v10  }
0x24a: {  	v9 =	vld [tilespmem:s15+$0x2320]  }
0x24b: {  	v10 =	vld [tilespmem:s15+$0x2330]  }
0x24c: {  	v58 =	vld [tilespmem:s15+$0x3320]  }
0x24d: {  	v59 =	vld [tilespmem:s15+$0x3330];
	_ =	sdelay $0x1  }
0x24e: {  	v60 =	vbroadcast v8, $0x1;
	_ =	sdelay $0x1  }
0x24f: {  	v61 =	vmul.f32 v60, v4  }
0x250: {  	v13 =	vmul.f32 v60, v5;
	v11 =	vadd.f32 v58, v9;
	v12 =	vadd.f32 v59, v10;
	_ =	sdelay $0x1  }
0x251: {  	v11 =	vadd.f32 v11, v61;
	v12 =	vadd.f32 v12, v13;
	_ =	sdelay $0x1  }
0x252: {  	v62 =	vmul.f32 $2.000000030e-01, v11;
	v63 =	vmul.f32 $2.000000030e-01, v12  }
0x253: {  	vm1 =	vge.f32 v11, $0.0e+00;
	vm2 =	vge.f32 v12, $0.0e+00  }
0x254: {  	v11 =	vsel vm1, v11, v62;
	v12 =	vsel vm2, v12, v63  }
0x255: {  	v11 =	vmul.f32 v11, v6;
	v12 =	vmul.f32 v12, v7;
	_ =	sdelay $0x1  }
0x256: {  	v11 =	vadd.f32 v12, v11;
	_ =	sdelay $0x1  }
0x257: {  	v12 =	vperm.xlane v11, v0;
	_ =	sdelay $0x1  }
0x258: {  	v11 =	vadd.f32 v11, v12;
	_ =	sdelay $0x1  }
0x259: {  	v12 =	vperm.xlane v11, v1;
	_ =	sdelay $0x1  }
0x25a: {  	v11 =	vadd.f32 v11, v12;
	_ =	sdelay $0x1  }
0x25b: {  	v12 =	vperm.xlane v11, v2;
	_ =	sdelay $0x1  }
0x25c: {  	v11 =	vadd.f32 v11, v12;
	_ =	sdelay $0x1  }
0x25d: {  	v12 =	vperm.xlane v11, v3;
	_ =	sdelay $0x1  }
0x25e: {  	v11 =	vadd.f32 v11, v12;
	_ =	sdelay $0x1  }
0x25f: {  	v11 =	vmul.f32 $1.442695020e+00, v11;
	_ =	sdelay $0x1  }
0x260: {  	(erf) = vpow2.f32 v11;
	_ =	sdelay $0x8  }
0x261: {  	v11 =	vpop (erf)  }
0x262: {  	v9 =	vmul.f32 v11, v9;
	v15 =	vnsel vm0, $0x0, v11  }
0x263: {  	v10 =	vmul.f32 v11, v10;
	[tilespmem:s14+$0xFFFFFED0] =	vst v15  }
0x264: {  	[tilespmem:s14+$0xFFFFFEB0] =	vst v9  }
0x265: {  	[tilespmem:s14+$0xFFFFFEC0] =	vst v10  }
0x266: {  	v9 =	vld [tilespmem:s15+$0x2340]  }
0x267: {  	v10 =	vld [tilespmem:s15+$0x2350]  }
0x268: {  	v16 =	vld [tilespmem:s15+$0x3340]  }
0x269: {  	v17 =	vld [tilespmem:s15+$0x3350];
	_ =	sdelay $0x1  }
0x26a: {  	v18 =	vbroadcast v8, $0x2;
	_ =	sdelay $0x1  }
0x26b: {  	v19 =	vmul.f32 v18, v4  }
0x26c: {  	v13 =	vmul.f32 v18, v5;
	v11 =	vadd.f32 v16, v9;
	v12 =	vadd.f32 v17, v10;
	_ =	sdelay $0x1  }
0x26d: {  	v11 =	vadd.f32 v11, v19;
	v12 =	vadd.f32 v12, v13;
	_ =	sdelay $0x1  }
0x26e: {  	v20 =	vmul.f32 $2.000000030e-01, v11;
	v21 =	vmul.f32 $2.000000030e-01, v12  }
0x26f: {  	vm1 =	vge.f32 v11, $0.0e+00;
	vm2 =	vge.f32 v12, $0.0e+00  }
0x270: {  	v11 =	vsel vm1, v11, v20;
	v12 =	vsel vm2, v12, v21  }
0x271: {  	v11 =	vmul.f32 v11, v6;
	v12 =	vmul.f32 v12, v7;
	_ =	sdelay $0x1  }
0x272: {  	v11 =	vadd.f32 v12, v11;
	_ =	sdelay $0x1  }
0x273: {  	v12 =	vperm.xlane v11, v0;
	_ =	sdelay $0x1  }
0x274: {  	v11 =	vadd.f32 v11, v12;
	_ =	sdelay $0x1  }
0x275: {  	v12 =	vperm.xlane v11, v1;
	_ =	sdelay $0x1  }
0x276: {  	v11 =	vadd.f32 v11, v12;
	_ =	sdelay $0x1  }
0x277: {  	v12 =	vperm.xlane v11, v2;
	_ =	sdelay $0x1  }
0x278: {  	v11 =	vadd.f32 v11, v12;
	_ =	sdelay $0x1  }
0x279: {  	v12 =	vperm.xlane v11, v3;
	_ =	sdelay $0x1  }
0x27a: {  	v11 =	vadd.f32 v11, v12;
	_ =	sdelay $0x1  }
0x27b: {  	v11 =	vmul.f32 $1.442695020e+00, v11;
	_ =	sdelay $0x1  }
0x27c: {  	(erf) = vpow2.f32 v11;
	_ =	sdelay $0x8  }
0x27d: {  	v11 =	vpop (erf)  }
0x27e: {  	v9 =	vmul.f32 v11, v9;
	v22 =	vnsel vm0, $0x0, v11  }
0x27f: {  	v10 =	vmul.f32 v11, v10;
	[tilespmem:s14+$0xFFFFFF00] =	vst v22  }
0x280: {  	[tilespmem:s14+$0xFFFFFEE0] =	vst v9  }
0x281: {  	[tilespmem:s14+$0xFFFFFEF0] =	vst v10  }
0x282: {  	v9 =	vld [tilespmem:s15+$0x2360]  }
0x283: {  	v10 =	vld [tilespmem:s15+$0x2370]  }
0x284: {  	v23 =	vld [tilespmem:s15+$0x3360]  }
0x285: {  	v24 =	vld [tilespmem:s15+$0x3370];
	_ =	sdelay $0x1  }
0x286: {  	v25 =	vbroadcast v8, $0x3;
	_ =	sdelay $0x1  }
0x287: {  	v26 =	vmul.f32 v25, v4  }
0x288: {  	v13 =	vmul.f32 v25, v5;
	v11 =	vadd.f32 v23, v9;
	v12 =	vadd.f32 v24, v10;
	_ =	sdelay $0x1  }
0x289: {  	v11 =	vadd.f32 v11, v26;
	v12 =	vadd.f32 v12, v13;
	_ =	sdelay $0x1  }
0x28a: {  	v27 =	vmul.f32 $2.000000030e-01, v11;
	v28 =	vmul.f32 $2.000000030e-01, v12  }
0x28b: {  	vm1 =	vge.f32 v11, $0.0e+00;
	vm2 =	vge.f32 v12, $0.0e+00  }
0x28c: {  	v11 =	vsel vm1, v11, v27;
	v12 =	vsel vm2, v12, v28  }
0x28d: {  	v11 =	vmul.f32 v11, v6;
	v12 =	vmul.f32 v12, v7;
	_ =	sdelay $0x1  }
0x28e: {  	v11 =	vadd.f32 v12, v11;
	_ =	sdelay $0x1  }
0x28f: {  	v12 =	vperm.xlane v11, v0;
	_ =	sdelay $0x1  }
0x290: {  	v11 =	vadd.f32 v11, v12;
	_ =	sdelay $0x1  }
0x291: {  	v12 =	vperm.xlane v11, v1;
	_ =	sdelay $0x1  }
0x292: {  	v11 =	vadd.f32 v11, v12;
	_ =	sdelay $0x1  }
0x293: {  	v12 =	vperm.xlane v11, v2;
	_ =	sdelay $0x1  }
0x294: {  	v11 =	vadd.f32 v11, v12;
	_ =	sdelay $0x1  }
0x295: {  	v12 =	vperm.xlane v11, v3;
	_ =	sdelay $0x1  }
0x296: {  	v11 =	vadd.f32 v11, v12;
	_ =	sdelay $0x1  }
0x297: {  	v11 =	vmul.f32 $1.442695020e+00, v11;
	_ =	sdelay $0x1  }
0x298: {  	(erf) = vpow2.f32 v11;
	_ =	sdelay $0x8  }
0x299: {  	v11 =	vpop (erf)  }
0x29a: {  	v9 =	vmul.f32 v11, v9;
	v29 =	vnsel vm0, $0x0, v11  }
0x29b: {  	v10 =	vmul.f32 v11, v10;
	[tilespmem:s14+$0xFFFFFF30] =	vst v29  }
0x29c: {  	[tilespmem:s14+$0xFFFFFF10] =	vst v9  }
0x29d: {  	[tilespmem:s14+$0xFFFFFF20] =	vst v10  }
0x29e: {  	v9 =	vld [tilespmem:s15+$0x2380]  }
0x29f: {  	v10 =	vld [tilespmem:s15+$0x2390]  }
0x2a0: {  	v30 =	vld [tilespmem:s15+$0x3380]  }
0x2a1: {  	v31 =	vld [tilespmem:s15+$0x3390];
	_ =	sdelay $0x1  }
0x2a2: {  	v32 =	vbroadcast v8, $0x4;
	_ =	sdelay $0x1  }
0x2a3: {  	v33 =	vmul.f32 v32, v4  }
0x2a4: {  	v13 =	vmul.f32 v32, v5;
	v11 =	vadd.f32 v30, v9;
	v12 =	vadd.f32 v31, v10;
	_ =	sdelay $0x1  }
0x2a5: {  	v11 =	vadd.f32 v11, v33;
	v12 =	vadd.f32 v12, v13;
	_ =	sdelay $0x1  }
0x2a6: {  	v34 =	vmul.f32 $2.000000030e-01, v11;
	v35 =	vmul.f32 $2.000000030e-01, v12  }
0x2a7: {  	vm1 =	vge.f32 v11, $0.0e+00;
	vm2 =	vge.f32 v12, $0.0e+00  }
0x2a8: {  	v11 =	vsel vm1, v11, v34;
	v12 =	vsel vm2, v12, v35  }
0x2a9: {  	v11 =	vmul.f32 v11, v6;
	v12 =	vmul.f32 v12, v7;
	_ =	sdelay $0x1  }
0x2aa: {  	v11 =	vadd.f32 v12, v11;
	_ =	sdelay $0x1  }
0x2ab: {  	v12 =	vperm.xlane v11, v0;
	_ =	sdelay $0x1  }
0x2ac: {  	v11 =	vadd.f32 v11, v12;
	_ =	sdelay $0x1  }
0x2ad: {  	v12 =	vperm.xlane v11, v1;
	_ =	sdelay $0x1  }
0x2ae: {  	v11 =	vadd.f32 v11, v12;
	_ =	sdelay $0x1  }
0x2af: {  	v12 =	vperm.xlane v11, v2;
	_ =	sdelay $0x1  }
0x2b0: {  	v11 =	vadd.f32 v11, v12;
	_ =	sdelay $0x1  }
0x2b1: {  	v12 =	vperm.xlane v11, v3;
	_ =	sdelay $0x1  }
0x2b2: {  	v11 =	vadd.f32 v11, v12;
	_ =	sdelay $0x1  }
0x2b3: {  	v11 =	vmul.f32 $1.442695020e+00, v11;
	_ =	sdelay $0x1  }
0x2b4: {  	(erf) = vpow2.f32 v11;
	_ =	sdelay $0x8  }
0x2b5: {  	v11 =	vpop (erf)  }
0x2b6: {  	v9 =	vmul.f32 v11, v9;
	v36 =	vnsel vm0, $0x0, v11  }
0x2b7: {  	v10 =	vmul.f32 v11, v10;
	[tilespmem:s14+$0xFFFFFF60] =	vst v36  }
0x2b8: {  	[tilespmem:s14+$0xFFFFFF40] =	vst v9  }
0x2b9: {  	[tilespmem:s14+$0xFFFFFF50] =	vst v10  }
0x2ba: {  	v9 =	vld [tilespmem:s15+$0x23A0]  }
0x2bb: {  	v10 =	vld [tilespmem:s15+$0x23B0]  }
0x2bc: {  	v37 =	vld [tilespmem:s15+$0x33A0]  }
0x2bd: {  	v38 =	vld [tilespmem:s15+$0x33B0];
	_ =	sdelay $0x1  }
0x2be: {  	v39 =	vbroadcast v8, $0x5;
	_ =	sdelay $0x1  }
0x2bf: {  	v40 =	vmul.f32 v39, v4  }
0x2c0: {  	v13 =	vmul.f32 v39, v5;
	v11 =	vadd.f32 v37, v9;
	v12 =	vadd.f32 v38, v10;
	_ =	sdelay $0x1  }
0x2c1: {  	v11 =	vadd.f32 v11, v40;
	v12 =	vadd.f32 v12, v13;
	_ =	sdelay $0x1  }
0x2c2: {  	v41 =	vmul.f32 $2.000000030e-01, v11;
	v42 =	vmul.f32 $2.000000030e-01, v12  }
0x2c3: {  	vm1 =	vge.f32 v11, $0.0e+00;
	vm2 =	vge.f32 v12, $0.0e+00  }
0x2c4: {  	v11 =	vsel vm1, v11, v41;
	v12 =	vsel vm2, v12, v42  }
0x2c5: {  	v11 =	vmul.f32 v11, v6;
	v12 =	vmul.f32 v12, v7;
	_ =	sdelay $0x1  }
0x2c6: {  	v11 =	vadd.f32 v12, v11;
	_ =	sdelay $0x1  }
0x2c7: {  	v12 =	vperm.xlane v11, v0;
	_ =	sdelay $0x1  }
0x2c8: {  	v11 =	vadd.f32 v11, v12;
	_ =	sdelay $0x1  }
0x2c9: {  	v12 =	vperm.xlane v11, v1;
	_ =	sdelay $0x1  }
0x2ca: {  	v11 =	vadd.f32 v11, v12;
	_ =	sdelay $0x1  }
0x2cb: {  	v12 =	vperm.xlane v11, v2;
	_ =	sdelay $0x1  }
0x2cc: {  	v11 =	vadd.f32 v11, v12;
	_ =	sdelay $0x1  }
0x2cd: {  	v12 =	vperm.xlane v11, v3;
	_ =	sdelay $0x1  }
0x2ce: {  	v11 =	vadd.f32 v11, v12;
	_ =	sdelay $0x1  }
0x2cf: {  	v11 =	vmul.f32 $1.442695020e+00, v11;
	_ =	sdelay $0x1  }
0x2d0: {  	(erf) = vpow2.f32 v11;
	_ =	sdelay $0x8  }
0x2d1: {  	v11 =	vpop (erf)  }
0x2d2: {  	v9 =	vmul.f32 v11, v9;
	v43 =	vnsel vm0, $0x0, v11  }
0x2d3: {  	v10 =	vmul.f32 v11, v10;
	[tilespmem:s14+$0xFFFFFF90] =	vst v43  }
0x2d4: {  	[tilespmem:s14+$0xFFFFFF70] =	vst v9  }
0x2d5: {  	[tilespmem:s14+$0xFFFFFF80] =	vst v10  }
0x2d6: {  	v9 =	vld [tilespmem:s15+$0x23C0]  }
0x2d7: {  	v10 =	vld [tilespmem:s15+$0x23D0]  }
0x2d8: {  	v44 =	vld [tilespmem:s15+$0x33C0]  }
0x2d9: {  	v45 =	vld [tilespmem:s15+$0x33D0];
	_ =	sdelay $0x1  }
0x2da: {  	v46 =	vbroadcast v8, $0x6;
	_ =	sdelay $0x1  }
0x2db: {  	v47 =	vmul.f32 v46, v4  }
0x2dc: {  	v13 =	vmul.f32 v46, v5;
	v11 =	vadd.f32 v44, v9;
	v12 =	vadd.f32 v45, v10;
	_ =	sdelay $0x1  }
0x2dd: {  	v11 =	vadd.f32 v11, v47;
	v12 =	vadd.f32 v12, v13;
	_ =	sdelay $0x1  }
0x2de: {  	v48 =	vmul.f32 $2.000000030e-01, v11;
	v49 =	vmul.f32 $2.000000030e-01, v12  }
0x2df: {  	vm1 =	vge.f32 v11, $0.0e+00;
	vm2 =	vge.f32 v12, $0.0e+00  }
0x2e0: {  	v11 =	vsel vm1, v11, v48;
	v12 =	vsel vm2, v12, v49  }
0x2e1: {  	v11 =	vmul.f32 v11, v6;
	v12 =	vmul.f32 v12, v7;
	_ =	sdelay $0x1  }
0x2e2: {  	v11 =	vadd.f32 v12, v11;
	_ =	sdelay $0x1  }
0x2e3: {  	v12 =	vperm.xlane v11, v0;
	_ =	sdelay $0x1  }
0x2e4: {  	v11 =	vadd.f32 v11, v12;
	_ =	sdelay $0x1  }
0x2e5: {  	v12 =	vperm.xlane v11, v1;
	_ =	sdelay $0x1  }
0x2e6: {  	v11 =	vadd.f32 v11, v12;
	_ =	sdelay $0x1  }
0x2e7: {  	v12 =	vperm.xlane v11, v2;
	_ =	sdelay $0x1  }
0x2e8: {  	v11 =	vadd.f32 v11, v12;
	_ =	sdelay $0x1  }
0x2e9: {  	v12 =	vperm.xlane v11, v3;
	_ =	sdelay $0x1  }
0x2ea: {  	v11 =	vadd.f32 v11, v12;
	_ =	sdelay $0x1  }
0x2eb: {  	v11 =	vmul.f32 $1.442695020e+00, v11;
	_ =	sdelay $0x1  }
0x2ec: {  	(erf) = vpow2.f32 v11;
	_ =	sdelay $0x8  }
0x2ed: {  	v11 =	vpop (erf)  }
0x2ee: {  	v9 =	vmul.f32 v11, v9;
	v50 =	vnsel vm0, $0x0, v11  }
0x2ef: {  	v10 =	vmul.f32 v11, v10;
	[tilespmem:s14+$0xFFFFFFC0] =	vst v50  }
0x2f0: {  	[tilespmem:s14+$0xFFFFFFA0] =	vst v9  }
0x2f1: {  	[tilespmem:s14+$0xFFFFFFB0] =	vst v10  }
0x2f2: {  	v9 =	vld [tilespmem:s15+$0x23E0]  }
0x2f3: {  	v10 =	vld [tilespmem:s15+$0x23F0]  }
0x2f4: {  	v51 =	vld [tilespmem:s15+$0x33E0]  }
0x2f5: {  	v52 =	vld [tilespmem:s15+$0x33F0];
	_ =	sdelay $0x1  }
0x2f6: {  	v53 =	vbroadcast v8, $0x7;
	_ =	sdelay $0x1  }
0x2f7: {  	v54 =	vmul.f32 v53, v4  }
0x2f8: {  	v13 =	vmul.f32 v53, v5;
	v11 =	vadd.f32 v51, v9;
	v12 =	vadd.f32 v52, v10;
	_ =	sdelay $0x1  }
0x2f9: {  	v11 =	vadd.f32 v11, v54;
	v12 =	vadd.f32 v12, v13;
	_ =	sdelay $0x1  }
0x2fa: {  	v55 =	vmul.f32 $2.000000030e-01, v11;
	v56 =	vmul.f32 $2.000000030e-01, v12  }
0x2fb: {  	vm1 =	vge.f32 v11, $0.0e+00;
	vm2 =	vge.f32 v12, $0.0e+00  }
0x2fc: {  	v11 =	vsel vm1, v11, v55;
	v12 =	vsel vm2, v12, v56  }
0x2fd: {  	v11 =	vmul.f32 v11, v6;
	v12 =	vmul.f32 v12, v7;
	_ =	sdelay $0x1  }
0x2fe: {  	v11 =	vadd.f32 v12, v11;
	_ =	sdelay $0x1  }
0x2ff: {  	v12 =	vperm.xlane v11, v0;
	_ =	sdelay $0x1  }
0x300: {  	v11 =	vadd.f32 v11, v12;
	_ =	sdelay $0x1  }
0x301: {  	v12 =	vperm.xlane v11, v1;
	_ =	sdelay $0x1  }
0x302: {  	v11 =	vadd.f32 v11, v12;
	_ =	sdelay $0x1  }
0x303: {  	v12 =	vperm.xlane v11, v2;
	_ =	sdelay $0x1  }
0x304: {  	v11 =	vadd.f32 v11, v12;
	_ =	sdelay $0x1  }
0x305: {  	v12 =	vperm.xlane v11, v3;
	_ =	sdelay $0x1  }
0x306: {  	v11 =	vadd.f32 v11, v12;
	_ =	sdelay $0x1  }
0x307: {  	v11 =	vmul.f32 $1.442695020e+00, v11;
	_ =	sdelay $0x1  }
0x308: {  	(erf) = vpow2.f32 v11;
	_ =	sdelay $0x8  }
0x309: {  	v11 =	vpop (erf)  }
0x30a: {  	v9 =	vmul.f32 v11, v9;
	v57 =	vnsel vm0, $0x0, v11  }
0x30b: {  	v10 =	vmul.f32 v11, v10;
	[tilespmem:s14+$0xFFFFFFF0] =	vst v57  }
0x30c: {  	[tilespmem:s14+$0xFFFFFFD0] =	vst v9  }
0x30d: {  	[tilespmem:s14+$0xFFFFFFE0] =	vst v10  }
0x30e: {  	v9 =	vld [tilespmem:s15+$0x2400]  }
0x30f: {  	v10 =	vld [tilespmem:s15+$0x2410]  }
0x310: {  	v58 =	vld [tilespmem:s15+$0x3400]  }
0x311: {  	v59 =	vld [tilespmem:s15+$0x3410];
	_ =	sdelay $0x1  }
0x312: {  	v60 =	vbroadcast v8, $0x8;
	_ =	sdelay $0x1  }
0x313: {  	v61 =	vmul.f32 v60, v4  }
0x314: {  	v13 =	vmul.f32 v60, v5;
	v11 =	vadd.f32 v58, v9;
	v12 =	vadd.f32 v59, v10;
	_ =	sdelay $0x1  }
0x315: {  	v11 =	vadd.f32 v11, v61;
	v12 =	vadd.f32 v12, v13;
	_ =	sdelay $0x1  }
0x316: {  	v62 =	vmul.f32 $2.000000030e-01, v11;
	v63 =	vmul.f32 $2.000000030e-01, v12  }
0x317: {  	vm1 =	vge.f32 v11, $0.0e+00;
	vm2 =	vge.f32 v12, $0.0e+00  }
0x318: {  	v11 =	vsel vm1, v11, v62;
	v12 =	vsel vm2, v12, v63  }
0x319: {  	v11 =	vmul.f32 v11, v6;
	v12 =	vmul.f32 v12, v7;
	_ =	sdelay $0x1  }
0x31a: {  	v11 =	vadd.f32 v12, v11;
	_ =	sdelay $0x1  }
0x31b: {  	v12 =	vperm.xlane v11, v0;
	_ =	sdelay $0x1  }
0x31c: {  	v11 =	vadd.f32 v11, v12;
	_ =	sdelay $0x1  }
0x31d: {  	v12 =	vperm.xlane v11, v1;
	_ =	sdelay $0x1  }
0x31e: {  	v11 =	vadd.f32 v11, v12;
	_ =	sdelay $0x1  }
0x31f: {  	v12 =	vperm.xlane v11, v2;
	_ =	sdelay $0x1  }
0x320: {  	v11 =	vadd.f32 v11, v12;
	_ =	sdelay $0x1  }
0x321: {  	v12 =	vperm.xlane v11, v3;
	_ =	sdelay $0x1  }
0x322: {  	v11 =	vadd.f32 v11, v12;
	_ =	sdelay $0x1  }
0x323: {  	v11 =	vmul.f32 $1.442695020e+00, v11;
	_ =	sdelay $0x1  }
0x324: {  	(erf) = vpow2.f32 v11;
	_ =	sdelay $0x8  }
0x325: {  	v11 =	vpop (erf)  }
0x326: {  	v9 =	vmul.f32 v11, v9;
	v16 =	vnsel vm0, $0x0, v11  }
0x327: {  	v10 =	vmul.f32 v11, v10;
	[tilespmem:s14+$0x20] =	vst v16  }
0x328: {  	[tilespmem:s14+$0x0] =	vst v9  }
0x329: {  	[tilespmem:s14+$0x10] =	vst v10  }
0x32a: {  	v9 =	vld [tilespmem:s15+$0x2420]  }
0x32b: {  	v10 =	vld [tilespmem:s15+$0x2430]  }
0x32c: {  	v17 =	vld [tilespmem:s15+$0x3420]  }
0x32d: {  	v18 =	vld [tilespmem:s15+$0x3430];
	_ =	sdelay $0x1  }
0x32e: {  	v19 =	vbroadcast v8, $0x9;
	_ =	sdelay $0x1  }
0x32f: {  	v20 =	vmul.f32 v19, v4  }
0x330: {  	v13 =	vmul.f32 v19, v5;
	v11 =	vadd.f32 v17, v9;
	v12 =	vadd.f32 v18, v10;
	_ =	sdelay $0x1  }
0x331: {  	v11 =	vadd.f32 v11, v20;
	v12 =	vadd.f32 v12, v13;
	_ =	sdelay $0x1  }
0x332: {  	v21 =	vmul.f32 $2.000000030e-01, v11;
	v22 =	vmul.f32 $2.000000030e-01, v12  }
0x333: {  	vm1 =	vge.f32 v11, $0.0e+00;
	vm2 =	vge.f32 v12, $0.0e+00  }
0x334: {  	v11 =	vsel vm1, v11, v21;
	v12 =	vsel vm2, v12, v22  }
0x335: {  	v11 =	vmul.f32 v11, v6;
	v12 =	vmul.f32 v12, v7;
	_ =	sdelay $0x1  }
0x336: {  	v11 =	vadd.f32 v12, v11;
	_ =	sdelay $0x1  }
0x337: {  	v12 =	vperm.xlane v11, v0;
	_ =	sdelay $0x1  }
0x338: {  	v11 =	vadd.f32 v11, v12;
	_ =	sdelay $0x1  }
0x339: {  	v12 =	vperm.xlane v11, v1;
	_ =	sdelay $0x1  }
0x33a: {  	v11 =	vadd.f32 v11, v12;
	_ =	sdelay $0x1  }
0x33b: {  	v12 =	vperm.xlane v11, v2;
	_ =	sdelay $0x1  }
0x33c: {  	v11 =	vadd.f32 v11, v12;
	_ =	sdelay $0x1  }
0x33d: {  	v12 =	vperm.xlane v11, v3;
	_ =	sdelay $0x1  }
0x33e: {  	v11 =	vadd.f32 v11, v12;
	_ =	sdelay $0x1  }
0x33f: {  	v11 =	vmul.f32 $1.442695020e+00, v11;
	_ =	sdelay $0x1  }
0x340: {  	(erf) = vpow2.f32 v11;
	_ =	sdelay $0x8  }
0x341: {  	v11 =	vpop (erf)  }
0x342: {  	v9 =	vmul.f32 v11, v9;
	v23 =	vnsel vm0, $0x0, v11  }
0x343: {  	v10 =	vmul.f32 v11, v10;
	[tilespmem:s14+$0x50] =	vst v23  }
0x344: {  	[tilespmem:s14+$0x30] =	vst v9  }
0x345: {  	[tilespmem:s14+$0x40] =	vst v10  }
0x346: {  	v9 =	vld [tilespmem:s15+$0x2440]  }
0x347: {  	v10 =	vld [tilespmem:s15+$0x2450]  }
0x348: {  	v24 =	vld [tilespmem:s15+$0x3440]  }
0x349: {  	v25 =	vld [tilespmem:s15+$0x3450];
	_ =	sdelay $0x1  }
0x34a: {  	v26 =	vbroadcast v8, $0xA;
	_ =	sdelay $0x1  }
0x34b: {  	v27 =	vmul.f32 v26, v4  }
0x34c: {  	v13 =	vmul.f32 v26, v5;
	v11 =	vadd.f32 v24, v9;
	v12 =	vadd.f32 v25, v10;
	_ =	sdelay $0x1  }
0x34d: {  	v11 =	vadd.f32 v11, v27;
	v12 =	vadd.f32 v12, v13;
	_ =	sdelay $0x1  }
0x34e: {  	v28 =	vmul.f32 $2.000000030e-01, v11;
	v29 =	vmul.f32 $2.000000030e-01, v12  }
0x34f: {  	vm1 =	vge.f32 v11, $0.0e+00;
	vm2 =	vge.f32 v12, $0.0e+00  }
0x350: {  	v11 =	vsel vm1, v11, v28;
	v12 =	vsel vm2, v12, v29  }
0x351: {  	v11 =	vmul.f32 v11, v6;
	v12 =	vmul.f32 v12, v7;
	_ =	sdelay $0x1  }
0x352: {  	v11 =	vadd.f32 v12, v11;
	_ =	sdelay $0x1  }
0x353: {  	v12 =	vperm.xlane v11, v0;
	_ =	sdelay $0x1  }
0x354: {  	v11 =	vadd.f32 v11, v12;
	_ =	sdelay $0x1  }
0x355: {  	v12 =	vperm.xlane v11, v1;
	_ =	sdelay $0x1  }
0x356: {  	v11 =	vadd.f32 v11, v12;
	_ =	sdelay $0x1  }
0x357: {  	v12 =	vperm.xlane v11, v2;
	_ =	sdelay $0x1  }
0x358: {  	v11 =	vadd.f32 v11, v12;
	_ =	sdelay $0x1  }
0x359: {  	v12 =	vperm.xlane v11, v3;
	_ =	sdelay $0x1  }
0x35a: {  	v11 =	vadd.f32 v11, v12;
	_ =	sdelay $0x1  }
0x35b: {  	v11 =	vmul.f32 $1.442695020e+00, v11;
	_ =	sdelay $0x1  }
0x35c: {  	(erf) = vpow2.f32 v11;
	_ =	sdelay $0x8  }
0x35d: {  	v11 =	vpop (erf)  }
0x35e: {  	v9 =	vmul.f32 v11, v9;
	v30 =	vnsel vm0, $0x0, v11  }
0x35f: {  	v10 =	vmul.f32 v11, v10;
	[tilespmem:s14+$0x80] =	vst v30  }
0x360: {  	[tilespmem:s14+$0x60] =	vst v9  }
0x361: {  	[tilespmem:s14+$0x70] =	vst v10  }
0x362: {  	v9 =	vld [tilespmem:s15+$0x2460]  }
0x363: {  	v10 =	vld [tilespmem:s15+$0x2470]  }
0x364: {  	v31 =	vld [tilespmem:s15+$0x3460]  }
0x365: {  	v32 =	vld [tilespmem:s15+$0x3470];
	_ =	sdelay $0x1  }
0x366: {  	v33 =	vbroadcast v8, $0xB;
	_ =	sdelay $0x1  }
0x367: {  	v34 =	vmul.f32 v33, v4  }
0x368: {  	v13 =	vmul.f32 v33, v5;
	v11 =	vadd.f32 v31, v9;
	v12 =	vadd.f32 v32, v10;
	_ =	sdelay $0x1  }
0x369: {  	v11 =	vadd.f32 v11, v34;
	v12 =	vadd.f32 v12, v13;
	_ =	sdelay $0x1  }
0x36a: {  	v35 =	vmul.f32 $2.000000030e-01, v11;
	v36 =	vmul.f32 $2.000000030e-01, v12  }
0x36b: {  	vm1 =	vge.f32 v11, $0.0e+00;
	vm2 =	vge.f32 v12, $0.0e+00  }
0x36c: {  	v11 =	vsel vm1, v11, v35;
	v12 =	vsel vm2, v12, v36  }
0x36d: {  	v11 =	vmul.f32 v11, v6;
	v12 =	vmul.f32 v12, v7;
	_ =	sdelay $0x1  }
0x36e: {  	v11 =	vadd.f32 v12, v11;
	_ =	sdelay $0x1  }
0x36f: {  	v12 =	vperm.xlane v11, v0;
	_ =	sdelay $0x1  }
0x370: {  	v11 =	vadd.f32 v11, v12;
	_ =	sdelay $0x1  }
0x371: {  	v12 =	vperm.xlane v11, v1;
	_ =	sdelay $0x1  }
0x372: {  	v11 =	vadd.f32 v11, v12;
	_ =	sdelay $0x1  }
0x373: {  	v12 =	vperm.xlane v11, v2;
	_ =	sdelay $0x1  }
0x374: {  	v11 =	vadd.f32 v11, v12;
	_ =	sdelay $0x1  }
0x375: {  	v12 =	vperm.xlane v11, v3;
	_ =	sdelay $0x1  }
0x376: {  	v11 =	vadd.f32 v11, v12;
	_ =	sdelay $0x1  }
0x377: {  	v11 =	vmul.f32 $1.442695020e+00, v11;
	_ =	sdelay $0x1  }
0x378: {  	(erf) = vpow2.f32 v11;
	_ =	sdelay $0x8  }
0x379: {  	v11 =	vpop (erf)  }
0x37a: {  	v9 =	vmul.f32 v11, v9;
	v37 =	vnsel vm0, $0x0, v11  }
0x37b: {  	v10 =	vmul.f32 v11, v10;
	[tilespmem:s14+$0xB0] =	vst v37  }
0x37c: {  	[tilespmem:s14+$0x90] =	vst v9  }
0x37d: {  	[tilespmem:s14+$0xA0] =	vst v10  }
0x37e: {  	v9 =	vld [tilespmem:s15+$0x2480]  }
0x37f: {  	v10 =	vld [tilespmem:s15+$0x2490]  }
0x380: {  	v38 =	vld [tilespmem:s15+$0x3480]  }
0x381: {  	v39 =	vld [tilespmem:s15+$0x3490];
	_ =	sdelay $0x1  }
0x382: {  	v40 =	vbroadcast v8, $0xC;
	_ =	sdelay $0x1  }
0x383: {  	v41 =	vmul.f32 v40, v4  }
0x384: {  	v13 =	vmul.f32 v40, v5;
	v11 =	vadd.f32 v38, v9;
	v12 =	vadd.f32 v39, v10;
	_ =	sdelay $0x1  }
0x385: {  	v11 =	vadd.f32 v11, v41;
	v12 =	vadd.f32 v12, v13;
	_ =	sdelay $0x1  }
0x386: {  	v42 =	vmul.f32 $2.000000030e-01, v11;
	v43 =	vmul.f32 $2.000000030e-01, v12  }
0x387: {  	vm1 =	vge.f32 v11, $0.0e+00;
	vm2 =	vge.f32 v12, $0.0e+00  }
0x388: {  	v11 =	vsel vm1, v11, v42;
	v12 =	vsel vm2, v12, v43  }
0x389: {  	v11 =	vmul.f32 v11, v6;
	v12 =	vmul.f32 v12, v7;
	_ =	sdelay $0x1  }
0x38a: {  	v11 =	vadd.f32 v12, v11;
	_ =	sdelay $0x1  }
0x38b: {  	v12 =	vperm.xlane v11, v0;
	_ =	sdelay $0x1  }
0x38c: {  	v11 =	vadd.f32 v11, v12;
	_ =	sdelay $0x1  }
0x38d: {  	v12 =	vperm.xlane v11, v1;
	_ =	sdelay $0x1  }
0x38e: {  	v11 =	vadd.f32 v11, v12;
	_ =	sdelay $0x1  }
0x38f: {  	v12 =	vperm.xlane v11, v2;
	_ =	sdelay $0x1  }
0x390: {  	v11 =	vadd.f32 v11, v12;
	_ =	sdelay $0x1  }
0x391: {  	v12 =	vperm.xlane v11, v3;
	_ =	sdelay $0x1  }
0x392: {  	v11 =	vadd.f32 v11, v12;
	_ =	sdelay $0x1  }
0x393: {  	v11 =	vmul.f32 $1.442695020e+00, v11;
	_ =	sdelay $0x1  }
0x394: {  	(erf) = vpow2.f32 v11;
	_ =	sdelay $0x8  }
0x395: {  	v11 =	vpop (erf)  }
0x396: {  	v9 =	vmul.f32 v11, v9;
	v44 =	vnsel vm0, $0x0, v11  }
0x397: {  	v10 =	vmul.f32 v11, v10;
	[tilespmem:s14+$0xE0] =	vst v44  }
0x398: {  	[tilespmem:s14+$0xC0] =	vst v9  }
0x399: {  	[tilespmem:s14+$0xD0] =	vst v10  }
0x39a: {  	v9 =	vld [tilespmem:s15+$0x24A0]  }
0x39b: {  	v10 =	vld [tilespmem:s15+$0x24B0]  }
0x39c: {  	v45 =	vld [tilespmem:s15+$0x34A0]  }
0x39d: {  	v46 =	vld [tilespmem:s15+$0x34B0];
	_ =	sdelay $0x1  }
0x39e: {  	v47 =	vbroadcast v8, $0xD;
	_ =	sdelay $0x1  }
0x39f: {  	v48 =	vmul.f32 v47, v4  }
0x3a0: {  	v13 =	vmul.f32 v47, v5;
	v11 =	vadd.f32 v45, v9;
	v12 =	vadd.f32 v46, v10;
	_ =	sdelay $0x1  }
0x3a1: {  	v11 =	vadd.f32 v11, v48;
	v12 =	vadd.f32 v12, v13;
	_ =	sdelay $0x1  }
0x3a2: {  	v49 =	vmul.f32 $2.000000030e-01, v11;
	v50 =	vmul.f32 $2.000000030e-01, v12  }
0x3a3: {  	vm1 =	vge.f32 v11, $0.0e+00;
	vm2 =	vge.f32 v12, $0.0e+00  }
0x3a4: {  	v11 =	vsel vm1, v11, v49;
	v12 =	vsel vm2, v12, v50  }
0x3a5: {  	v11 =	vmul.f32 v11, v6;
	v12 =	vmul.f32 v12, v7;
	_ =	sdelay $0x1  }
0x3a6: {  	v11 =	vadd.f32 v12, v11;
	_ =	sdelay $0x1  }
0x3a7: {  	v12 =	vperm.xlane v11, v0;
	_ =	sdelay $0x1  }
0x3a8: {  	v11 =	vadd.f32 v11, v12;
	_ =	sdelay $0x1  }
0x3a9: {  	v12 =	vperm.xlane v11, v1;
	_ =	sdelay $0x1  }
0x3aa: {  	v11 =	vadd.f32 v11, v12;
	_ =	sdelay $0x1  }
0x3ab: {  	v12 =	vperm.xlane v11, v2;
	_ =	sdelay $0x1  }
0x3ac: {  	v11 =	vadd.f32 v11, v12;
	_ =	sdelay $0x1  }
0x3ad: {  	v12 =	vperm.xlane v11, v3;
	_ =	sdelay $0x1  }
0x3ae: {  	v11 =	vadd.f32 v11, v12;
	_ =	sdelay $0x1  }
0x3af: {  	v11 =	vmul.f32 $1.442695020e+00, v11;
	_ =	sdelay $0x1  }
0x3b0: {  	(erf) = vpow2.f32 v11;
	_ =	sdelay $0x8  }
0x3b1: {  	v11 =	vpop (erf)  }
0x3b2: {  	v9 =	vmul.f32 v11, v9;
	v51 =	vnsel vm0, $0x0, v11  }
0x3b3: {  	v10 =	vmul.f32 v11, v10;
	[tilespmem:s14+$0x110] =	vst v51  }
0x3b4: {  	[tilespmem:s14+$0xF0] =	vst v9  }
0x3b5: {  	[tilespmem:s14+$0x100] =	vst v10  }
0x3b6: {  	v9 =	vld [tilespmem:s15+$0x24C0]  }
0x3b7: {  	v10 =	vld [tilespmem:s15+$0x24D0]  }
0x3b8: {  	v52 =	vld [tilespmem:s15+$0x34C0]  }
0x3b9: {  	v53 =	vld [tilespmem:s15+$0x34D0];
	_ =	sdelay $0x1  }
0x3ba: {  	v54 =	vbroadcast v8, $0xE;
	_ =	sdelay $0x1  }
0x3bb: {  	v55 =	vmul.f32 v54, v4  }
0x3bc: {  	v13 =	vmul.f32 v54, v5;
	v11 =	vadd.f32 v52, v9;
	v12 =	vadd.f32 v53, v10;
	_ =	sdelay $0x1  }
0x3bd: {  	v11 =	vadd.f32 v11, v55;
	v12 =	vadd.f32 v12, v13;
	_ =	sdelay $0x1  }
0x3be: {  	v56 =	vmul.f32 $2.000000030e-01, v11;
	v57 =	vmul.f32 $2.000000030e-01, v12  }
0x3bf: {  	vm1 =	vge.f32 v11, $0.0e+00;
	vm2 =	vge.f32 v12, $0.0e+00  }
0x3c0: {  	v11 =	vsel vm1, v11, v56;
	v12 =	vsel vm2, v12, v57  }
0x3c1: {  	v11 =	vmul.f32 v11, v6;
	v12 =	vmul.f32 v12, v7;
	_ =	sdelay $0x1  }
0x3c2: {  	v11 =	vadd.f32 v12, v11;
	_ =	sdelay $0x1  }
0x3c3: {  	v12 =	vperm.xlane v11, v0;
	_ =	sdelay $0x1  }
0x3c4: {  	v11 =	vadd.f32 v11, v12;
	_ =	sdelay $0x1  }
0x3c5: {  	v12 =	vperm.xlane v11, v1;
	_ =	sdelay $0x1  }
0x3c6: {  	v11 =	vadd.f32 v11, v12;
	_ =	sdelay $0x1  }
0x3c7: {  	v12 =	vperm.xlane v11, v2;
	_ =	sdelay $0x1  }
0x3c8: {  	v11 =	vadd.f32 v11, v12;
	_ =	sdelay $0x1  }
0x3c9: {  	v12 =	vperm.xlane v11, v3;
	_ =	sdelay $0x1  }
0x3ca: {  	v11 =	vadd.f32 v11, v12;
	_ =	sdelay $0x1  }
0x3cb: {  	v11 =	vmul.f32 $1.442695020e+00, v11;
	_ =	sdelay $0x1  }
0x3cc: {  	(erf) = vpow2.f32 v11;
	_ =	sdelay $0x8  }
0x3cd: {  	v11 =	vpop (erf)  }
0x3ce: {  	v9 =	vmul.f32 v11, v9;
	v58 =	vnsel vm0, $0x0, v11  }
0x3cf: {  	v10 =	vmul.f32 v11, v10;
	[tilespmem:s14+$0x140] =	vst v58  }
0x3d0: {  	[tilespmem:s14+$0x120] =	vst v9  }
0x3d1: {  	[tilespmem:s14+$0x130] =	vst v10  }
0x3d2: {  	v9 =	vld [tilespmem:s15+$0x24E0]  }
0x3d3: {  	v10 =	vld [tilespmem:s15+$0x24F0]  }
0x3d4: {  	v59 =	vld [tilespmem:s15+$0x34E0]  }
0x3d5: {  	v60 =	vld [tilespmem:s15+$0x34F0];
	_ =	sdelay $0x1  }
0x3d6: {  	v8 =	vbroadcast v8, $0xF;
	_ =	sdelay $0x1  }
0x3d7: {  	v61 =	vmul.f32 v8, v4  }
0x3d8: {  	v8 =	vmul.f32 v8, v5;
	v11 =	vadd.f32 v59, v9;
	v12 =	vadd.f32 v60, v10;
	_ =	sdelay $0x1  }
0x3d9: {  	v11 =	vadd.f32 v11, v61;
	v8 =	vadd.f32 v12, v8;
	_ =	sdelay $0x1  }
0x3da: {  	v62 =	vmul.f32 $2.000000030e-01, v11;
	v63 =	vmul.f32 $2.000000030e-01, v8  }
0x3db: {  	vm1 =	vge.f32 v11, $0.0e+00;
	vm2 =	vge.f32 v8, $0.0e+00  }
0x3dc: {  	v11 =	vsel vm1, v11, v62;
	v8 =	vsel vm2, v8, v63  }
0x3dd: {  	v11 =	vmul.f32 v11, v6;
	v8 =	vmul.f32 v8, v7;
	_ =	sdelay $0x1  }
0x3de: {  	v8 =	vadd.f32 v8, v11;
	_ =	sdelay $0x1  }
0x3df: {  	v11 =	vperm.xlane v8, v0;
	_ =	sdelay $0x1  }
0x3e0: {  	v8 =	vadd.f32 v8, v11;
	_ =	sdelay $0x1  }
0x3e1: {  	v11 =	vperm.xlane v8, v1;
	_ =	sdelay $0x1  }
0x3e2: {  	v8 =	vadd.f32 v8, v11;
	_ =	sdelay $0x1  }
0x3e3: {  	v11 =	vperm.xlane v8, v2;
	_ =	sdelay $0x1  }
0x3e4: {  	v8 =	vadd.f32 v8, v11;
	_ =	sdelay $0x1  }
0x3e5: {  	v11 =	vperm.xlane v8, v3;
	_ =	sdelay $0x1  }
0x3e6: {  	v8 =	vadd.f32 v8, v11;
	_ =	sdelay $0x1  }
0x3e7: {  	v8 =	vmul.f32 $1.442695020e+00, v8;
	_ =	sdelay $0x1  }
0x3e8: {  	(erf) = vpow2.f32 v8;
	_ =	sdelay $0x7  }
0x3e9: {  	p0 =	sne.s32 s11, $0x3800  }
.Ltmp1:
0x3ea: {  	v8 =	vpop (erf);
	(pc) =	sbr.rel @p0 .LBB2_5-.Ltmp1, $4  }
0x3eb: {  	v9 =	vmul.f32 v8, v9;
	v10 =	vmul.f32 v8, v10;
	v8 =	vnsel vm0, $0x0, v8  }
0x3ec: {  	[tilespmem:s14+$0x170] =	vst v8  }
0x3ed: {  	[tilespmem:s14+$0x150] =	vst v9  }
0x3ee: {  	s13 =	sadd.s32 $0x10, s13;
	s11 =	sadd.s32 $0x800, s11;
	[tilespmem:s14+$0x160] =	vst v10;
	s14 =	sadd.s32 $0x300, s14  }
0x3ef: {  	s28 =	sadd.s32 $0x1, s28  }
0x3f0: {  	p0 =	sne.s32 s28, $0x29  }
.Ltmp2:
0x3f1: {  	_ = 	snop;
	(pc) =	sbr.rel @p0 .LBB2_2-.Ltmp2, $4  }
0x3f2: {  	[spmem:s3] =	stream.indirect.scatter.add.f32 [tilespmem:s22], [sflag:$0x5], $0x30, s30, s24, $0xb8;
	[tilespmem:$0xD1C0] =	vst v63  }
0x3f3: {  	_ =	swait.ge [sflag:s21], $0x1800  }
0x3f4: {  	[sflag:s21] =	ssyncset.done $0x0  }
0x3f5: {  	[sflag:s21] =	ssyncadd.s32 $0xFFFFE800  }
0x3f6: {  	s26 =	sadd.s32 $0x1, s26  }
0x3f7: {  	[bflag:$0x0] =	sbarrier.arrive $0xFFFF;
	p0 =	sne.s32 s26, s19  }
.Ltmp3:
0x3f8: {  	s11 =	rddreg [dreg:$0x9];
	(pc) =	sbr.rel @p0 .LBB2_1-.Ltmp3, $4  }
0x3f9: {  	[hbm:s11], [sflag:s12] =	dma.local [spmem:s20], $0xED0  }
0x3fa: {  	_ =	swait.ge [sflag:s21], $0xED0  }
0x3fb: {  	[sflag:s21] =	ssyncset.done $0x0  }
0x3fc: {  	[sflag:s21] =	ssyncadd.s32 $0xFFFFF130  }
0x3fd: {  	_ =	sfence.sel $0x180000  }
0x3fe: {  	[bflag:$0x0] =	sbarrier.arrive $0xFFFF  }
0x3ff: {  	_ =	strace $0x90000047  }
0x400: {  	s0 =	stileid.u32;
	[bflag:$0x2] =	sbarrier.arrive $0xFFFF  }
0x401: {  	p0 =	sne.s32 s0, $0x0;
	s0 =	rddreg [dreg:$0x4]  }
0x402: {  	s0 =	sadd.s32 @!p0 $0x100000, s0  }
0x403: {  	[sflag:s0] =	ssyncadd.tile.s32 @!p0 $0x1;
	_ =	shalt  }
.Lfunc_end2:
_tile_overlayer_lowered:
.L_overlay_start_2:
0x404: {  	(tag) =	ssettag $0x2  }
0x405: {  	s0 =	rddreg [dreg:$0x0];
	s2 =	stileid.u32  }
0x406: {  	s1 =	rddreg [dreg:$0x1];
	p0 =	sne.s32 s2, $0x0  }
0x407: {  	s3 =	rddreg [dreg:$0x2];
	[bflag:$0x3] =	sbarrier.arrive $0xFFFF;
	s2 =	simm.s32 @!p0 $0x1C05  }
0x408: {  	[timem:s3], [sflag:s2] =	dma.local @!p0 [hbm:s0], s1  }
0x409: {  	s0 =	simm.s32 @!p0 $0x5  }
0x40a: {  	_ =	swait.ge @!p0 [sflag:s0], s1  }
0x40b: {  	s1 =	ssub.s32 @!p0 $0x0, s1;
	[sflag:s0] =	ssyncset.done @!p0 $0x0  }
0x40c: {  	[sflag:s0] =	ssyncadd.s32 @!p0 s1  }
0x40d: {  	[bflag:$0x3] =	sbarrier.arrive $0xFFFF  }
0x40e: {  	_ =	shalt  }

</sc_bundles>
